<compile_context>
chip_gen: v7x
topology: tpu7x:2x2x1
jax: 0.10.2.dev20260603
libtpu: 0.0.44.dev20260713+nightly
codegen_flags: <defaults>
</compile_context>

<pallas_src>
import functools

import jax
import jax.numpy as jnp
from jax import lax
from jax.experimental import pallas as pl
from jax.experimental.pallas import tpu as pltpu
from jax.experimental.pallas import tpu_sc as plsc

DIM = 64
N_EMBED = 1024
N_ROWS = 16384
BLK = 4096
NBLK = N_ROWS // BLK
VPAD = N_EMBED + 8
NC, NS = 2, 16
NW = NC * NS
RPW = N_ROWS // NW
NBIN = N_EMBED + 1
HROWS = 80


def _tc1_body(x_ref, m_ref, e_ref, idx_ref, idx2_ref, et_ref):
    i = pl.program_id(0)

    @pl.when(i == 0)
    def _init():
        et_ref[...] = jnp.concatenate(
            [e_ref[...].T, jnp.zeros((VPAD - N_EMBED, DIM), jnp.float32)], axis=0)

    x = x_ref[...]
    m = m_ref[...]
    e = e_ref[...]

    xe = jnp.dot(x, e, preferred_element_type=jnp.float32)
    x2 = jnp.sum(x * x, axis=1, keepdims=True)
    e2 = jnp.sum(e * e, axis=0, keepdims=True)
    dist = x2 - 2.0 * xe + e2
    idx = jnp.argmax(-dist, axis=1)

    idx_ref[...] = idx[:, None]
    idx2_ref[...] = jnp.where(m != 0.0, idx[:, None], N_EMBED)


def _tc1_call(x, m, embed):
    return pl.pallas_call(
        _tc1_body,
        grid=(NBLK,),
        in_specs=[
            pl.BlockSpec((BLK, DIM), lambda i: (i, 0)),
            pl.BlockSpec((BLK, 1), lambda i: (i, 0)),
            pl.BlockSpec((DIM, N_EMBED), lambda i: (0, 0)),
        ],
        out_specs=[
            pl.BlockSpec((BLK, 1), lambda i: (i, 0)),
            pl.BlockSpec((BLK, 1), lambda i: (i, 0)),
            pl.BlockSpec((VPAD, DIM), lambda i: (0, 0)),
        ],
        out_shape=[
            jax.ShapeDtypeStruct((N_ROWS, 1), jnp.int32),
            jax.ShapeDtypeStruct((N_ROWS, 1), jnp.int32),
            jax.ShapeDtypeStruct((VPAD, DIM), jnp.float32),
        ],
    )(x, m, embed)


def _sc_body(idx2_hbm, et_hbm, out_hbm, hist_hbm,
             idx_v, table_v, rows_v, hist1_v, hist_v, hist_sh, sem):
    c = lax.axis_index("c")
    s = lax.axis_index("s")
    wid = s * NC + c
    iota16 = lax.iota(jnp.int32, 16)
    zeros16 = jnp.zeros((16,), jnp.float32)

    pltpu.sync_copy(idx2_hbm.at[wid], idx_v)
    pltpu.sync_copy(et_hbm, table_v)

    @plsc.parallel_loop(0, 16 * HROWS, unroll=8)
    def _zero(k):
        hist1_v[pl.ds(pl.multiple_of(k * 16, 16), 16)] = zeros16

    def _zero2(k, _):
        hist_v[pl.ds(pl.multiple_of(k * 16, 16), 16)] = zeros16
        return 0
    lax.fori_loop(0, HROWS, _zero2, 0)

    @plsc.parallel_loop(0, RPW // 16, unroll=2)
    def _gather(g):
        off = pl.multiple_of(g * 16, 16)
        iv = idx_v[pl.ds(off, 16)]
        src_base = iv * DIM
        dst_base = iota16 * DIM + g * (16 * DIM)
        for col in range(DIM):
            vals = plsc.load_gather(table_v, [src_base + col])
            plsc.store_scatter(rows_v, [dst_base + col], vals)
    pltpu.sync_copy(rows_v, out_hbm.at[pl.ds(wid * RPW * DIM, RPW * DIM)])

    ones = jnp.ones((16,), jnp.float32)
    lane_base = iota16 * (HROWS * 16)
    def _hist(g, _):
        iv = idx_v[pl.ds(pl.multiple_of(g * 16, 16), 16)]
        plsc.addupdate_scatter(hist1_v, [lane_base + iv], ones)
        return 0
    lax.fori_loop(0, RPW // 16, _hist, 0)

    @plsc.parallel_loop(0, HROWS, unroll=2)
    def _fold(b):
        off = pl.multiple_of(b * 16, 16)
        acc = zeros16
        for l in range(16):
            acc = acc + hist1_v[pl.ds(l * (HROWS * 16) + off, 16)]
        hist_v[pl.ds(off, 16)] = acc

    pltpu.sync_copy(hist_v, hist_sh.at[pl.ds(s * (HROWS * 16), HROWS * 16)])
    plsc.subcore_barrier()

    @pl.when(s == 0)
    def _finish():
        pltpu.sync_copy(hist_sh, table_v.at[pl.ds(0, NS * HROWS * 16)])
        def _accum(t, _):
            toff = t * (HROWS * 16)
            def _rows(r, _2):
                off = pl.multiple_of(r * 16, 16)
                soff = pl.multiple_of(toff + off, 16)
                hist_v[pl.ds(off, 16)] = (
                    hist_v[pl.ds(off, 16)] + table_v[pl.ds(soff, 16)])
                return 0
            lax.fori_loop(0, HROWS, _rows, 0)
            return 0
        lax.fori_loop(1, NS, _accum, 0)
        pltpu.sync_copy(hist_v,
                        hist_hbm.at[pl.ds(c * (HROWS * 16), HROWS * 16)])


@functools.partial(
    pl.kernel,
    out_type=[
        jax.ShapeDtypeStruct((N_ROWS * DIM,), jnp.float32),
        jax.ShapeDtypeStruct((NC * HROWS * 16,), jnp.float32),
    ],
    mesh=plsc.VectorSubcoreMesh(core_axis_name="c", subcore_axis_name="s"),
    compiler_params=pltpu.CompilerParams(needs_layout_passes=False,
                                         use_tc_tiling_on_sc=False),
    scratch_types=[
        pltpu.VMEM((RPW,), jnp.int32),
        pltpu.VMEM((VPAD * DIM,), jnp.float32),
        pltpu.VMEM((RPW * DIM,), jnp.float32),
        pltpu.VMEM((16 * HROWS * 16,), jnp.float32),
        pltpu.VMEM((HROWS * 16,), jnp.float32),
        pltpu.VMEM_SHARED((NS * HROWS * 16,), jnp.float32),
        pltpu.SemaphoreType.DMA,
    ],
)
def _sc_call(idx2_hbm, et_hbm, out_hbm, hist_hbm,
             idx_v, table_v, rows_v, hist1_v, hist_v, hist_sh, sem):
    _sc_body(idx2_hbm, et_hbm, out_hbm, hist_hbm,
             idx_v, table_v, rows_v, hist1_v, hist_v, hist_sh, sem)


def _tc2_body(q_ref, x_ref, m_ref, h_ref, scal_ref, acc_ref):
    i = pl.program_id(0)

    @pl.when(i == 0)
    def _init():
        acc_ref[0] = 0.0

    qm = q_ref[...]
    x = x_ref[...]
    m = m_ref[...]
    xm = x * m
    d = qm - xm
    acc_ref[0] += jnp.sum(d * d)

    @pl.when(i == NBLK - 1)
    def _fin():
        h = h_ref[...]
        cnt = h[0:1, :] + h[1:2, :]
        valid = jax.lax.broadcasted_iota(
            jnp.int32, (1, HROWS * 16), 1) < N_EMBED
        cnt = jnp.where(valid, cnt, 0.0)
        msum = jnp.sum(cnt)
        scal_ref[0] = acc_ref[0] / (N_ROWS * DIM)
        scal_ref[1] = (msum * msum) / jnp.sum(cnt * cnt)


def _tc2_call(outq, x, m, hist2):
    return pl.pallas_call(
        _tc2_body,
        grid=(NBLK,),
        in_specs=[
            pl.BlockSpec((BLK, DIM), lambda i: (i, 0)),
            pl.BlockSpec((BLK, DIM), lambda i: (i, 0)),
            pl.BlockSpec((BLK, 1), lambda i: (i, 0)),
            pl.BlockSpec((NC, HROWS * 16), lambda i: (0, 0)),
        ],
        out_specs=pl.BlockSpec(memory_space=pltpu.SMEM),
        out_shape=jax.ShapeDtypeStruct((2,), jnp.float32),
        scratch_shapes=[pltpu.SMEM((1,), jnp.float32)],
    )(outq, x, m, hist2)


@jax.jit
def kernel(input, input_mask, embed):
    T, B, dim = input.shape
    x = input.reshape(N_ROWS, DIM)
    m = input_mask.reshape(N_ROWS, 1).astype(jnp.float32)

    idx, idx2, et = _tc1_call(x, m, embed)
    outq, hist2 = _sc_call(idx2.reshape(NW, RPW), et.reshape(VPAD * DIM))
    outq = outq.reshape(N_ROWS, DIM)
    scal = _tc2_call(outq, x, m, hist2.reshape(NC, HROWS * 16))

    quantize_out = outq.reshape(T, B, dim)
    embed_ind = idx.reshape(T, B)
    return (quantize_out, scal[0], embed_ind, scal[1])

# --- scband reference (transcript-rebuilt; emitter-appended) ---
"""Pipeline reference for scband-quantize-24429773980080 (READ-ONLY COPY).

The authoritative reference and input builder live on the scoring server;
editing this copy changes nothing except your own understanding.
"""

import jax, jax.numpy as jnp
import numpy as np

DIM = 64
N_EMBED = 1024
T, B = 2048, 8

def setup_inputs(seed: int = 0) -> dict:
    key = jax.random.key(seed)
    k1, k2, k3 = jax.random.split(key, 3)
    input = jax.random.normal(k1, (T, B, DIM), dtype=jnp.float32)
    input_mask = jax.random.randint(k2, (T, B), 0, 2).astype(jnp.bool_)
    # learned/buffered codebook: embed is [dim, n_embed] as in the torch module
    embed = jax.random.normal(k3, (DIM, N_EMBED), dtype=jnp.float32)
    return {"input": input, "input_mask": input_mask, "embed": embed}

def reference(input, input_mask, embed):
    # eval-mode forward (no EMA buffer updates)
    dim = embed.shape[0]
    n_embed = embed.shape[1]
    flatten = input.reshape(-1, dim)
    dist = (flatten ** 2).sum(1, keepdims=True) - 2.0 * flatten @ embed + (embed ** 2).sum(0, keepdims=True)
    embed_ind_flat = jnp.argmax(-dist, axis=1)
    embed_onehot = jax.nn.one_hot(embed_ind_flat, n_embed, dtype=flatten.dtype)
    embed_ind = embed_ind_flat.reshape(input.shape[:-1])
    # embed_code: F.embedding(embed_id, embed.T) -> gather rows of embed.T
    quantize = jnp.take(embed.T, embed_ind, axis=0)
    # effective latents per batch: mean of onehot over unmasked rows (mask-weighted mean,
    # equivalent to boolean-index + mean in torch)
    maskf = input_mask.reshape(-1).astype(flatten.dtype)
    sel_mean = (embed_onehot * maskf[:, None]).sum(0) / maskf.sum()
    effective_units = 1.0 / (sel_mean ** 2).sum()
    m = input_mask.astype(input.dtype)
    quantize = quantize * m[..., None]
    inp = input * m[..., None]
    diff = ((jax.lax.stop_gradient(quantize) - inp) ** 2).mean()
    quantize_out = inp + jax.lax.stop_gradient(quantize - inp)
    return (quantize_out, diff, embed_ind, effective_units)

if __name__ == "__main__":
    import jax
    _d = setup_inputs()
    print(jax.jit(kernel)(*tuple(_d.values())))

</pallas_src>

<mosaic_0001>
#map = affine_map<(d0, d1) -> (0, 0)>
#map1 = affine_map<(d0, d1) -> (0)>
module attributes {stable_mosaic.version = 14 : i64} {
  func.func @_sc_call(%arg0: i32, %arg1: i32, %arg2: memref<32x512xi32, #tpu.memory_space<hbm>>, %arg3: memref<66048xf32, #tpu.memory_space<hbm>>, %arg4: memref<1048576xf32, #tpu.memory_space<hbm>>, %arg5: memref<2560xf32, #tpu.memory_space<hbm>>, %arg6: memref<512xi32, #tpu.memory_space<vmem>>, %arg7: memref<66048xf32, #tpu.memory_space<vmem>>, %arg8: memref<32768xf32, #tpu.memory_space<vmem>>, %arg9: memref<20480xf32, #tpu.memory_space<vmem>>, %arg10: memref<1280xf32, #tpu.memory_space<vmem>>, %arg11: memref<20480xf32, #tpu.memory_space<vmem_shared>>, %arg12: memref<!tpu.dma_semaphore, #tpu.memory_space<semaphore_mem>>) attributes {dimension_semantics = [#tpu.dimension_semantics<core_parallel>, #tpu.dimension_semantics<subcore_parallel>], iteration_bounds = array<i64: 2, 16>, scalar_prefetch = 0 : i64, scratch_operands = 7 : i64, tpu.core_type = #tpu.core_type<sc_vector_subcore>, window_params = [{transform_indices = #map}, {transform_indices = #map1}, {transform_indices = #map1}, {transform_indices = #map1}]} {
    %mul3A = arith.constant 2 : i32
    %mul3A_0 = arith.muli %arg1, %mul3A : i32
    %add3A = arith.addi %mul3A_0, %arg0 : i32
    %iota3A = tpu.iota {dimensions = array<i32: 0>} : vector<16xi32>
    %broadcast_in_dim3A = arith.constant 0.000000e+00 : f32
    %broadcast_in_dim3A_1 = vector.broadcast %broadcast_in_dim3A : f32 to vector<16xf32>
    "tpu.region"() ({
      %run_scoped3A = tpu.sem_alloc : memref<!tpu.dma_semaphore, #tpu.memory_space<semaphore_mem>>
      %dma_start3A = arith.constant 0 : i32
      %dma_start3A_36 = tpu.memref_slice %arg2[%add3A, %dma_start3A] : memref<32x512xi32, #tpu.memory_space<hbm>> -> memref<1x512xi32, #tpu.memory_space<hbm>>
      %dma_start3A_37 = tpu.memref_squeeze %dma_start3A_36 : memref<1x512xi32, #tpu.memory_space<hbm>> -> memref<512xi32, #tpu.memory_space<hbm>>
      %dma_start3A_38 = arith.constant 0 : i32
      %dma_start3A_39 = tpu.memref_slice %arg2[%add3A, %dma_start3A_38] : memref<32x512xi32, #tpu.memory_space<hbm>> -> memref<1x512xi32, #tpu.memory_space<hbm>>
      %dma_start3A_40 = tpu.memref_squeeze %dma_start3A_39 : memref<1x512xi32, #tpu.memory_space<hbm>> -> memref<512xi32, #tpu.memory_space<hbm>>
      tpu.enqueue_dma source(%dma_start3A_40 : memref<512xi32, #tpu.memory_space<hbm>>) target(%arg6 : memref<512xi32, #tpu.memory_space<vmem>>) target_semaphore(%run_scoped3A : memref<!tpu.dma_semaphore, #tpu.memory_space<semaphore_mem>>)
      %dma_wait3A = arith.constant 0 : i32
      %dma_wait3A_41 = tpu.memref_slice %arg2[%add3A, %dma_wait3A] : memref<32x512xi32, #tpu.memory_space<hbm>> -> memref<1x512xi32, #tpu.memory_space<hbm>>
      %dma_wait3A_42 = tpu.memref_squeeze %dma_wait3A_41 : memref<1x512xi32, #tpu.memory_space<hbm>> -> memref<512xi32, #tpu.memory_space<hbm>>
      %dma_wait3A_43 = arith.constant 0 : i32
      %dma_wait3A_44 = tpu.memref_slice %arg2[%add3A, %dma_wait3A_43] : memref<32x512xi32, #tpu.memory_space<hbm>> -> memref<1x512xi32, #tpu.memory_space<hbm>>
      %dma_wait3A_45 = tpu.memref_squeeze %dma_wait3A_44 : memref<1x512xi32, #tpu.memory_space<hbm>> -> memref<512xi32, #tpu.memory_space<hbm>>
      tpu.wait_dma2 semaphore(%run_scoped3A : memref<!tpu.dma_semaphore, #tpu.memory_space<semaphore_mem>>) src(%dma_wait3A_45 : memref<512xi32, #tpu.memory_space<hbm>>) dst(%arg6 : memref<512xi32, #tpu.memory_space<vmem>>)
      tpu.yield
    }) : () -> ()
    "tpu.region"() ({
      %run_scoped3A = tpu.sem_alloc : memref<!tpu.dma_semaphore, #tpu.memory_space<semaphore_mem>>
      tpu.enqueue_dma source(%arg3 : memref<66048xf32, #tpu.memory_space<hbm>>) target(%arg7 : memref<66048xf32, #tpu.memory_space<vmem>>) target_semaphore(%run_scoped3A : memref<!tpu.dma_semaphore, #tpu.memory_space<semaphore_mem>>)
      tpu.wait_dma2 semaphore(%run_scoped3A : memref<!tpu.dma_semaphore, #tpu.memory_space<semaphore_mem>>) src(%arg3 : memref<66048xf32, #tpu.memory_space<hbm>>) dst(%arg7 : memref<66048xf32, #tpu.memory_space<vmem>>)
      tpu.yield
    }) : () -> ()
    %parallel_loop3A = arith.constant 0 : i32
    %parallel_loop3A_2 = arith.constant 1280 : i32
    %parallel_loop3A_3 = arith.constant 1 : i32
    scf.for %parallel_loop3A_36 = %parallel_loop3A to %parallel_loop3A_2 step %parallel_loop3A_3  : i32 {
      %parallel_loop3A_37 = arith.constant 16 : i32
      %parallel_loop3A_38 = arith.muli %parallel_loop3A_36, %parallel_loop3A_37 : i32
      %parallel_loop3A_39 = tpu.assume_multiple %parallel_loop3A_38, 16 : i32
      %parallel_loop3A_40 = arith.index_cast %parallel_loop3A_39 : i32 to index
      %parallel_loop3A_41 = tpu.vector_load %arg9[%parallel_loop3A_40] {strides = array<i32>} : memref<20480xf32, #tpu.memory_space<vmem>>, vector<16xf32>,
      tpu.vector_store %arg9[%parallel_loop3A_40], %broadcast_in_dim3A_1 {strides = array<i32>} : memref<20480xf32, #tpu.memory_space<vmem>>, vector<16xf32>,
    } {sc.loop_unroll_factor = 8 : i64, sc.parallel_access}
    %scan3A = arith.constant 0 : i32
    %scan3A_4 = arith.constant 0 : i32
    %scan3A_5 = arith.constant 80 : i32
    %scan3A_6 = arith.addi %scan3A_4, %scan3A_5 : i32
    %scan3A_7 = arith.constant 1 : i32
    %scan3A_8 = scf.for %scan3A_36 = %scan3A_4 to %scan3A_6 step %scan3A_7 iter_args(%scan3A_37 = %scan3A) -> (i32)  : i32 {
      %mul3A_38 = arith.constant 16 : i32
      %mul3A_39 = arith.muli %scan3A_36, %mul3A_38 : i32
      %multiple_of3A = tpu.assume_multiple %mul3A_39, 16 : i32
      %swap3A = arith.index_cast %multiple_of3A : i32 to index
      %swap3A_40 = tpu.vector_load %arg10[%swap3A] {strides = array<i32>} : memref<1280xf32, #tpu.memory_space<vmem>>, vector<16xf32>,
      tpu.vector_store %arg10[%swap3A], %broadcast_in_dim3A_1 {strides = array<i32>} : memref<1280xf32, #tpu.memory_space<vmem>>, vector<16xf32>,
      %scan3A_41 = arith.constant 0 : i32
      scf.yield %scan3A_41 : i32
    }
    %scan3A_9 = arith.constant 80 : i32
    %parallel_loop3A_10 = arith.constant 0 : i32
    %parallel_loop3A_11 = arith.constant 32 : i32
    %parallel_loop3A_12 = arith.constant 1 : i32
    scf.for %parallel_loop3A_36 = %parallel_loop3A_10 to %parallel_loop3A_11 step %parallel_loop3A_12  : i32 {
      %parallel_loop3A_37 = arith.constant 16 : i32
      %parallel_loop3A_38 = arith.muli %parallel_loop3A_36, %parallel_loop3A_37 : i32
      %parallel_loop3A_39 = tpu.assume_multiple %parallel_loop3A_38, 16 : i32
      %parallel_loop3A_40 = arith.index_cast %parallel_loop3A_39 : i32 to index
      %parallel_loop3A_41 = tpu.vector_load %arg6[%parallel_loop3A_40] {strides = array<i32>} : memref<512xi32, #tpu.memory_space<vmem>>, vector<16xi32>,
      %parallel_loop3A_42 = arith.constant 64 : i32
      %parallel_loop3A_43 = vector.broadcast %parallel_loop3A_42 : i32 to vector<16xi32>
      %parallel_loop3A_44 = arith.muli %parallel_loop3A_41, %parallel_loop3A_43 : vector<16xi32>
      %parallel_loop3A_45 = arith.constant 64 : i32
      %parallel_loop3A_46 = vector.broadcast %parallel_loop3A_45 : i32 to vector<16xi32>
      %parallel_loop3A_47 = arith.muli %iota3A, %parallel_loop3A_46 : vector<16xi32>
      %parallel_loop3A_48 = arith.constant 1024 : i32
      %parallel_loop3A_49 = arith.muli %parallel_loop3A_36, %parallel_loop3A_48 : i32
      %parallel_loop3A_50 = vector.broadcast %parallel_loop3A_49 : i32 to vector<16xi32>
      %parallel_loop3A_51 = arith.addi %parallel_loop3A_47, %parallel_loop3A_50 : vector<16xi32>
      %parallel_loop3A_52 = arith.constant 0 : i32
      %parallel_loop3A_53 = vector.broadcast %parallel_loop3A_52 : i32 to vector<16xi32>
      %parallel_loop3A_54 = arith.addi %parallel_loop3A_44, %parallel_loop3A_53 : vector<16xi32>
      %parallel_loop3A_55 = tpu.vector_load_idx %arg7[%parallel_loop3A_54] : memref<66048xf32, #tpu.memory_space<vmem>>[vector<16xi32>], vector<16xf32>,
      %parallel_loop3A_56 = arith.constant 0 : i32
      %parallel_loop3A_57 = vector.broadcast %parallel_loop3A_56 : i32 to vector<16xi32>
      %parallel_loop3A_58 = arith.addi %parallel_loop3A_51, %parallel_loop3A_57 : vector<16xi32>
      tpu.vector_store_idx %arg8[%parallel_loop3A_58], %parallel_loop3A_55 : memref<32768xf32, #tpu.memory_space<vmem>>[vector<16xi32>], vector<16xf32>,
      %parallel_loop3A_59 = arith.constant 1 : i32
      %parallel_loop3A_60 = vector.broadcast %parallel_loop3A_59 : i32 to vector<16xi32>
      %parallel_loop3A_61 = arith.addi %parallel_loop3A_44, %parallel_loop3A_60 : vector<16xi32>
      %parallel_loop3A_62 = tpu.vector_load_idx %arg7[%parallel_loop3A_61] : memref<66048xf32, #tpu.memory_space<vmem>>[vector<16xi32>], vector<16xf32>,
      %parallel_loop3A_63 = arith.constant 1 : i32
      %parallel_loop3A_64 = vector.broadcast %parallel_loop3A_63 : i32 to vector<16xi32>
      %parallel_loop3A_65 = arith.addi %parallel_loop3A_51, %parallel_loop3A_64 : vector<16xi32>
      tpu.vector_store_idx %arg8[%parallel_loop3A_65], %parallel_loop3A_62 : memref<32768xf32, #tpu.memory_space<vmem>>[vector<16xi32>], vector<16xf32>,
      %parallel_loop3A_66 = arith.constant 2 : i32
      %parallel_loop3A_67 = vector.broadcast %parallel_loop3A_66 : i32 to vector<16xi32>
      %parallel_loop3A_68 = arith.addi %parallel_loop3A_44, %parallel_loop3A_67 : vector<16xi32>
      %parallel_loop3A_69 = tpu.vector_load_idx %arg7[%parallel_loop3A_68] : memref<66048xf32, #tpu.memory_space<vmem>>[vector<16xi32>], vector<16xf32>,
      %parallel_loop3A_70 = arith.constant 2 : i32
      %parallel_loop3A_71 = vector.broadcast %parallel_loop3A_70 : i32 to vector<16xi32>
      %parallel_loop3A_72 = arith.addi %parallel_loop3A_51, %parallel_loop3A_71 : vector<16xi32>
      tpu.vector_store_idx %arg8[%parallel_loop3A_72], %parallel_loop3A_69 : memref<32768xf32, #tpu.memory_space<vmem>>[vector<16xi32>], vector<16xf32>,
      %parallel_loop3A_73 = arith.constant 3 : i32
      %parallel_loop3A_74 = vector.broadcast %parallel_loop3A_73 : i32 to vector<16xi32>
      %parallel_loop3A_75 = arith.addi %parallel_loop3A_44, %parallel_loop3A_74 : vector<16xi32>
      %parallel_loop3A_76 = tpu.vector_load_idx %arg7[%parallel_loop3A_75] : memref<66048xf32, #tpu.memory_space<vmem>>[vector<16xi32>], vector<16xf32>,
      %parallel_loop3A_77 = arith.constant 3 : i32
      %parallel_loop3A_78 = vector.broadcast %parallel_loop3A_77 : i32 to vector<16xi32>
      %parallel_loop3A_79 = arith.addi %parallel_loop3A_51, %parallel_loop3A_78 : vector<16xi32>
      tpu.vector_store_idx %arg8[%parallel_loop3A_79], %parallel_loop3A_76 : memref<32768xf32, #tpu.memory_space<vmem>>[vector<16xi32>], vector<16xf32>,
      %parallel_loop3A_80 = arith.constant 4 : i32
      %parallel_loop3A_81 = vector.broadcast %parallel_loop3A_80 : i32 to vector<16xi32>
      %parallel_loop3A_82 = arith.addi %parallel_loop3A_44, %parallel_loop3A_81 : vector<16xi32>
      %parallel_loop3A_83 = tpu.vector_load_idx %arg7[%parallel_loop3A_82] : memref<66048xf32, #tpu.memory_space<vmem>>[vector<16xi32>], vector<16xf32>,
      %parallel_loop3A_84 = arith.constant 4 : i32
      %parallel_loop3A_85 = vector.broadcast %parallel_loop3A_84 : i32 to vector<16xi32>
      %parallel_loop3A_86 = arith.addi %parallel_loop3A_51, %parallel_loop3A_85 : vector<16xi32>
      tpu.vector_store_idx %arg8[%parallel_loop3A_86], %parallel_loop3A_83 : memref<32768xf32, #tpu.memory_space<vmem>>[vector<16xi32>], vector<16xf32>,
      %parallel_loop3A_87 = arith.constant 5 : i32
      %parallel_loop3A_88 = vector.broadcast %parallel_loop3A_87 : i32 to vector<16xi32>
      %parallel_loop3A_89 = arith.addi %parallel_loop3A_44, %parallel_loop3A_88 : vector<16xi32>
      %parallel_loop3A_90 = tpu.vector_load_idx %arg7[%parallel_loop3A_89] : memref<66048xf32, #tpu.memory_space<vmem>>[vector<16xi32>], vector<16xf32>,
      %parallel_loop3A_91 = arith.constant 5 : i32
      %parallel_loop3A_92 = vector.broadcast %parallel_loop3A_91 : i32 to vector<16xi32>
      %parallel_loop3A_93 = arith.addi %parallel_loop3A_51, %parallel_loop3A_92 : vector<16xi32>
      tpu.vector_store_idx %arg8[%parallel_loop3A_93], %parallel_loop3A_90 : memref<32768xf32, #tpu.memory_space<vmem>>[vector<16xi32>], vector<16xf32>,
      %parallel_loop3A_94 = arith.constant 6 : i32
      %parallel_loop3A_95 = vector.broadcast %parallel_loop3A_94 : i32 to vector<16xi32>
      %parallel_loop3A_96 = arith.addi %parallel_loop3A_44, %parallel_loop3A_95 : vector<16xi32>
      %parallel_loop3A_97 = tpu.vector_load_idx %arg7[%parallel_loop3A_96] : memref<66048xf32, #tpu.memory_space<vmem>>[vector<16xi32>], vector<16xf32>,
      %parallel_loop3A_98 = arith.constant 6 : i32
      %parallel_loop3A_99 = vector.broadcast %parallel_loop3A_98 : i32 to vector<16xi32>
      %parallel_loop3A_100 = arith.addi %parallel_loop3A_51, %parallel_loop3A_99 : vector<16xi32>
      tpu.vector_store_idx %arg8[%parallel_loop3A_100], %parallel_loop3A_97 : memref<32768xf32, #tpu.memory_space<vmem>>[vector<16xi32>], vector<16xf32>,
      %parallel_loop3A_101 = arith.constant 7 : i32
      %parallel_loop3A_102 = vector.broadcast %parallel_loop3A_101 : i32 to vector<16xi32>
      %parallel_loop3A_103 = arith.addi %parallel_loop3A_44, %parallel_loop3A_102 : vector<16xi32>
      %parallel_loop3A_104 = tpu.vector_load_idx %arg7[%parallel_loop3A_103] : memref<66048xf32, #tpu.memory_space<vmem>>[vector<16xi32>], vector<16xf32>,
      %parallel_loop3A_105 = arith.constant 7 : i32
      %parallel_loop3A_106 = vector.broadcast %parallel_loop3A_105 : i32 to vector<16xi32>
      %parallel_loop3A_107 = arith.addi %parallel_loop3A_51, %parallel_loop3A_106 : vector<16xi32>
      tpu.vector_store_idx %arg8[%parallel_loop3A_107], %parallel_loop3A_104 : memref<32768xf32, #tpu.memory_space<vmem>>[vector<16xi32>], vector<16xf32>,
      %parallel_loop3A_108 = arith.constant 8 : i32
      %parallel_loop3A_109 = vector.broadcast %parallel_loop3A_108 : i32 to vector<16xi32>
      %parallel_loop3A_110 = arith.addi %parallel_loop3A_44, %parallel_loop3A_109 : vector<16xi32>
      %parallel_loop3A_111 = tpu.vector_load_idx %arg7[%parallel_loop3A_110] : memref<66048xf32, #tpu.memory_space<vmem>>[vector<16xi32>], vector<16xf32>,
      %parallel_loop3A_112 = arith.constant 8 : i32
      %parallel_loop3A_113 = vector.broadcast %parallel_loop3A_112 : i32 to vector<16xi32>
      %parallel_loop3A_114 = arith.addi %parallel_loop3A_51, %parallel_loop3A_113 : vector<16xi32>
      tpu.vector_store_idx %arg8[%parallel_loop3A_114], %parallel_loop3A_111 : memref<32768xf32, #tpu.memory_space<vmem>>[vector<16xi32>], vector<16xf32>,
      %parallel_loop3A_115 = arith.constant 9 : i32
      %parallel_loop3A_116 = vector.broadcast %parallel_loop3A_115 : i32 to vector<16xi32>
      %parallel_loop3A_117 = arith.addi %parallel_loop3A_44, %parallel_loop3A_116 : vector<16xi32>
      %parallel_loop3A_118 = tpu.vector_load_idx %arg7[%parallel_loop3A_117] : memref<66048xf32, #tpu.memory_space<vmem>>[vector<16xi32>], vector<16xf32>,
      %parallel_loop3A_119 = arith.constant 9 : i32
      %parallel_loop3A_120 = vector.broadcast %parallel_loop3A_119 : i32 to vector<16xi32>
      %parallel_loop3A_121 = arith.addi %parallel_loop3A_51, %parallel_loop3A_120 : vector<16xi32>
      tpu.vector_store_idx %arg8[%parallel_loop3A_121], %parallel_loop3A_118 : memref<32768xf32, #tpu.memory_space<vmem>>[vector<16xi32>], vector<16xf32>,
      %parallel_loop3A_122 = arith.constant 10 : i32
      %parallel_loop3A_123 = vector.broadcast %parallel_loop3A_122 : i32 to vector<16xi32>
      %parallel_loop3A_124 = arith.addi %parallel_loop3A_44, %parallel_loop3A_123 : vector<16xi32>
      %parallel_loop3A_125 = tpu.vector_load_idx %arg7[%parallel_loop3A_124] : memref<66048xf32, #tpu.memory_space<vmem>>[vector<16xi32>], vector<16xf32>,
      %parallel_loop3A_126 = arith.constant 10 : i32
      %parallel_loop3A_127 = vector.broadcast %parallel_loop3A_126 : i32 to vector<16xi32>
      %parallel_loop3A_128 = arith.addi %parallel_loop3A_51, %parallel_loop3A_127 : vector<16xi32>
      tpu.vector_store_idx %arg8[%parallel_loop3A_128], %parallel_loop3A_125 : memref<32768xf32, #tpu.memory_space<vmem>>[vector<16xi32>], vector<16xf32>,
      %parallel_loop3A_129 = arith.constant 11 : i32
      %parallel_loop3A_130 = vector.broadcast %parallel_loop3A_129 : i32 to vector<16xi32>
      %parallel_loop3A_131 = arith.addi %parallel_loop3A_44, %parallel_loop3A_130 : vector<16xi32>
      %parallel_loop3A_132 = tpu.vector_load_idx %arg7[%parallel_loop3A_131] : memref<66048xf32, #tpu.memory_space<vmem>>[vector<16xi32>], vector<16xf32>,
      %parallel_loop3A_133 = arith.constant 11 : i32
      %parallel_loop3A_134 = vector.broadcast %parallel_loop3A_133 : i32 to vector<16xi32>
      %parallel_loop3A_135 = arith.addi %parallel_loop3A_51, %parallel_loop3A_134 : vector<16xi32>
      tpu.vector_store_idx %arg8[%parallel_loop3A_135], %parallel_loop3A_132 : memref<32768xf32, #tpu.memory_space<vmem>>[vector<16xi32>], vector<16xf32>,
      %parallel_loop3A_136 = arith.constant 12 : i32
      %parallel_loop3A_137 = vector.broadcast %parallel_loop3A_136 : i32 to vector<16xi32>
      %parallel_loop3A_138 = arith.addi %parallel_loop3A_44, %parallel_loop3A_137 : vector<16xi32>
      %parallel_loop3A_139 = tpu.vector_load_idx %arg7[%parallel_loop3A_138] : memref<66048xf32, #tpu.memory_space<vmem>>[vector<16xi32>], vector<16xf32>,
      %parallel_loop3A_140 = arith.constant 12 : i32
      %parallel_loop3A_141 = vector.broadcast %parallel_loop3A_140 : i32 to vector<16xi32>
      %parallel_loop3A_142 = arith.addi %parallel_loop3A_51, %parallel_loop3A_141 : vector<16xi32>
      tpu.vector_store_idx %arg8[%parallel_loop3A_142], %parallel_loop3A_139 : memref<32768xf32, #tpu.memory_space<vmem>>[vector<16xi32>], vector<16xf32>,
      %parallel_loop3A_143 = arith.constant 13 : i32
      %parallel_loop3A_144 = vector.broadcast %parallel_loop3A_143 : i32 to vector<16xi32>
      %parallel_loop3A_145 = arith.addi %parallel_loop3A_44, %parallel_loop3A_144 : vector<16xi32>
      %parallel_loop3A_146 = tpu.vector_load_idx %arg7[%parallel_loop3A_145] : memref<66048xf32, #tpu.memory_space<vmem>>[vector<16xi32>], vector<16xf32>,
      %parallel_loop3A_147 = arith.constant 13 : i32
      %parallel_loop3A_148 = vector.broadcast %parallel_loop3A_147 : i32 to vector<16xi32>
      %parallel_loop3A_149 = arith.addi %parallel_loop3A_51, %parallel_loop3A_148 : vector<16xi32>
      tpu.vector_store_idx %arg8[%parallel_loop3A_149], %parallel_loop3A_146 : memref<32768xf32, #tpu.memory_space<vmem>>[vector<16xi32>], vector<16xf32>,
      %parallel_loop3A_150 = arith.constant 14 : i32
      %parallel_loop3A_151 = vector.broadcast %parallel_loop3A_150 : i32 to vector<16xi32>
      %parallel_loop3A_152 = arith.addi %parallel_loop3A_44, %parallel_loop3A_151 : vector<16xi32>
      %parallel_loop3A_153 = tpu.vector_load_idx %arg7[%parallel_loop3A_152] : memref<66048xf32, #tpu.memory_space<vmem>>[vector<16xi32>], vector<16xf32>,
      %parallel_loop3A_154 = arith.constant 14 : i32
      %parallel_loop3A_155 = vector.broadcast %parallel_loop3A_154 : i32 to vector<16xi32>
      %parallel_loop3A_156 = arith.addi %parallel_loop3A_51, %parallel_loop3A_155 : vector<16xi32>
      tpu.vector_store_idx %arg8[%parallel_loop3A_156], %parallel_loop3A_153 : memref<32768xf32, #tpu.memory_space<vmem>>[vector<16xi32>], vector<16xf32>,
      %parallel_loop3A_157 = arith.constant 15 : i32
      %parallel_loop3A_158 = vector.broadcast %parallel_loop3A_157 : i32 to vector<16xi32>
      %parallel_loop3A_159 = arith.addi %parallel_loop3A_44, %parallel_loop3A_158 : vector<16xi32>
      %parallel_loop3A_160 = tpu.vector_load_idx %arg7[%parallel_loop3A_159] : memref<66048xf32, #tpu.memory_space<vmem>>[vector<16xi32>], vector<16xf32>,
      %parallel_loop3A_161 = arith.constant 15 : i32
      %parallel_loop3A_162 = vector.broadcast %parallel_loop3A_161 : i32 to vector<16xi32>
      %parallel_loop3A_163 = arith.addi %parallel_loop3A_51, %parallel_loop3A_162 : vector<16xi32>
      tpu.vector_store_idx %arg8[%parallel_loop3A_163], %parallel_loop3A_160 : memref<32768xf32, #tpu.memory_space<vmem>>[vector<16xi32>], vector<16xf32>,
      %parallel_loop3A_164 = arith.constant 16 : i32
      %parallel_loop3A_165 = vector.broadcast %parallel_loop3A_164 : i32 to vector<16xi32>
      %parallel_loop3A_166 = arith.addi %parallel_loop3A_44, %parallel_loop3A_165 : vector<16xi32>
      %parallel_loop3A_167 = tpu.vector_load_idx %arg7[%parallel_loop3A_166] : memref<66048xf32, #tpu.memory_space<vmem>>[vector<16xi32>], vector<16xf32>,
      %parallel_loop3A_168 = arith.constant 16 : i32
      %parallel_loop3A_169 = vector.broadcast %parallel_loop3A_168 : i32 to vector<16xi32>
      %parallel_loop3A_170 = arith.addi %parallel_loop3A_51, %parallel_loop3A_169 : vector<16xi32>
      tpu.vector_store_idx %arg8[%parallel_loop3A_170], %parallel_loop3A_167 : memref<32768xf32, #tpu.memory_space<vmem>>[vector<16xi32>], vector<16xf32>,
      %parallel_loop3A_171 = arith.constant 17 : i32
      %parallel_loop3A_172 = vector.broadcast %parallel_loop3A_171 : i32 to vector<16xi32>
      %parallel_loop3A_173 = arith.addi %parallel_loop3A_44, %parallel_loop3A_172 : vector<16xi32>
      %parallel_loop3A_174 = tpu.vector_load_idx %arg7[%parallel_loop3A_173] : memref<66048xf32, #tpu.memory_space<vmem>>[vector<16xi32>], vector<16xf32>,
      %parallel_loop3A_175 = arith.constant 17 : i32
      %parallel_loop3A_176 = vector.broadcast %parallel_loop3A_175 : i32 to vector<16xi32>
      %parallel_loop3A_177 = arith.addi %parallel_loop3A_51, %parallel_loop3A_176 : vector<16xi32>
      tpu.vector_store_idx %arg8[%parallel_loop3A_177], %parallel_loop3A_174 : memref<32768xf32, #tpu.memory_space<vmem>>[vector<16xi32>], vector<16xf32>,
      %parallel_loop3A_178 = arith.constant 18 : i32
      %parallel_loop3A_179 = vector.broadcast %parallel_loop3A_178 : i32 to vector<16xi32>
      %parallel_loop3A_180 = arith.addi %parallel_loop3A_44, %parallel_loop3A_179 : vector<16xi32>
      %parallel_loop3A_181 = tpu.vector_load_idx %arg7[%parallel_loop3A_180] : memref<66048xf32, #tpu.memory_space<vmem>>[vector<16xi32>], vector<16xf32>,
      %parallel_loop3A_182 = arith.constant 18 : i32
      %parallel_loop3A_183 = vector.broadcast %parallel_loop3A_182 : i32 to vector<16xi32>
      %parallel_loop3A_184 = arith.addi %parallel_loop3A_51, %parallel_loop3A_183 : vector<16xi32>
      tpu.vector_store_idx %arg8[%parallel_loop3A_184], %parallel_loop3A_181 : memref<32768xf32, #tpu.memory_space<vmem>>[vector<16xi32>], vector<16xf32>,
      %parallel_loop3A_185 = arith.constant 19 : i32
      %parallel_loop3A_186 = vector.broadcast %parallel_loop3A_185 : i32 to vector<16xi32>
      %parallel_loop3A_187 = arith.addi %parallel_loop3A_44, %parallel_loop3A_186 : vector<16xi32>
      %parallel_loop3A_188 = tpu.vector_load_idx %arg7[%parallel_loop3A_187] : memref<66048xf32, #tpu.memory_space<vmem>>[vector<16xi32>], vector<16xf32>,
      %parallel_loop3A_189 = arith.constant 19 : i32
      %parallel_loop3A_190 = vector.broadcast %parallel_loop3A_189 : i32 to vector<16xi32>
      %parallel_loop3A_191 = arith.addi %parallel_loop3A_51, %parallel_loop3A_190 : vector<16xi32>
      tpu.vector_store_idx %arg8[%parallel_loop3A_191], %parallel_loop3A_188 : memref<32768xf32, #tpu.memory_space<vmem>>[vector<16xi32>], vector<16xf32>,
      %parallel_loop3A_192 = arith.constant 20 : i32
      %parallel_loop3A_193 = vector.broadcast %parallel_loop3A_192 : i32 to vector<16xi32>
      %parallel_loop3A_194 = arith.addi %parallel_loop3A_44, %parallel_loop3A_193 : vector<16xi32>
      %parallel_loop3A_195 = tpu.vector_load_idx %arg7[%parallel_loop3A_194] : memref<66048xf32, #tpu.memory_space<vmem>>[vector<16xi32>], vector<16xf32>,
      %parallel_loop3A_196 = arith.constant 20 : i32
      %parallel_loop3A_197 = vector.broadcast %parallel_loop3A_196 : i32 to vector<16xi32>
      %parallel_loop3A_198 = arith.addi %parallel_loop3A_51, %parallel_loop3A_197 : vector<16xi32>
      tpu.vector_store_idx %arg8[%parallel_loop3A_198], %parallel_loop3A_195 : memref<32768xf32, #tpu.memory_space<vmem>>[vector<16xi32>], vector<16xf32>,
      %parallel_loop3A_199 = arith.constant 21 : i32
      %parallel_loop3A_200 = vector.broadcast %parallel_loop3A_199 : i32 to vector<16xi32>
      %parallel_loop3A_201 = arith.addi %parallel_loop3A_44, %parallel_loop3A_200 : vector<16xi32>
      %parallel_loop3A_202 = tpu.vector_load_idx %arg7[%parallel_loop3A_201] : memref<66048xf32, #tpu.memory_space<vmem>>[vector<16xi32>], vector<16xf32>,
      %parallel_loop3A_203 = arith.constant 21 : i32
      %parallel_loop3A_204 = vector.broadcast %parallel_loop3A_203 : i32 to vector<16xi32>
      %parallel_loop3A_205 = arith.addi %parallel_loop3A_51, %parallel_loop3A_204 : vector<16xi32>
      tpu.vector_store_idx %arg8[%parallel_loop3A_205], %parallel_loop3A_202 : memref<32768xf32, #tpu.memory_space<vmem>>[vector<16xi32>], vector<16xf32>,
      %parallel_loop3A_206 = arith.constant 22 : i32
      %parallel_loop3A_207 = vector.broadcast %parallel_loop3A_206 : i32 to vector<16xi32>
      %parallel_loop3A_208 = arith.addi %parallel_loop3A_44, %parallel_loop3A_207 : vector<16xi32>
      %parallel_loop3A_209 = tpu.vector_load_idx %arg7[%parallel_loop3A_208] : memref<66048xf32, #tpu.memory_space<vmem>>[vector<16xi32>], vector<16xf32>,
      %parallel_loop3A_210 = arith.constant 22 : i32
      %parallel_loop3A_211 = vector.broadcast %parallel_loop3A_210 : i32 to vector<16xi32>
      %parallel_loop3A_212 = arith.addi %parallel_loop3A_51, %parallel_loop3A_211 : vector<16xi32>
      tpu.vector_store_idx %arg8[%parallel_loop3A_212], %parallel_loop3A_209 : memref<32768xf32, #tpu.memory_space<vmem>>[vector<16xi32>], vector<16xf32>,
      %parallel_loop3A_213 = arith.constant 23 : i32
      %parallel_loop3A_214 = vector.broadcast %parallel_loop3A_213 : i32 to vector<16xi32>
      %parallel_loop3A_215 = arith.addi %parallel_loop3A_44, %parallel_loop3A_214 : vector<16xi32>
      %parallel_loop3A_216 = tpu.vector_load_idx %arg7[%parallel_loop3A_215] : memref<66048xf32, #tpu.memory_space<vmem>>[vector<16xi32>], vector<16xf32>,
      %parallel_loop3A_217 = arith.constant 23 : i32
      %parallel_loop3A_218 = vector.broadcast %parallel_loop3A_217 : i32 to vector<16xi32>
      %parallel_loop3A_219 = arith.addi %parallel_loop3A_51, %parallel_loop3A_218 : vector<16xi32>
      tpu.vector_store_idx %arg8[%parallel_loop3A_219], %parallel_loop3A_216 : memref<32768xf32, #tpu.memory_space<vmem>>[vector<16xi32>], vector<16xf32>,
      %parallel_loop3A_220 = arith.constant 24 : i32
      %parallel_loop3A_221 = vector.broadcast %parallel_loop3A_220 : i32 to vector<16xi32>
      %parallel_loop3A_222 = arith.addi %parallel_loop3A_44, %parallel_loop3A_221 : vector<16xi32>
      %parallel_loop3A_223 = tpu.vector_load_idx %arg7[%parallel_loop3A_222] : memref<66048xf32, #tpu.memory_space<vmem>>[vector<16xi32>], vector<16xf32>,
      %parallel_loop3A_224 = arith.constant 24 : i32
      %parallel_loop3A_225 = vector.broadcast %parallel_loop3A_224 : i32 to vector<16xi32>
      %parallel_loop3A_226 = arith.addi %parallel_loop3A_51, %parallel_loop3A_225 : vector<16xi32>
      tpu.vector_store_idx %arg8[%parallel_loop3A_226], %parallel_loop3A_223 : memref<32768xf32, #tpu.memory_space<vmem>>[vector<16xi32>], vector<16xf32>,
      %parallel_loop3A_227 = arith.constant 25 : i32
      %parallel_loop3A_228 = vector.broadcast %parallel_loop3A_227 : i32 to vector<16xi32>
      %parallel_loop3A_229 = arith.addi %parallel_loop3A_44, %parallel_loop3A_228 : vector<16xi32>
      %parallel_loop3A_230 = tpu.vector_load_idx %arg7[%parallel_loop3A_229] : memref<66048xf32, #tpu.memory_space<vmem>>[vector<16xi32>], vector<16xf32>,
      %parallel_loop3A_231 = arith.constant 25 : i32
      %parallel_loop3A_232 = vector.broadcast %parallel_loop3A_231 : i32 to vector<16xi32>
      %parallel_loop3A_233 = arith.addi %parallel_loop3A_51, %parallel_loop3A_232 : vector<16xi32>
      tpu.vector_store_idx %arg8[%parallel_loop3A_233], %parallel_loop3A_230 : memref<32768xf32, #tpu.memory_space<vmem>>[vector<16xi32>], vector<16xf32>,
      %parallel_loop3A_234 = arith.constant 26 : i32
      %parallel_loop3A_235 = vector.broadcast %parallel_loop3A_234 : i32 to vector<16xi32>
      %parallel_loop3A_236 = arith.addi %parallel_loop3A_44, %parallel_loop3A_235 : vector<16xi32>
      %parallel_loop3A_237 = tpu.vector_load_idx %arg7[%parallel_loop3A_236] : memref<66048xf32, #tpu.memory_space<vmem>>[vector<16xi32>], vector<16xf32>,
      %parallel_loop3A_238 = arith.constant 26 : i32
      %parallel_loop3A_239 = vector.broadcast %parallel_loop3A_238 : i32 to vector<16xi32>
      %parallel_loop3A_240 = arith.addi %parallel_loop3A_51, %parallel_loop3A_239 : vector<16xi32>
      tpu.vector_store_idx %arg8[%parallel_loop3A_240], %parallel_loop3A_237 : memref<32768xf32, #tpu.memory_space<vmem>>[vector<16xi32>], vector<16xf32>,
      %parallel_loop3A_241 = arith.constant 27 : i32
      %parallel_loop3A_242 = vector.broadcast %parallel_loop3A_241 : i32 to vector<16xi32>
      %parallel_loop3A_243 = arith.addi %parallel_loop3A_44, %parallel_loop3A_242 : vector<16xi32>
      %parallel_loop3A_244 = tpu.vector_load_idx %arg7[%parallel_loop3A_243] : memref<66048xf32, #tpu.memory_space<vmem>>[vector<16xi32>], vector<16xf32>,
      %parallel_loop3A_245 = arith.constant 27 : i32
      %parallel_loop3A_246 = vector.broadcast %parallel_loop3A_245 : i32 to vector<16xi32>
      %parallel_loop3A_247 = arith.addi %parallel_loop3A_51, %parallel_loop3A_246 : vector<16xi32>
      tpu.vector_store_idx %arg8[%parallel_loop3A_247], %parallel_loop3A_244 : memref<32768xf32, #tpu.memory_space<vmem>>[vector<16xi32>], vector<16xf32>,
      %parallel_loop3A_248 = arith.constant 28 : i32
      %parallel_loop3A_249 = vector.broadcast %parallel_loop3A_248 : i32 to vector<16xi32>
      %parallel_loop3A_250 = arith.addi %parallel_loop3A_44, %parallel_loop3A_249 : vector<16xi32>
      %parallel_loop3A_251 = tpu.vector_load_idx %arg7[%parallel_loop3A_250] : memref<66048xf32, #tpu.memory_space<vmem>>[vector<16xi32>], vector<16xf32>,
      %parallel_loop3A_252 = arith.constant 28 : i32
      %parallel_loop3A_253 = vector.broadcast %parallel_loop3A_252 : i32 to vector<16xi32>
      %parallel_loop3A_254 = arith.addi %parallel_loop3A_51, %parallel_loop3A_253 : vector<16xi32>
      tpu.vector_store_idx %arg8[%parallel_loop3A_254], %parallel_loop3A_251 : memref<32768xf32, #tpu.memory_space<vmem>>[vector<16xi32>], vector<16xf32>,
      %parallel_loop3A_255 = arith.constant 29 : i32
      %parallel_loop3A_256 = vector.broadcast %parallel_loop3A_255 : i32 to vector<16xi32>
      %parallel_loop3A_257 = arith.addi %parallel_loop3A_44, %parallel_loop3A_256 : vector<16xi32>
      %parallel_loop3A_258 = tpu.vector_load_idx %arg7[%parallel_loop3A_257] : memref<66048xf32, #tpu.memory_space<vmem>>[vector<16xi32>], vector<16xf32>,
      %parallel_loop3A_259 = arith.constant 29 : i32
      %parallel_loop3A_260 = vector.broadcast %parallel_loop3A_259 : i32 to vector<16xi32>
      %parallel_loop3A_261 = arith.addi %parallel_loop3A_51, %parallel_loop3A_260 : vector<16xi32>
      tpu.vector_store_idx %arg8[%parallel_loop3A_261], %parallel_loop3A_258 : memref<32768xf32, #tpu.memory_space<vmem>>[vector<16xi32>], vector<16xf32>,
      %parallel_loop3A_262 = arith.constant 30 : i32
      %parallel_loop3A_263 = vector.broadcast %parallel_loop3A_262 : i32 to vector<16xi32>
      %parallel_loop3A_264 = arith.addi %parallel_loop3A_44, %parallel_loop3A_263 : vector<16xi32>
      %parallel_loop3A_265 = tpu.vector_load_idx %arg7[%parallel_loop3A_264] : memref<66048xf32, #tpu.memory_space<vmem>>[vector<16xi32>], vector<16xf32>,
      %parallel_loop3A_266 = arith.constant 30 : i32
      %parallel_loop3A_267 = vector.broadcast %parallel_loop3A_266 : i32 to vector<16xi32>
      %parallel_loop3A_268 = arith.addi %parallel_loop3A_51, %parallel_loop3A_267 : vector<16xi32>
      tpu.vector_store_idx %arg8[%parallel_loop3A_268], %parallel_loop3A_265 : memref<32768xf32, #tpu.memory_space<vmem>>[vector<16xi32>], vector<16xf32>,
      %parallel_loop3A_269 = arith.constant 31 : i32
      %parallel_loop3A_270 = vector.broadcast %parallel_loop3A_269 : i32 to vector<16xi32>
      %parallel_loop3A_271 = arith.addi %parallel_loop3A_44, %parallel_loop3A_270 : vector<16xi32>
      %parallel_loop3A_272 = tpu.vector_load_idx %arg7[%parallel_loop3A_271] : memref<66048xf32, #tpu.memory_space<vmem>>[vector<16xi32>], vector<16xf32>,
      %parallel_loop3A_273 = arith.constant 31 : i32
      %parallel_loop3A_274 = vector.broadcast %parallel_loop3A_273 : i32 to vector<16xi32>
      %parallel_loop3A_275 = arith.addi %parallel_loop3A_51, %parallel_loop3A_274 : vector<16xi32>
      tpu.vector_store_idx %arg8[%parallel_loop3A_275], %parallel_loop3A_272 : memref<32768xf32, #tpu.memory_space<vmem>>[vector<16xi32>], vector<16xf32>,
      %parallel_loop3A_276 = arith.constant 32 : i32
      %parallel_loop3A_277 = vector.broadcast %parallel_loop3A_276 : i32 to vector<16xi32>
      %parallel_loop3A_278 = arith.addi %parallel_loop3A_44, %parallel_loop3A_277 : vector<16xi32>
      %parallel_loop3A_279 = tpu.vector_load_idx %arg7[%parallel_loop3A_278] : memref<66048xf32, #tpu.memory_space<vmem>>[vector<16xi32>], vector<16xf32>,
      %parallel_loop3A_280 = arith.constant 32 : i32
      %parallel_loop3A_281 = vector.broadcast %parallel_loop3A_280 : i32 to vector<16xi32>
      %parallel_loop3A_282 = arith.addi %parallel_loop3A_51, %parallel_loop3A_281 : vector<16xi32>
      tpu.vector_store_idx %arg8[%parallel_loop3A_282], %parallel_loop3A_279 : memref<32768xf32, #tpu.memory_space<vmem>>[vector<16xi32>], vector<16xf32>,
      %parallel_loop3A_283 = arith.constant 33 : i32
      %parallel_loop3A_284 = vector.broadcast %parallel_loop3A_283 : i32 to vector<16xi32>
      %parallel_loop3A_285 = arith.addi %parallel_loop3A_44, %parallel_loop3A_284 : vector<16xi32>
      %parallel_loop3A_286 = tpu.vector_load_idx %arg7[%parallel_loop3A_285] : memref<66048xf32, #tpu.memory_space<vmem>>[vector<16xi32>], vector<16xf32>,
      %parallel_loop3A_287 = arith.constant 33 : i32
      %parallel_loop3A_288 = vector.broadcast %parallel_loop3A_287 : i32 to vector<16xi32>
      %parallel_loop3A_289 = arith.addi %parallel_loop3A_51, %parallel_loop3A_288 : vector<16xi32>
      tpu.vector_store_idx %arg8[%parallel_loop3A_289], %parallel_loop3A_286 : memref<32768xf32, #tpu.memory_space<vmem>>[vector<16xi32>], vector<16xf32>,
      %parallel_loop3A_290 = arith.constant 34 : i32
      %parallel_loop3A_291 = vector.broadcast %parallel_loop3A_290 : i32 to vector<16xi32>
      %parallel_loop3A_292 = arith.addi %parallel_loop3A_44, %parallel_loop3A_291 : vector<16xi32>
      %parallel_loop3A_293 = tpu.vector_load_idx %arg7[%parallel_loop3A_292] : memref<66048xf32, #tpu.memory_space<vmem>>[vector<16xi32>], vector<16xf32>,
      %parallel_loop3A_294 = arith.constant 34 : i32
      %parallel_loop3A_295 = vector.broadcast %parallel_loop3A_294 : i32 to vector<16xi32>
      %parallel_loop3A_296 = arith.addi %parallel_loop3A_51, %parallel_loop3A_295 : vector<16xi32>
      tpu.vector_store_idx %arg8[%parallel_loop3A_296], %parallel_loop3A_293 : memref<32768xf32, #tpu.memory_space<vmem>>[vector<16xi32>], vector<16xf32>,
      %parallel_loop3A_297 = arith.constant 35 : i32
      %parallel_loop3A_298 = vector.broadcast %parallel_loop3A_297 : i32 to vector<16xi32>
      %parallel_loop3A_299 = arith.addi %parallel_loop3A_44, %parallel_loop3A_298 : vector<16xi32>
      %parallel_loop3A_300 = tpu.vector_load_idx %arg7[%parallel_loop3A_299] : memref<66048xf32, #tpu.memory_space<vmem>>[vector<16xi32>], vector<16xf32>,
      %parallel_loop3A_301 = arith.constant 35 : i32
      %parallel_loop3A_302 = vector.broadcast %parallel_loop3A_301 : i32 to vector<16xi32>
      %parallel_loop3A_303 = arith.addi %parallel_loop3A_51, %parallel_loop3A_302 : vector<16xi32>
      tpu.vector_store_idx %arg8[%parallel_loop3A_303], %parallel_loop3A_300 : memref<32768xf32, #tpu.memory_space<vmem>>[vector<16xi32>], vector<16xf32>,
      %parallel_loop3A_304 = arith.constant 36 : i32
      %parallel_loop3A_305 = vector.broadcast %parallel_loop3A_304 : i32 to vector<16xi32>
      %parallel_loop3A_306 = arith.addi %parallel_loop3A_44, %parallel_loop3A_305 : vector<16xi32>
      %parallel_loop3A_307 = tpu.vector_load_idx %arg7[%parallel_loop3A_306] : memref<66048xf32, #tpu.memory_space<vmem>>[vector<16xi32>], vector<16xf32>,
      %parallel_loop3A_308 = arith.constant 36 : i32
      %parallel_loop3A_309 = vector.broadcast %parallel_loop3A_308 : i32 to vector<16xi32>
      %parallel_loop3A_310 = arith.addi %parallel_loop3A_51, %parallel_loop3A_309 : vector<16xi32>
      tpu.vector_store_idx %arg8[%parallel_loop3A_310], %parallel_loop3A_307 : memref<32768xf32, #tpu.memory_space<vmem>>[vector<16xi32>], vector<16xf32>,
      %parallel_loop3A_311 = arith.constant 37 : i32
      %parallel_loop3A_312 = vector.broadcast %parallel_loop3A_311 : i32 to vector<16xi32>
      %parallel_loop3A_313 = arith.addi %parallel_loop3A_44, %parallel_loop3A_312 : vector<16xi32>
      %parallel_loop3A_314 = tpu.vector_load_idx %arg7[%parallel_loop3A_313] : memref<66048xf32, #tpu.memory_space<vmem>>[vector<16xi32>], vector<16xf32>,
      %parallel_loop3A_315 = arith.constant 37 : i32
      %parallel_loop3A_316 = vector.broadcast %parallel_loop3A_315 : i32 to vector<16xi32>
      %parallel_loop3A_317 = arith.addi %parallel_loop3A_51, %parallel_loop3A_316 : vector<16xi32>
      tpu.vector_store_idx %arg8[%parallel_loop3A_317], %parallel_loop3A_314 : memref<32768xf32, #tpu.memory_space<vmem>>[vector<16xi32>], vector<16xf32>,
      %parallel_loop3A_318 = arith.constant 38 : i32
      %parallel_loop3A_319 = vector.broadcast %parallel_loop3A_318 : i32 to vector<16xi32>
      %parallel_loop3A_320 = arith.addi %parallel_loop3A_44, %parallel_loop3A_319 : vector<16xi32>
      %parallel_loop3A_321 = tpu.vector_load_idx %arg7[%parallel_loop3A_320] : memref<66048xf32, #tpu.memory_space<vmem>>[vector<16xi32>], vector<16xf32>,
      %parallel_loop3A_322 = arith.constant 38 : i32
      %parallel_loop3A_323 = vector.broadcast %parallel_loop3A_322 : i32 to vector<16xi32>
      %parallel_loop3A_324 = arith.addi %parallel_loop3A_51, %parallel_loop3A_323 : vector<16xi32>
      tpu.vector_store_idx %arg8[%parallel_loop3A_324], %parallel_loop3A_321 : memref<32768xf32, #tpu.memory_space<vmem>>[vector<16xi32>], vector<16xf32>,
      %parallel_loop3A_325 = arith.constant 39 : i32
      %parallel_loop3A_326 = vector.broadcast %parallel_loop3A_325 : i32 to vector<16xi32>
      %parallel_loop3A_327 = arith.addi %parallel_loop3A_44, %parallel_loop3A_326 : vector<16xi32>
      %parallel_loop3A_328 = tpu.vector_load_idx %arg7[%parallel_loop3A_327] : memref<66048xf32, #tpu.memory_space<vmem>>[vector<16xi32>], vector<16xf32>,
      %parallel_loop3A_329 = arith.constant 39 : i32
      %parallel_loop3A_330 = vector.broadcast %parallel_loop3A_329 : i32 to vector<16xi32>
      %parallel_loop3A_331 = arith.addi %parallel_loop3A_51, %parallel_loop3A_330 : vector<16xi32>
      tpu.vector_store_idx %arg8[%parallel_loop3A_331], %parallel_loop3A_328 : memref<32768xf32, #tpu.memory_space<vmem>>[vector<16xi32>], vector<16xf32>,
      %parallel_loop3A_332 = arith.constant 40 : i32
      %parallel_loop3A_333 = vector.broadcast %parallel_loop3A_332 : i32 to vector<16xi32>
      %parallel_loop3A_334 = arith.addi %parallel_loop3A_44, %parallel_loop3A_333 : vector<16xi32>
      %parallel_loop3A_335 = tpu.vector_load_idx %arg7[%parallel_loop3A_334] : memref<66048xf32, #tpu.memory_space<vmem>>[vector<16xi32>], vector<16xf32>,
      %parallel_loop3A_336 = arith.constant 40 : i32
      %parallel_loop3A_337 = vector.broadcast %parallel_loop3A_336 : i32 to vector<16xi32>
      %parallel_loop3A_338 = arith.addi %parallel_loop3A_51, %parallel_loop3A_337 : vector<16xi32>
      tpu.vector_store_idx %arg8[%parallel_loop3A_338], %parallel_loop3A_335 : memref<32768xf32, #tpu.memory_space<vmem>>[vector<16xi32>], vector<16xf32>,
      %parallel_loop3A_339 = arith.constant 41 : i32
      %parallel_loop3A_340 = vector.broadcast %parallel_loop3A_339 : i32 to vector<16xi32>
      %parallel_loop3A_341 = arith.addi %parallel_loop3A_44, %parallel_loop3A_340 : vector<16xi32>
      %parallel_loop3A_342 = tpu.vector_load_idx %arg7[%parallel_loop3A_341] : memref<66048xf32, #tpu.memory_space<vmem>>[vector<16xi32>], vector<16xf32>,
      %parallel_loop3A_343 = arith.constant 41 : i32
      %parallel_loop3A_344 = vector.broadcast %parallel_loop3A_343 : i32 to vector<16xi32>
      %parallel_loop3A_345 = arith.addi %parallel_loop3A_51, %parallel_loop3A_344 : vector<16xi32>
      tpu.vector_store_idx %arg8[%parallel_loop3A_345], %parallel_loop3A_342 : memref<32768xf32, #tpu.memory_space<vmem>>[vector<16xi32>], vector<16xf32>,
      %parallel_loop3A_346 = arith.constant 42 : i32
      %parallel_loop3A_347 = vector.broadcast %parallel_loop3A_346 : i32 to vector<16xi32>
      %parallel_loop3A_348 = arith.addi %parallel_loop3A_44, %parallel_loop3A_347 : vector<16xi32>
      %parallel_loop3A_349 = tpu.vector_load_idx %arg7[%parallel_loop3A_348] : memref<66048xf32, #tpu.memory_space<vmem>>[vector<16xi32>], vector<16xf32>,
      %parallel_loop3A_350 = arith.constant 42 : i32
      %parallel_loop3A_351 = vector.broadcast %parallel_loop3A_350 : i32 to vector<16xi32>
      %parallel_loop3A_352 = arith.addi %parallel_loop3A_51, %parallel_loop3A_351 : vector<16xi32>
      tpu.vector_store_idx %arg8[%parallel_loop3A_352], %parallel_loop3A_349 : memref<32768xf32, #tpu.memory_space<vmem>>[vector<16xi32>], vector<16xf32>,
      %parallel_loop3A_353 = arith.constant 43 : i32
      %parallel_loop3A_354 = vector.broadcast %parallel_loop3A_353 : i32 to vector<16xi32>
      %parallel_loop3A_355 = arith.addi %parallel_loop3A_44, %parallel_loop3A_354 : vector<16xi32>
      %parallel_loop3A_356 = tpu.vector_load_idx %arg7[%parallel_loop3A_355] : memref<66048xf32, #tpu.memory_space<vmem>>[vector<16xi32>], vector<16xf32>,
      %parallel_loop3A_357 = arith.constant 43 : i32
      %parallel_loop3A_358 = vector.broadcast %parallel_loop3A_357 : i32 to vector<16xi32>
      %parallel_loop3A_359 = arith.addi %parallel_loop3A_51, %parallel_loop3A_358 : vector<16xi32>
      tpu.vector_store_idx %arg8[%parallel_loop3A_359], %parallel_loop3A_356 : memref<32768xf32, #tpu.memory_space<vmem>>[vector<16xi32>], vector<16xf32>,
      %parallel_loop3A_360 = arith.constant 44 : i32
      %parallel_loop3A_361 = vector.broadcast %parallel_loop3A_360 : i32 to vector<16xi32>
      %parallel_loop3A_362 = arith.addi %parallel_loop3A_44, %parallel_loop3A_361 : vector<16xi32>
      %parallel_loop3A_363 = tpu.vector_load_idx %arg7[%parallel_loop3A_362] : memref<66048xf32, #tpu.memory_space<vmem>>[vector<16xi32>], vector<16xf32>,
      %parallel_loop3A_364 = arith.constant 44 : i32
      %parallel_loop3A_365 = vector.broadcast %parallel_loop3A_364 : i32 to vector<16xi32>
      %parallel_loop3A_366 = arith.addi %parallel_loop3A_51, %parallel_loop3A_365 : vector<16xi32>
      tpu.vector_store_idx %arg8[%parallel_loop3A_366], %parallel_loop3A_363 : memref<32768xf32, #tpu.memory_space<vmem>>[vector<16xi32>], vector<16xf32>,
      %parallel_loop3A_367 = arith.constant 45 : i32
      %parallel_loop3A_368 = vector.broadcast %parallel_loop3A_367 : i32 to vector<16xi32>
      %parallel_loop3A_369 = arith.addi %parallel_loop3A_44, %parallel_loop3A_368 : vector<16xi32>
      %parallel_loop3A_370 = tpu.vector_load_idx %arg7[%parallel_loop3A_369] : memref<66048xf32, #tpu.memory_space<vmem>>[vector<16xi32>], vector<16xf32>,
      %parallel_loop3A_371 = arith.constant 45 : i32
      %parallel_loop3A_372 = vector.broadcast %parallel_loop3A_371 : i32 to vector<16xi32>
      %parallel_loop3A_373 = arith.addi %parallel_loop3A_51, %parallel_loop3A_372 : vector<16xi32>
      tpu.vector_store_idx %arg8[%parallel_loop3A_373], %parallel_loop3A_370 : memref<32768xf32, #tpu.memory_space<vmem>>[vector<16xi32>], vector<16xf32>,
      %parallel_loop3A_374 = arith.constant 46 : i32
      %parallel_loop3A_375 = vector.broadcast %parallel_loop3A_374 : i32 to vector<16xi32>
      %parallel_loop3A_376 = arith.addi %parallel_loop3A_44, %parallel_loop3A_375 : vector<16xi32>
      %parallel_loop3A_377 = tpu.vector_load_idx %arg7[%parallel_loop3A_376] : memref<66048xf32, #tpu.memory_space<vmem>>[vector<16xi32>], vector<16xf32>,
      %parallel_loop3A_378 = arith.constant 46 : i32
      %parallel_loop3A_379 = vector.broadcast %parallel_loop3A_378 : i32 to vector<16xi32>
      %parallel_loop3A_380 = arith.addi %parallel_loop3A_51, %parallel_loop3A_379 : vector<16xi32>
      tpu.vector_store_idx %arg8[%parallel_loop3A_380], %parallel_loop3A_377 : memref<32768xf32, #tpu.memory_space<vmem>>[vector<16xi32>], vector<16xf32>,
      %parallel_loop3A_381 = arith.constant 47 : i32
      %parallel_loop3A_382 = vector.broadcast %parallel_loop3A_381 : i32 to vector<16xi32>
      %parallel_loop3A_383 = arith.addi %parallel_loop3A_44, %parallel_loop3A_382 : vector<16xi32>
      %parallel_loop3A_384 = tpu.vector_load_idx %arg7[%parallel_loop3A_383] : memref<66048xf32, #tpu.memory_space<vmem>>[vector<16xi32>], vector<16xf32>,
      %parallel_loop3A_385 = arith.constant 47 : i32
      %parallel_loop3A_386 = vector.broadcast %parallel_loop3A_385 : i32 to vector<16xi32>
      %parallel_loop3A_387 = arith.addi %parallel_loop3A_51, %parallel_loop3A_386 : vector<16xi32>
      tpu.vector_store_idx %arg8[%parallel_loop3A_387], %parallel_loop3A_384 : memref<32768xf32, #tpu.memory_space<vmem>>[vector<16xi32>], vector<16xf32>,
      %parallel_loop3A_388 = arith.constant 48 : i32
      %parallel_loop3A_389 = vector.broadcast %parallel_loop3A_388 : i32 to vector<16xi32>
      %parallel_loop3A_390 = arith.addi %parallel_loop3A_44, %parallel_loop3A_389 : vector<16xi32>
      %parallel_loop3A_391 = tpu.vector_load_idx %arg7[%parallel_loop3A_390] : memref<66048xf32, #tpu.memory_space<vmem>>[vector<16xi32>], vector<16xf32>,
      %parallel_loop3A_392 = arith.constant 48 : i32
      %parallel_loop3A_393 = vector.broadcast %parallel_loop3A_392 : i32 to vector<16xi32>
      %parallel_loop3A_394 = arith.addi %parallel_loop3A_51, %parallel_loop3A_393 : vector<16xi32>
      tpu.vector_store_idx %arg8[%parallel_loop3A_394], %parallel_loop3A_391 : memref<32768xf32, #tpu.memory_space<vmem>>[vector<16xi32>], vector<16xf32>,
      %parallel_loop3A_395 = arith.constant 49 : i32
      %parallel_loop3A_396 = vector.broadcast %parallel_loop3A_395 : i32 to vector<16xi32>
      %parallel_loop3A_397 = arith.addi %parallel_loop3A_44, %parallel_loop3A_396 : vector<16xi32>
      %parallel_loop3A_398 = tpu.vector_load_idx %arg7[%parallel_loop3A_397] : memref<66048xf32, #tpu.memory_space<vmem>>[vector<16xi32>], vector<16xf32>,
      %parallel_loop3A_399 = arith.constant 49 : i32
      %parallel_loop3A_400 = vector.broadcast %parallel_loop3A_399 : i32 to vector<16xi32>
      %parallel_loop3A_401 = arith.addi %parallel_loop3A_51, %parallel_loop3A_400 : vector<16xi32>
      tpu.vector_store_idx %arg8[%parallel_loop3A_401], %parallel_loop3A_398 : memref<32768xf32, #tpu.memory_space<vmem>>[vector<16xi32>], vector<16xf32>,
      %parallel_loop3A_402 = arith.constant 50 : i32
      %parallel_loop3A_403 = vector.broadcast %parallel_loop3A_402 : i32 to vector<16xi32>
      %parallel_loop3A_404 = arith.addi %parallel_loop3A_44, %parallel_loop3A_403 : vector<16xi32>
      %parallel_loop3A_405 = tpu.vector_load_idx %arg7[%parallel_loop3A_404] : memref<66048xf32, #tpu.memory_space<vmem>>[vector<16xi32>], vector<16xf32>,
      %parallel_loop3A_406 = arith.constant 50 : i32
      %parallel_loop3A_407 = vector.broadcast %parallel_loop3A_406 : i32 to vector<16xi32>
      %parallel_loop3A_408 = arith.addi %parallel_loop3A_51, %parallel_loop3A_407 : vector<16xi32>
      tpu.vector_store_idx %arg8[%parallel_loop3A_408], %parallel_loop3A_405 : memref<32768xf32, #tpu.memory_space<vmem>>[vector<16xi32>], vector<16xf32>,
      %parallel_loop3A_409 = arith.constant 51 : i32
      %parallel_loop3A_410 = vector.broadcast %parallel_loop3A_409 : i32 to vector<16xi32>
      %parallel_loop3A_411 = arith.addi %parallel_loop3A_44, %parallel_loop3A_410 : vector<16xi32>
      %parallel_loop3A_412 = tpu.vector_load_idx %arg7[%parallel_loop3A_411] : memref<66048xf32, #tpu.memory_space<vmem>>[vector<16xi32>], vector<16xf32>,
      %parallel_loop3A_413 = arith.constant 51 : i32
      %parallel_loop3A_414 = vector.broadcast %parallel_loop3A_413 : i32 to vector<16xi32>
      %parallel_loop3A_415 = arith.addi %parallel_loop3A_51, %parallel_loop3A_414 : vector<16xi32>
      tpu.vector_store_idx %arg8[%parallel_loop3A_415], %parallel_loop3A_412 : memref<32768xf32, #tpu.memory_space<vmem>>[vector<16xi32>], vector<16xf32>,
      %parallel_loop3A_416 = arith.constant 52 : i32
      %parallel_loop3A_417 = vector.broadcast %parallel_loop3A_416 : i32 to vector<16xi32>
      %parallel_loop3A_418 = arith.addi %parallel_loop3A_44, %parallel_loop3A_417 : vector<16xi32>
      %parallel_loop3A_419 = tpu.vector_load_idx %arg7[%parallel_loop3A_418] : memref<66048xf32, #tpu.memory_space<vmem>>[vector<16xi32>], vector<16xf32>,
      %parallel_loop3A_420 = arith.constant 52 : i32
      %parallel_loop3A_421 = vector.broadcast %parallel_loop3A_420 : i32 to vector<16xi32>
      %parallel_loop3A_422 = arith.addi %parallel_loop3A_51, %parallel_loop3A_421 : vector<16xi32>
      tpu.vector_store_idx %arg8[%parallel_loop3A_422], %parallel_loop3A_419 : memref<32768xf32, #tpu.memory_space<vmem>>[vector<16xi32>], vector<16xf32>,
      %parallel_loop3A_423 = arith.constant 53 : i32
      %parallel_loop3A_424 = vector.broadcast %parallel_loop3A_423 : i32 to vector<16xi32>
      %parallel_loop3A_425 = arith.addi %parallel_loop3A_44, %parallel_loop3A_424 : vector<16xi32>
      %parallel_loop3A_426 = tpu.vector_load_idx %arg7[%parallel_loop3A_425] : memref<66048xf32, #tpu.memory_space<vmem>>[vector<16xi32>], vector<16xf32>,
      %parallel_loop3A_427 = arith.constant 53 : i32
      %parallel_loop3A_428 = vector.broadcast %parallel_loop3A_427 : i32 to vector<16xi32>
      %parallel_loop3A_429 = arith.addi %parallel_loop3A_51, %parallel_loop3A_428 : vector<16xi32>
      tpu.vector_store_idx %arg8[%parallel_loop3A_429], %parallel_loop3A_426 : memref<32768xf32, #tpu.memory_space<vmem>>[vector<16xi32>], vector<16xf32>,
      %parallel_loop3A_430 = arith.constant 54 : i32
      %parallel_loop3A_431 = vector.broadcast %parallel_loop3A_430 : i32 to vector<16xi32>
      %parallel_loop3A_432 = arith.addi %parallel_loop3A_44, %parallel_loop3A_431 : vector<16xi32>
      %parallel_loop3A_433 = tpu.vector_load_idx %arg7[%parallel_loop3A_432] : memref<66048xf32, #tpu.memory_space<vmem>>[vector<16xi32>], vector<16xf32>,
      %parallel_loop3A_434 = arith.constant 54 : i32
      %parallel_loop3A_435 = vector.broadcast %parallel_loop3A_434 : i32 to vector<16xi32>
      %parallel_loop3A_436 = arith.addi %parallel_loop3A_51, %parallel_loop3A_435 : vector<16xi32>
      tpu.vector_store_idx %arg8[%parallel_loop3A_436], %parallel_loop3A_433 : memref<32768xf32, #tpu.memory_space<vmem>>[vector<16xi32>], vector<16xf32>,
      %parallel_loop3A_437 = arith.constant 55 : i32
      %parallel_loop3A_438 = vector.broadcast %parallel_loop3A_437 : i32 to vector<16xi32>
      %parallel_loop3A_439 = arith.addi %parallel_loop3A_44, %parallel_loop3A_438 : vector<16xi32>
      %parallel_loop3A_440 = tpu.vector_load_idx %arg7[%parallel_loop3A_439] : memref<66048xf32, #tpu.memory_space<vmem>>[vector<16xi32>], vector<16xf32>,
      %parallel_loop3A_441 = arith.constant 55 : i32
      %parallel_loop3A_442 = vector.broadcast %parallel_loop3A_441 : i32 to vector<16xi32>
      %parallel_loop3A_443 = arith.addi %parallel_loop3A_51, %parallel_loop3A_442 : vector<16xi32>
      tpu.vector_store_idx %arg8[%parallel_loop3A_443], %parallel_loop3A_440 : memref<32768xf32, #tpu.memory_space<vmem>>[vector<16xi32>], vector<16xf32>,
      %parallel_loop3A_444 = arith.constant 56 : i32
      %parallel_loop3A_445 = vector.broadcast %parallel_loop3A_444 : i32 to vector<16xi32>
      %parallel_loop3A_446 = arith.addi %parallel_loop3A_44, %parallel_loop3A_445 : vector<16xi32>
      %parallel_loop3A_447 = tpu.vector_load_idx %arg7[%parallel_loop3A_446] : memref<66048xf32, #tpu.memory_space<vmem>>[vector<16xi32>], vector<16xf32>,
      %parallel_loop3A_448 = arith.constant 56 : i32
      %parallel_loop3A_449 = vector.broadcast %parallel_loop3A_448 : i32 to vector<16xi32>
      %parallel_loop3A_450 = arith.addi %parallel_loop3A_51, %parallel_loop3A_449 : vector<16xi32>
      tpu.vector_store_idx %arg8[%parallel_loop3A_450], %parallel_loop3A_447 : memref<32768xf32, #tpu.memory_space<vmem>>[vector<16xi32>], vector<16xf32>,
      %parallel_loop3A_451 = arith.constant 57 : i32
      %parallel_loop3A_452 = vector.broadcast %parallel_loop3A_451 : i32 to vector<16xi32>
      %parallel_loop3A_453 = arith.addi %parallel_loop3A_44, %parallel_loop3A_452 : vector<16xi32>
      %parallel_loop3A_454 = tpu.vector_load_idx %arg7[%parallel_loop3A_453] : memref<66048xf32, #tpu.memory_space<vmem>>[vector<16xi32>], vector<16xf32>,
      %parallel_loop3A_455 = arith.constant 57 : i32
      %parallel_loop3A_456 = vector.broadcast %parallel_loop3A_455 : i32 to vector<16xi32>
      %parallel_loop3A_457 = arith.addi %parallel_loop3A_51, %parallel_loop3A_456 : vector<16xi32>
      tpu.vector_store_idx %arg8[%parallel_loop3A_457], %parallel_loop3A_454 : memref<32768xf32, #tpu.memory_space<vmem>>[vector<16xi32>], vector<16xf32>,
      %parallel_loop3A_458 = arith.constant 58 : i32
      %parallel_loop3A_459 = vector.broadcast %parallel_loop3A_458 : i32 to vector<16xi32>
      %parallel_loop3A_460 = arith.addi %parallel_loop3A_44, %parallel_loop3A_459 : vector<16xi32>
      %parallel_loop3A_461 = tpu.vector_load_idx %arg7[%parallel_loop3A_460] : memref<66048xf32, #tpu.memory_space<vmem>>[vector<16xi32>], vector<16xf32>,
      %parallel_loop3A_462 = arith.constant 58 : i32
      %parallel_loop3A_463 = vector.broadcast %parallel_loop3A_462 : i32 to vector<16xi32>
      %parallel_loop3A_464 = arith.addi %parallel_loop3A_51, %parallel_loop3A_463 : vector<16xi32>
      tpu.vector_store_idx %arg8[%parallel_loop3A_464], %parallel_loop3A_461 : memref<32768xf32, #tpu.memory_space<vmem>>[vector<16xi32>], vector<16xf32>,
      %parallel_loop3A_465 = arith.constant 59 : i32
      %parallel_loop3A_466 = vector.broadcast %parallel_loop3A_465 : i32 to vector<16xi32>
      %parallel_loop3A_467 = arith.addi %parallel_loop3A_44, %parallel_loop3A_466 : vector<16xi32>
      %parallel_loop3A_468 = tpu.vector_load_idx %arg7[%parallel_loop3A_467] : memref<66048xf32, #tpu.memory_space<vmem>>[vector<16xi32>], vector<16xf32>,
      %parallel_loop3A_469 = arith.constant 59 : i32
      %parallel_loop3A_470 = vector.broadcast %parallel_loop3A_469 : i32 to vector<16xi32>
      %parallel_loop3A_471 = arith.addi %parallel_loop3A_51, %parallel_loop3A_470 : vector<16xi32>
      tpu.vector_store_idx %arg8[%parallel_loop3A_471], %parallel_loop3A_468 : memref<32768xf32, #tpu.memory_space<vmem>>[vector<16xi32>], vector<16xf32>,
      %parallel_loop3A_472 = arith.constant 60 : i32
      %parallel_loop3A_473 = vector.broadcast %parallel_loop3A_472 : i32 to vector<16xi32>
      %parallel_loop3A_474 = arith.addi %parallel_loop3A_44, %parallel_loop3A_473 : vector<16xi32>
      %parallel_loop3A_475 = tpu.vector_load_idx %arg7[%parallel_loop3A_474] : memref<66048xf32, #tpu.memory_space<vmem>>[vector<16xi32>], vector<16xf32>,
      %parallel_loop3A_476 = arith.constant 60 : i32
      %parallel_loop3A_477 = vector.broadcast %parallel_loop3A_476 : i32 to vector<16xi32>
      %parallel_loop3A_478 = arith.addi %parallel_loop3A_51, %parallel_loop3A_477 : vector<16xi32>
      tpu.vector_store_idx %arg8[%parallel_loop3A_478], %parallel_loop3A_475 : memref<32768xf32, #tpu.memory_space<vmem>>[vector<16xi32>], vector<16xf32>,
      %parallel_loop3A_479 = arith.constant 61 : i32
      %parallel_loop3A_480 = vector.broadcast %parallel_loop3A_479 : i32 to vector<16xi32>
      %parallel_loop3A_481 = arith.addi %parallel_loop3A_44, %parallel_loop3A_480 : vector<16xi32>
      %parallel_loop3A_482 = tpu.vector_load_idx %arg7[%parallel_loop3A_481] : memref<66048xf32, #tpu.memory_space<vmem>>[vector<16xi32>], vector<16xf32>,
      %parallel_loop3A_483 = arith.constant 61 : i32
      %parallel_loop3A_484 = vector.broadcast %parallel_loop3A_483 : i32 to vector<16xi32>
      %parallel_loop3A_485 = arith.addi %parallel_loop3A_51, %parallel_loop3A_484 : vector<16xi32>
      tpu.vector_store_idx %arg8[%parallel_loop3A_485], %parallel_loop3A_482 : memref<32768xf32, #tpu.memory_space<vmem>>[vector<16xi32>], vector<16xf32>,
      %parallel_loop3A_486 = arith.constant 62 : i32
      %parallel_loop3A_487 = vector.broadcast %parallel_loop3A_486 : i32 to vector<16xi32>
      %parallel_loop3A_488 = arith.addi %parallel_loop3A_44, %parallel_loop3A_487 : vector<16xi32>
      %parallel_loop3A_489 = tpu.vector_load_idx %arg7[%parallel_loop3A_488] : memref<66048xf32, #tpu.memory_space<vmem>>[vector<16xi32>], vector<16xf32>,
      %parallel_loop3A_490 = arith.constant 62 : i32
      %parallel_loop3A_491 = vector.broadcast %parallel_loop3A_490 : i32 to vector<16xi32>
      %parallel_loop3A_492 = arith.addi %parallel_loop3A_51, %parallel_loop3A_491 : vector<16xi32>
      tpu.vector_store_idx %arg8[%parallel_loop3A_492], %parallel_loop3A_489 : memref<32768xf32, #tpu.memory_space<vmem>>[vector<16xi32>], vector<16xf32>,
      %parallel_loop3A_493 = arith.constant 63 : i32
      %parallel_loop3A_494 = vector.broadcast %parallel_loop3A_493 : i32 to vector<16xi32>
      %parallel_loop3A_495 = arith.addi %parallel_loop3A_44, %parallel_loop3A_494 : vector<16xi32>
      %parallel_loop3A_496 = tpu.vector_load_idx %arg7[%parallel_loop3A_495] : memref<66048xf32, #tpu.memory_space<vmem>>[vector<16xi32>], vector<16xf32>,
      %parallel_loop3A_497 = arith.constant 63 : i32
      %parallel_loop3A_498 = vector.broadcast %parallel_loop3A_497 : i32 to vector<16xi32>
      %parallel_loop3A_499 = arith.addi %parallel_loop3A_51, %parallel_loop3A_498 : vector<16xi32>
      tpu.vector_store_idx %arg8[%parallel_loop3A_499], %parallel_loop3A_496 : memref<32768xf32, #tpu.memory_space<vmem>>[vector<16xi32>], vector<16xf32>,
    } {sc.loop_unroll_factor = 2 : i64, sc.parallel_access}
    %mul3A_13 = arith.constant 512 : i32
    %mul3A_14 = arith.muli %add3A, %mul3A_13 : i32
    %mul3A_15 = arith.constant 64 : i32
    %mul3A_16 = arith.muli %mul3A_14, %mul3A_15 : i32
    "tpu.region"() ({
      %run_scoped3A = tpu.sem_alloc : memref<!tpu.dma_semaphore, #tpu.memory_space<semaphore_mem>>
      %dma_start3A = tpu.memref_slice %arg4[%mul3A_16] : memref<1048576xf32, #tpu.memory_space<hbm>> -> memref<32768xf32, #tpu.memory_space<hbm>>
      %dma_start3A_36 = tpu.memref_slice %arg4[%mul3A_16] : memref<1048576xf32, #tpu.memory_space<hbm>> -> memref<32768xf32, #tpu.memory_space<hbm>>
      tpu.enqueue_dma source(%arg8 : memref<32768xf32, #tpu.memory_space<vmem>>) target(%dma_start3A_36 : memref<32768xf32, #tpu.memory_space<hbm>>) target_semaphore(%run_scoped3A : memref<!tpu.dma_semaphore, #tpu.memory_space<semaphore_mem>>)
      %dma_wait3A = tpu.memref_slice %arg4[%mul3A_16] : memref<1048576xf32, #tpu.memory_space<hbm>> -> memref<32768xf32, #tpu.memory_space<hbm>>
      %dma_wait3A_37 = tpu.memref_slice %arg4[%mul3A_16] : memref<1048576xf32, #tpu.memory_space<hbm>> -> memref<32768xf32, #tpu.memory_space<hbm>>
      tpu.wait_dma2 semaphore(%run_scoped3A : memref<!tpu.dma_semaphore, #tpu.memory_space<semaphore_mem>>) src(%arg8 : memref<32768xf32, #tpu.memory_space<vmem>>) dst(%dma_wait3A_37 : memref<32768xf32, #tpu.memory_space<hbm>>)
      tpu.yield
    }) : () -> ()
    %broadcast_in_dim3A_17 = arith.constant 1.000000e+00 : f32
    %broadcast_in_dim3A_18 = vector.broadcast %broadcast_in_dim3A_17 : f32 to vector<16xf32>
    %mul3A_19 = arith.constant 1280 : i32
    %mul3A_20 = vector.broadcast %mul3A_19 : i32 to vector<16xi32>
    %mul3A_21 = arith.muli %iota3A, %mul3A_20 : vector<16xi32>
    %scan3A_22 = arith.constant 0 : i32
    %scan3A_23 = arith.constant 0 : i32
    %scan3A_24 = arith.constant 32 : i32
    %scan3A_25 = arith.addi %scan3A_23, %scan3A_24 : i32
    %scan3A_26 = arith.constant 1 : i32
    %scan3A_27 = scf.for %scan3A_36 = %scan3A_23 to %scan3A_25 step %scan3A_26 iter_args(%scan3A_37 = %scan3A_22) -> (i32)  : i32 {
      %mul3A_38 = arith.constant 16 : i32
      %mul3A_39 = arith.muli %scan3A_36, %mul3A_38 : i32
      %multiple_of3A = tpu.assume_multiple %mul3A_39, 16 : i32
      %get3A = arith.index_cast %multiple_of3A : i32 to index
      %get3A_40 = tpu.vector_load %arg6[%get3A] {strides = array<i32>} : memref<512xi32, #tpu.memory_space<vmem>>, vector<16xi32>,
      %add3A_41 = arith.addi %mul3A_21, %get3A_40 : vector<16xi32>
      tpu.vector_store_idx %arg9[%add3A_41], %broadcast_in_dim3A_18 {add = true} : memref<20480xf32, #tpu.memory_space<vmem>>[vector<16xi32>], vector<16xf32>,
      %scan3A_42 = arith.constant 0 : i32
      scf.yield %scan3A_42 : i32
    }
    %scan3A_28 = arith.constant 32 : i32
    %parallel_loop3A_29 = arith.constant 0 : i32
    %parallel_loop3A_30 = arith.constant 80 : i32
    %parallel_loop3A_31 = arith.constant 1 : i32
    scf.for %parallel_loop3A_36 = %parallel_loop3A_29 to %parallel_loop3A_30 step %parallel_loop3A_31  : i32 {
      %parallel_loop3A_37 = arith.constant 16 : i32
      %parallel_loop3A_38 = arith.muli %parallel_loop3A_36, %parallel_loop3A_37 : i32
      %parallel_loop3A_39 = tpu.assume_multiple %parallel_loop3A_38, 16 : i32
      %parallel_loop3A_40 = arith.constant 0 : i32
      %parallel_loop3A_41 = arith.addi %parallel_loop3A_40, %parallel_loop3A_39 : i32
      %parallel_loop3A_42 = arith.index_cast %parallel_loop3A_41 : i32 to index
      %parallel_loop3A_43 = tpu.vector_load %arg9[%parallel_loop3A_42] {strides = array<i32>} : memref<20480xf32, #tpu.memory_space<vmem>>, vector<16xf32>,
      %parallel_loop3A_44 = arith.addf %broadcast_in_dim3A_1, %parallel_loop3A_43 : vector<16xf32>
      %parallel_loop3A_45 = arith.constant 1280 : i32
      %parallel_loop3A_46 = arith.addi %parallel_loop3A_45, %parallel_loop3A_39 : i32
      %parallel_loop3A_47 = arith.index_cast %parallel_loop3A_46 : i32 to index
      %parallel_loop3A_48 = tpu.vector_load %arg9[%parallel_loop3A_47] {strides = array<i32>} : memref<20480xf32, #tpu.memory_space<vmem>>, vector<16xf32>,
      %parallel_loop3A_49 = arith.addf %parallel_loop3A_44, %parallel_loop3A_48 : vector<16xf32>
      %parallel_loop3A_50 = arith.constant 2560 : i32
      %parallel_loop3A_51 = arith.addi %parallel_loop3A_50, %parallel_loop3A_39 : i32
      %parallel_loop3A_52 = arith.index_cast %parallel_loop3A_51 : i32 to index
      %parallel_loop3A_53 = tpu.vector_load %arg9[%parallel_loop3A_52] {strides = array<i32>} : memref<20480xf32, #tpu.memory_space<vmem>>, vector<16xf32>,
      %parallel_loop3A_54 = arith.addf %parallel_loop3A_49, %parallel_loop3A_53 : vector<16xf32>
      %parallel_loop3A_55 = arith.constant 3840 : i32
      %parallel_loop3A_56 = arith.addi %parallel_loop3A_55, %parallel_loop3A_39 : i32
      %parallel_loop3A_57 = arith.index_cast %parallel_loop3A_56 : i32 to index
      %parallel_loop3A_58 = tpu.vector_load %arg9[%parallel_loop3A_57] {strides = array<i32>} : memref<20480xf32, #tpu.memory_space<vmem>>, vector<16xf32>,
      %parallel_loop3A_59 = arith.addf %parallel_loop3A_54, %parallel_loop3A_58 : vector<16xf32>
      %parallel_loop3A_60 = arith.constant 5120 : i32
      %parallel_loop3A_61 = arith.addi %parallel_loop3A_60, %parallel_loop3A_39 : i32
      %parallel_loop3A_62 = arith.index_cast %parallel_loop3A_61 : i32 to index
      %parallel_loop3A_63 = tpu.vector_load %arg9[%parallel_loop3A_62] {strides = array<i32>} : memref<20480xf32, #tpu.memory_space<vmem>>, vector<16xf32>,
      %parallel_loop3A_64 = arith.addf %parallel_loop3A_59, %parallel_loop3A_63 : vector<16xf32>
      %parallel_loop3A_65 = arith.constant 6400 : i32
      %parallel_loop3A_66 = arith.addi %parallel_loop3A_65, %parallel_loop3A_39 : i32
      %parallel_loop3A_67 = arith.index_cast %parallel_loop3A_66 : i32 to index
      %parallel_loop3A_68 = tpu.vector_load %arg9[%parallel_loop3A_67] {strides = array<i32>} : memref<20480xf32, #tpu.memory_space<vmem>>, vector<16xf32>,
      %parallel_loop3A_69 = arith.addf %parallel_loop3A_64, %parallel_loop3A_68 : vector<16xf32>
      %parallel_loop3A_70 = arith.constant 7680 : i32
      %parallel_loop3A_71 = arith.addi %parallel_loop3A_70, %parallel_loop3A_39 : i32
      %parallel_loop3A_72 = arith.index_cast %parallel_loop3A_71 : i32 to index
      %parallel_loop3A_73 = tpu.vector_load %arg9[%parallel_loop3A_72] {strides = array<i32>} : memref<20480xf32, #tpu.memory_space<vmem>>, vector<16xf32>,
      %parallel_loop3A_74 = arith.addf %parallel_loop3A_69, %parallel_loop3A_73 : vector<16xf32>
      %parallel_loop3A_75 = arith.constant 8960 : i32
      %parallel_loop3A_76 = arith.addi %parallel_loop3A_75, %parallel_loop3A_39 : i32
      %parallel_loop3A_77 = arith.index_cast %parallel_loop3A_76 : i32 to index
      %parallel_loop3A_78 = tpu.vector_load %arg9[%parallel_loop3A_77] {strides = array<i32>} : memref<20480xf32, #tpu.memory_space<vmem>>, vector<16xf32>,
      %parallel_loop3A_79 = arith.addf %parallel_loop3A_74, %parallel_loop3A_78 : vector<16xf32>
      %parallel_loop3A_80 = arith.constant 10240 : i32
      %parallel_loop3A_81 = arith.addi %parallel_loop3A_80, %parallel_loop3A_39 : i32
      %parallel_loop3A_82 = arith.index_cast %parallel_loop3A_81 : i32 to index
      %parallel_loop3A_83 = tpu.vector_load %arg9[%parallel_loop3A_82] {strides = array<i32>} : memref<20480xf32, #tpu.memory_space<vmem>>, vector<16xf32>,
      %parallel_loop3A_84 = arith.addf %parallel_loop3A_79, %parallel_loop3A_83 : vector<16xf32>
      %parallel_loop3A_85 = arith.constant 11520 : i32
      %parallel_loop3A_86 = arith.addi %parallel_loop3A_85, %parallel_loop3A_39 : i32
      %parallel_loop3A_87 = arith.index_cast %parallel_loop3A_86 : i32 to index
      %parallel_loop3A_88 = tpu.vector_load %arg9[%parallel_loop3A_87] {strides = array<i32>} : memref<20480xf32, #tpu.memory_space<vmem>>, vector<16xf32>,
      %parallel_loop3A_89 = arith.addf %parallel_loop3A_84, %parallel_loop3A_88 : vector<16xf32>
      %parallel_loop3A_90 = arith.constant 12800 : i32
      %parallel_loop3A_91 = arith.addi %parallel_loop3A_90, %parallel_loop3A_39 : i32
      %parallel_loop3A_92 = arith.index_cast %parallel_loop3A_91 : i32 to index
      %parallel_loop3A_93 = tpu.vector_load %arg9[%parallel_loop3A_92] {strides = array<i32>} : memref<20480xf32, #tpu.memory_space<vmem>>, vector<16xf32>,
      %parallel_loop3A_94 = arith.addf %parallel_loop3A_89, %parallel_loop3A_93 : vector<16xf32>
      %parallel_loop3A_95 = arith.constant 14080 : i32
      %parallel_loop3A_96 = arith.addi %parallel_loop3A_95, %parallel_loop3A_39 : i32
      %parallel_loop3A_97 = arith.index_cast %parallel_loop3A_96 : i32 to index
      %parallel_loop3A_98 = tpu.vector_load %arg9[%parallel_loop3A_97] {strides = array<i32>} : memref<20480xf32, #tpu.memory_space<vmem>>, vector<16xf32>,
      %parallel_loop3A_99 = arith.addf %parallel_loop3A_94, %parallel_loop3A_98 : vector<16xf32>
      %parallel_loop3A_100 = arith.constant 15360 : i32
      %parallel_loop3A_101 = arith.addi %parallel_loop3A_100, %parallel_loop3A_39 : i32
      %parallel_loop3A_102 = arith.index_cast %parallel_loop3A_101 : i32 to index
      %parallel_loop3A_103 = tpu.vector_load %arg9[%parallel_loop3A_102] {strides = array<i32>} : memref<20480xf32, #tpu.memory_space<vmem>>, vector<16xf32>,
      %parallel_loop3A_104 = arith.addf %parallel_loop3A_99, %parallel_loop3A_103 : vector<16xf32>
      %parallel_loop3A_105 = arith.constant 16640 : i32
      %parallel_loop3A_106 = arith.addi %parallel_loop3A_105, %parallel_loop3A_39 : i32
      %parallel_loop3A_107 = arith.index_cast %parallel_loop3A_106 : i32 to index
      %parallel_loop3A_108 = tpu.vector_load %arg9[%parallel_loop3A_107] {strides = array<i32>} : memref<20480xf32, #tpu.memory_space<vmem>>, vector<16xf32>,
      %parallel_loop3A_109 = arith.addf %parallel_loop3A_104, %parallel_loop3A_108 : vector<16xf32>
      %parallel_loop3A_110 = arith.constant 17920 : i32
      %parallel_loop3A_111 = arith.addi %parallel_loop3A_110, %parallel_loop3A_39 : i32
      %parallel_loop3A_112 = arith.index_cast %parallel_loop3A_111 : i32 to index
      %parallel_loop3A_113 = tpu.vector_load %arg9[%parallel_loop3A_112] {strides = array<i32>} : memref<20480xf32, #tpu.memory_space<vmem>>, vector<16xf32>,
      %parallel_loop3A_114 = arith.addf %parallel_loop3A_109, %parallel_loop3A_113 : vector<16xf32>
      %parallel_loop3A_115 = arith.constant 19200 : i32
      %parallel_loop3A_116 = arith.addi %parallel_loop3A_115, %parallel_loop3A_39 : i32
      %parallel_loop3A_117 = arith.index_cast %parallel_loop3A_116 : i32 to index
      %parallel_loop3A_118 = tpu.vector_load %arg9[%parallel_loop3A_117] {strides = array<i32>} : memref<20480xf32, #tpu.memory_space<vmem>>, vector<16xf32>,
      %parallel_loop3A_119 = arith.addf %parallel_loop3A_114, %parallel_loop3A_118 : vector<16xf32>
      %parallel_loop3A_120 = arith.index_cast %parallel_loop3A_39 : i32 to index
      %parallel_loop3A_121 = tpu.vector_load %arg10[%parallel_loop3A_120] {strides = array<i32>} : memref<1280xf32, #tpu.memory_space<vmem>>, vector<16xf32>,
      tpu.vector_store %arg10[%parallel_loop3A_120], %parallel_loop3A_119 {strides = array<i32>} : memref<1280xf32, #tpu.memory_space<vmem>>, vector<16xf32>,
    } {sc.loop_unroll_factor = 2 : i64, sc.parallel_access}
    %mul3A_32 = arith.constant 1280 : i32
    %mul3A_33 = arith.muli %arg1, %mul3A_32 : i32
    "tpu.region"() ({
      %run_scoped3A = tpu.sem_alloc : memref<!tpu.dma_semaphore, #tpu.memory_space<semaphore_mem>>
      %dma_start3A = tpu.memref_slice %arg11[%mul3A_33] : memref<20480xf32, #tpu.memory_space<vmem_shared>> -> memref<1280xf32, #tpu.memory_space<vmem_shared>>
      %dma_start3A_36 = tpu.memref_slice %arg11[%mul3A_33] : memref<20480xf32, #tpu.memory_space<vmem_shared>> -> memref<1280xf32, #tpu.memory_space<vmem_shared>>
      tpu.enqueue_dma source(%arg10 : memref<1280xf32, #tpu.memory_space<vmem>>) target(%dma_start3A_36 : memref<1280xf32, #tpu.memory_space<vmem_shared>>) target_semaphore(%run_scoped3A : memref<!tpu.dma_semaphore, #tpu.memory_space<semaphore_mem>>)
      %dma_wait3A = tpu.memref_slice %arg11[%mul3A_33] : memref<20480xf32, #tpu.memory_space<vmem_shared>> -> memref<1280xf32, #tpu.memory_space<vmem_shared>>
      %dma_wait3A_37 = tpu.memref_slice %arg11[%mul3A_33] : memref<20480xf32, #tpu.memory_space<vmem_shared>> -> memref<1280xf32, #tpu.memory_space<vmem_shared>>
      tpu.wait_dma2 semaphore(%run_scoped3A : memref<!tpu.dma_semaphore, #tpu.memory_space<semaphore_mem>>) src(%arg10 : memref<1280xf32, #tpu.memory_space<vmem>>) dst(%dma_wait3A_37 : memref<1280xf32, #tpu.memory_space<vmem_shared>>)
      tpu.yield
    }) : () -> ()
    %barrier3A = arith.constant 0 : index
    tpu.barrier barrier_id(%barrier3A)
    %eq3A = arith.constant 0 : i32
    %eq3A_34 = arith.cmpi eq, %arg1, %eq3A : i32
    %convert_element_type3A = arith.extui %eq3A_34 : i1 to i32
    %cond3A = arith.constant 0 : i32
    %cond3A_35 = arith.cmpi ne, %convert_element_type3A, %cond3A : i32
    scf.if %cond3A_35 {
      "tpu.region"() ({
        %run_scoped3A = tpu.sem_alloc : memref<!tpu.dma_semaphore, #tpu.memory_space<semaphore_mem>>
        %dma_start3A = arith.constant 0 : i32
        %dma_start3A_45 = tpu.memref_slice %arg7[%dma_start3A] : memref<66048xf32, #tpu.memory_space<vmem>> -> memref<20480xf32, #tpu.memory_space<vmem>>
        %dma_start3A_46 = arith.constant 0 : i32
        %dma_start3A_47 = tpu.memref_slice %arg7[%dma_start3A_46] : memref<66048xf32, #tpu.memory_space<vmem>> -> memref<20480xf32, #tpu.memory_space<vmem>>
        tpu.enqueue_dma source(%arg11 : memref<20480xf32, #tpu.memory_space<vmem_shared>>) target(%dma_start3A_47 : memref<20480xf32, #tpu.memory_space<vmem>>) target_semaphore(%run_scoped3A : memref<!tpu.dma_semaphore, #tpu.memory_space<semaphore_mem>>)
        %dma_wait3A = arith.constant 0 : i32
        %dma_wait3A_48 = tpu.memref_slice %arg7[%dma_wait3A] : memref<66048xf32, #tpu.memory_space<vmem>> -> memref<20480xf32, #tpu.memory_space<vmem>>
        %dma_wait3A_49 = arith.constant 0 : i32
        %dma_wait3A_50 = tpu.memref_slice %arg7[%dma_wait3A_49] : memref<66048xf32, #tpu.memory_space<vmem>> -> memref<20480xf32, #tpu.memory_space<vmem>>
        tpu.wait_dma2 semaphore(%run_scoped3A : memref<!tpu.dma_semaphore, #tpu.memory_space<semaphore_mem>>) src(%arg11 : memref<20480xf32, #tpu.memory_space<vmem_shared>>) dst(%dma_wait3A_50 : memref<20480xf32, #tpu.memory_space<vmem>>)
        tpu.yield
      }) : () -> ()
      %scan3A_36 = arith.constant 0 : i32
      %scan3A_37 = arith.constant 1 : i32
      %scan3A_38 = arith.constant 15 : i32
      %scan3A_39 = arith.addi %scan3A_37, %scan3A_38 : i32
      %scan3A_40 = arith.constant 1 : i32
      %scan3A_41 = scf.for %scan3A_45 = %scan3A_37 to %scan3A_39 step %scan3A_40 iter_args(%scan3A_46 = %scan3A_36) -> (i32)  : i32 {
        %mul3A_47 = arith.constant 1280 : i32
        %mul3A_48 = arith.muli %scan3A_45, %mul3A_47 : i32
        %scan3A_49 = arith.constant 0 : i32
        %scan3A_50 = arith.constant 0 : i32
        %scan3A_51 = arith.constant 80 : i32
        %scan3A_52 = arith.addi %scan3A_50, %scan3A_51 : i32
        %scan3A_53 = arith.constant 1 : i32
        %scan3A_54 = scf.for %scan3A_57 = %scan3A_50 to %scan3A_52 step %scan3A_53 iter_args(%scan3A_58 = %scan3A_49) -> (i32)  : i32 {
          %mul3A_59 = arith.constant 16 : i32
          %mul3A_60 = arith.muli %scan3A_57, %mul3A_59 : i32
          %multiple_of3A = tpu.assume_multiple %mul3A_60, 16 : i32
          %add3A_61 = arith.addi %mul3A_48, %multiple_of3A : i32
          %multiple_of3A_62 = tpu.assume_multiple %add3A_61, 16 : i32
          %get3A = arith.index_cast %multiple_of3A : i32 to index
          %get3A_63 = tpu.vector_load %arg10[%get3A] {strides = array<i32>} : memref<1280xf32, #tpu.memory_space<vmem>>, vector<16xf32>,
          %get3A_64 = arith.index_cast %multiple_of3A_62 : i32 to index
          %get3A_65 = tpu.vector_load %arg7[%get3A_64] {strides = array<i32>} : memref<66048xf32, #tpu.memory_space<vmem>>, vector<16xf32>,
          %add3A_66 = arith.addf %get3A_63, %get3A_65 : vector<16xf32>
          %swap3A = arith.index_cast %multiple_of3A : i32 to index
          %swap3A_67 = tpu.vector_load %arg10[%swap3A] {strides = array<i32>} : memref<1280xf32, #tpu.memory_space<vmem>>, vector<16xf32>,
          tpu.vector_store %arg10[%swap3A], %add3A_66 {strides = array<i32>} : memref<1280xf32, #tpu.memory_space<vmem>>, vector<16xf32>,
          %scan3A_68 = arith.constant 0 : i32
          scf.yield %scan3A_68 : i32
        }
        %scan3A_55 = arith.constant 80 : i32
        %scan3A_56 = arith.constant 0 : i32
        scf.yield %scan3A_56 : i32
      }
      %scan3A_42 = arith.constant 15 : i32
      %mul3A_43 = arith.constant 1280 : i32
      %mul3A_44 = arith.muli %arg0, %mul3A_43 : i32
      "tpu.region"() ({
        %run_scoped3A = tpu.sem_alloc : memref<!tpu.dma_semaphore, #tpu.memory_space<semaphore_mem>>
        %dma_start3A = tpu.memref_slice %arg5[%mul3A_44] : memref<2560xf32, #tpu.memory_space<hbm>> -> memref<1280xf32, #tpu.memory_space<hbm>>
        %dma_start3A_45 = tpu.memref_slice %arg5[%mul3A_44] : memref<2560xf32, #tpu.memory_space<hbm>> -> memref<1280xf32, #tpu.memory_space<hbm>>
        tpu.enqueue_dma source(%arg10 : memref<1280xf32, #tpu.memory_space<vmem>>) target(%dma_start3A_45 : memref<1280xf32, #tpu.memory_space<hbm>>) target_semaphore(%run_scoped3A : memref<!tpu.dma_semaphore, #tpu.memory_space<semaphore_mem>>)
        %dma_wait3A = tpu.memref_slice %arg5[%mul3A_44] : memref<2560xf32, #tpu.memory_space<hbm>> -> memref<1280xf32, #tpu.memory_space<hbm>>
        %dma_wait3A_46 = tpu.memref_slice %arg5[%mul3A_44] : memref<2560xf32, #tpu.memory_space<hbm>> -> memref<1280xf32, #tpu.memory_space<hbm>>
        tpu.wait_dma2 semaphore(%run_scoped3A : memref<!tpu.dma_semaphore, #tpu.memory_space<semaphore_mem>>) src(%arg10 : memref<1280xf32, #tpu.memory_space<vmem>>) dst(%dma_wait3A_46 : memref<1280xf32, #tpu.memory_space<hbm>>)
        tpu.yield
      }) : () -> ()
    } else {
    }
    return
  }
}

module attributes {stable_mosaic.version = 14 : i64} {
  func.func @_tc1_body(%arg0: i32, %arg1: memref<4096x64xf32, #tpu.memory_space<vmem>>, %arg2: memref<4096x1xf32, #tpu.memory_space<vmem>>, %arg3: memref<64x1024xf32, #tpu.memory_space<vmem>>, %arg4: memref<4096x1xi32, #tpu.memory_space<vmem>>, %arg5: memref<4096x1xi32, #tpu.memory_space<vmem>>, %arg6: memref<1032x64xf32, #tpu.memory_space<vmem>>) attributes {dimension_semantics = [#tpu.dimension_semantics<arbitrary>], iteration_bounds = array<i64: 4>, scalar_prefetch = 0 : i64, scratch_operands = 0 : i64, tpu.core_type = #tpu.core_type<tc>, window_params = [{transform_indices = @transform_0, window_bounds = array<i64: 4096, 64>}, {transform_indices = @transform_1, window_bounds = array<i64: 4096, 1>}, {pipeline_mode = #tpu.pipeline_mode<synchronous>, transform_indices = @transform_2, window_bounds = array<i64: 64, 1024>}, {transform_indices = @transform_3, window_bounds = array<i64: 4096, 1>}, {transform_indices = @transform_4, window_bounds = array<i64: 4096, 1>}, {pipeline_mode = #tpu.pipeline_mode<synchronous>, transform_indices = @transform_5, window_bounds = array<i64: 1032, 64>}]} {
    %eq3A = arith.constant 0 : i32
    %eq3A_0 = arith.cmpi eq, %arg0, %eq3A : i32
    %convert_element_type3A = arith.extui %eq3A_0 : i1 to i32
    %cond3A = arith.constant 0 : i32
    %cond3A_1 = arith.cmpi ne, %convert_element_type3A, %cond3A : i32
    scf.if %cond3A_1 {
      %get3A_33 = arith.constant 0 : index
      %get3A_34 = arith.constant 0 : index
      %get3A_35 = vector.load %arg3[%get3A_33, %get3A_34] : memref<64x1024xf32, #tpu.memory_space<vmem>>, vector<64x1024xf32>
      %transpose3A = tpu.transpose %get3A_35, [1, 0] : vector<64x1024xf32> -> vector<1024x64xf32>
      %broadcast_in_dim3A_36 = arith.constant 0.000000e+00 : f32
      %broadcast_in_dim3A_37 = vector.broadcast %broadcast_in_dim3A_36 : f32 to vector<8x64xf32>
      %concatenate3A = tpu.concatenate %transpose3A, %broadcast_in_dim3A_37 in 0 : vector<1024x64xf32>, vector<8x64xf32> -> vector<1032x64xf32>
      %swap3A_38 = arith.constant 0 : index
      %swap3A_39 = arith.constant 0 : index
      %swap3A_40 = vector.load %arg6[%swap3A_38, %swap3A_39] : memref<1032x64xf32, #tpu.memory_space<vmem>>, vector<1032x64xf32>
      tpu.vector_store %arg6[%swap3A_38, %swap3A_39], %concatenate3A {strides = array<i32>} : memref<1032x64xf32, #tpu.memory_space<vmem>>, vector<1032x64xf32>,
    } else {
    }
    %get3A = arith.constant 0 : index
    %get3A_2 = arith.constant 0 : index
    %get3A_3 = vector.load %arg1[%get3A, %get3A_2] : memref<4096x64xf32, #tpu.memory_space<vmem>>, vector<4096x64xf32>
    %get3A_4 = arith.constant 0 : index
    %get3A_5 = arith.constant 0 : index
    %get3A_6 = vector.load %arg2[%get3A_4, %get3A_5] : memref<4096x1xf32, #tpu.memory_space<vmem>>, vector<4096x1xf32>
    %get3A_7 = arith.constant 0 : index
    %get3A_8 = arith.constant 0 : index
    %get3A_9 = vector.load %arg3[%get3A_7, %get3A_8] : memref<64x1024xf32, #tpu.memory_space<vmem>>, vector<64x1024xf32>
    %dot_general3A = arith.constant dense<0.000000e+00> : vector<4096x1024xf32>
    %dot_general3A_10 = tpu.matmul %get3A_3, %get3A_9, %dot_general3A {dimension_numbers = #tpu.dot_dimension_numbers<[1], [0], [0], [1], [0, 0, 1, 1], [], []>, transpose_lhs_hint = false} : vector<4096x64xf32>, vector<64x1024xf32>, vector<4096x1024xf32> -> vector<4096x1024xf32>
    %mul3A = arith.mulf %get3A_3, %get3A_3 : vector<4096x64xf32>
    %reduce_sum3A = arith.constant dense<0.000000e+00> : vector<4096xf32>
    %reduce_sum3A_11 = vector.multi_reduction <add>, %mul3A, %reduce_sum3A [1] : vector<4096x64xf32> to vector<4096xf32>
    %broadcast_in_dim3A = vector.shape_cast %reduce_sum3A_11 : vector<4096xf32> to vector<4096x1xf32>
    %mul3A_12 = arith.mulf %get3A_9, %get3A_9 : vector<64x1024xf32>
    %reduce_sum3A_13 = arith.constant dense<0.000000e+00> : vector<1024xf32>
    %reduce_sum3A_14 = vector.multi_reduction <add>, %mul3A_12, %reduce_sum3A_13 [0] : vector<64x1024xf32> to vector<1024xf32>
    %broadcast_in_dim3A_15 = vector.shape_cast %reduce_sum3A_14 : vector<1024xf32> to vector<1x1024xf32>
    %mul3A_16 = arith.constant 2.000000e+00 : f32
    %mul3A_17 = vector.broadcast %mul3A_16 : f32 to vector<4096x1024xf32>
    %mul3A_18 = arith.mulf %mul3A_17, %dot_general3A_10 : vector<4096x1024xf32>
    %sub3A = vector.broadcast %broadcast_in_dim3A : vector<4096x1xf32> to vector<4096x1024xf32>
    %sub3A_19 = arith.subf %sub3A, %mul3A_18 : vector<4096x1024xf32>
    %add3A = vector.broadcast %broadcast_in_dim3A_15 : vector<1x1024xf32> to vector<4096x1024xf32>
    %add3A_20 = arith.addf %sub3A_19, %add3A : vector<4096x1024xf32>
    %neg3A = arith.constant 0.000000e+00 : f32
    %neg3A_21 = vector.broadcast %neg3A : f32 to vector<4096x1024xf32>
    %neg3A_22 = arith.subf %neg3A_21, %add3A_20 : vector<4096x1024xf32>
    %argmax3A = tpu.reduce_index %neg3A_22 {axis = 1 : i32, kind = #tpu.reduction_kind<arg_max>} : vector<4096x1024xf32> -> vector<4096xi32>
    %broadcast_in_dim3A_23 = vector.shape_cast %argmax3A : vector<4096xi32> to vector<4096x1xi32>
    %swap3A = arith.constant 0 : index
    %swap3A_24 = arith.constant 0 : index
    %swap3A_25 = vector.load %arg4[%swap3A, %swap3A_24] : memref<4096x1xi32, #tpu.memory_space<vmem>>, vector<4096x1xi32>
    tpu.vector_store %arg4[%swap3A, %swap3A_24], %broadcast_in_dim3A_23 {strides = array<i32>} : memref<4096x1xi32, #tpu.memory_space<vmem>>, vector<4096x1xi32>,
    %ne3A = arith.constant 0.000000e+00 : f32
    %ne3A_26 = vector.broadcast %ne3A : f32 to vector<4096x1xf32>
    %ne3A_27 = arith.cmpf one, %get3A_6, %ne3A_26 : vector<4096x1xf32>
    %broadcast_in_dim3A_28 = vector.shape_cast %argmax3A : vector<4096xi32> to vector<4096x1xi32>
    %jit3A = arith.constant 1024 : i32
    %broadcast_in_dim3A_29 = vector.broadcast %jit3A : i32 to vector<4096x1xi32>
    %select_n3A = arith.select %ne3A_27, %broadcast_in_dim3A_28, %broadcast_in_dim3A_29 : vector<4096x1xi1>, vector<4096x1xi32>
    %swap3A_30 = arith.constant 0 : index
    %swap3A_31 = arith.constant 0 : index
    %swap3A_32 = vector.load %arg5[%swap3A_30, %swap3A_31] : memref<4096x1xi32, #tpu.memory_space<vmem>>, vector<4096x1xi32>
    tpu.vector_store %arg5[%swap3A_30, %swap3A_31], %select_n3A {strides = array<i32>} : memref<4096x1xi32, #tpu.memory_space<vmem>>, vector<4096x1xi32>,
    return
  }
  func.func @transform_0(%arg0: i32) -> (i32, i32) {
    %c0_i32 = arith.constant 0 : i32
    %c0_i32_0 = arith.constant 0 : i32
    return %arg0, %c0_i32 : i32, i32
  }
  func.func @transform_1(%arg0: i32) -> (i32, i32) {
    %c0_i32 = arith.constant 0 : i32
    %c0_i32_0 = arith.constant 0 : i32
    return %arg0, %c0_i32 : i32, i32
  }
  func.func @transform_2(%arg0: i32) -> (i32, i32) {
    %c0_i32 = arith.constant 0 : i32
    %c0_i32_0 = arith.constant 0 : i32
    %c0_i32_1 = arith.constant 0 : i32
    return %c0_i32, %c0_i32_0 : i32, i32
  }
  func.func @transform_3(%arg0: i32) -> (i32, i32) {
    %c0_i32 = arith.constant 0 : i32
    %c0_i32_0 = arith.constant 0 : i32
    return %arg0, %c0_i32 : i32, i32
  }
  func.func @transform_4(%arg0: i32) -> (i32, i32) {
    %c0_i32 = arith.constant 0 : i32
    %c0_i32_0 = arith.constant 0 : i32
    return %arg0, %c0_i32 : i32, i32
  }
  func.func @transform_5(%arg0: i32) -> (i32, i32) {
    %c0_i32 = arith.constant 0 : i32
    %c0_i32_0 = arith.constant 0 : i32
    %c0_i32_1 = arith.constant 0 : i32
    return %c0_i32, %c0_i32_0 : i32, i32
  }
}

module attributes {stable_mosaic.version = 14 : i64} {
  func.func @_tc2_body(%arg0: i32, %arg1: memref<4096x64xf32, #tpu.memory_space<vmem>>, %arg2: memref<4096x64xf32, #tpu.memory_space<vmem>>, %arg3: memref<4096x1xf32, #tpu.memory_space<vmem>>, %arg4: memref<2x1280xf32, #tpu.memory_space<vmem>>, %arg5: memref<2xf32, #tpu.memory_space<smem>>, %arg6: memref<1xf32, #tpu.memory_space<smem>>) attributes {dimension_semantics = [#tpu.dimension_semantics<arbitrary>], iteration_bounds = array<i64: 4>, scalar_prefetch = 0 : i64, scratch_operands = 1 : i64, tpu.core_type = #tpu.core_type<tc>, window_params = [{transform_indices = @transform_0, window_bounds = array<i64: 4096, 64>}, {transform_indices = @transform_1, window_bounds = array<i64: 4096, 64>}, {transform_indices = @transform_2, window_bounds = array<i64: 4096, 1>}, {pipeline_mode = #tpu.pipeline_mode<synchronous>, transform_indices = @transform_3, window_bounds = array<i64: 2, 1280>}, {transform_indices = @transform_4, window_bounds = array<i64: 2>}]} {
    %eq3A = arith.constant 0 : i32
    %eq3A_0 = arith.cmpi eq, %arg0, %eq3A : i32
    %convert_element_type3A = arith.extui %eq3A_0 : i1 to i32
    %cond3A = arith.constant 0 : i32
    %cond3A_1 = arith.cmpi ne, %convert_element_type3A, %cond3A : i32
    scf.if %cond3A_1 {
      %swap3A_24 = arith.constant 0.000000e+00 : f32
      %swap3A_25 = arith.constant 0 : index
      %swap3A_26 = memref.load %arg6[%swap3A_25] : memref<1xf32, #tpu.memory_space<smem>>
      memref.store %swap3A_24, %arg6[%swap3A_25] : memref<1xf32, #tpu.memory_space<smem>>
    } else {
    }
    %get3A = arith.constant 0 : index
    %get3A_2 = arith.constant 0 : index
    %get3A_3 = vector.load %arg1[%get3A, %get3A_2] : memref<4096x64xf32, #tpu.memory_space<vmem>>, vector<4096x64xf32>
    %get3A_4 = arith.constant 0 : index
    %get3A_5 = arith.constant 0 : index
    %get3A_6 = vector.load %arg2[%get3A_4, %get3A_5] : memref<4096x64xf32, #tpu.memory_space<vmem>>, vector<4096x64xf32>
    %get3A_7 = arith.constant 0 : index
    %get3A_8 = arith.constant 0 : index
    %get3A_9 = vector.load %arg3[%get3A_7, %get3A_8] : memref<4096x1xf32, #tpu.memory_space<vmem>>, vector<4096x1xf32>
    %mul3A = vector.broadcast %get3A_9 : vector<4096x1xf32> to vector<4096x64xf32>
    %mul3A_10 = arith.mulf %get3A_6, %mul3A : vector<4096x64xf32>
    %sub3A = arith.subf %get3A_3, %mul3A_10 : vector<4096x64xf32>
    %get3A_11 = arith.constant 0 : index
    %get3A_12 = memref.load %arg6[%get3A_11] : memref<1xf32, #tpu.memory_space<smem>>
    %mul3A_13 = arith.mulf %sub3A, %sub3A : vector<4096x64xf32>
    %reduce_sum3A = vector.shape_cast %mul3A_13 : vector<4096x64xf32> to vector<1x4096x64xf32>
    %reduce_sum3A_14 = arith.constant dense<0.000000e+00> : vector<1xf32>
    %reduce_sum3A_15 = vector.multi_reduction <add>, %reduce_sum3A, %reduce_sum3A_14 [1, 2] : vector<1x4096x64xf32> to vector<1xf32>
    %reduce_sum3A_16 = vector.shape_cast %reduce_sum3A_15 : vector<1xf32> to vector<1x1x1xf32>
    %reduce_sum3A_17 = vector.extract %reduce_sum3A_16[0, 0, 0] : f32 from vector<1x1x1xf32>
    %add3A = arith.addf %get3A_12, %reduce_sum3A_17 : f32
    %swap3A = arith.constant 0 : index
    %swap3A_18 = memref.load %arg6[%swap3A] : memref<1xf32, #tpu.memory_space<smem>>
    memref.store %add3A, %arg6[%swap3A] : memref<1xf32, #tpu.memory_space<smem>>
    %eq3A_19 = arith.constant 3 : i32
    %eq3A_20 = arith.cmpi eq, %arg0, %eq3A_19 : i32
    %convert_element_type3A_21 = arith.extui %eq3A_20 : i1 to i32
    %cond3A_22 = arith.constant 0 : i32
    %cond3A_23 = arith.cmpi ne, %convert_element_type3A_21, %cond3A_22 : i32
    scf.if %cond3A_23 {
      %get3A_24 = arith.constant 0 : index
      %get3A_25 = arith.constant 0 : index
      %get3A_26 = vector.load %arg4[%get3A_24, %get3A_25] : memref<2x1280xf32, #tpu.memory_space<vmem>>, vector<2x1280xf32>
      %slice3A = vector.extract_strided_slice %get3A_26 {offsets = [0, 0], sizes = [1, 1280], strides = [1, 1]} : vector<2x1280xf32> to vector<1x1280xf32>
      %slice3A_27 = vector.extract_strided_slice %get3A_26 {offsets = [1, 0], sizes = [1, 1280], strides = [1, 1]} : vector<2x1280xf32> to vector<1x1280xf32>
      %add3A_28 = arith.addf %slice3A, %slice3A_27 : vector<1x1280xf32>
      %iota3A = tpu.iota {dimensions = array<i32: 1>} : vector<1x1280xi32>
      %lt3A = arith.constant 1024 : i32
      %lt3A_29 = vector.broadcast %lt3A : i32 to vector<1x1280xi32>
      %lt3A_30 = arith.cmpi slt, %iota3A, %lt3A_29 : vector<1x1280xi32>
      %jit3A = arith.constant 0.000000e+00 : f32
      %broadcast_in_dim3A = vector.broadcast %jit3A : f32 to vector<1x1280xf32>
      %select_n3A = arith.select %lt3A_30, %add3A_28, %broadcast_in_dim3A : vector<1x1280xi1>, vector<1x1280xf32>
      %reduce_sum3A_31 = vector.shape_cast %select_n3A : vector<1x1280xf32> to vector<1x1x1280xf32>
      %reduce_sum3A_32 = arith.constant dense<0.000000e+00> : vector<1xf32>
      %reduce_sum3A_33 = vector.multi_reduction <add>, %reduce_sum3A_31, %reduce_sum3A_32 [1, 2] : vector<1x1x1280xf32> to vector<1xf32>
      %reduce_sum3A_34 = vector.shape_cast %reduce_sum3A_33 : vector<1xf32> to vector<1x1x1xf32>
      %reduce_sum3A_35 = vector.extract %reduce_sum3A_34[0, 0, 0] : f32 from vector<1x1x1xf32>
      %get3A_36 = arith.constant 0 : index
      %get3A_37 = memref.load %arg6[%get3A_36] : memref<1xf32, #tpu.memory_space<smem>>
      %div3A = arith.constant 0x49800000 : f32
      %div3A_38 = arith.divf %get3A_37, %div3A : f32
      %swap3A_39 = arith.constant 0 : index
      %swap3A_40 = memref.load %arg5[%swap3A_39] : memref<2xf32, #tpu.memory_space<smem>>
      memref.store %div3A_38, %arg5[%swap3A_39] : memref<2xf32, #tpu.memory_space<smem>>
      %mul3A_41 = arith.mulf %reduce_sum3A_35, %reduce_sum3A_35 : f32
      %mul3A_42 = arith.mulf %select_n3A, %select_n3A : vector<1x1280xf32>
      %reduce_sum3A_43 = vector.shape_cast %mul3A_42 : vector<1x1280xf32> to vector<1x1x1280xf32>
      %reduce_sum3A_44 = arith.constant dense<0.000000e+00> : vector<1xf32>
      %reduce_sum3A_45 = vector.multi_reduction <add>, %reduce_sum3A_43, %reduce_sum3A_44 [1, 2] : vector<1x1x1280xf32> to vector<1xf32>
      %reduce_sum3A_46 = vector.shape_cast %reduce_sum3A_45 : vector<1xf32> to vector<1x1x1xf32>
      %reduce_sum3A_47 = vector.extract %reduce_sum3A_46[0, 0, 0] : f32 from vector<1x1x1xf32>
      %div3A_48 = arith.divf %mul3A_41, %reduce_sum3A_47 : f32
      %swap3A_49 = arith.constant 1 : index
      %swap3A_50 = memref.load %arg5[%swap3A_49] : memref<2xf32, #tpu.memory_space<smem>>
      memref.store %div3A_48, %arg5[%swap3A_49] : memref<2xf32, #tpu.memory_space<smem>>
    } else {
    }
    return
  }
  func.func @transform_0(%arg0: i32) -> (i32, i32) {
    %c0_i32 = arith.constant 0 : i32
    %c0_i32_0 = arith.constant 0 : i32
    return %arg0, %c0_i32 : i32, i32
  }
  func.func @transform_1(%arg0: i32) -> (i32, i32) {
    %c0_i32 = arith.constant 0 : i32
    %c0_i32_0 = arith.constant 0 : i32
    return %arg0, %c0_i32 : i32, i32
  }
  func.func @transform_2(%arg0: i32) -> (i32, i32) {
    %c0_i32 = arith.constant 0 : i32
    %c0_i32_0 = arith.constant 0 : i32
    return %arg0, %c0_i32 : i32, i32
  }
  func.func @transform_3(%arg0: i32) -> (i32, i32) {
    %c0_i32 = arith.constant 0 : i32
    %c0_i32_0 = arith.constant 0 : i32
    %c0_i32_1 = arith.constant 0 : i32
    return %c0_i32, %c0_i32_0 : i32, i32
  }
  func.func @transform_4(%arg0: i32) -> i32 {
    %c0_i32 = arith.constant 0 : i32
    %c0_i32_0 = arith.constant 0 : i32
    return %c0_i32 : i32
  }
}

</mosaic_0001>

<sc_bundles>
// kernel: kernel.5.cloned.1.call-start
scs
__scs_entry_jumppad:
0x0: {  	(pc) =	sbr.rel $0x88, $3  }
0x1: {  	(tag) =	ssettag $0x0;
	lr =	simm.s32 $0x1  }
0x2: {  	[smem:$0x3F9E] =	sst lr;
	_ =	strace $0xD0000000  }
0x3: {  	_ = 	snop  }
0x4: {  	_ = 	snop  }
0x5: {  	_ = 	snop  }
0x6: {  	_ = 	snop  }
0x7: {  	_ = 	snop  }
__scs_overlays_trampoline_lowered:
0x8: {  	[smem:$0x3FAD] =	sst s0  }
0x9: {  	[smem:$0x3FAE] =	sst s1  }
0xa: {  	[smem:$0x3FAF] =	sst s2  }
0xb: {  	[smem:$0x3FB0] =	sst s3  }
0xc: {  	[smem:$0x3FB1] =	sst s4  }
0xd: {  	[smem:$0x3FB2] =	sst s5  }
0xe: {  	[smem:$0x3FB3] =	sst s6  }
0xf: {  	[smem:$0x3FB4] =	sst s7  }
0x10: {  	[smem:$0x3FB5] =	sst s8  }
0x11: {  	[smem:$0x3FB6] =	sst s9;
	s0 =	simm.s32 @!p0 $0x0  }
0x12: {  	s1 =	sld [smem:$0x3F9C];
	s0 =	simm.s32 @p0 $0x1  }
0x13: {  	[smem:$0x3FB7] =	sst s0;
	s0 =	simm.s32 @!p1 $0x0  }
0x14: {  	s2 =	sld [smem:$0x3F9B];
	s0 =	simm.s32 @p1 $0x1  }
0x15: {  	[smem:$0x3FB8] =	sst s0;
	s0 =	simm.s32 @!p2 $0x0  }
0x16: {  	s3 =	sld [smem:$0x3FDB];
	s0 =	simm.s32 @p2 $0x1  }
0x17: {  	s4 =	simm.s32 $0x1BF5;
	[smem:$0x3FBA] =	sst s0  }
0x18: {  	s0 =	sld [smem:$0x3F9D];
	_ =	swait.ge [sflag:s4], $0x0  }
0x19: {  	s7 =	sld [smem:$0x3F9E]  }
0x1a: {  	s8 =	sadd.s32 $0xFFFFE003, lr  }
0x1b: {  	s9 =	sadd.s32 $0xFFFFFEF7, lr;
	s5 =	simm.s32 $0xFFFFFFFF;
	p2 =	slt.u32 s8, $0xFFFFF086  }
0x1c: {  	p1 =	slt.u32 s9, $0xF7A;
	s5 =	simm.s32 @!p2 $0x0  }
0x1d: {  	s5 =	simm.s32 @p1 $0x1;
	p0 =	seq.s32 s7, s2  }
0x1e: {  	s7 =	smul.u32 @!p0 $0xF7A, s2;
	p2 =	seq.s32 @!p0 s5, $0x0  }
0x1f: {  	s9 =	smul.u32 $0xF7A, s1;
	s8 =	simm.s32 @!p0 $0x1BF5;
	p2 =	por !p2, p0  }
0x20: {  	[sflag:s8] =	ssyncset.s32 @!p0 $0xFFFFF086;
	s6 =	sadd.s32 @!p0 s3, s7;
	s7 =	simm.s32 @!p0 $0x108  }
0x21: {  	s3 =	sadd.s32 s3, s9;
	s6 =	sadd.s32 @!p0 $0x88, s6;
	s7 =	simm.s32 @p2 $0x1082  }
0x22: {  	[simem:s7], [sflag:s8] =	dma.local @!p0 [hbm:s6], $0xF7A  }
0x23: {  	s9 =	sor.u32 $0xD0000000, s2;
	s6 =	simm.s32 $0x108;
	_ =	swait.ge @!p0 [sflag:s8], $0x0  }
0x24: {  	s3 =	sadd.s32 $0x88, s3;
	s6 =	simm.s32 @!p1 $0x1082;
	[sflag:s4] =	ssyncset.s32 $0xFFFFF086  }
0x25: {  	[simem:s6], [sflag:s4] =	dma.local [hbm:s3], $0xF7A  }
0x26: {  	[smem:$0x3F9E] =	sst s1;
	(tag) =	ssettag s2;
	_ =	strace s9  }
0x27: {  	s1 =	sld [smem:$0x3FAE]  }
0x28: {  	s2 =	sld [smem:$0x3FAF]  }
0x29: {  	s4 =	sld [smem:$0x3FB1]  }
0x2a: {  	p0 =	seq.s32 s5, $0x0;
	s5 =	sld [smem:$0x3FB2]  }
0x2b: {  	s6 =	sld [smem:$0x3FB3]  }
0x2c: {  	s7 =	sld [smem:$0x3FB4]  }
0x2d: {  	s3 =	simm.s32 $0x108;
	s8 =	sld [smem:$0x3FB5]  }
0x2e: {  	s3 =	simm.s32 @!p0 $0x1082;
	s9 =	sld [smem:$0x3FB6]  }
0x2f: {  	lr =	sadd.s32 s0, s3;
	s0 =	sld [smem:$0x3FAD]  }
0x30: {  	s3 =	sld [smem:$0x3FB0]  }
0x31: {  	[smem:$0x3FB9] =	sst s10  }
0x32: {  	s10 =	sld [smem:$0x3FB7];
	_ =	sdelay $0x3  }
0x33: {  	p0 =	seq.s32 s10, $0x1;
	s10 =	sld [smem:$0x3FB9];
	_ =	sdelay $0x3  }
0x34: {  	[smem:$0x3FB9] =	sst s10  }
0x35: {  	s10 =	sld [smem:$0x3FB8];
	_ =	sdelay $0x3  }
0x36: {  	p1 =	seq.s32 s10, $0x1;
	s10 =	sld [smem:$0x3FB9];
	_ =	sdelay $0x3  }
0x37: {  	[smem:$0x3FB9] =	sst s10  }
0x38: {  	s10 =	sld [smem:$0x3FBA]  }
0x39: {  	_ = 	snop;
	(pc) =	sbr.ind lr, $3  }
0x3a: {  	_ = 	snop  }
0x3b: {  	_ = 	snop  }
0x3c: {  	p2 =	seq.s32 s10, $0x1;
	s10 =	sld [smem:$0x3FB9]  }
0x3d: {  	_ =	shalt  }
0x3e: {  	_ =	shalt  }
0x3f: {  	_ =	shalt  }
0x40: {  	_ =	shalt  }
0x41: {  	_ =	shalt  }
0x42: {  	_ =	shalt  }
0x43: {  	_ =	shalt  }
0x44: {  	_ =	shalt  }
0x45: {  	_ =	shalt  }
0x46: {  	_ =	shalt  }
0x47: {  	_ =	shalt  }
0x48: {  	_ =	shalt  }
0x49: {  	_ =	shalt  }
0x4a: {  	_ =	shalt  }
0x4b: {  	_ =	shalt  }
0x4c: {  	_ =	shalt  }
0x4d: {  	_ =	shalt  }
0x4e: {  	_ =	shalt  }
0x4f: {  	_ =	shalt  }
0x50: {  	_ =	shalt  }
0x51: {  	_ =	shalt  }
0x52: {  	_ =	shalt  }
0x53: {  	_ =	shalt  }
0x54: {  	_ =	shalt  }
0x55: {  	_ =	shalt  }
0x56: {  	_ =	shalt  }
0x57: {  	_ =	shalt  }
0x58: {  	_ =	shalt  }
0x59: {  	_ =	shalt  }
0x5a: {  	_ =	shalt  }
0x5b: {  	_ =	shalt  }
0x5c: {  	_ =	shalt  }
0x5d: {  	_ =	shalt  }
0x5e: {  	_ =	shalt  }
0x5f: {  	_ =	shalt  }
0x60: {  	_ =	shalt  }
0x61: {  	_ =	shalt  }
0x62: {  	_ =	shalt  }
0x63: {  	_ =	shalt  }
0x64: {  	_ =	shalt  }
0x65: {  	_ =	shalt  }
0x66: {  	_ =	shalt  }
0x67: {  	_ =	shalt  }
0x68: {  	_ =	shalt  }
0x69: {  	_ =	shalt  }
0x6a: {  	_ =	shalt  }
0x6b: {  	_ =	shalt  }
0x6c: {  	_ =	shalt  }
0x6d: {  	_ =	shalt  }
0x6e: {  	_ =	shalt  }
0x6f: {  	_ =	shalt  }
0x70: {  	_ =	shalt  }
0x71: {  	_ =	shalt  }
0x72: {  	_ =	shalt  }
0x73: {  	_ =	shalt  }
0x74: {  	_ =	shalt  }
0x75: {  	_ =	shalt  }
0x76: {  	_ =	shalt  }
0x77: {  	_ =	shalt  }
0x78: {  	_ =	shalt  }
0x79: {  	_ =	shalt  }
0x7a: {  	_ =	shalt  }
0x7b: {  	_ =	shalt  }
0x7c: {  	_ =	shalt  }
0x7d: {  	_ =	shalt  }
0x7e: {  	_ =	shalt  }
0x7f: {  	_ =	shalt  }
0x80: {  	_ =	shalt  }
0x81: {  	_ =	shalt  }
0x82: {  	_ =	shalt  }
0x83: {  	_ =	shalt  }
0x84: {  	_ =	shalt  }
0x85: {  	_ =	shalt  }
0x86: {  	_ =	shalt  }
0x87: {  	_ =	shalt  }
.Lfunc_end0:
.L_simem_size_0:
called_computation_lowered:
.L_overlay_start_0:
0x88: {  	s2 =	sld [smem:$0x3FD9]  }
0x89: {  	s3 =	sld [smem:$0x3FFE];
	_ =	sdelay $0x1  }
0x8a: {  	s1 =	srdreg.scid  }
0x8b: {  	s0 =	sand.u32 $0x1, s1  }
0x8c: {  	s14 =	sshll.u32 s0, $0xA;
	s2 =	sadd.s32 s3, s2  }
0x8d: {  	s2 =	sadd.s32 s2, s14  }
0x8e: {  	[smem:$0x3FC5] =	sst s2  }
0x8f: {  	_ = 	snop  }
0x90: {  	s2 =	sld [smem:$0x3FD0];
	_ =	sdelay $0x2  }
0x91: {  	s15 =	simm.s32 $0xA;
	s4 =	simm.s32 $0x10  }
0x92: {  	[smem:s4], [sflag:s15] =	dma.local [hbm:s2], $0x1  }
0x93: {  	_ =	swait.eq [sflag:s15], $0x1  }
0x94: {  	[sflag:s15] =	ssyncset.done $0x0  }
0x95: {  	[sflag:s15] =	ssyncadd.s32 $0xFFFFFFFF  }
0x96: {  	s16 =	sld [smem:$0x10];
	(tm) =	ssettm $0x1  }
0x97: {  	s17 =	sld [smem:$0x3FFB];
	_ =	sdelay $0x3  }
0x98: {  	_ =	strace s17  }
0x99: {  	s3 =	sld [smem:$0x3FFC];
	_ =	sdelay $0x3  }
0x9a: {  	_ =	strace s3  }
0x9b: {  	s3 =	sld [smem:$0x3FFD];
	_ =	sdelay $0x3  }
0x9c: {  	_ =	strace s3  }
0x9d: {  	_ =	strace $0x8FFFFFFF  }
0x9e: {  	s18 =	sld [smem:$0x3FDB];
	_ =	sdelay $0x1  }
0x9f: {  	s19 =	simm.s32 $_scs_section_size  }
0xa0: {  	s5 =	simm.s32 $_size__tile_overlayer_lowered;
	s6 =	simm.s32 $_tile_overlayer_lowered  }
0xa1: {  	s22 =	simm.s32 $0x1BFF;
	s21 =	sshll.u32 s6, $0x1;
	s3 =	sadd.s32 s19, s18  }
0xa2: {  	s7 =	simm.s32 $0x0;
	s20 =	sshll.u32 s5, $0x1;
	s5 =	sadd.s32 s21, s3  }
0xa3: {  	[timem:s7], [sflag:s22] =	dma.local [hbm:s5], s20  }
0xa4: {  	_ =	swait.ge [sflag:s22], s20  }
0xa5: {  	s4 =	ssub.s32 $0x0, s20;
	[sflag:s22] =	ssyncset.done $0x0  }
0xa6: {  	[sflag:s22] =	ssyncadd.s32 s4;
	_ =	sdelay $0x1  }
0xa7: {  	s23 =	simm.s32 $0x1B8B  }
0xa8: {  	_ =	swait.ge [sflag:s23], $0x1  }
0xa9: {  	[sflag:s23] =	ssyncset.done $0x0  }
0xaa: {  	s25 =	simm.s32 $0x1B8E;
	s24 =	sld [smem:$0x3FFE];
	[sflag:s23] =	ssyncadd.s32 $0xFFFFFFFF  }
0xab: {  	s26 =	simm.s32 $execute0_lowered;
	[smem:$0x3FD2] =	sst s25  }
0xac: {  	s5 =	sshll.u32 s26, $0x1;
	_ =	strace $0x80000046;
	[dreg:$0x1] =	wrdreg $0xFFFFFFFF  }
0xad: {  	s28 =	simm.s32 $_size_execute0_lowered;
	s3 =	sadd.s32 s3, s5;
	[dreg:$0x0] =	wrdreg $0x0  }
0xae: {  	s5 =	sshll.u32 s28, $0x1;
	[dreg:$0x2] =	wrdreg s3  }
0xaf: {  	[dreg:$0x3] =	wrdreg s5  }
0xb0: {  	[dreg:$0x4] =	wrdreg $0xC0  }
0xb1: {  	_ =	task [dreg:s7], $0x5FFFF  }
0xb2: {  	[dreg:$0x1] =	wrdreg $0xFFFFFFFF  }
0xb3: {  	[dreg:$0x0] =	wrdreg $0x60  }
0xb4: {  	[dreg:$0x2] =	wrdreg s24  }
0xb5: {  	[dreg:$0x3] =	wrdreg s16  }
0xb6: {  	[dreg:$0x4] =	wrdreg $0x1D9000  }
0xb7: {  	[dreg:$0x5] =	wrdreg $0x9  }
0xb8: {  	_ =	task.clear_ibuf [dreg:s7], $0x6FFFF;
	_ =	strace $0x90000046  }
0xb9: {  	s29 =	simm.s32 $0x9;
	_ =	strace $0x80000048  }
0xba: {  	_ =	swait.ge [sflag:s29], $0x1  }
0xbb: {  	[sflag:s29] =	ssyncadd.s32 $0xFFFFFFFF  }
0xbc: {  	_ =	strace $0x90000048  }
0xbd: {  	_ =	sfence  }
0xbe: {  	s30 =	sld [smem:$0x0];
	_ =	sdelay $0x2  }
0xbf: {  	s31 =	sshll.u32 s1, $0xD;
	s1 =	sshrl.u32 s1, $0x2  }
0xc0: {  	s3 =	sand.u32 $0x4000, s31;
	s1 =	sadd.s32 s1, s30  }
0xc1: {  	s0 =	sor.u32 s3, s0;
	s1 =	sshll.u32 s1, $0x11  }
0xc2: {  	s0 =	sor.u32 s1, s0  }
0xc3: {  	s0 =	sadd.s32 $0x8F2B, s0  }
0xc4: {  	[sflag:s0] =	ssyncadd.remote.s32 $0x1  }
0xc5: {  	_ =	sfence.sel $0xFFFF  }
0xc6: {  	[dreg:$0x0] =	wrdreg $0xFFFFFFFF;
	(pc) =	sbr.abs _section_cstart, $3  }
0xc7: {  	[dreg:$0x1] =	wrdreg $0xFFFFFFFF  }
0xc8: {  	_ =	task.clear_ibuf [dreg:s7], $0x2FFFF;
	_ =	strace $0x9FFFFFFF  }
0xc9: {  	(tm) =	ssettm $0x7FFFFFFF  }
tec
execute0_lowered:
.L_overlay_start_1:
0x0: {  	(tag) =	ssettag $0x1  }
0x1: {  	v0 =	vlaneseq.u32  }
0x2: {  	v46 =	vmul.u32 $0x40, v0;
	_ =	sdelay $0x1  }
0x3: {  	v1 =	vor.u32 $0x9, v46  }
0x4: {  	[tilespmem:$0x1FC10] =	vst v1;
	v1 =	vor.u32 $0x18, v46  }
0x5: {  	[tilespmem:$0x1FC20] =	vst v1;
	v1 =	vor.u32 $0x19, v46  }
0x6: {  	s4 =	rddreg [dreg:$0x0];
	[tilespmem:$0x1FC30] =	vst v1;
	v1 =	vor.u32 $0x1C, v46  }
0x7: {  	s5 =	rddreg [dreg:$0x1];
	[tilespmem:$0x1FC40] =	vst v1;
	v1 =	vor.u32 $0x1D, v46  }
0x8: {  	s1 =	rddreg [dreg:$0x2];
	s2 =	simm.s32 $0x0;
	[tilespmem:$0x1FC50] =	vst v1;
	v1 =	vor.u32 $0x22, v46  }
0x9: {  	[smem:$0x7FF] =	sst s2;
	v7 =	vor.u32 $0x36, v46;
	[tilespmem:$0x1FC60] =	vst v1  }
0xa: {  	s0 =	rddreg [dreg:$0x3];
	v56 =	vor.u32 $0x3A, v46;
	_ =	strace $0x80000047;
	[tilespmem:$0x1FC70] =	vst v7  }
0xb: {  	v58 =	vor.u32 $0x3B, v46;
	[tilespmem:$0x1FC80] =	vst v56  }
0xc: {  	v59 =	vor.u32 $0x3C, v46;
	[tilespmem:$0x1FC90] =	vst v58  }
0xd: {  	v61 =	vor.u32 $0x3D, v46;
	[tilespmem:$0x1FCA0] =	vst v59  }
0xe: {  	v63 =	vor.u32 $0x3E, v46;
	[tilespmem:$0x1FCB0] =	vst v61  }
0xf: {  	[tilespmem:$0x1FCC0] =	vst v63  }
0x10: {  	v57 =	vor.u32 $0x7, v46;
	[tilespmem:$0x1FCD0] =	vst v46  }
0x11: {  	v52 =	vor.u32 $0xA, v46;
	[tilespmem:$0x1FCE0] =	vst v57  }
0x12: {  	v41 =	vor.u32 $0xB, v46;
	[tilespmem:$0x1FCF0] =	vst v52  }
0x13: {  	v36 =	vor.u32 $0xC, v46;
	[tilespmem:$0x1FD00] =	vst v41  }
0x14: {  	v40 =	vor.u32 $0xD, v46;
	[tilespmem:$0x1FD10] =	vst v36  }
0x15: {  	v37 =	vor.u32 $0xE, v46;
	[tilespmem:$0x1FD20] =	vst v40  }
0x16: {  	v38 =	vor.u32 $0xF, v46;
	[tilespmem:$0x1FD30] =	vst v37  }
0x17: {  	v39 =	vor.u32 $0x10, v46;
	[tilespmem:$0x1FD40] =	vst v38  }
0x18: {  	v42 =	vor.u32 $0x11, v46;
	[tilespmem:$0x1FD50] =	vst v39  }
0x19: {  	v44 =	vor.u32 $0x12, v46;
	[tilespmem:$0x1FD60] =	vst v42  }
0x1a: {  	v45 =	vor.u32 $0x13, v46;
	[tilespmem:$0x1FD70] =	vst v44  }
0x1b: {  	v51 =	vor.u32 $0x14, v46;
	[tilespmem:$0x1FD80] =	vst v45  }
0x1c: {  	v47 =	vor.u32 $0x15, v46;
	[tilespmem:$0x1FD90] =	vst v51  }
0x1d: {  	v62 =	vor.u32 $0x16, v46;
	[tilespmem:$0x1FDA0] =	vst v47  }
0x1e: {  	v54 =	vor.u32 $0x17, v46;
	[tilespmem:$0x1FDB0] =	vst v62  }
0x1f: {  	v50 =	vor.u32 $0x1E, v46;
	[tilespmem:$0x1FDC0] =	vst v54  }
0x20: {  	v1 =	vor.u32 $0x2E, v46;
	[tilespmem:$0x1FDD0] =	vst v50  }
0x21: {  	v2 =	vor.u32 $0x2F, v46;
	[tilespmem:$0x1FDE0] =	vst v1  }
0x22: {  	v3 =	vor.u32 $0x30, v46;
	[tilespmem:$0x1FDF0] =	vst v2  }
0x23: {  	v4 =	vor.u32 $0x31, v46;
	[tilespmem:$0x1FE00] =	vst v3  }
0x24: {  	v5 =	vor.u32 $0x32, v46;
	[tilespmem:$0x1FE10] =	vst v4  }
0x25: {  	v6 =	vor.u32 $0x33, v46;
	[tilespmem:$0x1FE20] =	vst v5  }
0x26: {  	v9 =	vor.u32 $0x34, v46;
	[tilespmem:$0x1FE30] =	vst v6  }
0x27: {  	v10 =	vor.u32 $0x35, v46;
	[tilespmem:$0x1FE40] =	vst v9  }
0x28: {  	v11 =	vor.u32 $0x37, v46;
	[tilespmem:$0x1FE50] =	vst v10  }
0x29: {  	v12 =	vor.u32 $0x38, v46;
	[tilespmem:$0x1FE60] =	vst v11  }
0x2a: {  	v13 =	vor.u32 $0x39, v46;
	[tilespmem:$0x1FE70] =	vst v12  }
0x2b: {  	v15 =	vor.u32 $0x1, v46;
	[tilespmem:$0x1FE80] =	vst v13  }
0x2c: {  	v17 =	vor.u32 $0x2, v46;
	[tilespmem:$0x1FE90] =	vst v15  }
0x2d: {  	v18 =	vor.u32 $0x3, v46;
	[tilespmem:$0x1FEA0] =	vst v17  }
0x2e: {  	v20 =	vor.u32 $0x4, v46;
	[tilespmem:$0x1FEB0] =	vst v18  }
0x2f: {  	v21 =	vor.u32 $0x5, v46;
	[tilespmem:$0x1FEC0] =	vst v20  }
0x30: {  	v22 =	vor.u32 $0x6, v46;
	[tilespmem:$0x1FED0] =	vst v21  }
0x31: {  	v23 =	vor.u32 $0x8, v46;
	[tilespmem:$0x1FEE0] =	vst v22  }
0x32: {  	v24 =	vor.u32 $0x1F, v46;
	[tilespmem:$0x1FEF0] =	vst v23  }
0x33: {  	v25 =	vor.u32 $0x1A, v46;
	[tilespmem:$0x1FF00] =	vst v24  }
0x34: {  	v30 =	vor.u32 $0x26, v46;
	[tilespmem:$0x1FF10] =	vst v25  }
0x35: {  	v28 =	vor.u32 $0x21, v46;
	[tilespmem:$0x1FF20] =	vst v30  }
0x36: {  	v31 =	vor.u32 $0x27, v46;
	[tilespmem:$0x1FF30] =	vst v28  }
0x37: {  	v32 =	vor.u32 $0x28, v46;
	[tilespmem:$0x1FF40] =	vst v31  }
0x38: {  	v33 =	vor.u32 $0x29, v46;
	[tilespmem:$0x1FF50] =	vst v32  }
0x39: {  	s3 =	srdreg.scid;
	s13 =	stileid.u32;
	v34 =	vor.u32 $0x2A, v46;
	[tilespmem:$0x1FF60] =	vst v33  }
0x3a: {  	s11 =	simm.s32 $0x10400;
	s12 =	simm.s32 $0x18400;
	s14 =	simm.s32 $0x0;
	v35 =	vor.u32 $0x2B, v46;
	[tilespmem:$0x1FF70] =	vst v34  }
0x3b: {  	s3 =	sand.u32 $0x1, s3;
	s6 =	sshll.u32 s13, $0x1;
	s10 =	smul.u32 $0x1400, s13;
	v16 =	vor.u32 $0x20, v46;
	[tilespmem:$0x1FF80] =	vst v35  }
0x3c: {  	p0 =	sne.s32 s13, $0x0;
	s13 =	simm.s32 $0x1D400;
	s6 =	sor.u32 s3, s6;
	v60 =	vor.u32 $0x1B, v46;
	[tilespmem:$0x1FF90] =	vst v16  }
0x3d: {  	s8 =	smul.u32 $0xA0, s3;
	s9 =	ssub.s32 $0x2, s3;
	s3 =	sadd.s32 $0x81200, s4;
	v48 =	vor.u32 $0x2C, v46;
	[tilespmem:$0x1FFA0] =	vst v60  }
.Ltmp0:
0x3e: {  	v19 =	vor.u32 $0x24, v46;
	s7 =	sshll.u32 s6, $0x6;
	s31 =	sshrl.u32 s9, $0x1;
	[tilespmem:$0x1FFB0] =	vst v48;
	(pc) =	sbr.rel .LBB2_1-.Ltmp0, $4  }
0x3f: {  	v53 =	vor.u32 $0x2D, v46;
	s6 =	sshll.u32 s6, $0xC;
	s10 =	sshrl.u32 s10, $0x2;
	s7 =	sadd.s32 s7, s4;
	[tilespmem:$0x1FFC0] =	vst v19  }
0x40: {  	v43 =	vor.u32 $0x23, v46;
	s8 =	sadd.s32 s8, s4;
	s9 =	ssub.s32 s9, s31;
	s5 =	sadd.s32 s5, s6;
	[tilespmem:$0x1FFD0] =	vst v53  }
0x41: {  	v49 =	vor.u32 $0x25, v46;
	s6 =	sadd.s32 s10, s1;
	s10 =	simm.s32 $0x200;
	s4 =	sadd.s32 $0x83400, s7;
	[tilespmem:$0x1FFE0] =	vst v43  }
0x42: {  	v0 =	vimm.f32 $0.0e+00;
	s7 =	sadd.s32 $0x83C00, s8;
	s8 =	smax.u32 s9, $0x1;
	s9 =	simm.s32 $0x1;
	[tilespmem:$0x1FFF0] =	vst v49  }
.LBB2_17:
0x43: {  	s14 =	sadd.s32 $0x1, s14  }
0x44: {  	p1 =	sne.s32 s14, s8  }
.Ltmp1:
0x45: {  	_ = 	snop;
	(pc) =	sbr.rel @!p1 .LBB2_18-.Ltmp1, $2  }
0x46: {  	_ =	sdelay $0x2  }
0x47: {  	v0 =	vimm.f32 $0.0e+00  }
.LBB2_1:
0x48: {  	[tilespmem:s2], [sflag:$0x1] =	stream.linear.gather [hbm4b:s4+s2], $0x200, $0x38;
	[tilespmem:$0x1DE00] =	vst v63  }
0x49: {  	_ =	swait.ge [sflag:s9], $0x200  }
0x4a: {  	[sflag:s9] =	ssyncset.done $0x0  }
0x4b: {  	[sflag:s9] =	ssyncadd.s32 $0xFFFFFE00  }
0x4c: {  	[tilespmem:s10], [sflag:$0x1] =	stream.linear.gather [hbm4b:s3+s2], $0x10200, $0x38;
	[tilespmem:$0x1DE00] =	vst v63  }
0x4d: {  	_ =	swait.ge [sflag:s9], $0x10200  }
0x4e: {  	[sflag:s9] =	ssyncset.done $0x0  }
0x4f: {  	s15 =	simm.s32 $0x18440;
	[sflag:s9] =	ssyncadd.s32 $0xFFFEFE00  }
0x50: {  	[tilespmem:s15+$0xFFFFFFC0] =	vst v0  }
0x51: {  	[tilespmem:s15+$0x30] =	vst v0  }
0x52: {  	[tilespmem:s15+$0x20] =	vst v0  }
0x53: {  	[tilespmem:s15+$0x10] =	vst v0  }
0x54: {  	[tilespmem:s15+$0x0] =	vst v0  }
0x55: {  	[tilespmem:s15+$0xFFFFFFF0] =	vst v0  }
0x56: {  	s16 =	simm.s32 $0x0;
	[tilespmem:s15+$0xFFFFFFE0] =	vst v0  }
.LBB2_2:
0x57: {  	s16 =	sadd.s32 $0x8, s16;
	[tilespmem:s15+$0xFFFFFFD0] =	vst v0;
	s15 =	sadd.s32 $0x80, s15  }
0x58: {  	[tilespmem:s15+$0xFFFFFFC0] =	vst v0;
	p1 =	slt.u32 s16, $0x4F8  }
0x59: {  	[tilespmem:s15+$0x30] =	vst v0  }
.Ltmp2:
0x5a: {  	[tilespmem:s15+$0x20] =	vst v0;
	(pc) =	sbr.rel @p1 .LBB2_2-.Ltmp2, $4  }
0x5b: {  	[tilespmem:s15+$0x10] =	vst v0  }
0x5c: {  	[tilespmem:s15+$0x0] =	vst v0  }
0x5d: {  	[tilespmem:s15+$0xFFFFFFF0] =	vst v0  }
0x5e: {  	[tilespmem:s15+$0xFFFFFFE0] =	vst v0  }
0x5f: {  	v31 =	vmov v24;
	v33 =	vmov v28;
	[tilespmem:s15+$0xFFFFFFD0] =	vst v0;
	s15 =	simm.s32 $0x0  }
.LBB2_4:
0x60: {  	p1 =	sne.s32 s15, $0x13C0  }
.Ltmp3:
0x61: {  	_ = 	snop;
	(pc) =	sbr.rel @p1 .LBB2_4-.Ltmp3, $3  }
0x62: {  	_ =	sdelay $0x1  }
0x63: {  	s16 =	sshra.s32 s15, $0x2  }
0x64: {  	s15 =	sadd.s32 $0x40, s15;
	[tilespmem:s16+$0x1D400] =	vst v0  }
0x65: {  	s15 =	simm.s32 $0x10  }
0x66: {  	v0 =	vld [tilespmem:s15+$0x0];
	_ =	sdelay $0x4  }
0x67: {  	v1 =	vld [tilespmem:s15+$0xFFFFFFF0];
	v24 =	vshll.u32 v0, $0x6;
	_ =	sdelay $0x3  }
0x68: {  	s22 =	simm.s32 $0x400  }
0x69: {  	v3 =	vor.u32 s22, v46;
	v1 =	vshll.u32 v1, $0x6;
	v2 =	vld.idx.msk [tilespmem:v24+s10+$0x0], $0xffff  }
0x6a: {  	v4 =	vor.u32 $0x1, v24;
	_ =	sdelay $0x2  }
0x6b: {  	s20 =	simm.s32 $0x0  }
0x6c: {  	v6 =	vor.u32 s20, v46;
	v5 =	vld.idx.msk [tilespmem:v1+s10+$0x0], $0xffff;
	[tilespmem:v3+s11+$0x0] =	vst.idx.msk $0xffff, v2  }
0x6d: {  	v2 =	vor.u32 $0x1, v1;
	v3 =	vld.idx.msk [tilespmem:v4+s10+$0x0], $0xffff;
	v4 =	vor.u32 s22, v15  }
0x6e: {  	v7 =	vor.u32 $0x2, v24;
	_ =	sdelay $0x2  }
0x6f: {  	[tilespmem:v6+s11+$0x0] =	vst.idx.msk $0xffff, v5  }
0x70: {  	v5 =	vor.u32 s20, v15;
	v2 =	vld.idx.msk [tilespmem:v2+s10+$0x0], $0xffff;
	[tilespmem:v4+s11+$0x0] =	vst.idx.msk $0xffff, v3  }
0x71: {  	v6 =	vor.u32 s22, v17;
	v3 =	vor.u32 $0x2, v1;
	v4 =	vld.idx.msk [tilespmem:v7+s10+$0x0], $0xffff  }
0x72: {  	v7 =	vor.u32 $0x3, v24;
	_ =	sdelay $0x2  }
0x73: {  	[tilespmem:v5+s11+$0x0] =	vst.idx.msk $0xffff, v2  }
0x74: {  	v2 =	vor.u32 s20, v17;
	v3 =	vld.idx.msk [tilespmem:v3+s10+$0x0], $0xffff;
	[tilespmem:v6+s11+$0x0] =	vst.idx.msk $0xffff, v4  }
0x75: {  	v4 =	vor.u32 $0x3, v1;
	v6 =	vor.u32 s22, v18;
	v5 =	vld.idx.msk [tilespmem:v7+s10+$0x0], $0xffff  }
0x76: {  	v7 =	vor.u32 $0x4, v24;
	_ =	sdelay $0x2  }
0x77: {  	[tilespmem:v2+s11+$0x0] =	vst.idx.msk $0xffff, v3  }
0x78: {  	v2 =	vor.u32 s20, v18;
	v3 =	vld.idx.msk [tilespmem:v4+s10+$0x0], $0xffff;
	[tilespmem:v6+s11+$0x0] =	vst.idx.msk $0xffff, v5  }
0x79: {  	v4 =	vor.u32 $0x4, v1;
	v6 =	vor.u32 s22, v20;
	v5 =	vld.idx.msk [tilespmem:v7+s10+$0x0], $0xffff  }
0x7a: {  	v7 =	vor.u32 $0x5, v24;
	_ =	sdelay $0x2  }
0x7b: {  	[tilespmem:v2+s11+$0x0] =	vst.idx.msk $0xffff, v3  }
0x7c: {  	v2 =	vor.u32 s20, v20;
	v3 =	vld.idx.msk [tilespmem:v4+s10+$0x0], $0xffff;
	[tilespmem:v6+s11+$0x0] =	vst.idx.msk $0xffff, v5  }
0x7d: {  	v4 =	vor.u32 $0x5, v1;
	v6 =	vor.u32 s22, v21;
	v5 =	vld.idx.msk [tilespmem:v7+s10+$0x0], $0xffff  }
0x7e: {  	v7 =	vor.u32 $0x6, v24;
	_ =	sdelay $0x2  }
0x7f: {  	[tilespmem:v2+s11+$0x0] =	vst.idx.msk $0xffff, v3  }
0x80: {  	v2 =	vor.u32 s20, v21;
	v3 =	vld.idx.msk [tilespmem:v4+s10+$0x0], $0xffff;
	[tilespmem:v6+s11+$0x0] =	vst.idx.msk $0xffff, v5  }
0x81: {  	v4 =	vor.u32 $0x6, v1;
	v6 =	vor.u32 s22, v22;
	v5 =	vld.idx.msk [tilespmem:v7+s10+$0x0], $0xffff  }
0x82: {  	v7 =	vor.u32 $0x7, v24;
	_ =	sdelay $0x2  }
0x83: {  	[tilespmem:v2+s11+$0x0] =	vst.idx.msk $0xffff, v3  }
0x84: {  	v2 =	vor.u32 s20, v22;
	v3 =	vld.idx.msk [tilespmem:v4+s10+$0x0], $0xffff;
	[tilespmem:v6+s11+$0x0] =	vst.idx.msk $0xffff, v5  }
0x85: {  	v4 =	vor.u32 $0x7, v1;
	v6 =	vor.u32 s22, v57;
	v5 =	vld.idx.msk [tilespmem:v7+s10+$0x0], $0xffff  }
0x86: {  	v7 =	vor.u32 $0x8, v24;
	_ =	sdelay $0x2  }
0x87: {  	[tilespmem:v2+s11+$0x0] =	vst.idx.msk $0xffff, v3  }
0x88: {  	v2 =	vor.u32 s20, v57;
	v3 =	vld.idx.msk [tilespmem:v4+s10+$0x0], $0xffff;
	[tilespmem:v6+s11+$0x0] =	vst.idx.msk $0xffff, v5  }
0x89: {  	v6 =	vor.u32 s22, v23;
	v5 =	vld.idx.msk [tilespmem:v7+s10+$0x0], $0xffff;
	_ =	sdelay $0x3  }
0x8a: {  	[tilespmem:v2+s11+$0x0] =	vst.idx.msk $0xffff, v3  }
0x8b: {  	v4 =	vor.u32 $0x8, v1;
	[tilespmem:v6+s11+$0x0] =	vst.idx.msk $0xffff, v5  }
0x8c: {  	v7 =	vor.u32 $0x9, v24;
	v56 =	vld [tilespmem:$0x1FC10];
	_ =	sdelay $0x3  }
0x8d: {  	v2 =	vor.u32 s20, v23;
	v3 =	vld.idx.msk [tilespmem:v4+s10+$0x0], $0xffff  }
0x8e: {  	v4 =	vor.u32 $0x9, v1;
	v5 =	vld.idx.msk [tilespmem:v7+s10+$0x0], $0xffff;
	v6 =	vor.u32 s22, v56  }
0x8f: {  	v7 =	vor.u32 $0xA, v24;
	_ =	sdelay $0x2  }
0x90: {  	[tilespmem:v2+s11+$0x0] =	vst.idx.msk $0xffff, v3  }
0x91: {  	v3 =	vld.idx.msk [tilespmem:v4+s10+$0x0], $0xffff;
	v2 =	vor.u32 s20, v56;
	[tilespmem:v6+s11+$0x0] =	vst.idx.msk $0xffff, v5  }
0x92: {  	v4 =	vor.u32 $0xA, v1;
	v6 =	vor.u32 s22, v52;
	v5 =	vld.idx.msk [tilespmem:v7+s10+$0x0], $0xffff  }
0x93: {  	v7 =	vor.u32 $0xB, v24;
	_ =	sdelay $0x2  }
0x94: {  	[tilespmem:v2+s11+$0x0] =	vst.idx.msk $0xffff, v3  }
0x95: {  	v2 =	vor.u32 s20, v52;
	v3 =	vld.idx.msk [tilespmem:v4+s10+$0x0], $0xffff;
	[tilespmem:v6+s11+$0x0] =	vst.idx.msk $0xffff, v5  }
0x96: {  	v4 =	vor.u32 $0xB, v1;
	v6 =	vor.u32 s22, v41;
	v5 =	vld.idx.msk [tilespmem:v7+s10+$0x0], $0xffff  }
0x97: {  	v7 =	vor.u32 $0xC, v24;
	_ =	sdelay $0x2  }
0x98: {  	[tilespmem:v2+s11+$0x0] =	vst.idx.msk $0xffff, v3  }
0x99: {  	v2 =	vor.u32 s20, v41;
	v3 =	vld.idx.msk [tilespmem:v4+s10+$0x0], $0xffff;
	[tilespmem:v6+s11+$0x0] =	vst.idx.msk $0xffff, v5  }
0x9a: {  	v4 =	vor.u32 $0xC, v1;
	v6 =	vor.u32 s22, v36;
	v5 =	vld.idx.msk [tilespmem:v7+s10+$0x0], $0xffff  }
0x9b: {  	v7 =	vor.u32 $0xD, v24;
	_ =	sdelay $0x2  }
0x9c: {  	[tilespmem:v2+s11+$0x0] =	vst.idx.msk $0xffff, v3  }
0x9d: {  	v2 =	vor.u32 s20, v36;
	v3 =	vld.idx.msk [tilespmem:v4+s10+$0x0], $0xffff;
	[tilespmem:v6+s11+$0x0] =	vst.idx.msk $0xffff, v5  }
0x9e: {  	v4 =	vor.u32 $0xD, v1;
	v6 =	vor.u32 s22, v40;
	v5 =	vld.idx.msk [tilespmem:v7+s10+$0x0], $0xffff  }
0x9f: {  	v7 =	vor.u32 $0xE, v24;
	_ =	sdelay $0x2  }
0xa0: {  	[tilespmem:v2+s11+$0x0] =	vst.idx.msk $0xffff, v3  }
0xa1: {  	v2 =	vor.u32 s20, v40;
	v3 =	vld.idx.msk [tilespmem:v4+s10+$0x0], $0xffff;
	[tilespmem:v6+s11+$0x0] =	vst.idx.msk $0xffff, v5  }
0xa2: {  	v4 =	vor.u32 $0xE, v1;
	v6 =	vor.u32 s22, v37;
	v5 =	vld.idx.msk [tilespmem:v7+s10+$0x0], $0xffff  }
0xa3: {  	v7 =	vor.u32 $0xF, v24;
	_ =	sdelay $0x2  }
0xa4: {  	[tilespmem:v2+s11+$0x0] =	vst.idx.msk $0xffff, v3  }
0xa5: {  	v2 =	vor.u32 s20, v37;
	v3 =	vld.idx.msk [tilespmem:v4+s10+$0x0], $0xffff;
	[tilespmem:v6+s11+$0x0] =	vst.idx.msk $0xffff, v5  }
0xa6: {  	v4 =	vor.u32 $0xF, v1;
	v6 =	vor.u32 s22, v38;
	v5 =	vld.idx.msk [tilespmem:v7+s10+$0x0], $0xffff  }
0xa7: {  	v7 =	vor.u32 $0x10, v24;
	_ =	sdelay $0x2  }
0xa8: {  	[tilespmem:v2+s11+$0x0] =	vst.idx.msk $0xffff, v3  }
0xa9: {  	v2 =	vor.u32 s20, v38;
	v3 =	vld.idx.msk [tilespmem:v4+s10+$0x0], $0xffff;
	[tilespmem:v6+s11+$0x0] =	vst.idx.msk $0xffff, v5  }
0xaa: {  	v4 =	vor.u32 $0x10, v1;
	v6 =	vor.u32 s22, v39;
	v5 =	vld.idx.msk [tilespmem:v7+s10+$0x0], $0xffff  }
0xab: {  	v7 =	vor.u32 $0x11, v24;
	_ =	sdelay $0x1  }
0xac: {  	s31 =	simm.s32 $0x30  }
0xad: {  	[tilespmem:v2+s11+$0x0] =	vst.idx.msk $0xffff, v3;
	v3 =	vld [tilespmem:s31+$0x0]  }
0xae: {  	v2 =	vld.idx.msk [tilespmem:v4+s10+$0x0], $0xffff;
	[tilespmem:v6+s11+$0x0] =	vst.idx.msk $0xffff, v5  }
0xaf: {  	v5 =	vor.u32 s22, v42;
	v4 =	vld.idx.msk [tilespmem:v7+s10+$0x0], $0xffff  }
0xb0: {  	v8 =	vor.u32 $0x12, v24;
	v6 =	vor.u32 s20, v39;
	v7 =	vld [tilespmem:s31+$0xFFFFFFF0]  }
0xb1: {  	v9 =	vor.u32 $0x11, v1;
	_ =	sdelay $0x2  }
0xb2: {  	v61 =	vshll.u32 v3, $0x6;
	[tilespmem:v5+s11+$0x0] =	vst.idx.msk $0xffff, v4  }
0xb3: {  	[tilespmem:v6+s11+$0x0] =	vst.idx.msk $0xffff, v2;
	v2 =	vshll.u32 v7, $0x6;
	v5 =	vor.u32 s22, v44;
	v4 =	vld.idx.msk [tilespmem:v8+s10+$0x0], $0xffff  }
0xb4: {  	v6 =	vor.u32 s20, v42;
	v7 =	vld.idx.msk [tilespmem:v9+s10+$0x0], $0xffff;
	v8 =	vor.u32 $0x13, v24  }
0xb5: {  	v9 =	vor.u32 $0x12, v1  }
0xb6: {  	s15 =	simm.s32 $0xC00  }
0xb7: {  	s16 =	simm.s32 $0x800;
	v11 =	vor.u32 s15, v46;
	v10 =	vld.idx.msk [tilespmem:v61+s10+$0x0], $0xffff  }
0xb8: {  	v13 =	vor.u32 s16, v46;
	v14 =	vor.u32 $0x1, v61;
	v12 =	vld.idx.msk [tilespmem:v2+s10+$0x0], $0xffff;
	[tilespmem:v5+s11+$0x0] =	vst.idx.msk $0xffff, v4  }
0xb9: {  	[tilespmem:v6+s11+$0x0] =	vst.idx.msk $0xffff, v7;
	v6 =	vor.u32 s22, v45;
	v4 =	vor.u32 $0x1, v2;
	v5 =	vld.idx.msk [tilespmem:v8+s10+$0x0], $0xffff  }
0xba: {  	v7 =	vor.u32 s20, v44;
	v8 =	vld.idx.msk [tilespmem:v9+s10+$0x0], $0xffff;
	v9 =	vor.u32 $0x14, v24  }
0xbb: {  	v28 =	vmov v15;
	v15 =	vor.u32 $0x13, v1  }
0xbc: {  	[tilespmem:v11+s11+$0x0] =	vst.idx.msk $0xffff, v10  }
0xbd: {  	v11 =	vor.u32 s15, v28;
	v10 =	vld.idx.msk [tilespmem:v14+s10+$0x0], $0xffff;
	[tilespmem:v13+s11+$0x0] =	vst.idx.msk $0xffff, v12  }
0xbe: {  	v48 =	vmov v52;
	v52 =	vor.u32 s16, v28;
	v53 =	vor.u32 $0x2, v61;
	v4 =	vld.idx.msk [tilespmem:v4+s10+$0x0], $0xffff;
	[tilespmem:v6+s11+$0x0] =	vst.idx.msk $0xffff, v5  }
0xbf: {  	v5 =	vor.u32 $0x2, v2;
	[tilespmem:v7+s11+$0x0] =	vst.idx.msk $0xffff, v8;
	v7 =	vor.u32 s22, v51;
	v6 =	vld.idx.msk [tilespmem:v9+s10+$0x0], $0xffff  }
0xc0: {  	v58 =	vor.u32 $0x15, v24;
	v8 =	vor.u32 s20, v45;
	v9 =	vld.idx.msk [tilespmem:v15+s10+$0x0], $0xffff  }
0xc1: {  	v15 =	vor.u32 $0x14, v1  }
0xc2: {  	[tilespmem:v11+s11+$0x0] =	vst.idx.msk $0xffff, v10  }
0xc3: {  	v10 =	vor.u32 s15, v17;
	[tilespmem:v52+s11+$0x0] =	vst.idx.msk $0xffff, v4;
	v4 =	vld.idx.msk [tilespmem:v53+s10+$0x0], $0xffff  }
0xc4: {  	v63 =	vor.u32 $0x3, v61;
	v11 =	vor.u32 s16, v17;
	v5 =	vld.idx.msk [tilespmem:v5+s10+$0x0], $0xffff;
	[tilespmem:v7+s11+$0x0] =	vst.idx.msk $0xffff, v6  }
0xc5: {  	v6 =	vor.u32 $0x3, v2;
	[tilespmem:v8+s11+$0x0] =	vst.idx.msk $0xffff, v9;
	v8 =	vor.u32 s22, v47;
	v7 =	vld.idx.msk [tilespmem:v58+s10+$0x0], $0xffff  }
0xc6: {  	v34 =	vor.u32 $0x16, v24;
	v9 =	vor.u32 s20, v51;
	v32 =	vld.idx.msk [tilespmem:v15+s10+$0x0], $0xffff  }
0xc7: {  	v15 =	vor.u32 $0x15, v1  }
0xc8: {  	[tilespmem:v10+s11+$0x0] =	vst.idx.msk $0xffff, v4  }
0xc9: {  	[tilespmem:v11+s11+$0x0] =	vst.idx.msk $0xffff, v5;
	v4 =	vld.idx.msk [tilespmem:v63+s10+$0x0], $0xffff;
	v5 =	vor.u32 s15, v18  }
0xca: {  	v10 =	vor.u32 s16, v18;
	v11 =	vor.u32 $0x4, v61;
	v6 =	vld.idx.msk [tilespmem:v6+s10+$0x0], $0xffff;
	[tilespmem:v8+s11+$0x0] =	vst.idx.msk $0xffff, v7  }
0xcb: {  	v7 =	vor.u32 $0x4, v2;
	[tilespmem:v9+s11+$0x0] =	vst.idx.msk $0xffff, v32;
	v9 =	vor.u32 s22, v62;
	v8 =	vld.idx.msk [tilespmem:v34+s10+$0x0], $0xffff  }
0xcc: {  	v52 =	vor.u32 s20, v47;
	v53 =	vor.u32 $0x17, v24;
	v13 =	vld.idx.msk [tilespmem:v15+s10+$0x0], $0xffff  }
0xcd: {  	v15 =	vor.u32 $0x16, v1  }
0xce: {  	[tilespmem:v5+s11+$0x0] =	vst.idx.msk $0xffff, v4  }
0xcf: {  	v5 =	vor.u32 s15, v20;
	[tilespmem:v10+s11+$0x0] =	vst.idx.msk $0xffff, v6;
	v4 =	vld.idx.msk [tilespmem:v11+s10+$0x0], $0xffff  }
0xd0: {  	v6 =	vor.u32 s16, v20;
	v7 =	vld.idx.msk [tilespmem:v7+s10+$0x0], $0xffff;
	[tilespmem:v9+s11+$0x0] =	vst.idx.msk $0xffff, v8  }
0xd1: {  	v11 =	vor.u32 s22, v54;
	[tilespmem:v52+s11+$0x0] =	vst.idx.msk $0xffff, v13;
	v9 =	vld.idx.msk [tilespmem:v53+s10+$0x0], $0xffff  }
0xd2: {  	v58 =	vmov v54;
	v54 =	vor.u32 s20, v62;
	v13 =	vld.idx.msk [tilespmem:v15+s10+$0x0], $0xffff;
	_ =	sdelay $0x1  }
0xd3: {  	[tilespmem:v5+s11+$0x0] =	vst.idx.msk $0xffff, v4  }
0xd4: {  	v10 =	vor.u32 $0x5, v61;
	[tilespmem:v6+s11+$0x0] =	vst.idx.msk $0xffff, v7  }
0xd5: {  	v8 =	vor.u32 $0x5, v2;
	[tilespmem:v11+s11+$0x0] =	vst.idx.msk $0xffff, v9  }
0xd6: {  	v15 =	vor.u32 $0x17, v1;
	[tilespmem:v54+s11+$0x0] =	vst.idx.msk $0xffff, v13  }
0xd7: {  	v63 =	vor.u32 $0x18, v24;
	v54 =	vld [tilespmem:$0x1FC20];
	_ =	sdelay $0x1  }
0xd8: {  	v5 =	vor.u32 s15, v21;
	v4 =	vld.idx.msk [tilespmem:v10+s10+$0x0], $0xffff  }
0xd9: {  	v6 =	vor.u32 s16, v21;
	v7 =	vld.idx.msk [tilespmem:v8+s10+$0x0], $0xffff  }
0xda: {  	v29 =	vmov v20;
	v20 =	vor.u32 s20, v58;
	v13 =	vld.idx.msk [tilespmem:v15+s10+$0x0], $0xffff  }
0xdb: {  	v10 =	vld.idx.msk [tilespmem:v63+s10+$0x0], $0xffff;
	v11 =	vor.u32 s22, v54;
	_ =	sdelay $0x1  }
0xdc: {  	[tilespmem:v5+s11+$0x0] =	vst.idx.msk $0xffff, v4  }
0xdd: {  	[tilespmem:v6+s11+$0x0] =	vst.idx.msk $0xffff, v7  }
0xde: {  	v8 =	vor.u32 $0x6, v61;
	[tilespmem:v20+s11+$0x0] =	vst.idx.msk $0xffff, v13  }
0xdf: {  	v9 =	vor.u32 $0x6, v2;
	[tilespmem:v11+s11+$0x0] =	vst.idx.msk $0xffff, v10  }
0xe0: {  	v27 =	vmov v21;
	v21 =	vor.u32 $0x19, v24;
	v52 =	vld [tilespmem:$0x1FC30]  }
0xe1: {  	v15 =	vor.u32 $0x18, v1;
	_ =	sdelay $0x1  }
0xe2: {  	v5 =	vor.u32 s15, v22;
	v4 =	vld.idx.msk [tilespmem:v8+s10+$0x0], $0xffff  }
0xe3: {  	v6 =	vor.u32 s16, v22;
	v8 =	vor.u32 $0x7, v61;
	v7 =	vld.idx.msk [tilespmem:v9+s10+$0x0], $0xffff  }
0xe4: {  	v9 =	vor.u32 $0x7, v2;
	v10 =	vld.idx.msk [tilespmem:v21+s10+$0x0], $0xffff;
	v11 =	vor.u32 s22, v52  }
0xe5: {  	v34 =	vor.u32 $0x1A, v24;
	v32 =	vor.u32 s20, v54;
	v13 =	vld.idx.msk [tilespmem:v15+s10+$0x0], $0xffff  }
0xe6: {  	v15 =	vor.u32 $0x19, v1  }
0xe7: {  	[tilespmem:v5+s11+$0x0] =	vst.idx.msk $0xffff, v4  }
0xe8: {  	[tilespmem:v6+s11+$0x0] =	vst.idx.msk $0xffff, v7;
	v5 =	vor.u32 s15, v57;
	v4 =	vld.idx.msk [tilespmem:v8+s10+$0x0], $0xffff  }
0xe9: {  	v6 =	vor.u32 s16, v57;
	v7 =	vld.idx.msk [tilespmem:v9+s10+$0x0], $0xffff;
	v8 =	vor.u32 $0x8, v61;
	[tilespmem:v11+s11+$0x0] =	vst.idx.msk $0xffff, v10  }
0xea: {  	[tilespmem:v32+s11+$0x0] =	vst.idx.msk $0xffff, v13;
	v9 =	vor.u32 $0x8, v2;
	v11 =	vor.u32 s22, v25;
	v10 =	vld.idx.msk [tilespmem:v34+s10+$0x0], $0xffff  }
0xeb: {  	v55 =	vmov v57;
	v57 =	vor.u32 $0x1B, v24;
	v13 =	vld.idx.msk [tilespmem:v15+s10+$0x0], $0xffff;
	v53 =	vor.u32 s20, v52  }
0xec: {  	v15 =	vor.u32 $0x1A, v1  }
0xed: {  	[tilespmem:v5+s11+$0x0] =	vst.idx.msk $0xffff, v4  }
0xee: {  	[tilespmem:v6+s11+$0x0] =	vst.idx.msk $0xffff, v7;
	v5 =	vor.u32 s15, v23;
	v4 =	vld.idx.msk [tilespmem:v8+s10+$0x0], $0xffff  }
0xef: {  	v6 =	vor.u32 s16, v23;
	v7 =	vld.idx.msk [tilespmem:v9+s10+$0x0], $0xffff;
	[tilespmem:v11+s11+$0x0] =	vst.idx.msk $0xffff, v10  }
0xf0: {  	[tilespmem:v53+s11+$0x0] =	vst.idx.msk $0xffff, v13;
	v11 =	vor.u32 s22, v60;
	v10 =	vld.idx.msk [tilespmem:v57+s10+$0x0], $0xffff  }
0xf1: {  	v13 =	vld.idx.msk [tilespmem:v15+s10+$0x0], $0xffff;
	v57 =	vmov v60;
	v60 =	vor.u32 s20, v25;
	_ =	sdelay $0x1  }
0xf2: {  	[tilespmem:v5+s11+$0x0] =	vst.idx.msk $0xffff, v4  }
0xf3: {  	v8 =	vor.u32 $0x9, v61;
	[tilespmem:v6+s11+$0x0] =	vst.idx.msk $0xffff, v7  }
0xf4: {  	v9 =	vor.u32 $0x9, v2;
	[tilespmem:v11+s11+$0x0] =	vst.idx.msk $0xffff, v10  }
0xf5: {  	v15 =	vor.u32 $0x1B, v1;
	[tilespmem:v60+s11+$0x0] =	vst.idx.msk $0xffff, v13  }
0xf6: {  	v63 =	vor.u32 $0x1C, v24;
	v60 =	vld [tilespmem:$0x1FC40];
	_ =	sdelay $0x1  }
0xf7: {  	v5 =	vor.u32 s15, v56;
	v4 =	vld.idx.msk [tilespmem:v8+s10+$0x0], $0xffff  }
0xf8: {  	v6 =	vor.u32 s16, v56;
	v7 =	vld.idx.msk [tilespmem:v9+s10+$0x0], $0xffff  }
0xf9: {  	v20 =	vor.u32 s20, v57;
	v13 =	vld.idx.msk [tilespmem:v15+s10+$0x0], $0xffff  }
0xfa: {  	v10 =	vld.idx.msk [tilespmem:v63+s10+$0x0], $0xffff;
	v11 =	vor.u32 s22, v60;
	_ =	sdelay $0x1  }
0xfb: {  	[tilespmem:v5+s11+$0x0] =	vst.idx.msk $0xffff, v4  }
0xfc: {  	[tilespmem:v6+s11+$0x0] =	vst.idx.msk $0xffff, v7  }
0xfd: {  	v8 =	vor.u32 $0xA, v61;
	[tilespmem:v20+s11+$0x0] =	vst.idx.msk $0xffff, v13  }
0xfe: {  	v9 =	vor.u32 $0xA, v2;
	[tilespmem:v11+s11+$0x0] =	vst.idx.msk $0xffff, v10  }
0xff: {  	v21 =	vor.u32 $0x1D, v24;
	v32 =	vld [tilespmem:$0x1FC50];
	_ =	sdelay $0x2  }
0x100: {  	v15 =	vor.u32 $0x1C, v1;
	v5 =	vor.u32 s15, v48;
	v4 =	vld.idx.msk [tilespmem:v8+s10+$0x0], $0xffff  }
0x101: {  	v6 =	vor.u32 s16, v48;
	v7 =	vld.idx.msk [tilespmem:v9+s10+$0x0], $0xffff;
	v8 =	vor.u32 $0xB, v61  }
0x102: {  	v9 =	vor.u32 $0xB, v2;
	v10 =	vld.idx.msk [tilespmem:v21+s10+$0x0], $0xffff;
	v11 =	vor.u32 s22, v32  }
0x103: {  	v34 =	vor.u32 $0x1E, v24;
	_ =	sdelay $0x1  }
0x104: {  	v59 =	vmovc v45;
	v45 =	vmov v47;
	v47 =	vmov v22;
	v22 =	vor.u32 s20, v60;
	v13 =	vld.idx.msk [tilespmem:v15+s10+$0x0], $0xffff;
	[tilespmem:v5+s11+$0x0] =	vst.idx.msk $0xffff, v4  }
0x105: {  	v15 =	vor.u32 $0x1D, v1;
	[tilespmem:v6+s11+$0x0] =	vst.idx.msk $0xffff, v7;
	v5 =	vor.u32 s15, v41;
	v4 =	vld.idx.msk [tilespmem:v8+s10+$0x0], $0xffff  }
0x106: {  	v6 =	vor.u32 s16, v41;
	v7 =	vld.idx.msk [tilespmem:v9+s10+$0x0], $0xffff;
	v8 =	vor.u32 $0xC, v61;
	[tilespmem:v11+s11+$0x0] =	vst.idx.msk $0xffff, v10  }
0x107: {  	v9 =	vor.u32 $0xC, v2;
	v11 =	vor.u32 s22, v50;
	v10 =	vld.idx.msk [tilespmem:v34+s10+$0x0], $0xffff  }
0x108: {  	v20 =	vor.u32 $0x1F, v24  }
0x109: {  	[tilespmem:v22+s11+$0x0] =	vst.idx.msk $0xffff, v13  }
0x10a: {  	v13 =	vld.idx.msk [tilespmem:v15+s10+$0x0], $0xffff;
	v53 =	vor.u32 s20, v32;
	[tilespmem:v5+s11+$0x0] =	vst.idx.msk $0xffff, v4  }
0x10b: {  	v15 =	vor.u32 $0x1E, v1;
	[tilespmem:v6+s11+$0x0] =	vst.idx.msk $0xffff, v7;
	v4 =	vld.idx.msk [tilespmem:v8+s10+$0x0], $0xffff  }
0x10c: {  	v5 =	vor.u32 s15, v36;
	v7 =	vld.idx.msk [tilespmem:v9+s10+$0x0], $0xffff;
	[tilespmem:v11+s11+$0x0] =	vst.idx.msk $0xffff, v10  }
0x10d: {  	v8 =	vor.u32 $0xD, v61;
	v10 =	vor.u32 s22, v31;
	v9 =	vld.idx.msk [tilespmem:v20+s10+$0x0], $0xffff  }
0x10e: {  	v22 =	vor.u32 $0x20, v24;
	v6 =	vor.u32 s16, v36  }
0x10f: {  	[tilespmem:v53+s11+$0x0] =	vst.idx.msk $0xffff, v13  }
0x110: {  	v13 =	vld.idx.msk [tilespmem:v15+s10+$0x0], $0xffff;
	v11 =	vor.u32 s20, v50  }
0x111: {  	[tilespmem:v5+s11+$0x0] =	vst.idx.msk $0xffff, v4  }
0x112: {  	v21 =	vor.u32 $0xD, v2;
	v5 =	vor.u32 s15, v40;
	v4 =	vld.idx.msk [tilespmem:v8+s10+$0x0], $0xffff;
	[tilespmem:v10+s11+$0x0] =	vst.idx.msk $0xffff, v9  }
0x113: {  	[tilespmem:v6+s11+$0x0] =	vst.idx.msk $0xffff, v7;
	v7 =	vor.u32 $0xE, v61;
	v9 =	vor.u32 s22, v16;
	v8 =	vld.idx.msk [tilespmem:v22+s10+$0x0], $0xffff  }
0x114: {  	v10 =	vor.u32 $0x21, v24  }
0x115: {  	[tilespmem:v11+s11+$0x0] =	vst.idx.msk $0xffff, v13;
	v11 =	vor.u32 $0x1F, v1;
	_ =	sdelay $0x1  }
0x116: {  	v63 =	vmov v50;
	v6 =	vld.idx.msk [tilespmem:v21+s10+$0x0], $0xffff;
	v50 =	vor.u32 s16, v40;
	[tilespmem:v5+s11+$0x0] =	vst.idx.msk $0xffff, v4  }
0x117: {  	v5 =	vor.u32 s15, v37;
	v4 =	vld.idx.msk [tilespmem:v7+s10+$0x0], $0xffff;
	[tilespmem:v9+s11+$0x0] =	vst.idx.msk $0xffff, v8  }
0x118: {  	v9 =	vor.u32 s22, v33;
	v8 =	vld.idx.msk [tilespmem:v10+s10+$0x0], $0xffff  }
0x119: {  	v20 =	vor.u32 $0xE, v2;
	v11 =	vld.idx.msk [tilespmem:v11+s10+$0x0], $0xffff;
	v10 =	vor.u32 s20, v31;
	_ =	sdelay $0x1  }
0x11a: {  	v7 =	vor.u32 $0xF, v61;
	[tilespmem:v50+s11+$0x0] =	vst.idx.msk $0xffff, v6  }
0x11b: {  	[tilespmem:v5+s11+$0x0] =	vst.idx.msk $0xffff, v4  }
0x11c: {  	[tilespmem:v9+s11+$0x0] =	vst.idx.msk $0xffff, v8  }
0x11d: {  	v21 =	vor.u32 $0x20, v1;
	v13 =	vld.idx.msk [tilespmem:v20+s10+$0x0], $0xffff;
	[tilespmem:v10+s11+$0x0] =	vst.idx.msk $0xffff, v11  }
0x11e: {  	v6 =	vor.u32 $0x22, v24;
	v22 =	vor.u32 s16, v37;
	v3 =	vld [tilespmem:$0x1FC60]  }
0x11f: {  	v15 =	vor.u32 $0xF, v2;
	v5 =	vor.u32 s15, v38;
	v4 =	vld.idx.msk [tilespmem:v7+s10+$0x0], $0xffff  }
0x120: {  	v7 =	vor.u32 $0x10, v61;
	_ =	sdelay $0x1  }
0x121: {  	v9 =	vor.u32 s20, v16;
	v10 =	vld.idx.msk [tilespmem:v21+s10+$0x0], $0xffff  }
0x122: {  	v37 =	vor.u32 $0x21, v1;
	v6 =	vld.idx.msk [tilespmem:v6+s10+$0x0], $0xffff;
	[tilespmem:v22+s11+$0x0] =	vst.idx.msk $0xffff, v13;
	v8 =	vor.u32 s22, v3  }
0x123: {  	v50 =	vor.u32 s16, v38;
	v11 =	vor.u32 $0x23, v24;
	[tilespmem:v5+s11+$0x0] =	vst.idx.msk $0xffff, v4;
	v14 =	vld.idx.msk [tilespmem:v15+s10+$0x0], $0xffff  }
0x124: {  	v5 =	vor.u32 s15, v39;
	v4 =	vld.idx.msk [tilespmem:v7+s10+$0x0], $0xffff  }
0x125: {  	v15 =	vor.u32 $0x10, v2  }
0x126: {  	v7 =	vor.u32 $0x11, v61;
	[tilespmem:v9+s11+$0x0] =	vst.idx.msk $0xffff, v10  }
0x127: {  	v9 =	vld.idx.msk [tilespmem:v37+s10+$0x0], $0xffff;
	[tilespmem:v8+s11+$0x0] =	vst.idx.msk $0xffff, v6  }
0x128: {  	s17 =	simm.s32 $0x50;
	[tilespmem:v50+s11+$0x0] =	vst.idx.msk $0xffff, v14;
	v8 =	vor.u32 s22, v43;
	v6 =	vld.idx.msk [tilespmem:v11+s10+$0x0], $0xffff  }
0x129: {  	v10 =	vor.u32 $0x24, v24;
	[tilespmem:v5+s11+$0x0] =	vst.idx.msk $0xffff, v4;
	v4 =	vld [tilespmem:s17+$0x0]  }
0x12a: {  	v20 =	vld.idx.msk [tilespmem:v15+s10+$0x0], $0xffff;
	v11 =	vor.u32 s20, v33  }
0x12b: {  	v21 =	vor.u32 $0x22, v1;
	v5 =	vld.idx.msk [tilespmem:v7+s10+$0x0], $0xffff  }
0x12c: {  	v7 =	vor.u32 s15, v42;
	v15 =	vld [tilespmem:s17+$0xFFFFFFF0]  }
0x12d: {  	v53 =	vmov v16;
	v16 =	vor.u32 $0x12, v61;
	v22 =	vor.u32 s16, v39;
	[tilespmem:v8+s11+$0x0] =	vst.idx.msk $0xffff, v6  }
0x12e: {  	v6 =	vor.u32 $0x11, v2;
	v8 =	vld.idx.msk [tilespmem:v10+s10+$0x0], $0xffff;
	v10 =	vor.u32 s22, v19  }
0x12f: {  	[tilespmem:v11+s11+$0x0] =	vst.idx.msk $0xffff, v9;
	v9 =	vor.u32 $0x25, v24  }
0x130: {  	v4 =	vshll.u32 v4, $0x6;
	v11 =	vor.u32 s20, v3;
	v13 =	vld.idx.msk [tilespmem:v21+s10+$0x0], $0xffff  }
0x131: {  	[tilespmem:v7+s11+$0x0] =	vst.idx.msk $0xffff, v5;
	v5 =	vshll.u32 v15, $0x6  }
0x132: {  	v35 =	vmovc v17;
	v0 =	vmov v33;
	v17 =	vor.u32 $0x23, v1;
	v33 =	vor.u32 s15, v44;
	[tilespmem:v22+s11+$0x0] =	vst.idx.msk $0xffff, v20;
	v7 =	vld.idx.msk [tilespmem:v16+s10+$0x0], $0xffff  }
0x133: {  	v37 =	vor.u32 s16, v42;
	v15 =	vor.u32 $0x13, v61;
	v6 =	vld.idx.msk [tilespmem:v6+s10+$0x0], $0xffff;
	[tilespmem:v10+s11+$0x0] =	vst.idx.msk $0xffff, v8  }
0x134: {  	s17 =	simm.s32 $0x1400;
	v8 =	vor.u32 $0x12, v2;
	v10 =	vor.u32 s22, v49;
	v9 =	vld.idx.msk [tilespmem:v9+s10+$0x0], $0xffff  }
0x135: {  	s18 =	simm.s32 $0x1000;
	v38 =	vor.u32 s17, v46;
	v16 =	vor.u32 $0x26, v24;
	[tilespmem:v11+s11+$0x0] =	vst.idx.msk $0xffff, v13;
	v11 =	vld.idx.msk [tilespmem:v4+s10+$0x0], $0xffff  }
0x136: {  	v26 =	vmovc v18;
	v18 =	vor.u32 s20, v43;
	v43 =	vor.u32 s18, v46;
	v3 =	vmovc v19;
	v19 =	vor.u32 $0x1, v4;
	v42 =	vld.idx.msk [tilespmem:v5+s10+$0x0], $0xffff  }
0x137: {  	[tilespmem:v33+s11+$0x0] =	vst.idx.msk $0xffff, v7;
	v17 =	vld.idx.msk [tilespmem:v17+s10+$0x0], $0xffff  }
0x138: {  	v46 =	vor.u32 s15, v59;
	[tilespmem:v37+s11+$0x0] =	vst.idx.msk $0xffff, v6;
	v6 =	vld.idx.msk [tilespmem:v15+s10+$0x0], $0xffff  }
0x139: {  	v50 =	vor.u32 s16, v44;
	v8 =	vld.idx.msk [tilespmem:v8+s10+$0x0], $0xffff;
	[tilespmem:v10+s11+$0x0] =	vst.idx.msk $0xffff, v9  }
0x13a: {  	v7 =	vor.u32 $0x1, v5;
	[tilespmem:v38+s11+$0x0] =	vst.idx.msk $0xffff, v11;
	v11 =	vor.u32 s22, v30;
	v10 =	vld.idx.msk [tilespmem:v16+s10+$0x0], $0xffff  }
0x13b: {  	v39 =	vor.u32 $0x24, v1;
	[tilespmem:v43+s11+$0x0] =	vst.idx.msk $0xffff, v42;
	v13 =	vld.idx.msk [tilespmem:v19+s10+$0x0], $0xffff;
	v16 =	vor.u32 s17, v28  }
0x13c: {  	[tilespmem:v18+s11+$0x0] =	vst.idx.msk $0xffff, v17  }
0x13d: {  	v15 =	vor.u32 $0x14, v61;
	[tilespmem:v46+s11+$0x0] =	vst.idx.msk $0xffff, v6  }
0x13e: {  	v9 =	vor.u32 $0x13, v2;
	[tilespmem:v50+s11+$0x0] =	vst.idx.msk $0xffff, v8  }
0x13f: {  	v7 =	vld.idx.msk [tilespmem:v7+s10+$0x0], $0xffff;
	v17 =	vor.u32 $0x27, v24;
	[tilespmem:v11+s11+$0x0] =	vst.idx.msk $0xffff, v10  }
0x140: {  	v33 =	vor.u32 $0x2, v4;
	v19 =	vld.idx.msk [tilespmem:v39+s10+$0x0], $0xffff;
	[tilespmem:v16+s11+$0x0] =	vst.idx.msk $0xffff, v13  }
0x141: {  	v38 =	vor.u32 s18, v28;
	v18 =	vor.u32 s20, v3;
	v28 =	vld [tilespmem:$0x1FF40]  }
0x142: {  	v8 =	vld.idx.msk [tilespmem:v15+s10+$0x0], $0xffff  }
0x143: {  	v39 =	vor.u32 s15, v51;
	v9 =	vld.idx.msk [tilespmem:v9+s10+$0x0], $0xffff  }
0x144: {  	v42 =	vor.u32 s16, v59;
	v11 =	vld.idx.msk [tilespmem:v17+s10+$0x0], $0xffff  }
0x145: {  	v16 =	vld.idx.msk [tilespmem:v33+s10+$0x0], $0xffff;
	v17 =	vor.u32 s17, v35  }
0x146: {  	v37 =	vor.u32 $0x25, v1;
	[tilespmem:v18+s11+$0x0] =	vst.idx.msk $0xffff, v19;
	v43 =	vor.u32 s22, v28  }
0x147: {  	[tilespmem:v38+s11+$0x0] =	vst.idx.msk $0xffff, v7  }
0x148: {  	v6 =	vor.u32 $0x2, v5;
	[tilespmem:v39+s11+$0x0] =	vst.idx.msk $0xffff, v8  }
0x149: {  	v15 =	vor.u32 $0x15, v61;
	[tilespmem:v42+s11+$0x0] =	vst.idx.msk $0xffff, v9  }
0x14a: {  	v10 =	vor.u32 $0x14, v2;
	[tilespmem:v17+s11+$0x0] =	vst.idx.msk $0xffff, v16  }
0x14b: {  	v7 =	vor.u32 $0x3, v4;
	v44 =	vld.idx.msk [tilespmem:v37+s10+$0x0], $0xffff;
	[tilespmem:v43+s11+$0x0] =	vst.idx.msk $0xffff, v11  }
0x14c: {  	v18 =	vor.u32 $0x28, v24;
	v19 =	vor.u32 s20, v49;
	v38 =	vld [tilespmem:$0x1FF50]  }
0x14d: {  	v50 =	vor.u32 s18, v35;
	v6 =	vld.idx.msk [tilespmem:v6+s10+$0x0], $0xffff  }
0x14e: {  	v59 =	vor.u32 s15, v45;
	v9 =	vld.idx.msk [tilespmem:v15+s10+$0x0], $0xffff  }
0x14f: {  	v37 =	vor.u32 s16, v51;
	v10 =	vld.idx.msk [tilespmem:v10+s10+$0x0], $0xffff  }
0x150: {  	v17 =	vor.u32 s17, v26;
	v7 =	vld.idx.msk [tilespmem:v7+s10+$0x0], $0xffff  }
0x151: {  	v46 =	vor.u32 $0x26, v1;
	v13 =	vld.idx.msk [tilespmem:v18+s10+$0x0], $0xffff;
	[tilespmem:v19+s11+$0x0] =	vst.idx.msk $0xffff, v44;
	v16 =	vor.u32 s22, v38  }
0x152: {  	[tilespmem:v50+s11+$0x0] =	vst.idx.msk $0xffff, v6  }
0x153: {  	v8 =	vor.u32 $0x3, v5;
	[tilespmem:v59+s11+$0x0] =	vst.idx.msk $0xffff, v9  }
0x154: {  	v15 =	vor.u32 $0x16, v61;
	[tilespmem:v37+s11+$0x0] =	vst.idx.msk $0xffff, v10  }
0x155: {  	v11 =	vor.u32 $0x15, v2;
	[tilespmem:v17+s11+$0x0] =	vst.idx.msk $0xffff, v7  }
0x156: {  	v6 =	vor.u32 $0x4, v4;
	v20 =	vld.idx.msk [tilespmem:v46+s10+$0x0], $0xffff;
	[tilespmem:v16+s11+$0x0] =	vst.idx.msk $0xffff, v13  }
0x157: {  	v18 =	vor.u32 $0x29, v24;
	v19 =	vor.u32 s20, v30;
	v46 =	vld [tilespmem:$0x1FF60]  }
0x158: {  	v42 =	vor.u32 s18, v26;
	v8 =	vld.idx.msk [tilespmem:v8+s10+$0x0], $0xffff  }
0x159: {  	v43 =	vor.u32 s15, v62;
	v10 =	vld.idx.msk [tilespmem:v15+s10+$0x0], $0xffff  }
0x15a: {  	v44 =	vor.u32 s16, v45;
	v11 =	vld.idx.msk [tilespmem:v11+s10+$0x0], $0xffff  }
0x15b: {  	v17 =	vor.u32 s17, v29;
	v6 =	vld.idx.msk [tilespmem:v6+s10+$0x0], $0xffff  }
0x15c: {  	v39 =	vor.u32 $0x27, v1;
	v7 =	vld.idx.msk [tilespmem:v18+s10+$0x0], $0xffff;
	[tilespmem:v19+s11+$0x0] =	vst.idx.msk $0xffff, v20;
	v16 =	vor.u32 s22, v46  }
0x15d: {  	[tilespmem:v42+s11+$0x0] =	vst.idx.msk $0xffff, v8  }
0x15e: {  	v9 =	vor.u32 $0x4, v5;
	[tilespmem:v43+s11+$0x0] =	vst.idx.msk $0xffff, v10  }
0x15f: {  	v15 =	vor.u32 $0x17, v61;
	[tilespmem:v44+s11+$0x0] =	vst.idx.msk $0xffff, v11  }
0x160: {  	v45 =	vor.u32 $0x16, v2;
	[tilespmem:v17+s11+$0x0] =	vst.idx.msk $0xffff, v6  }
0x161: {  	v8 =	vor.u32 $0x5, v4;
	v20 =	vld.idx.msk [tilespmem:v39+s10+$0x0], $0xffff;
	[tilespmem:v16+s11+$0x0] =	vst.idx.msk $0xffff, v7  }
0x162: {  	v18 =	vor.u32 $0x2A, v24;
	v19 =	vor.u32 s20, v28;
	v28 =	vld [tilespmem:$0x1FF70]  }
0x163: {  	v51 =	vor.u32 s18, v29;
	v9 =	vld.idx.msk [tilespmem:v9+s10+$0x0], $0xffff  }
0x164: {  	v59 =	vor.u32 s15, v58;
	v11 =	vld.idx.msk [tilespmem:v15+s10+$0x0], $0xffff  }
0x165: {  	v37 =	vor.u32 s16, v62;
	v13 =	vld.idx.msk [tilespmem:v45+s10+$0x0], $0xffff  }
0x166: {  	v17 =	vor.u32 s17, v27;
	v8 =	vld.idx.msk [tilespmem:v8+s10+$0x0], $0xffff  }
0x167: {  	v50 =	vor.u32 $0x28, v1;
	v6 =	vld.idx.msk [tilespmem:v18+s10+$0x0], $0xffff;
	[tilespmem:v19+s11+$0x0] =	vst.idx.msk $0xffff, v20;
	v16 =	vor.u32 s22, v28  }
0x168: {  	[tilespmem:v51+s11+$0x0] =	vst.idx.msk $0xffff, v9  }
0x169: {  	v10 =	vor.u32 $0x5, v5;
	[tilespmem:v59+s11+$0x0] =	vst.idx.msk $0xffff, v11  }
0x16a: {  	v15 =	vor.u32 $0x18, v61;
	[tilespmem:v37+s11+$0x0] =	vst.idx.msk $0xffff, v13  }
0x16b: {  	v7 =	vor.u32 $0x17, v2;
	[tilespmem:v17+s11+$0x0] =	vst.idx.msk $0xffff, v8  }
0x16c: {  	v9 =	vor.u32 $0x6, v4;
	v20 =	vld.idx.msk [tilespmem:v50+s10+$0x0], $0xffff;
	[tilespmem:v16+s11+$0x0] =	vst.idx.msk $0xffff, v6  }
0x16d: {  	v18 =	vor.u32 $0x2B, v24;
	v19 =	vor.u32 s20, v38;
	v26 =	vld [tilespmem:$0x1FF80]  }
0x16e: {  	v39 =	vor.u32 s18, v27;
	v10 =	vld.idx.msk [tilespmem:v10+s10+$0x0], $0xffff  }
0x16f: {  	v42 =	vor.u32 s15, v54;
	v12 =	vld.idx.msk [tilespmem:v15+s10+$0x0], $0xffff  }
0x170: {  	v43 =	vor.u32 s16, v58;
	v7 =	vld.idx.msk [tilespmem:v7+s10+$0x0], $0xffff  }
0x171: {  	v17 =	vor.u32 s17, v47;
	v9 =	vld.idx.msk [tilespmem:v9+s10+$0x0], $0xffff  }
0x172: {  	v38 =	vor.u32 $0x29, v1;
	v8 =	vld.idx.msk [tilespmem:v18+s10+$0x0], $0xffff;
	[tilespmem:v19+s11+$0x0] =	vst.idx.msk $0xffff, v20;
	v16 =	vor.u32 s22, v26  }
0x173: {  	[tilespmem:v39+s11+$0x0] =	vst.idx.msk $0xffff, v10  }
0x174: {  	v11 =	vor.u32 $0x6, v5;
	[tilespmem:v42+s11+$0x0] =	vst.idx.msk $0xffff, v12  }
0x175: {  	v15 =	vor.u32 $0x19, v61;
	[tilespmem:v43+s11+$0x0] =	vst.idx.msk $0xffff, v7  }
0x176: {  	v6 =	vor.u32 $0x18, v2;
	[tilespmem:v17+s11+$0x0] =	vst.idx.msk $0xffff, v9  }
0x177: {  	v10 =	vor.u32 $0x7, v4;
	v20 =	vld.idx.msk [tilespmem:v38+s10+$0x0], $0xffff;
	[tilespmem:v16+s11+$0x0] =	vst.idx.msk $0xffff, v8  }
0x178: {  	v18 =	vor.u32 $0x2C, v24;
	v19 =	vor.u32 s20, v46;
	v50 =	vld [tilespmem:$0x1FFB0]  }
0x179: {  	v45 =	vor.u32 s18, v47;
	v11 =	vld.idx.msk [tilespmem:v11+s10+$0x0], $0xffff  }
0x17a: {  	v47 =	vor.u32 s15, v52;
	v7 =	vld.idx.msk [tilespmem:v15+s10+$0x0], $0xffff  }
0x17b: {  	v54 =	vor.u32 s16, v54;
	v6 =	vld.idx.msk [tilespmem:v6+s10+$0x0], $0xffff  }
0x17c: {  	v17 =	vor.u32 s17, v55;
	v10 =	vld.idx.msk [tilespmem:v10+s10+$0x0], $0xffff  }
0x17d: {  	v44 =	vor.u32 $0x2A, v1;
	v9 =	vld.idx.msk [tilespmem:v18+s10+$0x0], $0xffff;
	[tilespmem:v19+s11+$0x0] =	vst.idx.msk $0xffff, v20;
	v16 =	vor.u32 s22, v50  }
0x17e: {  	[tilespmem:v45+s11+$0x0] =	vst.idx.msk $0xffff, v11  }
0x17f: {  	v46 =	vor.u32 $0x7, v5;
	[tilespmem:v47+s11+$0x0] =	vst.idx.msk $0xffff, v7  }
0x180: {  	v15 =	vor.u32 $0x1A, v61;
	[tilespmem:v54+s11+$0x0] =	vst.idx.msk $0xffff, v6  }
0x181: {  	v8 =	vor.u32 $0x19, v2;
	[tilespmem:v17+s11+$0x0] =	vst.idx.msk $0xffff, v10  }
0x182: {  	v11 =	vor.u32 $0x8, v4;
	v20 =	vld.idx.msk [tilespmem:v44+s10+$0x0], $0xffff;
	[tilespmem:v16+s11+$0x0] =	vst.idx.msk $0xffff, v9  }
0x183: {  	v33 =	vor.u32 s16, v52;
	v18 =	vor.u32 $0x2D, v24;
	v19 =	vor.u32 s20, v28;
	v52 =	vld [tilespmem:$0x1FFD0]  }
0x184: {  	v34 =	vmov v25;
	v59 =	vor.u32 s18, v55;
	v12 =	vld.idx.msk [tilespmem:v46+s10+$0x0], $0xffff  }
0x185: {  	v62 =	vor.u32 s15, v34;
	v6 =	vld.idx.msk [tilespmem:v15+s10+$0x0], $0xffff  }
0x186: {  	v8 =	vld.idx.msk [tilespmem:v8+s10+$0x0], $0xffff  }
0x187: {  	v17 =	vor.u32 s17, v23;
	v11 =	vld.idx.msk [tilespmem:v11+s10+$0x0], $0xffff  }
0x188: {  	v58 =	vor.u32 $0x2B, v1;
	v10 =	vld.idx.msk [tilespmem:v18+s10+$0x0], $0xffff;
	[tilespmem:v19+s11+$0x0] =	vst.idx.msk $0xffff, v20;
	v16 =	vor.u32 s22, v52  }
0x189: {  	[tilespmem:v59+s11+$0x0] =	vst.idx.msk $0xffff, v12  }
0x18a: {  	v7 =	vor.u32 $0x8, v5;
	[tilespmem:v62+s11+$0x0] =	vst.idx.msk $0xffff, v6  }
0x18b: {  	v15 =	vor.u32 $0x1B, v61;
	[tilespmem:v33+s11+$0x0] =	vst.idx.msk $0xffff, v8  }
0x18c: {  	v9 =	vor.u32 $0x1A, v2;
	[tilespmem:v17+s11+$0x0] =	vst.idx.msk $0xffff, v11  }
0x18d: {  	v35 =	vor.u32 $0x9, v4;
	v20 =	vld.idx.msk [tilespmem:v58+s10+$0x0], $0xffff;
	[tilespmem:v16+s11+$0x0] =	vst.idx.msk $0xffff, v10  }
0x18e: {  	v18 =	vor.u32 $0x2E, v24;
	v19 =	vor.u32 s20, v26;
	v43 =	vld [tilespmem:$0x1FDE0]  }
0x18f: {  	v38 =	vor.u32 s18, v23;
	v7 =	vld.idx.msk [tilespmem:v7+s10+$0x0], $0xffff  }
0x190: {  	v39 =	vor.u32 s15, v57;
	v8 =	vld.idx.msk [tilespmem:v15+s10+$0x0], $0xffff  }
0x191: {  	v42 =	vor.u32 s16, v34;
	v9 =	vld.idx.msk [tilespmem:v9+s10+$0x0], $0xffff  }
0x192: {  	v17 =	vor.u32 s17, v56;
	v12 =	vld.idx.msk [tilespmem:v35+s10+$0x0], $0xffff  }
0x193: {  	v37 =	vor.u32 $0x2C, v1;
	v11 =	vld.idx.msk [tilespmem:v18+s10+$0x0], $0xffff;
	[tilespmem:v19+s11+$0x0] =	vst.idx.msk $0xffff, v20;
	v16 =	vor.u32 s22, v43  }
0x194: {  	[tilespmem:v38+s11+$0x0] =	vst.idx.msk $0xffff, v7  }
0x195: {  	v6 =	vor.u32 $0x9, v5;
	[tilespmem:v39+s11+$0x0] =	vst.idx.msk $0xffff, v8  }
0x196: {  	v15 =	vor.u32 $0x1C, v61;
	[tilespmem:v42+s11+$0x0] =	vst.idx.msk $0xffff, v9  }
0x197: {  	v10 =	vor.u32 $0x1B, v2;
	[tilespmem:v17+s11+$0x0] =	vst.idx.msk $0xffff, v12  }
0x198: {  	v7 =	vor.u32 $0xA, v4;
	v20 =	vld.idx.msk [tilespmem:v37+s10+$0x0], $0xffff;
	[tilespmem:v16+s11+$0x0] =	vst.idx.msk $0xffff, v11  }
0x199: {  	v18 =	vor.u32 $0x2F, v24;
	v19 =	vor.u32 s20, v50;
	v3 =	vld [tilespmem:$0x1FDF0]  }
0x19a: {  	v45 =	vor.u32 s18, v56;
	v6 =	vld.idx.msk [tilespmem:v6+s10+$0x0], $0xffff  }
0x19b: {  	v46 =	vor.u32 s15, v60;
	v9 =	vld.idx.msk [tilespmem:v15+s10+$0x0], $0xffff  }
0x19c: {  	v47 =	vor.u32 s16, v57;
	v10 =	vld.idx.msk [tilespmem:v10+s10+$0x0], $0xffff  }
0x19d: {  	v17 =	vor.u32 s17, v48;
	v7 =	vld.idx.msk [tilespmem:v7+s10+$0x0], $0xffff  }
0x19e: {  	v44 =	vor.u32 $0x2D, v1;
	v51 =	vld.idx.msk [tilespmem:v18+s10+$0x0], $0xffff;
	[tilespmem:v19+s11+$0x0] =	vst.idx.msk $0xffff, v20;
	v16 =	vor.u32 s22, v3  }
0x19f: {  	[tilespmem:v45+s11+$0x0] =	vst.idx.msk $0xffff, v6  }
0x1a0: {  	v8 =	vor.u32 $0xA, v5;
	[tilespmem:v46+s11+$0x0] =	vst.idx.msk $0xffff, v9  }
0x1a1: {  	v15 =	vor.u32 $0x1D, v61;
	[tilespmem:v47+s11+$0x0] =	vst.idx.msk $0xffff, v10  }
0x1a2: {  	v11 =	vor.u32 $0x1C, v2;
	[tilespmem:v17+s11+$0x0] =	vst.idx.msk $0xffff, v7  }
0x1a3: {  	v6 =	vor.u32 $0xB, v4;
	v20 =	vld.idx.msk [tilespmem:v44+s10+$0x0], $0xffff;
	[tilespmem:v16+s11+$0x0] =	vst.idx.msk $0xffff, v51  }
0x1a4: {  	v18 =	vor.u32 $0x30, v24;
	v19 =	vor.u32 s20, v52;
	v26 =	vld [tilespmem:$0x1FE00]  }
0x1a5: {  	v55 =	vor.u32 s18, v48;
	v8 =	vld.idx.msk [tilespmem:v8+s10+$0x0], $0xffff  }
0x1a6: {  	v54 =	vor.u32 $0x2E, v1;
	v56 =	vor.u32 s15, v32;
	v10 =	vld.idx.msk [tilespmem:v15+s10+$0x0], $0xffff  }
0x1a7: {  	v57 =	vor.u32 s16, v60;
	v9 =	vor.u32 $0xB, v5;
	v11 =	vld.idx.msk [tilespmem:v11+s10+$0x0], $0xffff  }
0x1a8: {  	v17 =	vor.u32 s17, v41;
	v15 =	vor.u32 $0x1E, v61;
	v6 =	vld.idx.msk [tilespmem:v6+s10+$0x0], $0xffff  }
0x1a9: {  	v58 =	vor.u32 $0x1D, v2;
	v7 =	vld.idx.msk [tilespmem:v18+s10+$0x0], $0xffff;
	[tilespmem:v19+s11+$0x0] =	vst.idx.msk $0xffff, v20;
	v16 =	vor.u32 s22, v26  }
0x1aa: {  	[tilespmem:v55+s11+$0x0] =	vst.idx.msk $0xffff, v8  }
0x1ab: {  	v8 =	vor.u32 $0xC, v4;
	[tilespmem:v56+s11+$0x0] =	vst.idx.msk $0xffff, v10;
	v20 =	vld.idx.msk [tilespmem:v54+s10+$0x0], $0xffff  }
0x1ac: {  	v18 =	vor.u32 $0x31, v24;
	v19 =	vor.u32 s20, v43;
	[tilespmem:v57+s11+$0x0] =	vst.idx.msk $0xffff, v11;
	v9 =	vld.idx.msk [tilespmem:v9+s10+$0x0], $0xffff  }
0x1ad: {  	[tilespmem:v17+s11+$0x0] =	vst.idx.msk $0xffff, v6;
	v11 =	vld.idx.msk [tilespmem:v15+s10+$0x0], $0xffff  }
0x1ae: {  	v60 =	vor.u32 s18, v41;
	v59 =	vor.u32 $0x2F, v1;
	v12 =	vld.idx.msk [tilespmem:v58+s10+$0x0], $0xffff;
	[tilespmem:v16+s11+$0x0] =	vst.idx.msk $0xffff, v7  }
0x1af: {  	v62 =	vor.u32 $0xC, v5;
	v6 =	vld [tilespmem:$0x1FE10]  }
0x1b0: {  	v37 =	vor.u32 s15, v63;
	v8 =	vld.idx.msk [tilespmem:v8+s10+$0x0], $0xffff  }
0x1b1: {  	v38 =	vor.u32 $0x1F, v61;
	v15 =	vor.u32 s16, v32;
	v17 =	vld.idx.msk [tilespmem:v18+s10+$0x0], $0xffff;
	[tilespmem:v19+s11+$0x0] =	vst.idx.msk $0xffff, v20  }
0x1b2: {  	v47 =	vmov v0;
	v0 =	vld [tilespmem:$0x1FE20]  }
0x1b3: {  	v16 =	vor.u32 $0x1E, v2;
	v19 =	vor.u32 s17, v36;
	v21 =	vld.idx.msk [tilespmem:v59+s10+$0x0], $0xffff;
	[tilespmem:v60+s11+$0x0] =	vst.idx.msk $0xffff, v9  }
0x1b4: {  	v9 =	vor.u32 $0xD, v4;
	v48 =	vld.idx.msk [tilespmem:v62+s10+$0x0], $0xffff;
	v18 =	vor.u32 s22, v6  }
0x1b5: {  	v22 =	vor.u32 s20, v3;
	v27 =	vor.u32 s20, v6;
	v6 =	vld [tilespmem:$0x1FE30];
	[tilespmem:v37+s11+$0x0] =	vst.idx.msk $0xffff, v11  }
0x1b6: {  	v39 =	vor.u32 $0x32, v24;
	[tilespmem:v15+s11+$0x0] =	vst.idx.msk $0xffff, v12;
	v14 =	vld.idx.msk [tilespmem:v38+s10+$0x0], $0xffff  }
0x1b7: {  	v43 =	vmov v53;
	v53 =	vld [tilespmem:$0x1FE40]  }
0x1b8: {  	v25 =	vmov v31;
	v31 =	vor.u32 s18, v36;
	v16 =	vld.idx.msk [tilespmem:v16+s10+$0x0], $0xffff;
	[tilespmem:v19+s11+$0x0] =	vst.idx.msk $0xffff, v8  }
0x1b9: {  	v10 =	vor.u32 $0x30, v1;
	v60 =	vor.u32 s16, v63;
	v9 =	vld.idx.msk [tilespmem:v9+s10+$0x0], $0xffff;
	[tilespmem:v18+s11+$0x0] =	vst.idx.msk $0xffff, v17  }
0x1ba: {  	v29 =	vor.u32 s20, v0;
	v63 =	vor.u32 s22, v0;
	v0 =	vor.u32 $0x36, v1;
	v3 =	vld [tilespmem:$0x1FE50];
	[tilespmem:v22+s11+$0x0] =	vst.idx.msk $0xffff, v21  }
0x1bb: {  	v59 =	vor.u32 s15, v25;
	v19 =	vld.idx.msk [tilespmem:v39+s10+$0x0], $0xffff;
	[tilespmem:$0x1F400] =	vst v0;
	v0 =	vor.u32 $0x37, v1  }
0x1bc: {  	v11 =	vor.u32 $0xD, v5;
	[tilespmem:$0x1F510] =	vst v0  }
0x1bd: {  	v0 =	vor.u32 $0x38, v1;
	[tilespmem:v31+s11+$0x0] =	vst.idx.msk $0xffff, v48  }
0x1be: {  	v62 =	vor.u32 $0x20, v61;
	v45 =	vld.idx.msk [tilespmem:v10+s10+$0x0], $0xffff;
	[tilespmem:$0x1F570] =	vst v0;
	v0 =	vor.u32 $0x39, v1  }
0x1bf: {  	[tilespmem:$0x1F620] =	vst v0  }
0x1c0: {  	v18 =	vor.u32 $0x1F, v2;
	v0 =	vor.u32 $0x3A, v1;
	[tilespmem:v59+s11+$0x0] =	vst.idx.msk $0xffff, v14  }
0x1c1: {  	v42 =	vor.u32 s17, v40;
	v48 =	vld.idx.msk [tilespmem:v11+s10+$0x0], $0xffff;
	[tilespmem:$0x1F6D0] =	vst v0  }
0x1c2: {  	v44 =	vor.u32 $0x33, v24;
	v0 =	vor.u32 $0x3B, v1;
	[tilespmem:v60+s11+$0x0] =	vst.idx.msk $0xffff, v16  }
0x1c3: {  	v26 =	vor.u32 s20, v26;
	v55 =	vld.idx.msk [tilespmem:v62+s10+$0x0], $0xffff;
	[tilespmem:$0x1F800] =	vst v0  }
0x1c4: {  	v0 =	vor.u32 $0x3C, v1;
	[tilespmem:v63+s11+$0x0] =	vst.idx.msk $0xffff, v19  }
0x1c5: {  	v18 =	vld.idx.msk [tilespmem:v18+s10+$0x0], $0xffff;
	[tilespmem:$0x1F8F0] =	vst v0  }
0x1c6: {  	v8 =	vor.u32 $0x3D, v1;
	[tilespmem:v42+s11+$0x0] =	vst.idx.msk $0xffff, v9  }
0x1c7: {  	v20 =	vld.idx.msk [tilespmem:v44+s10+$0x0], $0xffff;
	[tilespmem:$0x1F9E0] =	vst v8  }
0x1c8: {  	[tilespmem:v26+s11+$0x0] =	vst.idx.msk $0xffff, v45  }
0x1c9: {  	v8 =	vld [tilespmem:$0x1FD30]  }
0x1ca: {  	v31 =	vor.u32 $0xE, v4;
	_ =	sdelay $0x1  }
0x1cb: {  	v13 =	vor.u32 $0x35, v1;
	v46 =	vor.u32 s18, v40;
	v7 =	vor.u32 $0x31, v1  }
0x1cc: {  	v28 =	vor.u32 $0x32, v1;
	v23 =	vor.u32 $0x33, v1;
	v51 =	vor.u32 $0xE, v5  }
0x1cd: {  	v58 =	vor.u32 s15, v43;
	v0 =	vor.u32 s17, v8;
	v8 =	vor.u32 $0x3E, v1  }
0x1ce: {  	v57 =	vor.u32 $0x34, v1;
	v59 =	vor.u32 s16, v25;
	v63 =	vld.idx.msk [tilespmem:v31+s10+$0x0], $0xffff;
	v1 =	vor.u32 $0x3F, v1;
	[tilespmem:$0x1FB30] =	vst v8  }
0x1cf: {  	v62 =	vor.u32 s22, v6;
	[tilespmem:$0x1EF90] =	vst v1  }
0x1d0: {  	v1 =	vld.idx.msk [tilespmem:v7+s10+$0x0], $0xffff;
	[tilespmem:v46+s11+$0x0] =	vst.idx.msk $0xffff, v48  }
0x1d1: {  	v7 =	vor.u32 $0xF, v4;
	v8 =	vld [tilespmem:$0x1FD30]  }
0x1d2: {  	[tilespmem:v58+s11+$0x0] =	vst.idx.msk $0xffff, v55  }
0x1d3: {  	v60 =	vor.u32 $0x21, v61;
	v14 =	vld.idx.msk [tilespmem:v51+s10+$0x0], $0xffff;
	[tilespmem:v59+s11+$0x0] =	vst.idx.msk $0xffff, v18  }
0x1d4: {  	v19 =	vor.u32 $0x20, v2;
	v9 =	vld [tilespmem:$0x1FC60];
	[tilespmem:v62+s11+$0x0] =	vst.idx.msk $0xffff, v20  }
0x1d5: {  	v31 =	vor.u32 $0x34, v24;
	v10 =	vld [tilespmem:$0x1FFE0];
	[tilespmem:v0+s11+$0x0] =	vst.idx.msk $0xffff, v63  }
0x1d6: {  	[tilespmem:v27+s11+$0x0] =	vst.idx.msk $0xffff, v1;
	v1 =	vld.idx.msk [tilespmem:v7+s10+$0x0], $0xffff;
	v54 =	vor.u32 s18, v8  }
0x1d7: {  	v7 =	vld [tilespmem:$0x1FD40]  }
0x1d8: {  	v18 =	vld.idx.msk [tilespmem:v60+s10+$0x0], $0xffff  }
0x1d9: {  	v58 =	vor.u32 s15, v47;
	v19 =	vld.idx.msk [tilespmem:v19+s10+$0x0], $0xffff  }
0x1da: {  	v32 =	vor.u32 s16, v43;
	v55 =	vor.u32 $0xF, v5;
	v20 =	vld.idx.msk [tilespmem:v31+s10+$0x0], $0xffff  }
0x1db: {  	v59 =	vor.u32 $0x22, v61;
	v60 =	vor.u32 s22, v53;
	v25 =	vld [tilespmem:$0x1FFC0];
	[tilespmem:v54+s11+$0x0] =	vst.idx.msk $0xffff, v14  }
0x1dc: {  	v36 =	vor.u32 $0x21, v2;
	v62 =	vor.u32 s17, v7;
	v7 =	vld [tilespmem:$0x1FD40]  }
0x1dd: {  	v27 =	vor.u32 $0x35, v24  }
0x1de: {  	v31 =	vld.idx.msk [tilespmem:v28+s10+$0x0], $0xffff;
	[tilespmem:v58+s11+$0x0] =	vst.idx.msk $0xffff, v18  }
0x1df: {  	v63 =	vor.u32 $0x10, v4;
	v35 =	vld.idx.msk [tilespmem:v55+s10+$0x0], $0xffff;
	[tilespmem:v32+s11+$0x0] =	vst.idx.msk $0xffff, v19  }
0x1e0: {  	v41 =	vor.u32 s16, v49;
	[tilespmem:v60+s11+$0x0] =	vst.idx.msk $0xffff, v20;
	v32 =	vld.idx.msk [tilespmem:v59+s10+$0x0], $0xffff  }
0x1e1: {  	v56 =	vor.u32 s20, v6;
	v6 =	vmovc v49;
	v0 =	vor.u32 $0x2B, v2;
	v36 =	vld.idx.msk [tilespmem:v36+s10+$0x0], $0xffff;
	[tilespmem:v62+s11+$0x0] =	vst.idx.msk $0xffff, v1;
	v49 =	vor.u32 s18, v7  }
0x1e2: {  	v60 =	vld.idx.msk [tilespmem:v27+s10+$0x0], $0xffff;
	[tilespmem:$0x1F370] =	vst v0  }
0x1e3: {  	v0 =	vor.u32 $0x2C, v2;
	[tilespmem:v29+s11+$0x0] =	vst.idx.msk $0xffff, v31  }
0x1e4: {  	v38 =	vor.u32 s16, v30;
	v8 =	vmov v30;
	v30 =	vld.idx.msk [tilespmem:v63+s10+$0x0], $0xffff;
	[tilespmem:$0x1F480] =	vst v0;
	v0 =	vor.u32 $0x2D, v2  }
0x1e5: {  	v58 =	vor.u32 s15, v9;
	[tilespmem:$0x1F550] =	vst v0  }
0x1e6: {  	v18 =	vor.u32 $0x10, v5;
	v1 =	vld [tilespmem:$0x1FD50];
	v0 =	vor.u32 $0x2E, v2;
	[tilespmem:v49+s11+$0x0] =	vst.idx.msk $0xffff, v35  }
0x1e7: {  	v14 =	vld.idx.msk [tilespmem:v23+s10+$0x0], $0xffff;
	[tilespmem:$0x1F5A0] =	vst v0;
	v0 =	vor.u32 $0x2F, v2  }
0x1e8: {  	[tilespmem:$0x1F660] =	vst v0;
	v0 =	vor.u32 $0x30, v2  }
0x1e9: {  	v34 =	vor.u32 s16, v47;
	[tilespmem:$0x1F750] =	vst v0  }
0x1ea: {  	v59 =	vor.u32 $0x23, v61;
	v0 =	vor.u32 $0x31, v2;
	[tilespmem:v58+s11+$0x0] =	vst.idx.msk $0xffff, v32  }
0x1eb: {  	v49 =	vld.idx.msk [tilespmem:v18+s10+$0x0], $0xffff;
	[tilespmem:$0x1F880] =	vst v0;
	v0 =	vor.u32 $0x32, v2  }
0x1ec: {  	v40 =	vor.u32 $0x22, v2;
	v62 =	vor.u32 s22, v3;
	[tilespmem:$0x1F990] =	vst v0;
	v0 =	vor.u32 $0x33, v2  }
0x1ed: {  	[tilespmem:$0x1FA80] =	vst v0  }
0x1ee: {  	v0 =	vor.u32 $0x34, v2;
	[tilespmem:v34+s11+$0x0] =	vst.idx.msk $0xffff, v36  }
0x1ef: {  	v31 =	vor.u32 s17, v1;
	v1 =	vor.u32 $0x35, v2;
	v32 =	vld.idx.msk [tilespmem:v59+s10+$0x0], $0xffff;
	[tilespmem:$0x1FBC0] =	vst v0  }
0x1f0: {  	[tilespmem:$0x1EFA0] =	vst v1  }
0x1f1: {  	v1 =	vor.u32 $0x36, v2;
	v34 =	vld.idx.msk [tilespmem:v40+s10+$0x0], $0xffff;
	[tilespmem:v62+s11+$0x0] =	vst.idx.msk $0xffff, v60  }
0x1f2: {  	[tilespmem:$0x1EFB0] =	vst v1;
	v1 =	vld [tilespmem:$0x1FD50]  }
0x1f3: {  	v63 =	vor.u32 $0x36, v24;
	_ =	sdelay $0x1  }
0x1f4: {  	v20 =	vor.u32 $0x11, v4;
	_ =	sdelay $0x1  }
0x1f5: {  	[tilespmem:v31+s11+$0x0] =	vst.idx.msk $0xffff, v30;
	v22 =	vor.u32 s18, v1;
	v1 =	vor.u32 $0x37, v2  }
0x1f6: {  	v30 =	vld.idx.msk [tilespmem:v63+s10+$0x0], $0xffff;
	[tilespmem:$0x1EFC0] =	vst v1;
	v1 =	vor.u32 $0x38, v2  }
0x1f7: {  	[tilespmem:$0x1EFD0] =	vst v1;
	v1 =	vor.u32 $0x39, v2  }
0x1f8: {  	v35 =	vld.idx.msk [tilespmem:v20+s10+$0x0], $0xffff;
	[tilespmem:$0x1EFE0] =	vst v1;
	v1 =	vor.u32 $0x3A, v2  }
0x1f9: {  	s19 =	simm.s32 $0x70;
	[tilespmem:$0x1EFF0] =	vst v1;
	v1 =	vor.u32 $0x3B, v2  }
0x1fa: {  	v59 =	vld [tilespmem:s19+$0x0];
	[tilespmem:$0x1F000] =	vst v1  }
0x1fb: {  	v19 =	vld [tilespmem:$0x1FC70];
	[tilespmem:v56+s11+$0x0] =	vst.idx.msk $0xffff, v14  }
0x1fc: {  	v1 =	vld [tilespmem:$0x1FD60];
	_ =	sdelay $0x1  }
0x1fd: {  	v21 =	vor.u32 s15, v10;
	_ =	sdelay $0x2  }
0x1fe: {  	v29 =	vor.u32 s17, v1;
	v1 =	vor.u32 $0x3C, v2  }
0x1ff: {  	v63 =	vld [tilespmem:s19+$0xFFFFFFF0];
	[tilespmem:$0x1F010] =	vst v1  }
0x200: {  	v43 =	vor.u32 s16, v9;
	v1 =	vor.u32 $0x3D, v2;
	[tilespmem:v21+s11+$0x0] =	vst.idx.msk $0xffff, v32  }
0x201: {  	[tilespmem:$0x1F020] =	vst v1  }
0x202: {  	v1 =	vor.u32 $0x3E, v2;
	[tilespmem:v22+s11+$0x0] =	vst.idx.msk $0xffff, v49  }
0x203: {  	v32 =	vld.idx.msk [tilespmem:v57+s10+$0x0], $0xffff;
	[tilespmem:$0x1F030] =	vst v1;
	v1 =	vor.u32 $0x3F, v2  }
0x204: {  	[tilespmem:$0x1F040] =	vst v1  }
0x205: {  	v58 =	vor.u32 s22, v19;
	[tilespmem:v43+s11+$0x0] =	vst.idx.msk $0xffff, v34  }
0x206: {  	v1 =	vld [tilespmem:$0x1FD60];
	_ =	sdelay $0x3  }
0x207: {  	[tilespmem:v58+s11+$0x0] =	vst.idx.msk $0xffff, v30  }
0x208: {  	v14 =	vor.u32 s18, v1;
	v1 =	vld [tilespmem:$0x1FD70];
	_ =	sdelay $0x2  }
0x209: {  	v23 =	vor.u32 $0x24, v61  }
0x20a: {  	v12 =	vor.u32 s20, v53;
	[tilespmem:v29+s11+$0x0] =	vst.idx.msk $0xffff, v35  }
0x20b: {  	v11 =	vmov v50;
	v50 =	vor.u32 s18, v1;
	v1 =	vld [tilespmem:$0x1FD80]  }
0x20c: {  	v37 =	vor.u32 $0x27, v2;
	v17 =	vor.u32 $0x2A, v2  }
0x20d: {  	v39 =	vor.u32 $0x26, v2;
	v42 =	vor.u32 $0x25, v2;
	v46 =	vor.u32 $0x24, v2  }
0x20e: {  	v47 =	vor.u32 $0x23, v2;
	v28 =	vor.u32 $0x29, v2;
	v7 =	vor.u32 $0x28, v2;
	v2 =	vld.idx.msk [tilespmem:v23+s10+$0x0], $0xffff  }
0x20f: {  	v45 =	vor.u32 s15, v25;
	v31 =	vor.u32 $0x11, v5;
	v21 =	vld [tilespmem:$0x1FE60];
	[tilespmem:v12+s11+$0x0] =	vst.idx.msk $0xffff, v32  }
0x210: {  	v57 =	vor.u32 s18, v1;
	v1 =	vld [tilespmem:$0x1FD70];
	_ =	sdelay $0x3  }
0x211: {  	v31 =	vld.idx.msk [tilespmem:v31+s10+$0x0], $0xffff;
	[tilespmem:v45+s11+$0x0] =	vst.idx.msk $0xffff, v2  }
0x212: {  	v32 =	vor.u32 s17, v1;
	v1 =	vld [tilespmem:$0x1FD90];
	_ =	sdelay $0x3  }
0x213: {  	v53 =	vor.u32 $0x37, v24;
	v48 =	vor.u32 s16, v10;
	v62 =	vld.idx.msk [tilespmem:v47+s10+$0x0], $0xffff;
	[tilespmem:v14+s11+$0x0] =	vst.idx.msk $0xffff, v31  }
0x214: {  	v58 =	vor.u32 s18, v1;
	v1 =	vld [tilespmem:$0x1FDA0]  }
0x215: {  	v30 =	vshll.u32 v63, $0x6  }
0x216: {  	v36 =	vor.u32 $0x12, v4;
	_ =	sdelay $0x1  }
0x217: {  	v60 =	vor.u32 $0x25, v61;
	v29 =	vld.idx.msk [tilespmem:v53+s10+$0x0], $0xffff;
	v63 =	vor.u32 s22, v21;
	[tilespmem:v48+s11+$0x0] =	vst.idx.msk $0xffff, v62  }
0x218: {  	v45 =	vor.u32 s18, v1;
	v1 =	vld [tilespmem:$0x1FCD0]  }
0x219: {  	v49 =	vor.u32 $0x12, v5;
	v22 =	vshll.u32 v59, $0x6;
	v59 =	vld.idx.msk [tilespmem:v30+s10+$0x0], $0xffff  }
0x21a: {  	v26 =	vld.idx.msk [tilespmem:v36+s10+$0x0], $0xffff  }
0x21b: {  	v2 =	vld.idx.msk [tilespmem:v13+s10+$0x0], $0xffff  }
0x21c: {  	s21 =	simm.s32 $0x1C00;
	v15 =	vor.u32 s20, v3;
	v12 =	vor.u32 $0x38, v24;
	v31 =	vld.idx.msk [tilespmem:v60+s10+$0x0], $0xffff;
	[tilespmem:v63+s11+$0x0] =	vst.idx.msk $0xffff, v29  }
0x21d: {  	v14 =	vor.u32 s15, v6;
	v20 =	vor.u32 s21, v1;
	v1 =	vld [tilespmem:$0x1FCD0]  }
0x21e: {  	v44 =	vor.u32 s16, v25;
	v25 =	vor.u32 $0x13, v4;
	v49 =	vld.idx.msk [tilespmem:v49+s10+$0x0], $0xffff  }
0x21f: {  	v48 =	vld.idx.msk [tilespmem:v22+s10+$0x0], $0xffff;
	[tilespmem:v32+s11+$0x0] =	vst.idx.msk $0xffff, v26  }
0x220: {  	v27 =	vld [tilespmem:$0x1FE70]  }
0x221: {  	s19 =	simm.s32 $0x1800;
	v54 =	vld.idx.msk [tilespmem:v12+s10+$0x0], $0xffff;
	[tilespmem:v15+s11+$0x0] =	vst.idx.msk $0xffff, v2  }
0x222: {  	v0 =	vor.u32 $0x1D, v5;
	v2 =	vld [tilespmem:$0x1FD80];
	[tilespmem:v14+s11+$0x0] =	vst.idx.msk $0xffff, v31;
	v3 =	vor.u32 s19, v1  }
0x223: {  	v23 =	vor.u32 $0x26, v61;
	v26 =	vld.idx.msk [tilespmem:v25+s10+$0x0], $0xffff;
	[tilespmem:$0x1F650] =	vst v0  }
0x224: {  	v0 =	vor.u32 $0x1E, v5;
	[tilespmem:v20+s11+$0x0] =	vst.idx.msk $0xffff, v48  }
0x225: {  	v12 =	vor.u32 $0x1, v22;
	v55 =	vld.idx.msk [tilespmem:v46+s10+$0x0], $0xffff;
	v13 =	vor.u32 s22, v27;
	[tilespmem:$0x1F720] =	vst v0;
	v0 =	vor.u32 $0x1F, v5  }
0x226: {  	[tilespmem:$0x1F850] =	vst v0  }
0x227: {  	v0 =	vor.u32 $0x20, v5;
	[tilespmem:v3+s11+$0x0] =	vst.idx.msk $0xffff, v59  }
0x228: {  	v59 =	vld.idx.msk [tilespmem:v23+s10+$0x0], $0xffff;
	[tilespmem:$0x1F960] =	vst v0;
	v0 =	vor.u32 $0x21, v5  }
0x229: {  	v2 =	vor.u32 s17, v2;
	[tilespmem:$0x1FA50] =	vst v0  }
0x22a: {  	v1 =	vor.u32 $0x1, v30;
	v3 =	vor.u32 $0x23, v5;
	[tilespmem:v13+s11+$0x0] =	vst.idx.msk $0xffff, v54;
	v54 =	vld.idx.msk [tilespmem:v12+s10+$0x0], $0xffff  }
0x22b: {  	[tilespmem:$0x1F050] =	vst v3;
	v3 =	vld [tilespmem:$0x1FE90]  }
0x22c: {  	v14 =	vor.u32 $0x39, v24;
	v0 =	vor.u32 $0x22, v5  }
0x22d: {  	[tilespmem:$0x1FBA0] =	vst v0  }
0x22e: {  	v20 =	vor.u32 $0x14, v4;
	[tilespmem:v2+s11+$0x0] =	vst.idx.msk $0xffff, v26;
	v2 =	vor.u32 $0x24, v5  }
0x22f: {  	v51 =	vor.u32 $0x13, v5;
	v23 =	vor.u32 s15, v8;
	v1 =	vld.idx.msk [tilespmem:v1+s10+$0x0], $0xffff;
	[tilespmem:$0x1F060] =	vst v2  }
0x230: {  	[tilespmem:v50+s11+$0x0] =	vst.idx.msk $0xffff, v49;
	v33 =	vor.u32 s21, v3;
	v2 =	vor.u32 s19, v3;
	v3 =	vor.u32 $0x25, v5  }
0x231: {  	v49 =	vld.idx.msk [tilespmem:v14+s10+$0x0], $0xffff;
	[tilespmem:$0x1F070] =	vst v3  }
0x232: {  	v15 =	vld [tilespmem:$0x1FE80];
	v3 =	vor.u32 $0x26, v5;
	[tilespmem:v44+s11+$0x0] =	vst.idx.msk $0xffff, v55  }
0x233: {  	v13 =	vld.idx.msk [tilespmem:v20+s10+$0x0], $0xffff;
	[tilespmem:$0x1F080] =	vst v3  }
0x234: {  	v8 =	vld [tilespmem:$0x1FD90];
	v3 =	vor.u32 $0x27, v5;
	[tilespmem:v23+s11+$0x0] =	vst.idx.msk $0xffff, v59  }
0x235: {  	v51 =	vld.idx.msk [tilespmem:v51+s10+$0x0], $0xffff;
	[tilespmem:$0x1F090] =	vst v3;
	v3 =	vor.u32 $0x28, v5  }
0x236: {  	v26 =	vor.u32 $0x27, v61;
	[tilespmem:$0x1F0A0] =	vst v3  }
0x237: {  	v3 =	vor.u32 $0x29, v5;
	[tilespmem:v33+s11+$0x0] =	vst.idx.msk $0xffff, v54  }
0x238: {  	v12 =	vor.u32 s22, v15;
	v42 =	vld.idx.msk [tilespmem:v42+s10+$0x0], $0xffff;
	[tilespmem:$0x1F0B0] =	vst v3;
	v3 =	vor.u32 $0x2A, v5  }
0x239: {  	v62 =	vor.u32 $0x2, v22;
	[tilespmem:$0x1F0C0] =	vst v3  }
0x23a: {  	[tilespmem:v2+s11+$0x0] =	vst.idx.msk $0xffff, v1;
	v2 =	vor.u32 $0x2B, v5  }
0x23b: {  	v20 =	vor.u32 s17, v8;
	v1 =	vld.idx.msk [tilespmem:v26+s10+$0x0], $0xffff;
	[tilespmem:$0x1F0D0] =	vst v2;
	v2 =	vor.u32 $0x2C, v5  }
0x23c: {  	v14 =	vor.u32 $0x2, v30;
	v10 =	vld [tilespmem:$0x1FF40];
	[tilespmem:$0x1F0E0] =	vst v2  }
0x23d: {  	v3 =	vor.u32 $0x2D, v5;
	[tilespmem:v12+s11+$0x0] =	vst.idx.msk $0xffff, v49  }
0x23e: {  	v23 =	vor.u32 $0x3A, v24;
	v26 =	vld.idx.msk [tilespmem:v62+s10+$0x0], $0xffff;
	[tilespmem:$0x1F0F0] =	vst v3;
	v3 =	vor.u32 $0x2E, v5  }
0x23f: {  	v8 =	vld [tilespmem:$0x1FEA0];
	[tilespmem:$0x1F100] =	vst v3  }
0x240: {  	v33 =	vor.u32 $0x15, v4;
	v3 =	vor.u32 $0x2F, v5;
	[tilespmem:v20+s11+$0x0] =	vst.idx.msk $0xffff, v13  }
0x241: {  	v2 =	vor.u32 s15, v10;
	v44 =	vld.idx.msk [tilespmem:v14+s10+$0x0], $0xffff;
	[tilespmem:$0x1F110] =	vst v3  }
0x242: {  	v53 =	vor.u32 $0x14, v5;
	v3 =	vor.u32 $0x30, v5;
	[tilespmem:v57+s11+$0x0] =	vst.idx.msk $0xffff, v51  }
0x243: {  	v63 =	vld.idx.msk [tilespmem:v23+s10+$0x0], $0xffff;
	[tilespmem:$0x1F120] =	vst v3  }
0x244: {  	v49 =	vor.u32 s21, v8;
	v23 =	vld [tilespmem:$0x1FC80];
	v3 =	vor.u32 $0x31, v5;
	[tilespmem:v41+s11+$0x0] =	vst.idx.msk $0xffff, v42  }
0x245: {  	v14 =	vld.idx.msk [tilespmem:v33+s10+$0x0], $0xffff;
	[tilespmem:$0x1F130] =	vst v3  }
0x246: {  	v60 =	vor.u32 s19, v8;
	v8 =	vld [tilespmem:$0x1FDA0];
	[tilespmem:v2+s11+$0x0] =	vst.idx.msk $0xffff, v1;
	v2 =	vor.u32 $0x32, v5  }
0x247: {  	v1 =	vld.idx.msk [tilespmem:v53+s10+$0x0], $0xffff;
	[tilespmem:$0x1F140] =	vst v2;
	v2 =	vor.u32 $0x33, v5  }
0x248: {  	v62 =	vor.u32 $0x28, v61;
	[tilespmem:$0x1F150] =	vst v2  }
0x249: {  	v3 =	vor.u32 $0x34, v5;
	[tilespmem:v49+s11+$0x0] =	vst.idx.msk $0xffff, v26  }
0x24a: {  	v13 =	vor.u32 s22, v23;
	v26 =	vld.idx.msk [tilespmem:v39+s10+$0x0], $0xffff;
	[tilespmem:$0x1F160] =	vst v3;
	v3 =	vor.u32 $0x35, v5  }
0x24b: {  	v12 =	vor.u32 $0x3, v22;
	[tilespmem:$0x1F170] =	vst v3  }
0x24c: {  	v3 =	vor.u32 $0x36, v5;
	[tilespmem:v60+s11+$0x0] =	vst.idx.msk $0xffff, v44  }
0x24d: {  	v33 =	vor.u32 s17, v8;
	v59 =	vld.idx.msk [tilespmem:v62+s10+$0x0], $0xffff;
	[tilespmem:$0x1F180] =	vst v3;
	v3 =	vor.u32 $0x37, v5  }
0x24e: {  	v20 =	vor.u32 $0x3, v30;
	[tilespmem:$0x1F190] =	vst v3  }
0x24f: {  	v2 =	vor.u32 $0x3B, v24;
	v9 =	vld [tilespmem:$0x1FF50];
	v3 =	vor.u32 $0x38, v5;
	[tilespmem:v13+s11+$0x0] =	vst.idx.msk $0xffff, v63  }
0x250: {  	v49 =	vld.idx.msk [tilespmem:v12+s10+$0x0], $0xffff;
	[tilespmem:$0x1F1A0] =	vst v3;
	v3 =	vor.u32 $0x39, v5  }
0x251: {  	v57 =	vor.u32 $0x16, v4;
	v8 =	vld [tilespmem:$0x1FEB0];
	[tilespmem:$0x1F1B0] =	vst v3  }
0x252: {  	v3 =	vor.u32 $0x3A, v5;
	[tilespmem:v33+s11+$0x0] =	vst.idx.msk $0xffff, v14  }
0x253: {  	v63 =	vld.idx.msk [tilespmem:v20+s10+$0x0], $0xffff;
	[tilespmem:$0x1F1C0] =	vst v3  }
0x254: {  	[tilespmem:v58+s11+$0x0] =	vst.idx.msk $0xffff, v1;
	v1 =	vld.idx.msk [tilespmem:v2+s10+$0x0], $0xffff;
	v2 =	vor.u32 $0x3B, v5  }
0x255: {  	[tilespmem:$0x1F1D0] =	vst v2;
	v29 =	vld [tilespmem:$0x1FC90]  }
0x256: {  	v62 =	vor.u32 s21, v8;
	v12 =	vor.u32 s19, v8;
	v8 =	vor.u32 $0x3C, v5;
	[tilespmem:v38+s11+$0x0] =	vst.idx.msk $0xffff, v26;
	v26 =	vld.idx.msk [tilespmem:v57+s10+$0x0], $0xffff  }
0x257: {  	v60 =	vor.u32 s15, v9;
	[tilespmem:$0x1F1E0] =	vst v8;
	v8 =	vld [tilespmem:$0x1FDB0]  }
0x258: {  	v47 =	vor.u32 $0x15, v5;
	_ =	sdelay $0x2  }
0x259: {  	v40 =	vor.u32 $0x17, v5  }
0x25a: {  	v43 =	vor.u32 $0x16, v5;
	[tilespmem:v60+s11+$0x0] =	vst.idx.msk $0xffff, v59;
	v33 =	vor.u32 s17, v8;
	v8 =	vor.u32 $0x3D, v5  }
0x25b: {  	v34 =	vor.u32 $0x1A, v5;
	v35 =	vor.u32 $0x19, v5;
	v57 =	vld.idx.msk [tilespmem:v47+s10+$0x0], $0xffff;
	[tilespmem:$0x1F1F0] =	vst v8;
	v8 =	vor.u32 $0x3E, v5  }
0x25c: {  	v36 =	vor.u32 $0x18, v5;
	v2 =	vor.u32 $0x4, v22;
	v14 =	vor.u32 s22, v29;
	[tilespmem:$0x1F200] =	vst v8  }
0x25d: {  	v32 =	vor.u32 $0x1B, v5;
	v31 =	vor.u32 $0x1C, v5;
	v5 =	vor.u32 $0x3F, v5;
	[tilespmem:v62+s11+$0x0] =	vst.idx.msk $0xffff, v49  }
0x25e: {  	[tilespmem:$0x1F210] =	vst v5  }
0x25f: {  	v5 =	vld.idx.msk [tilespmem:v37+s10+$0x0], $0xffff;
	[tilespmem:v12+s11+$0x0] =	vst.idx.msk $0xffff, v63  }
0x260: {  	v13 =	vor.u32 $0x29, v61;
	v3 =	vld [tilespmem:$0x1FF60]  }
0x261: {  	v59 =	vor.u32 s16, v10;
	[tilespmem:v14+s11+$0x0] =	vst.idx.msk $0xffff, v1;
	v1 =	vld.idx.msk [tilespmem:v2+s10+$0x0], $0xffff  }
0x262: {  	v2 =	vld [tilespmem:$0x1FEC0];
	_ =	sdelay $0x1  }
0x263: {  	[tilespmem:v33+s11+$0x0] =	vst.idx.msk $0xffff, v26  }
0x264: {  	v62 =	vld.idx.msk [tilespmem:v13+s10+$0x0], $0xffff;
	[tilespmem:v45+s11+$0x0] =	vst.idx.msk $0xffff, v57;
	v63 =	vor.u32 s15, v3  }
0x265: {  	v14 =	vld [tilespmem:$0x1FCA0];
	[tilespmem:v59+s11+$0x0] =	vst.idx.msk $0xffff, v5  }
0x266: {  	v0 =	vor.u32 s21, v2;
	v51 =	vor.u32 s19, v2;
	v2 =	vld [tilespmem:$0x1FDC0];
	_ =	sdelay $0x2  }
0x267: {  	v8 =	vld [tilespmem:$0x1FF70];
	[tilespmem:v63+s11+$0x0] =	vst.idx.msk $0xffff, v62  }
0x268: {  	v46 =	vor.u32 s16, v3;
	v3 =	vld [tilespmem:$0x1FF80]  }
0x269: {  	v20 =	vor.u32 $0x4, v30;
	v56 =	vor.u32 s17, v2;
	v2 =	vld [tilespmem:$0x1FDB0];
	[tilespmem:v0+s11+$0x0] =	vst.idx.msk $0xffff, v1  }
0x26a: {  	v1 =	vld [tilespmem:$0x1FDC0];
	_ =	sdelay $0x2  }
0x26b: {  	v58 =	vor.u32 $0x3C, v24  }
0x26c: {  	v60 =	vor.u32 $0x17, v4;
	v26 =	vld.idx.msk [tilespmem:v20+s10+$0x0], $0xffff  }
0x26d: {  	v10 =	vor.u32 s18, v1;
	v1 =	vld [tilespmem:$0x1FC20];
	_ =	sdelay $0x2  }
0x26e: {  	v20 =	vor.u32 $0x2A, v61;
	v44 =	vld.idx.msk [tilespmem:v58+s10+$0x0], $0xffff  }
0x26f: {  	v5 =	vld.idx.msk [tilespmem:v60+s10+$0x0], $0xffff;
	v55 =	vor.u32 s22, v14;
	[tilespmem:v51+s11+$0x0] =	vst.idx.msk $0xffff, v26  }
0x270: {  	v58 =	vor.u32 s18, v1;
	v1 =	vld [tilespmem:$0x1FC30]  }
0x271: {  	v43 =	vld.idx.msk [tilespmem:v43+s10+$0x0], $0xffff;
	v33 =	vor.u32 s18, v2  }
0x272: {  	v38 =	vor.u32 s16, v9;
	v0 =	vld.idx.msk [tilespmem:v7+s10+$0x0], $0xffff  }
0x273: {  	v26 =	vld.idx.msk [tilespmem:v20+s10+$0x0], $0xffff  }
0x274: {  	v20 =	vld [tilespmem:$0x1FF10];
	[tilespmem:v55+s11+$0x0] =	vst.idx.msk $0xffff, v44  }
0x275: {  	v54 =	vor.u32 $0x5, v22;
	v51 =	vor.u32 s18, v1;
	v1 =	vld [tilespmem:$0x1FED0];
	[tilespmem:v56+s11+$0x0] =	vst.idx.msk $0xffff, v5  }
0x276: {  	v37 =	vor.u32 $0x5, v30;
	[tilespmem:v33+s11+$0x0] =	vst.idx.msk $0xffff, v43  }
0x277: {  	v48 =	vld [tilespmem:$0x1FCB0];
	[tilespmem:v38+s11+$0x0] =	vst.idx.msk $0xffff, v0  }
0x278: {  	v13 =	vor.u32 s15, v8;
	v0 =	vld [tilespmem:$0x1FCE0];
	_ =	sdelay $0x1  }
0x279: {  	v49 =	vor.u32 $0x3D, v24;
	v54 =	vld.idx.msk [tilespmem:v54+s10+$0x0], $0xffff  }
0x27a: {  	v7 =	vor.u32 $0x18, v4;
	v5 =	vld.idx.msk [tilespmem:v37+s10+$0x0], $0xffff  }
0x27b: {  	v18 =	vld [tilespmem:$0x1FEE0]  }
0x27c: {  	v60 =	vor.u32 s21, v1;
	v38 =	vor.u32 s19, v0;
	v0 =	vld [tilespmem:$0x1FC20];
	[tilespmem:v13+s11+$0x0] =	vst.idx.msk $0xffff, v26  }
0x27d: {  	v63 =	vor.u32 s19, v1;
	v1 =	vld [tilespmem:$0x1FC10]  }
0x27e: {  	v49 =	vld.idx.msk [tilespmem:v49+s10+$0x0], $0xffff;
	v37 =	vor.u32 $0x2B, v61  }
0x27f: {  	v7 =	vld.idx.msk [tilespmem:v7+s10+$0x0], $0xffff  }
0x280: {  	v47 =	vor.u32 s16, v8;
	v8 =	vld.idx.msk [tilespmem:v40+s10+$0x0], $0xffff;
	v33 =	vor.u32 s22, v48  }
0x281: {  	v57 =	vor.u32 $0x6, v22;
	v13 =	vld [tilespmem:$0x1FEF0];
	[tilespmem:v60+s11+$0x0] =	vst.idx.msk $0xffff, v54  }
0x282: {  	v28 =	vld.idx.msk [tilespmem:v28+s10+$0x0], $0xffff;
	[tilespmem:v63+s11+$0x0] =	vst.idx.msk $0xffff, v5;
	v53 =	vor.u32 s19, v1;
	v1 =	vor.u32 $0xD, v30  }
0x283: {  	v37 =	vld.idx.msk [tilespmem:v37+s10+$0x0], $0xffff;
	v0 =	vor.u32 s17, v0;
	[tilespmem:$0x1F7E0] =	vst v1;
	v1 =	vor.u32 $0xE, v30  }
0x284: {  	v55 =	vor.u32 $0x6, v30;
	[tilespmem:$0x1F8D0] =	vst v1  }
0x285: {  	v1 =	vor.u32 $0xF, v30;
	[tilespmem:v33+s11+$0x0] =	vst.idx.msk $0xffff, v49  }
0x286: {  	v57 =	vld.idx.msk [tilespmem:v57+s10+$0x0], $0xffff;
	[tilespmem:$0x1F9D0] =	vst v1;
	v1 =	vor.u32 $0x10, v30  }
0x287: {  	v50 =	vor.u32 $0x3E, v24;
	[tilespmem:$0x1FB10] =	vst v1  }
0x288: {  	v45 =	vor.u32 s16, v3;
	v5 =	vor.u32 s15, v3;
	v3 =	vor.u32 $0x11, v30;
	[tilespmem:v0+s11+$0x0] =	vst.idx.msk $0xffff, v7  }
0x289: {  	v2 =	vor.u32 $0x19, v4;
	v0 =	vld.idx.msk [tilespmem:v55+s10+$0x0], $0xffff;
	[tilespmem:$0x1F220] =	vst v3;
	v3 =	vor.u32 $0x12, v30  }
0x28a: {  	[tilespmem:$0x1F230] =	vst v3  }
0x28b: {  	v60 =	vld [tilespmem:$0x1FCE0];
	v3 =	vor.u32 $0x13, v30;
	[tilespmem:v10+s11+$0x0] =	vst.idx.msk $0xffff, v8  }
0x28c: {  	v8 =	vld.idx.msk [tilespmem:v50+s10+$0x0], $0xffff;
	[tilespmem:$0x1F240] =	vst v3  }
0x28d: {  	v9 =	vor.u32 s19, v18;
	v1 =	vor.u32 s21, v18;
	v18 =	vor.u32 $0x14, v30;
	v43 =	vld [tilespmem:$0x1FCC0];
	[tilespmem:v46+s11+$0x0] =	vst.idx.msk $0xffff, v28  }
0x28e: {  	v2 =	vld.idx.msk [tilespmem:v2+s10+$0x0], $0xffff;
	[tilespmem:$0x1F250] =	vst v18;
	v18 =	vor.u32 $0x15, v30  }
0x28f: {  	[tilespmem:$0x1F260] =	vst v18;
	v18 =	vld [tilespmem:$0x1FC30];
	_ =	sdelay $0x4  }
0x290: {  	v46 =	vld [tilespmem:$0x1FCD0];
	[tilespmem:v5+s11+$0x0] =	vst.idx.msk $0xffff, v37;
	v28 =	vor.u32 s17, v18;
	v18 =	vor.u32 $0x16, v30  }
0x291: {  	v5 =	vld.idx.msk [tilespmem:v36+s10+$0x0], $0xffff;
	[tilespmem:$0x1F270] =	vst v18;
	v18 =	vor.u32 $0x17, v30  }
0x292: {  	v7 =	vor.u32 $0x2C, v61;
	[tilespmem:$0x1F280] =	vst v18;
	v18 =	vor.u32 $0x18, v30  }
0x293: {  	[tilespmem:$0x1F290] =	vst v18  }
0x294: {  	v18 =	vor.u32 $0x19, v30;
	[tilespmem:v1+s11+$0x0] =	vst.idx.msk $0xffff, v57  }
0x295: {  	v63 =	vor.u32 s22, v43;
	v1 =	vld.idx.msk [tilespmem:v17+s10+$0x0], $0xffff;
	[tilespmem:$0x1F2A0] =	vst v18;
	v18 =	vor.u32 $0x1A, v30  }
0x296: {  	v10 =	vor.u32 $0x7, v22;
	[tilespmem:$0x1F2B0] =	vst v18  }
0x297: {  	[tilespmem:v9+s11+$0x0] =	vst.idx.msk $0xffff, v0;
	v0 =	vld.idx.msk [tilespmem:v7+s10+$0x0], $0xffff;
	v7 =	vor.u32 $0x1B, v30  }
0x298: {  	[tilespmem:$0x1F2C0] =	vst v7;
	v7 =	vor.u32 $0x1C, v30  }
0x299: {  	v59 =	vor.u32 $0x7, v30;
	[tilespmem:$0x1F2D0] =	vst v7  }
0x29a: {  	v9 =	vor.u32 $0x1D, v30;
	[tilespmem:v63+s11+$0x0] =	vst.idx.msk $0xffff, v8  }
0x29b: {  	v8 =	vld.idx.msk [tilespmem:v10+s10+$0x0], $0xffff;
	[tilespmem:$0x1F2E0] =	vst v9;
	v9 =	vor.u32 $0x1E, v30  }
0x29c: {  	v12 =	vor.u32 $0x3F, v24;
	[tilespmem:$0x1F2F0] =	vst v9  }
0x29d: {  	v10 =	vor.u32 $0x1F, v30;
	[tilespmem:v28+s11+$0x0] =	vst.idx.msk $0xffff, v2  }
0x29e: {  	v24 =	vor.u32 $0x1A, v4;
	v3 =	vor.u32 $0x3F, v46;
	v2 =	vld.idx.msk [tilespmem:v59+s10+$0x0], $0xffff;
	[tilespmem:$0x1F300] =	vst v10  }
0x29f: {  	v62 =	vmov v11;
	[tilespmem:$0x1FC00] =	vst v3  }
0x2a0: {  	v37 =	vor.u32 $0x20, v30;
	v7 =	vor.u32 s15, v62;
	[tilespmem:v58+s11+$0x0] =	vst.idx.msk $0xffff, v5  }
0x2a1: {  	v5 =	vld.idx.msk [tilespmem:v12+s10+$0x0], $0xffff;
	[tilespmem:$0x1F310] =	vst v37  }
0x2a2: {  	v18 =	vor.u32 $0x21, v30;
	v59 =	vld [tilespmem:$0x1FC40];
	[tilespmem:v47+s11+$0x0] =	vst.idx.msk $0xffff, v1  }
0x2a3: {  	v1 =	vld.idx.msk [tilespmem:v24+s10+$0x0], $0xffff;
	[tilespmem:$0x1F320] =	vst v18;
	v18 =	vor.u32 $0x22, v30  }
0x2a4: {  	v9 =	vor.u32 s21, v60;
	[tilespmem:$0x1F330] =	vst v18  }
0x2a5: {  	[tilespmem:v7+s11+$0x0] =	vst.idx.msk $0xffff, v0;
	v7 =	vor.u32 $0x23, v30  }
0x2a6: {  	v0 =	vld.idx.msk [tilespmem:v35+s10+$0x0], $0xffff;
	[tilespmem:$0x1F340] =	vst v7;
	v7 =	vor.u32 $0x24, v30  }
0x2a7: {  	[tilespmem:$0x1F350] =	vst v7;
	v7 =	vor.u32 $0x25, v30  }
0x2a8: {  	[tilespmem:$0x1F360] =	vst v7  }
0x2a9: {  	[tilespmem:v9+s11+$0x0] =	vst.idx.msk $0xffff, v8  }
0x2aa: {  	v28 =	vor.u32 s22, v3;
	v3 =	vld [tilespmem:$0x1F370];
	_ =	sdelay $0x5  }
0x2ab: {  	v10 =	vor.u32 $0x2D, v61  }
0x2ac: {  	v8 =	vor.u32 $0x26, v30  }
0x2ad: {  	v7 =	vld.idx.msk [tilespmem:v3+s10+$0x0], $0xffff;
	[tilespmem:$0x1F380] =	vst v8;
	v8 =	vor.u32 $0x27, v30  }
0x2ae: {  	v49 =	vor.u32 $0x8, v22;
	[tilespmem:$0x1F390] =	vst v8  }
0x2af: {  	v9 =	vor.u32 $0x28, v30;
	[tilespmem:v38+s11+$0x0] =	vst.idx.msk $0xffff, v2  }
0x2b0: {  	v24 =	vor.u32 s17, v20;
	v2 =	vld.idx.msk [tilespmem:v10+s10+$0x0], $0xffff;
	[tilespmem:$0x1F3A0] =	vst v9;
	v9 =	vor.u32 $0x29, v30  }
0x2b1: {  	v56 =	vor.u32 $0x8, v30;
	[tilespmem:$0x1F3B0] =	vst v9  }
0x2b2: {  	v10 =	vor.u32 $0x2A, v30;
	[tilespmem:v28+s11+$0x0] =	vst.idx.msk $0xffff, v5  }
0x2b3: {  	v5 =	vld.idx.msk [tilespmem:v49+s10+$0x0], $0xffff;
	[tilespmem:$0x1F3C0] =	vst v10;
	v10 =	vor.u32 $0x2B, v30  }
0x2b4: {  	[tilespmem:$0x1F3D0] =	vst v10  }
0x2b5: {  	v50 =	vor.u32 $0x2C, v30;
	[tilespmem:v24+s11+$0x0] =	vst.idx.msk $0xffff, v1  }
0x2b6: {  	v54 =	vor.u32 $0x2D, v30;
	v1 =	vld.idx.msk [tilespmem:v56+s10+$0x0], $0xffff;
	[tilespmem:$0x1F3E0] =	vst v50  }
0x2b7: {  	[tilespmem:$0x1F3F0] =	vst v54  }
0x2b8: {  	v18 =	vld [tilespmem:$0x1FC10];
	[tilespmem:v51+s11+$0x0] =	vst.idx.msk $0xffff, v0  }
0x2b9: {  	v0 =	vld [tilespmem:$0x1F400];
	_ =	sdelay $0x4  }
0x2ba: {  	v8 =	vor.u32 $0x1B, v4;
	_ =	sdelay $0x1  }
0x2bb: {  	v17 =	vor.u32 $0x2E, v30  }
0x2bc: {  	v9 =	vor.u32 s15, v52;
	v0 =	vld.idx.msk [tilespmem:v0+s10+$0x0], $0xffff;
	[tilespmem:$0x1F410] =	vst v17;
	v17 =	vor.u32 $0x2F, v30  }
0x2bd: {  	[tilespmem:$0x1F420] =	vst v17  }
0x2be: {  	[tilespmem:v45+s11+$0x0] =	vst.idx.msk $0xffff, v7;
	v7 =	vld.idx.msk [tilespmem:v8+s10+$0x0], $0xffff;
	v8 =	vor.u32 $0x30, v30  }
0x2bf: {  	[tilespmem:$0x1F430] =	vst v8;
	v8 =	vor.u32 $0x31, v30  }
0x2c0: {  	v10 =	vor.u32 s21, v13;
	v33 =	vld [tilespmem:$0x1FCF0];
	[tilespmem:$0x1F440] =	vst v8  }
0x2c1: {  	v3 =	vld [tilespmem:$0x1FFA0];
	[tilespmem:v9+s11+$0x0] =	vst.idx.msk $0xffff, v2;
	v9 =	vor.u32 $0x32, v30  }
0x2c2: {  	v2 =	vld.idx.msk [tilespmem:v34+s10+$0x0], $0xffff;
	[tilespmem:$0x1F450] =	vst v9;
	v9 =	vor.u32 $0x33, v30  }
0x2c3: {  	[tilespmem:$0x1F460] =	vst v9;
	v9 =	vor.u32 $0x34, v30  }
0x2c4: {  	[tilespmem:$0x1F470] =	vst v9  }
0x2c5: {  	[tilespmem:v10+s11+$0x0] =	vst.idx.msk $0xffff, v5  }
0x2c6: {  	v5 =	vld [tilespmem:$0x1F480];
	_ =	sdelay $0x4  }
0x2c7: {  	v41 =	vor.u32 s16, v11;
	v11 =	vor.u32 s19, v13  }
0x2c8: {  	v55 =	vor.u32 $0x2E, v61  }
0x2c9: {  	v9 =	vor.u32 $0x35, v30  }
0x2ca: {  	v39 =	vor.u32 s20, v19;
	v5 =	vld.idx.msk [tilespmem:v5+s10+$0x0], $0xffff;
	[tilespmem:$0x1F490] =	vst v9;
	v9 =	vor.u32 $0x36, v30  }
0x2cb: {  	v17 =	vor.u32 $0x9, v22;
	[tilespmem:$0x1F4A0] =	vst v9  }
0x2cc: {  	v10 =	vor.u32 $0x37, v30;
	[tilespmem:v11+s11+$0x0] =	vst.idx.msk $0xffff, v1  }
0x2cd: {  	v8 =	vor.u32 s17, v3;
	v1 =	vld.idx.msk [tilespmem:v55+s10+$0x0], $0xffff;
	[tilespmem:$0x1F4B0] =	vst v10;
	v10 =	vor.u32 $0x38, v30  }
0x2ce: {  	v44 =	vor.u32 $0x9, v30;
	[tilespmem:$0x1F4C0] =	vst v10  }
0x2cf: {  	v11 =	vor.u32 $0x39, v30;
	v25 =	vld [tilespmem:$0x1FDE0];
	[tilespmem:v39+s11+$0x0] =	vst.idx.msk $0xffff, v0  }
0x2d0: {  	v42 =	vor.u32 s18, v20;
	v0 =	vld.idx.msk [tilespmem:v17+s10+$0x0], $0xffff;
	[tilespmem:$0x1F4D0] =	vst v11;
	v11 =	vor.u32 $0x3A, v30  }
0x2d1: {  	[tilespmem:$0x1F4E0] =	vst v11  }
0x2d2: {  	[tilespmem:v8+s11+$0x0] =	vst.idx.msk $0xffff, v7;
	v8 =	vor.u32 $0x3B, v30  }
0x2d3: {  	v7 =	vld.idx.msk [tilespmem:v44+s10+$0x0], $0xffff;
	[tilespmem:$0x1F4F0] =	vst v8;
	v8 =	vor.u32 $0x3C, v30  }
0x2d4: {  	[tilespmem:$0x1F500] =	vst v8  }
0x2d5: {  	v44 =	vld [tilespmem:$0x1FD70];
	[tilespmem:v42+s11+$0x0] =	vst.idx.msk $0xffff, v2  }
0x2d6: {  	v2 =	vld [tilespmem:$0x1F510];
	_ =	sdelay $0x6  }
0x2d7: {  	v56 =	vor.u32 $0x3D, v30;
	v9 =	vor.u32 $0x1C, v4;
	v10 =	vor.u32 s15, v25  }
0x2d8: {  	v58 =	vor.u32 $0x3E, v30;
	v2 =	vld.idx.msk [tilespmem:v2+s10+$0x0], $0xffff;
	[tilespmem:$0x1F520] =	vst v56  }
0x2d9: {  	v11 =	vor.u32 s21, v18;
	[tilespmem:$0x1F530] =	vst v58  }
0x2da: {  	v42 =	vld [tilespmem:$0x1FD60];
	[tilespmem:v41+s11+$0x0] =	vst.idx.msk $0xffff, v5;
	v5 =	vor.u32 $0x3F, v30  }
0x2db: {  	v41 =	vld [tilespmem:$0x1FD00];
	[tilespmem:$0x1F540] =	vst v5  }
0x2dc: {  	v28 =	vmov v15;
	v5 =	vld.idx.msk [tilespmem:v9+s10+$0x0], $0xffff;
	[tilespmem:v10+s11+$0x0] =	vst.idx.msk $0xffff, v1;
	v10 =	vor.u32 s20, v15;
	v15 =	vor.u32 s20, v23  }
0x2dd: {  	v1 =	vld.idx.msk [tilespmem:v32+s10+$0x0], $0xffff;
	[tilespmem:$0x1F7D0] =	vst v15  }
0x2de: {  	[tilespmem:v11+s11+$0x0] =	vst.idx.msk $0xffff, v0  }
0x2df: {  	v0 =	vld [tilespmem:$0x1F550];
	_ =	sdelay $0x3  }
0x2e0: {  	v8 =	vor.u32 $0x2F, v61;
	_ =	sdelay $0x2  }
0x2e1: {  	v57 =	vmov v60;
	v60 =	vor.u32 $0xA, v22;
	v11 =	vor.u32 s20, v29  }
0x2e2: {  	v40 =	vor.u32 $0xA, v30;
	v17 =	vor.u32 s17, v59;
	v9 =	vor.u32 s20, v21;
	v0 =	vld.idx.msk [tilespmem:v0+s10+$0x0], $0xffff;
	[tilespmem:$0x1F8C0] =	vst v11  }
0x2e3: {  	v11 =	vor.u32 s18, v3;
	v3 =	vor.u32 s20, v14;
	[tilespmem:v53+s11+$0x0] =	vst.idx.msk $0xffff, v7;
	v7 =	vld.idx.msk [tilespmem:v8+s10+$0x0], $0xffff  }
0x2e4: {  	v55 =	vld [tilespmem:$0x1FDC0];
	[tilespmem:$0x1F9C0] =	vst v3;
	v3 =	vor.u32 s20, v48  }
0x2e5: {  	v63 =	vor.u32 s20, v43;
	v49 =	vmov v21;
	v21 =	vmov v23;
	v23 =	vld [tilespmem:$0x1FDF0];
	[tilespmem:$0x1FB00] =	vst v3  }
0x2e6: {  	v16 =	vor.u32 $0xB, v30;
	v26 =	vor.u32 $0xC, v30;
	v30 =	vld.idx.msk [tilespmem:v60+s10+$0x0], $0xffff;
	[tilespmem:$0x1F560] =	vst v63  }
0x2e7: {  	[tilespmem:v9+s11+$0x0] =	vst.idx.msk $0xffff, v2;
	v2 =	vld.idx.msk [tilespmem:v40+s10+$0x0], $0xffff  }
0x2e8: {  	v40 =	vld [tilespmem:$0x1FD20];
	[tilespmem:v17+s11+$0x0] =	vst.idx.msk $0xffff, v5  }
0x2e9: {  	v3 =	vld [tilespmem:$0x1F570]  }
0x2ea: {  	v53 =	vld [tilespmem:$0x1FDB0]  }
0x2eb: {  	v17 =	vld [tilespmem:$0x1FE00];
	[tilespmem:v11+s11+$0x0] =	vst.idx.msk $0xffff, v1  }
0x2ec: {  	v6 =	vld [tilespmem:$0x1FE10]  }
0x2ed: {  	v24 =	vor.u32 $0x1D, v4;
	v13 =	vld [tilespmem:$0x1FE20]  }
0x2ee: {  	v15 =	vmov v14;
	v14 =	vld [tilespmem:$0x1FE30];
	_ =	sdelay $0x1  }
0x2ef: {  	v8 =	vor.u32 s16, v52  }
0x2f0: {  	v5 =	vld.idx.msk [tilespmem:v3+s10+$0x0], $0xffff;
	v3 =	vor.u32 s16, v6  }
0x2f1: {  	v1 =	vld.idx.msk [tilespmem:v24+s10+$0x0], $0xffff;
	[tilespmem:$0x1F950] =	vst v3;
	v3 =	vor.u32 s16, v13  }
0x2f2: {  	[tilespmem:$0x1FA40] =	vst v3;
	v3 =	vor.u32 s16, v14  }
0x2f3: {  	[tilespmem:$0x1FB90] =	vst v3  }
0x2f4: {  	[tilespmem:v8+s11+$0x0] =	vst.idx.msk $0xffff, v0  }
0x2f5: {  	v51 =	vld [tilespmem:$0x1FE40]  }
0x2f6: {  	v45 =	vld [tilespmem:$0x1FE50];
	_ =	sdelay $0x1  }
0x2f7: {  	v20 =	vor.u32 s15, v23;
	_ =	sdelay $0x1  }
0x2f8: {  	v8 =	vor.u32 s16, v51  }
0x2f9: {  	v0 =	vld.idx.msk [tilespmem:v31+s10+$0x0], $0xffff;
	[tilespmem:$0x1F580] =	vst v8;
	v8 =	vor.u32 s16, v45  }
0x2fa: {  	[tilespmem:$0x1F590] =	vst v8  }
0x2fb: {  	v8 =	vld [tilespmem:$0x1FC50];
	[tilespmem:v20+s11+$0x0] =	vst.idx.msk $0xffff, v7  }
0x2fc: {  	v3 =	vld [tilespmem:$0x1F5A0];
	_ =	sdelay $0x3  }
0x2fd: {  	v35 =	vor.u32 s21, v33  }
0x2fe: {  	v56 =	vor.u32 $0x30, v61;
	_ =	sdelay $0x1  }
0x2ff: {  	v11 =	vor.u32 s16, v19  }
0x300: {  	v60 =	vor.u32 s19, v33;
	v7 =	vld.idx.msk [tilespmem:v3+s10+$0x0], $0xffff;
	[tilespmem:$0x1F5B0] =	vst v11  }
0x301: {  	v58 =	vmov v27;
	v63 =	vor.u32 $0xB, v22;
	[tilespmem:v35+s11+$0x0] =	vst.idx.msk $0xffff, v30;
	v35 =	vor.u32 s16, v49  }
0x302: {  	v36 =	vor.u32 s16, v58;
	v30 =	vld.idx.msk [tilespmem:v56+s10+$0x0], $0xffff;
	[tilespmem:$0x1F5C0] =	vst v35  }
0x303: {  	v50 =	vor.u32 s16, v28;
	v27 =	vor.u32 s20, v27;
	[tilespmem:$0x1F5D0] =	vst v36  }
0x304: {  	[tilespmem:$0x1F5E0] =	vst v50  }
0x305: {  	v54 =	vor.u32 s16, v21;
	v8 =	vor.u32 s17, v8;
	[tilespmem:v60+s11+$0x0] =	vst.idx.msk $0xffff, v2  }
0x306: {  	v56 =	vor.u32 s16, v29;
	v2 =	vld.idx.msk [tilespmem:v63+s10+$0x0], $0xffff;
	[tilespmem:$0x1F5F0] =	vst v54  }
0x307: {  	[tilespmem:$0x1F600] =	vst v56  }
0x308: {  	v18 =	vor.u32 s16, v15;
	v39 =	vld [tilespmem:$0x1FD50];
	[tilespmem:v27+s11+$0x0] =	vst.idx.msk $0xffff, v5  }
0x309: {  	v5 =	vld.idx.msk [tilespmem:v16+s10+$0x0], $0xffff;
	[tilespmem:$0x1F610] =	vst v18  }
0x30a: {  	v50 =	vld [tilespmem:$0x1FC50];
	[tilespmem:v8+s11+$0x0] =	vst.idx.msk $0xffff, v1  }
0x30b: {  	v1 =	vld [tilespmem:$0x1F620];
	_ =	sdelay $0x3  }
0x30c: {  	v11 =	vor.u32 s18, v59  }
0x30d: {  	v37 =	vmovc v52;
	v52 =	vmov v33;
	v33 =	vmov v19;
	v19 =	vor.u32 $0x1E, v4  }
0x30e: {  	v32 =	vor.u32 s16, v25  }
0x30f: {  	v8 =	vor.u32 s16, v48  }
0x310: {  	v1 =	vld.idx.msk [tilespmem:v1+s10+$0x0], $0xffff;
	[tilespmem:$0x1F630] =	vst v8  }
0x311: {  	v8 =	vor.u32 s16, v43;
	[tilespmem:v11+s11+$0x0] =	vst.idx.msk $0xffff, v0  }
0x312: {  	v0 =	vld.idx.msk [tilespmem:v19+s10+$0x0], $0xffff;
	[tilespmem:$0x1F640] =	vst v8  }
0x313: {  	v8 =	vld [tilespmem:$0x1FDD0];
	[tilespmem:v32+s11+$0x0] =	vst.idx.msk $0xffff, v7  }
0x314: {  	v3 =	vld [tilespmem:$0x1F650];
	_ =	sdelay $0x7  }
0x315: {  	v7 =	vld.idx.msk [tilespmem:v3+s10+$0x0], $0xffff  }
0x316: {  	v3 =	vld [tilespmem:$0x1FF90];
	_ =	sdelay $0x1  }
0x317: {  	v31 =	vor.u32 s15, v17;
	_ =	sdelay $0x2  }
0x318: {  	v38 =	vor.u32 s18, v8;
	v8 =	vor.u32 s18, v3  }
0x319: {  	v20 =	vld [tilespmem:$0x1FF00];
	[tilespmem:$0x1FA00] =	vst v8  }
0x31a: {  	v18 =	vld [tilespmem:$0x1FDD0];
	[tilespmem:v31+s11+$0x0] =	vst.idx.msk $0xffff, v30  }
0x31b: {  	v8 =	vld [tilespmem:$0x1F660];
	_ =	sdelay $0x2  }
0x31c: {  	v24 =	vld [tilespmem:$0x1FF30];
	_ =	sdelay $0x4  }
0x31d: {  	v16 =	vld.idx.msk [tilespmem:v8+s10+$0x0], $0xffff;
	v8 =	vor.u32 s18, v24  }
0x31e: {  	[tilespmem:$0x1FB50] =	vst v8;
	v8 =	vld [tilespmem:$0x1FC60];
	_ =	sdelay $0x1  }
0x31f: {  	v27 =	vor.u32 s21, v41;
	_ =	sdelay $0x2  }
0x320: {  	v12 =	vmov v15;
	v15 =	vor.u32 s18, v8  }
0x321: {  	[tilespmem:$0x1F670] =	vst v15  }
0x322: {  	v34 =	vor.u32 $0x31, v61;
	[tilespmem:v27+s11+$0x0] =	vst.idx.msk $0xffff, v2  }
0x323: {  	v15 =	vld [tilespmem:$0x1FFE0];
	_ =	sdelay $0x3  }
0x324: {  	v2 =	vld.idx.msk [tilespmem:v34+s10+$0x0], $0xffff  }
0x325: {  	v34 =	vor.u32 s18, v15;
	v15 =	vld [tilespmem:$0x1FFC0];
	_ =	sdelay $0x4  }
0x326: {  	v15 =	vor.u32 s18, v15  }
0x327: {  	[tilespmem:$0x1F680] =	vst v15;
	v15 =	vld [tilespmem:$0x1FFF0];
	_ =	sdelay $0x1  }
0x328: {  	v35 =	vor.u32 s19, v41;
	_ =	sdelay $0x2  }
0x329: {  	v15 =	vor.u32 s18, v15  }
0x32a: {  	[tilespmem:$0x1F690] =	vst v15  }
0x32b: {  	[tilespmem:v35+s11+$0x0] =	vst.idx.msk $0xffff, v5  }
0x32c: {  	v60 =	vor.u32 $0xC, v22;
	v15 =	vld [tilespmem:$0x1FF20];
	_ =	sdelay $0x4  }
0x32d: {  	v5 =	vld.idx.msk [tilespmem:v60+s10+$0x0], $0xffff;
	v15 =	vor.u32 s18, v15  }
0x32e: {  	[tilespmem:$0x1F6A0] =	vst v15;
	v15 =	vld [tilespmem:$0x1FF40];
	_ =	sdelay $0x4  }
0x32f: {  	v15 =	vor.u32 s18, v15  }
0x330: {  	[tilespmem:$0x1F6B0] =	vst v15  }
0x331: {  	v36 =	vld [tilespmem:$0x1FD10];
	[tilespmem:v10+s11+$0x0] =	vst.idx.msk $0xffff, v1  }
0x332: {  	v63 =	vor.u32 s17, v18;
	v18 =	vmov v6;
	v27 =	vor.u32 s15, v6;
	v6 =	vld [tilespmem:$0x1FF50];
	_ =	sdelay $0x4  }
0x333: {  	v10 =	vor.u32 s18, v6  }
0x334: {  	v1 =	vld.idx.msk [tilespmem:v26+s10+$0x0], $0xffff;
	[tilespmem:$0x1F6C0] =	vst v10  }
0x335: {  	[tilespmem:v63+s11+$0x0] =	vst.idx.msk $0xffff, v0  }
0x336: {  	v0 =	vld [tilespmem:$0x1F6D0];
	_ =	sdelay $0x1  }
0x337: {  	v63 =	vld [tilespmem:$0x1FF60];
	_ =	sdelay $0x1  }
0x338: {  	v11 =	vor.u32 s18, v50;
	_ =	sdelay $0x2  }
0x339: {  	v15 =	vor.u32 s18, v63  }
0x33a: {  	v0 =	vld.idx.msk [tilespmem:v0+s10+$0x0], $0xffff;
	[tilespmem:$0x1F6E0] =	vst v15  }
0x33b: {  	[tilespmem:v11+s11+$0x0] =	vst.idx.msk $0xffff, v7  }
0x33c: {  	v56 =	vld [tilespmem:$0x1FF70]  }
0x33d: {  	v30 =	vor.u32 $0x1F, v4;
	v60 =	vld [tilespmem:$0x1FF80];
	_ =	sdelay $0x2  }
0x33e: {  	v9 =	vor.u32 s16, v23  }
0x33f: {  	v11 =	vor.u32 s18, v56  }
0x340: {  	v7 =	vld.idx.msk [tilespmem:v30+s10+$0x0], $0xffff;
	[tilespmem:$0x1F6F0] =	vst v11;
	v11 =	vor.u32 s18, v60  }
0x341: {  	[tilespmem:$0x1F700] =	vst v11;
	v11 =	vor.u32 s18, v62  }
0x342: {  	[tilespmem:$0x1F710] =	vst v11  }
0x343: {  	[tilespmem:v9+s11+$0x0] =	vst.idx.msk $0xffff, v16  }
0x344: {  	v6 =	vld [tilespmem:$0x1F720];
	_ =	sdelay $0x6  }
0x345: {  	v11 =	vor.u32 s18, v37  }
0x346: {  	v9 =	vld.idx.msk [tilespmem:v6+s10+$0x0], $0xffff;
	[tilespmem:$0x1F730] =	vst v11;
	v11 =	vor.u32 s18, v25  }
0x347: {  	[tilespmem:$0x1F740] =	vst v11  }
0x348: {  	[tilespmem:v27+s11+$0x0] =	vst.idx.msk $0xffff, v2  }
0x349: {  	v2 =	vld [tilespmem:$0x1F750];
	_ =	sdelay $0x4  }
0x34a: {  	v10 =	vor.u32 s21, v36  }
0x34b: {  	v26 =	vor.u32 $0x32, v61  }
0x34c: {  	v15 =	vor.u32 s18, v23  }
0x34d: {  	v2 =	vld.idx.msk [tilespmem:v2+s10+$0x0], $0xffff;
	[tilespmem:$0x1F760] =	vst v15;
	v15 =	vor.u32 s18, v17  }
0x34e: {  	v31 =	vor.u32 s19, v36;
	[tilespmem:$0x1F770] =	vst v15  }
0x34f: {  	[tilespmem:v10+s11+$0x0] =	vst.idx.msk $0xffff, v5;
	v10 =	vor.u32 s18, v18  }
0x350: {  	v5 =	vld.idx.msk [tilespmem:v26+s10+$0x0], $0xffff;
	[tilespmem:$0x1F780] =	vst v10;
	v10 =	vor.u32 s18, v13  }
0x351: {  	[tilespmem:$0x1F790] =	vst v10;
	v10 =	vor.u32 s18, v14  }
0x352: {  	[tilespmem:$0x1F7A0] =	vst v10  }
0x353: {  	[tilespmem:v31+s11+$0x0] =	vst.idx.msk $0xffff, v1  }
0x354: {  	v6 =	vld [tilespmem:$0x1F7D0]  }
0x355: {  	v32 =	vor.u32 $0xD, v22;
	_ =	sdelay $0x3  }
0x356: {  	v10 =	vor.u32 s18, v51  }
0x357: {  	v1 =	vld.idx.msk [tilespmem:v32+s10+$0x0], $0xffff;
	[tilespmem:$0x1F7B0] =	vst v10;
	v10 =	vor.u32 s18, v45  }
0x358: {  	[tilespmem:$0x1F7C0] =	vst v10  }
0x359: {  	[tilespmem:v6+s11+$0x0] =	vst.idx.msk $0xffff, v0  }
0x35a: {  	v0 =	vld [tilespmem:$0x1F7E0];
	_ =	sdelay $0x3  }
0x35b: {  	v11 =	vor.u32 s17, v20;
	_ =	sdelay $0x2  }
0x35c: {  	v16 =	vor.u32 s18, v33  }
0x35d: {  	v0 =	vld.idx.msk [tilespmem:v0+s10+$0x0], $0xffff;
	[tilespmem:$0x1F7F0] =	vst v16  }
0x35e: {  	v18 =	vld [tilespmem:$0x1FC20];
	[tilespmem:v11+s11+$0x0] =	vst.idx.msk $0xffff, v7  }
0x35f: {  	v6 =	vld [tilespmem:$0x1F800];
	_ =	sdelay $0x3  }
0x360: {  	v15 =	vor.u32 $0x20, v4;
	_ =	sdelay $0x2  }
0x361: {  	v11 =	vor.u32 s18, v49  }
0x362: {  	v47 =	vor.u32 s16, v17;
	v7 =	vld.idx.msk [tilespmem:v6+s10+$0x0], $0xffff;
	[tilespmem:$0x1F810] =	vst v11  }
0x363: {  	[tilespmem:v38+s11+$0x0] =	vst.idx.msk $0xffff, v9;
	v9 =	vld.idx.msk [tilespmem:v15+s10+$0x0], $0xffff;
	v15 =	vor.u32 s18, v58  }
0x364: {  	[tilespmem:$0x1F820] =	vst v15;
	v15 =	vor.u32 s18, v28  }
0x365: {  	[tilespmem:$0x1F830] =	vst v15;
	v15 =	vor.u32 s18, v21  }
0x366: {  	[tilespmem:$0x1F840] =	vst v15  }
0x367: {  	v38 =	vld [tilespmem:$0x1FD40];
	[tilespmem:v47+s11+$0x0] =	vst.idx.msk $0xffff, v2  }
0x368: {  	v2 =	vld [tilespmem:$0x1F850];
	_ =	sdelay $0x4  }
0x369: {  	v10 =	vor.u32 s15, v13;
	_ =	sdelay $0x1  }
0x36a: {  	v15 =	vor.u32 s18, v29  }
0x36b: {  	v2 =	vld.idx.msk [tilespmem:v2+s10+$0x0], $0xffff;
	[tilespmem:$0x1F860] =	vst v15;
	v15 =	vor.u32 s18, v12  }
0x36c: {  	[tilespmem:$0x1F870] =	vst v15  }
0x36d: {  	v37 =	vld [tilespmem:$0x1FD30];
	[tilespmem:v10+s11+$0x0] =	vst.idx.msk $0xffff, v5  }
0x36e: {  	v5 =	vld [tilespmem:$0x1F880];
	_ =	sdelay $0x4  }
0x36f: {  	v16 =	vor.u32 s21, v40  }
0x370: {  	v11 =	vor.u32 s19, v40  }
0x371: {  	v10 =	vor.u32 s18, v48  }
0x372: {  	v5 =	vld.idx.msk [tilespmem:v5+s10+$0x0], $0xffff;
	[tilespmem:$0x1F890] =	vst v10;
	v10 =	vor.u32 s18, v43  }
0x373: {  	[tilespmem:$0x1F8A0] =	vst v10  }
0x374: {  	[tilespmem:v16+s11+$0x0] =	vst.idx.msk $0xffff, v1  }
0x375: {  	[tilespmem:v11+s11+$0x0] =	vst.idx.msk $0xffff, v0  }
0x376: {  	v6 =	vld [tilespmem:$0x1F8C0]  }
0x377: {  	v54 =	vor.u32 s18, v20;
	v30 =	vmovc v20;
	v20 =	vmov v45;
	v45 =	vor.u32 $0x33, v61  }
0x378: {  	v26 =	vor.u32 $0xE, v22;
	_ =	sdelay $0x3  }
0x379: {  	v1 =	vld.idx.msk [tilespmem:v45+s10+$0x0], $0xffff;
	v11 =	vor.u32 s19, v44  }
0x37a: {  	v0 =	vld.idx.msk [tilespmem:v26+s10+$0x0], $0xffff;
	[tilespmem:$0x1F8B0] =	vst v11  }
0x37b: {  	[tilespmem:v6+s11+$0x0] =	vst.idx.msk $0xffff, v7  }
0x37c: {  	v6 =	vld [tilespmem:$0x1F8D0];
	_ =	sdelay $0x7  }
0x37d: {  	v7 =	vld.idx.msk [tilespmem:v6+s10+$0x0], $0xffff  }
0x37e: {  	v6 =	vld [tilespmem:$0x1FD80];
	_ =	sdelay $0x1  }
0x37f: {  	v15 =	vor.u32 s17, v3;
	_ =	sdelay $0x2  }
0x380: {  	v47 =	vor.u32 s19, v6  }
0x381: {  	[tilespmem:$0x1F8E0] =	vst v47  }
0x382: {  	[tilespmem:v15+s11+$0x0] =	vst.idx.msk $0xffff, v9  }
0x383: {  	v45 =	vmov v6;
	v6 =	vld [tilespmem:$0x1FD90];
	_ =	sdelay $0x1  }
0x384: {  	v9 =	vld [tilespmem:$0x1F8F0];
	_ =	sdelay $0x2  }
0x385: {  	v32 =	vmov v51;
	v51 =	vmov v6;
	v15 =	vor.u32 s19, v6;
	v6 =	vld [tilespmem:$0x1FDA0];
	_ =	sdelay $0x4  }
0x386: {  	v9 =	vld.idx.msk [tilespmem:v9+s10+$0x0], $0xffff;
	[tilespmem:$0x1F900] =	vst v15;
	v15 =	vor.u32 s19, v6  }
0x387: {  	[tilespmem:$0x1F910] =	vst v15  }
0x388: {  	v10 =	vor.u32 $0x21, v4;
	[tilespmem:v54+s11+$0x0] =	vst.idx.msk $0xffff, v2  }
0x389: {  	v47 =	vmov v6;
	v6 =	vld [tilespmem:$0x1F950];
	_ =	sdelay $0x3  }
0x38a: {  	v2 =	vld.idx.msk [tilespmem:v10+s10+$0x0], $0xffff;
	v10 =	vor.u32 s19, v53  }
0x38b: {  	[tilespmem:$0x1F920] =	vst v10;
	v10 =	vor.u32 s19, v55  }
0x38c: {  	[tilespmem:$0x1F930] =	vst v10;
	v10 =	vor.u32 s19, v18  }
0x38d: {  	[tilespmem:$0x1F940] =	vst v10  }
0x38e: {  	[tilespmem:v6+s11+$0x0] =	vst.idx.msk $0xffff, v5  }
0x38f: {  	v5 =	vld [tilespmem:$0x1F960];
	_ =	sdelay $0x2  }
0x390: {  	v6 =	vld [tilespmem:$0x1FC30];
	_ =	sdelay $0x4  }
0x391: {  	v10 =	vor.u32 s19, v6;
	v5 =	vld.idx.msk [tilespmem:v5+s10+$0x0], $0xffff  }
0x392: {  	[tilespmem:$0x1F970] =	vst v10;
	v10 =	vld [tilespmem:$0x1FF10];
	_ =	sdelay $0x1  }
0x393: {  	v11 =	vor.u32 s15, v14;
	_ =	sdelay $0x2  }
0x394: {  	v10 =	vor.u32 s19, v10  }
0x395: {  	[tilespmem:$0x1F980] =	vst v10  }
0x396: {  	[tilespmem:v11+s11+$0x0] =	vst.idx.msk $0xffff, v1  }
0x397: {  	v1 =	vld [tilespmem:$0x1F990];
	_ =	sdelay $0x1  }
0x398: {  	v11 =	vld [tilespmem:$0x1FFA0];
	_ =	sdelay $0x2  }
0x399: {  	v49 =	vmov v21;
	v21 =	vor.u32 s21, v37  }
0x39a: {  	v16 =	vor.u32 s19, v37  }
0x39b: {  	v11 =	vor.u32 s19, v11  }
0x39c: {  	v1 =	vld.idx.msk [tilespmem:v1+s10+$0x0], $0xffff;
	[tilespmem:$0x1F9A0] =	vst v11;
	v11 =	vor.u32 s19, v59  }
0x39d: {  	[tilespmem:$0x1F9B0] =	vst v11  }
0x39e: {  	[tilespmem:v21+s11+$0x0] =	vst.idx.msk $0xffff, v0  }
0x39f: {  	v18 =	vld [tilespmem:$0x1FDD0];
	[tilespmem:v16+s11+$0x0] =	vst.idx.msk $0xffff, v7  }
0x3a0: {  	v31 =	vor.u32 s19, v30;
	v30 =	vor.u32 s19, v3;
	v3 =	vld [tilespmem:$0x1F9C0];
	_ =	sdelay $0x7  }
0x3a1: {  	[tilespmem:v3+s11+$0x0] =	vst.idx.msk $0xffff, v9  }
0x3a2: {  	v3 =	vld [tilespmem:$0x1F9D0]  }
0x3a3: {  	v10 =	vor.u32 s17, v24;
	_ =	sdelay $0x4  }
0x3a4: {  	[tilespmem:v10+s11+$0x0] =	vst.idx.msk $0xffff, v2  }
0x3a5: {  	v2 =	vld [tilespmem:$0x1F9E0]  }
0x3a6: {  	v9 =	vld.idx.msk [tilespmem:v3+s10+$0x0], $0xffff  }
0x3a7: {  	v25 =	vor.u32 $0x34, v61;
	v3 =	vld [tilespmem:$0x1FA00]  }
0x3a8: {  	v15 =	vor.u32 $0xF, v22;
	v10 =	vld [tilespmem:$0x1FFC0];
	_ =	sdelay $0x3  }
0x3a9: {  	v0 =	vld.idx.msk [tilespmem:v25+s10+$0x0], $0xffff  }
0x3aa: {  	v7 =	vld.idx.msk [tilespmem:v15+s10+$0x0], $0xffff;
	v10 =	vor.u32 s19, v10  }
0x3ab: {  	v2 =	vld.idx.msk [tilespmem:v2+s10+$0x0], $0xffff;
	[tilespmem:$0x1F9F0] =	vst v10  }
0x3ac: {  	v62 =	vmov v53;
	v53 =	vor.u32 s19, v18;
	v18 =	vld [tilespmem:$0x1FFE0];
	[tilespmem:v3+s11+$0x0] =	vst.idx.msk $0xffff, v5  }
0x3ad: {  	v11 =	vor.u32 $0x22, v4;
	v3 =	vld [tilespmem:$0x1FFF0];
	_ =	sdelay $0x4  }
0x3ae: {  	v6 =	vmov v8;
	v59 =	vor.u32 s19, v8;
	v5 =	vld.idx.msk [tilespmem:v11+s10+$0x0], $0xffff;
	v8 =	vor.u32 s19, v3  }
0x3af: {  	[tilespmem:$0x1FA10] =	vst v8;
	v8 =	vld [tilespmem:$0x1FF20];
	_ =	sdelay $0x4  }
0x3b0: {  	v3 =	vld [tilespmem:$0x1FA40];
	v8 =	vor.u32 s19, v8  }
0x3b1: {  	[tilespmem:$0x1FA20] =	vst v8;
	v8 =	vld [tilespmem:$0x1FF40];
	_ =	sdelay $0x4  }
0x3b2: {  	v8 =	vor.u32 s19, v8  }
0x3b3: {  	[tilespmem:$0x1FA30] =	vst v8  }
0x3b4: {  	[tilespmem:v3+s11+$0x0] =	vst.idx.msk $0xffff, v1  }
0x3b5: {  	v1 =	vld [tilespmem:$0x1FA50];
	_ =	sdelay $0x7  }
0x3b6: {  	v8 =	vld.idx.msk [tilespmem:v1+s10+$0x0], $0xffff  }
0x3b7: {  	v1 =	vld [tilespmem:$0x1FF50];
	_ =	sdelay $0x2  }
0x3b8: {  	v15 =	vor.u32 s15, v32;
	_ =	sdelay $0x1  }
0x3b9: {  	v1 =	vor.u32 s19, v1  }
0x3ba: {  	[tilespmem:$0x1FA60] =	vst v1;
	v1 =	vor.u32 s19, v63  }
0x3bb: {  	[tilespmem:$0x1FA70] =	vst v1  }
0x3bc: {  	[tilespmem:v15+s11+$0x0] =	vst.idx.msk $0xffff, v0  }
0x3bd: {  	v0 =	vld [tilespmem:$0x1FA80];
	_ =	sdelay $0x4  }
0x3be: {  	v54 =	vmov v55;
	v55 =	vor.u32 s19, v50;
	v50 =	vor.u32 s21, v38;
	_ =	sdelay $0x1  }
0x3bf: {  	v11 =	vor.u32 s19, v56  }
0x3c0: {  	v0 =	vld.idx.msk [tilespmem:v0+s10+$0x0], $0xffff;
	[tilespmem:$0x1FA90] =	vst v11;
	v11 =	vor.u32 s19, v60  }
0x3c1: {  	[tilespmem:$0x1FAA0] =	vst v11  }
0x3c2: {  	[tilespmem:v50+s11+$0x0] =	vst.idx.msk $0xffff, v7  }
0x3c3: {  	v7 =	vld [tilespmem:$0x1FFB0]  }
0x3c4: {  	v16 =	vor.u32 $0x35, v61;
	v3 =	vld [tilespmem:$0x1FFD0];
	_ =	sdelay $0x3  }
0x3c5: {  	v7 =	vor.u32 s19, v7  }
0x3c6: {  	v19 =	vmov v14;
	v14 =	vld.idx.msk [tilespmem:v16+s10+$0x0], $0xffff;
	[tilespmem:$0x1FAB0] =	vst v7;
	v7 =	vor.u32 s19, v3  }
0x3c7: {  	[tilespmem:$0x1FAC0] =	vst v7;
	v7 =	vld [tilespmem:$0x1FDE0];
	_ =	sdelay $0x1  }
0x3c8: {  	v35 =	vmov v13;
	v13 =	vor.u32 s19, v38;
	_ =	sdelay $0x2  }
0x3c9: {  	v7 =	vor.u32 s19, v7  }
0x3ca: {  	[tilespmem:$0x1FAD0] =	vst v7  }
0x3cb: {  	[tilespmem:v13+s11+$0x0] =	vst.idx.msk $0xffff, v9  }
0x3cc: {  	v3 =	vld [tilespmem:$0x1FDF0];
	_ =	sdelay $0x4  }
0x3cd: {  	v7 =	vor.u32 s19, v3;
	v3 =	vld [tilespmem:$0x1FB00]  }
0x3ce: {  	v10 =	vor.u32 $0x10, v22;
	_ =	sdelay $0x4  }
0x3cf: {  	v10 =	vld.idx.msk [tilespmem:v10+s10+$0x0], $0xffff;
	[tilespmem:$0x1FAE0] =	vst v7;
	v7 =	vor.u32 s19, v17  }
0x3d0: {  	[tilespmem:$0x1FAF0] =	vst v7  }
0x3d1: {  	[tilespmem:v3+s11+$0x0] =	vst.idx.msk $0xffff, v2  }
0x3d2: {  	v2 =	vld [tilespmem:$0x1FB10];
	_ =	sdelay $0x7  }
0x3d3: {  	v13 =	vld.idx.msk [tilespmem:v2+s10+$0x0], $0xffff  }
0x3d4: {  	v2 =	vld [tilespmem:$0x1FE10];
	_ =	sdelay $0x1  }
0x3d5: {  	v1 =	vor.u32 s17, v6;
	_ =	sdelay $0x2  }
0x3d6: {  	v2 =	vor.u32 s19, v2  }
0x3d7: {  	[tilespmem:$0x1FB20] =	vst v2  }
0x3d8: {  	[tilespmem:v1+s11+$0x0] =	vst.idx.msk $0xffff, v5  }
0x3d9: {  	v1 =	vld [tilespmem:$0x1FB30];
	_ =	sdelay $0x7  }
0x3da: {  	v2 =	vor.u32 s19, v35;
	v1 =	vld.idx.msk [tilespmem:v1+s10+$0x0], $0xffff  }
0x3db: {  	[tilespmem:$0x1FB40] =	vst v2;
	v2 =	vld [tilespmem:$0x1FB50];
	_ =	sdelay $0x7  }
0x3dc: {  	v11 =	vor.u32 $0x23, v4;
	[tilespmem:v2+s11+$0x0] =	vst.idx.msk $0xffff, v8  }
0x3dd: {  	v3 =	vld [tilespmem:$0x1FC70];
	_ =	sdelay $0x1  }
0x3de: {  	v33 =	vmov v12;
	v12 =	vmov v32  }
0x3df: {  	v9 =	vmov v20;
	v2 =	vor.u32 s19, v12  }
0x3e0: {  	v7 =	vld.idx.msk [tilespmem:v11+s10+$0x0], $0xffff;
	[tilespmem:$0x1FB60] =	vst v2;
	v2 =	vor.u32 s19, v9  }
0x3e1: {  	[tilespmem:$0x1FB70] =	vst v2;
	v2 =	vor.u32 s19, v3  }
0x3e2: {  	[tilespmem:$0x1FB80] =	vst v2;
	v2 =	vld [tilespmem:$0x1FB90];
	_ =	sdelay $0x7  }
0x3e3: {  	[tilespmem:v2+s11+$0x0] =	vst.idx.msk $0xffff, v0  }
0x3e4: {  	v0 =	vld [tilespmem:$0x1FBA0];
	_ =	sdelay $0x7  }
0x3e5: {  	v9 =	vld.idx.msk [tilespmem:v0+s10+$0x0], $0xffff  }
0x3e6: {  	v0 =	vld [tilespmem:$0x1FE60];
	_ =	sdelay $0x1  }
0x3e7: {  	v15 =	vor.u32 s15, v20;
	_ =	sdelay $0x2  }
0x3e8: {  	v56 =	vor.u32 s19, v0;
	v0 =	vor.u32 s19, v28  }
0x3e9: {  	[tilespmem:$0x1FBB0] =	vst v0  }
0x3ea: {  	v50 =	vld [tilespmem:$0x1FDD0];
	[tilespmem:v15+s11+$0x0] =	vst.idx.msk $0xffff, v14  }
0x3eb: {  	v0 =	vld [tilespmem:$0x1FBC0];
	_ =	sdelay $0x6  }
0x3ec: {  	v16 =	vor.u32 s21, v39  }
0x3ed: {  	v2 =	vld.idx.msk [tilespmem:v0+s10+$0x0], $0xffff;
	v0 =	vor.u32 s19, v49  }
0x3ee: {  	[tilespmem:$0x1FBD0] =	vst v0;
	v0 =	vor.u32 s19, v29  }
0x3ef: {  	[tilespmem:$0x1FBE0] =	vst v0;
	v0 =	vor.u32 s19, v33  }
0x3f0: {  	[tilespmem:$0x1FBF0] =	vst v0  }
0x3f1: {  	v20 =	vor.u32 $0x36, v61;
	[tilespmem:v16+s11+$0x0] =	vst.idx.msk $0xffff, v10  }
0x3f2: {  	v23 =	vor.u32 s19, v39;
	v5 =	vor.u32 $0x11, v22;
	v8 =	vld [tilespmem:$0x1FC00];
	_ =	sdelay $0x1  }
0x3f3: {  	v27 =	vor.u32 s19, v24;
	v58 =	vor.u32 s19, v58  }
0x3f4: {  	v26 =	vor.u32 s19, v42;
	v32 =	vor.u32 s19, v18;
	v63 =	vor.u32 s19, v19  }
0x3f5: {  	v60 =	vor.u32 s19, v48;
	v0 =	vld.idx.msk [tilespmem:v20+s10+$0x0], $0xffff;
	v16 =	vor.u32 s19, v43;
	v10 =	vor.u32 s17, v18  }
0x3f6: {  	s23 =	simm.s32 $0x90;
	s22 =	simm.s32 $0x6;
	v6 =	vmovc v22;
	v11 =	vor.u32 $0x24, v4;
	[tilespmem:v23+s11+$0x0] =	vst.idx.msk $0xffff, v13;
	v49 =	vor.u32 s20, v8;
	v8 =	vld.idx.msk [tilespmem:v5+s10+$0x0], $0xffff;
	s20 =	simm.s32 $0x1C00;
	v5 =	vor.u32 s15, v3  }
.LBB2_6:
0x3f7: {  	v3 =	vld [tilespmem:$0x1F560];
	_ =	sdelay $0x7  }
0x3f8: {  	[tilespmem:v3+s11+$0x0] =	vst.idx.msk $0xffff, v1;
	v1 =	vld [tilespmem:$0x1F640];
	_ =	sdelay $0x4  }
0x3f9: {  	v3 =	vmov v1  }
0x3fa: {  	[tilespmem:$0x1F560] =	vst v3;
	v3 =	vld [tilespmem:$0x1F8A0];
	_ =	sdelay $0x4  }
0x3fb: {  	v3 =	vmov v3  }
0x3fc: {  	[tilespmem:$0x1F640] =	vst v3;
	v3 =	vld [tilespmem:$0x1F670];
	_ =	sdelay $0x5  }
0x3fd: {  	v1 =	vmov v16  }
0x3fe: {  	[tilespmem:$0x1F8A0] =	vst v1  }
0x3ff: {  	v1 =	vld [tilespmem:s23+$0xFFFFFFF0];
	[tilespmem:v3+s11+$0x0] =	vst.idx.msk $0xffff, v9;
	v3 =	vmov v59  }
0x400: {  	[tilespmem:$0x1F670] =	vst v3;
	v3 =	vld [tilespmem:$0x1F220];
	_ =	sdelay $0x6  }
0x401: {  	v12 =	vld [tilespmem:s23+$0x0]  }
0x402: {  	[tilespmem:v10+s11+$0x0] =	vst.idx.msk $0xffff, v7;
	v10 =	vld.idx.msk [tilespmem:v3+s10+$0x0], $0xffff  }
0x403: {  	v3 =	vld [tilespmem:$0x1F580];
	_ =	sdelay $0x7  }
0x404: {  	[tilespmem:v3+s11+$0x0] =	vst.idx.msk $0xffff, v2;
	v3 =	vld [tilespmem:$0x1F7B0];
	_ =	sdelay $0x4  }
0x405: {  	v7 =	vmov v3;
	v3 =	vld [tilespmem:$0x1FB60];
	_ =	sdelay $0x4  }
0x406: {  	v2 =	vmov v3;
	v3 =	vld [tilespmem:$0x1F340];
	_ =	sdelay $0x2  }
0x407: {  	v16 =	vshll.u32 v12, $0x6;
	v12 =	vshll.u32 v1, $0x6;
	v1 =	vld [tilespmem:$0x1F170]  }
0x408: {  	v9 =	vld.idx.msk [tilespmem:v11+s10+$0x0], $0xffff;
	[tilespmem:v5+s11+$0x0] =	vst.idx.msk $0xffff, v0  }
0x409: {  	[tilespmem:$0x1F7B0] =	vst v2;
	v2 =	vld [tilespmem:$0x1F050];
	v0 =	vmov v3  }
0x40a: {  	[tilespmem:$0x1F050] =	vst v0;
	v0 =	vld [tilespmem:$0x1EFA0]  }
0x40b: {  	v13 =	vor.u32 s21, v42  }
0x40c: {  	v14 =	vor.u32 $0x37, v61  }
0x40d: {  	v3 =	vmov v1;
	v1 =	vld [tilespmem:$0x1F490]  }
0x40e: {  	[tilespmem:$0x1EDB0] =	vst v53;
	v53 =	vld [tilespmem:$0x1FFC0];
	_ =	sdelay $0x1  }
0x40f: {  	[tilespmem:v13+s11+$0x0] =	vst.idx.msk $0xffff, v8  }
0x410: {  	v5 =	vld.idx.msk [tilespmem:v14+s10+$0x0], $0xffff  }
0x411: {  	v15 =	vor.u32 $0x12, v6;
	v20 =	vld.idx.msk [tilespmem:v0+s10+$0x0], $0xffff;
	v0 =	vmov v1  }
0x412: {  	v11 =	vor.u32 s17, v53;
	[tilespmem:$0x1F170] =	vst v0;
	v0 =	vld [tilespmem:$0x1EF90]  }
0x413: {  	v14 =	vld [tilespmem:$0x1FE60];
	_ =	sdelay $0x2  }
0x414: {  	v17 =	vor.u32 $0x25, v4;
	v8 =	vld.idx.msk [tilespmem:v15+s10+$0x0], $0xffff  }
0x415: {  	[tilespmem:v11+s11+$0x0] =	vst.idx.msk $0xffff, v9;
	v11 =	vld [tilespmem:$0x1F210]  }
0x416: {  	[tilespmem:$0x1EF50] =	vst v63;
	v63 =	vor.u32 s15, v14  }
0x417: {  	v2 =	vld.idx.msk [tilespmem:v2+s10+$0x0], $0xffff  }
0x418: {  	v9 =	vld.idx.msk [tilespmem:v0+s10+$0x0], $0xffff  }
0x419: {  	[tilespmem:v26+s11+$0x0] =	vst.idx.msk $0xffff, v10;
	v10 =	vld.idx.msk [tilespmem:v17+s10+$0x0], $0xffff  }
0x41a: {  	v17 =	vmov v11;
	v11 =	vld.idx.msk [tilespmem:v16+s10+$0x0], $0xffff  }
0x41b: {  	[tilespmem:v63+s11+$0x0] =	vst.idx.msk $0xffff, v5;
	v5 =	vld [tilespmem:$0x1F540];
	_ =	sdelay $0x4  }
0x41c: {  	[tilespmem:$0x1EFA0] =	vst v3;
	v3 =	vmov v5;
	v5 =	vld [tilespmem:$0x1F590];
	_ =	sdelay $0x3  }
0x41d: {  	v18 =	vor.u32 $0x9, v12  }
0x41e: {  	[tilespmem:$0x1EC80] =	vst v18;
	v18 =	vld [tilespmem:$0x1F7C0]  }
0x41f: {  	v0 =	vld [tilespmem:$0x1F040];
	[tilespmem:v34+s11+$0x0] =	vst.idx.msk $0xffff, v2  }
0x420: {  	[tilespmem:$0x1F040] =	vst v17;
	v17 =	vld.idx.msk [tilespmem:v12+s10+$0x0], $0xffff  }
0x421: {  	[tilespmem:v5+s11+$0x0] =	vst.idx.msk $0xffff, v20;
	v5 =	vld [tilespmem:$0x1FE70];
	_ =	sdelay $0x4  }
0x422: {  	[tilespmem:$0x1EE90] =	vst v30;
	v30 =	vor.u32 s15, v5;
	v5 =	vmov v18  }
0x423: {  	[tilespmem:$0x1F590] =	vst v5;
	v5 =	vld [tilespmem:$0x1F230];
	_ =	sdelay $0x7  }
0x424: {  	[tilespmem:$0x1EE10] =	vst v31;
	v31 =	vld.idx.msk [tilespmem:v5+s10+$0x0], $0xffff  }
0x425: {  	[tilespmem:v49+s11+$0x0] =	vst.idx.msk $0xffff, v9;
	v9 =	vld [tilespmem:$0x1FB70];
	_ =	sdelay $0x4  }
0x426: {  	v5 =	vmov v9  }
0x427: {  	[tilespmem:$0x1F7C0] =	vst v5;
	v5 =	vld [tilespmem:$0x1F060]  }
0x428: {  	v1 =	vmov v0;
	v0 =	vor.u32 $0x6, v12  }
0x429: {  	[tilespmem:$0x1EC30] =	vst v0;
	v0 =	vor.u32 $0x7, v12  }
0x42a: {  	[tilespmem:$0x1EC40] =	vst v0;
	v0 =	vor.u32 $0x8, v12  }
0x42b: {  	[tilespmem:$0x1EC60] =	vst v0;
	v0 =	vld [tilespmem:$0x1FFF0];
	_ =	sdelay $0x2  }
0x42c: {  	v19 =	vor.u32 s21, v44  }
0x42d: {  	v22 =	vor.u32 $0x38, v61;
	v35 =	vld.idx.msk [tilespmem:v5+s10+$0x0], $0xffff  }
0x42e: {  	v24 =	vor.u32 $0x13, v6;
	v2 =	vor.u32 s17, v0;
	v5 =	vld [tilespmem:$0x1F350];
	_ =	sdelay $0x1  }
0x42f: {  	[tilespmem:$0x1ECB0] =	vst v56;
	v56 =	vld [tilespmem:$0x1FEF0]  }
0x430: {  	[tilespmem:v19+s11+$0x0] =	vst.idx.msk $0xffff, v8  }
0x431: {  	s21 =	sadd.s32 $0x800, s21;
	v8 =	vld.idx.msk [tilespmem:v22+s10+$0x0], $0xffff  }
0x432: {  	s24 =	sadd.s32 $0xFFFFFC00, s21;
	v22 =	vld.idx.msk [tilespmem:v24+s10+$0x0], $0xffff;
	[tilespmem:v2+s11+$0x0] =	vst.idx.msk $0xffff, v10;
	v2 =	vmov v5  }
0x433: {  	[tilespmem:$0x1F060] =	vst v2;
	v2 =	vor.u32 s24, v57  }
0x434: {  	[tilespmem:$0x1EC50] =	vst v2;
	v2 =	vor.u32 s24, v56  }
0x435: {  	[tilespmem:$0x1EC70] =	vst v2;
	v2 =	vld [tilespmem:$0x1FC10];
	_ =	sdelay $0x4  }
0x436: {  	v2 =	vor.u32 s24, v2  }
0x437: {  	[tilespmem:$0x1EC90] =	vst v2;
	v2 =	vor.u32 $0xA, v12  }
0x438: {  	[tilespmem:$0x1ECA0] =	vst v2;
	v2 =	vor.u32 s24, v52  }
0x439: {  	[tilespmem:$0x1ECD0] =	vst v2;
	v2 =	vor.u32 $0xB, v12  }
0x43a: {  	[tilespmem:$0x1ECE0] =	vst v2;
	v2 =	vor.u32 s24, v41  }
0x43b: {  	[tilespmem:$0x1ED20] =	vst v2;
	v2 =	vor.u32 $0xC, v12  }
0x43c: {  	[tilespmem:$0x1ED30] =	vst v2;
	v2 =	vor.u32 s24, v36  }
0x43d: {  	[tilespmem:$0x1ED90] =	vst v2;
	v2 =	vor.u32 $0xD, v12  }
0x43e: {  	[tilespmem:$0x1EDA0] =	vst v2;
	v2 =	vld [tilespmem:$0x1F8B0]  }
0x43f: {  	v13 =	vor.u32 s24, v46  }
0x440: {  	v15 =	vor.u32 $0x1, v12;
	_ =	sdelay $0x3  }
0x441: {  	v25 =	vor.u32 s21, v46;
	[tilespmem:v13+s11+$0x0] =	vst.idx.msk $0xffff, v17  }
0x442: {  	[tilespmem:$0x1EF20] =	vst v27;
	v27 =	vor.u32 $0x26, v4;
	v15 =	vld.idx.msk [tilespmem:v15+s10+$0x0], $0xffff  }
0x443: {  	v29 =	vor.u32 $0x1, v16;
	[tilespmem:v2+s11+$0x0] =	vst.idx.msk $0xffff, v31;
	v2 =	vld [tilespmem:$0x1FE80];
	_ =	sdelay $0x2  }
0x444: {  	[tilespmem:v25+s11+$0x0] =	vst.idx.msk $0xffff, v11  }
0x445: {  	v10 =	vld.idx.msk [tilespmem:v27+s10+$0x0], $0xffff  }
0x446: {  	v11 =	vld.idx.msk [tilespmem:v29+s10+$0x0], $0xffff;
	[tilespmem:v30+s11+$0x0] =	vst.idx.msk $0xffff, v8;
	v30 =	vor.u32 s15, v2;
	v2 =	vor.u32 s24, v40  }
0x447: {  	[tilespmem:$0x1EDF0] =	vst v2;
	v2 =	vld [tilespmem:$0x1F240];
	_ =	sdelay $0x7  }
0x448: {  	v31 =	vld.idx.msk [tilespmem:v2+s10+$0x0], $0xffff  }
0x449: {  	v2 =	vld [tilespmem:$0x1F680];
	_ =	sdelay $0x2  }
0x44a: {  	v5 =	vld [tilespmem:$0x1F9F0];
	_ =	sdelay $0x4  }
0x44b: {  	[tilespmem:v2+s11+$0x0] =	vst.idx.msk $0xffff, v35;
	v2 =	vmov v5  }
0x44c: {  	[tilespmem:$0x1F680] =	vst v2;
	v2 =	vor.u32 $0xE, v12  }
0x44d: {  	[tilespmem:$0x1EE00] =	vst v2;
	v2 =	vor.u32 s24, v37  }
0x44e: {  	[tilespmem:$0x1EE60] =	vst v2;
	v2 =	vld [tilespmem:$0x1F070];
	_ =	sdelay $0x2  }
0x44f: {  	v5 =	vld [tilespmem:$0x1F360];
	_ =	sdelay $0x4  }
0x450: {  	v35 =	vld.idx.msk [tilespmem:v2+s10+$0x0], $0xffff;
	v2 =	vmov v5  }
0x451: {  	[tilespmem:$0x1F070] =	vst v2;
	v2 =	vor.u32 $0xF, v12  }
0x452: {  	[tilespmem:$0x1EE70] =	vst v2;
	v2 =	vor.u32 s24, v38  }
0x453: {  	[tilespmem:$0x1EEF0] =	vst v2;
	v2 =	vor.u32 $0x10, v12  }
0x454: {  	[tilespmem:$0x1EF00] =	vst v2;
	v2 =	vor.u32 s24, v39  }
0x455: {  	[tilespmem:$0x1EF80] =	vst v2;
	v2 =	vor.u32 $0x11, v12  }
0x456: {  	[tilespmem:$0x1F220] =	vst v2;
	v2 =	vor.u32 s24, v42  }
0x457: {  	v43 =	vld [tilespmem:$0x1FE90];
	[tilespmem:$0x1EE80] =	vst v2;
	v2 =	vor.u32 $0x12, v12  }
0x458: {  	[tilespmem:$0x1F230] =	vst v2;
	v2 =	vor.u32 s24, v44  }
0x459: {  	[tilespmem:$0x1F8B0] =	vst v2;
	v2 =	vor.u32 $0x13, v12  }
0x45a: {  	[tilespmem:$0x1F240] =	vst v2;
	v2 =	vld [tilespmem:$0x1F8E0];
	_ =	sdelay $0x1  }
0x45b: {  	v28 =	vor.u32 s24, v43  }
0x45c: {  	v23 =	vor.u32 $0x2, v12;
	_ =	sdelay $0x3  }
0x45d: {  	v57 =	vld [tilespmem:$0x1FF20];
	[tilespmem:v28+s11+$0x0] =	vst.idx.msk $0xffff, v15  }
0x45e: {  	v15 =	vld.idx.msk [tilespmem:v23+s10+$0x0], $0xffff;
	[tilespmem:v2+s11+$0x0] =	vst.idx.msk $0xffff, v31;
	v2 =	vor.u32 s24, v45  }
0x45f: {  	[tilespmem:$0x1F8E0] =	vst v2;
	v2 =	vld [tilespmem:$0x1FC80];
	_ =	sdelay $0x1  }
0x460: {  	v20 =	vor.u32 s20, v45  }
0x461: {  	v33 =	vor.u32 $0x39, v61  }
0x462: {  	v49 =	vor.u32 $0x14, v6;
	v17 =	vor.u32 s17, v57  }
0x463: {  	v25 =	vor.u32 s21, v43;
	v28 =	vor.u32 s15, v2;
	v2 =	vld [tilespmem:$0x1F250]  }
0x464: {  	v27 =	vor.u32 $0x27, v4  }
0x465: {  	v8 =	vor.u32 $0x2, v16;
	[tilespmem:v20+s11+$0x0] =	vst.idx.msk $0xffff, v22  }
0x466: {  	v22 =	vld.idx.msk [tilespmem:v33+s10+$0x0], $0xffff  }
0x467: {  	v29 =	vld.idx.msk [tilespmem:v49+s10+$0x0], $0xffff;
	[tilespmem:v17+s11+$0x0] =	vst.idx.msk $0xffff, v10  }
0x468: {  	[tilespmem:v25+s11+$0x0] =	vst.idx.msk $0xffff, v11  }
0x469: {  	v10 =	vld.idx.msk [tilespmem:v27+s10+$0x0], $0xffff  }
0x46a: {  	v8 =	vld.idx.msk [tilespmem:v8+s10+$0x0], $0xffff  }
0x46b: {  	[tilespmem:v30+s11+$0x0] =	vst.idx.msk $0xffff, v22;
	v30 =	vld.idx.msk [tilespmem:v2+s10+$0x0], $0xffff;
	v2 =	vor.u32 $0x14, v12  }
0x46c: {  	[tilespmem:$0x1F250] =	vst v2;
	v2 =	vld [tilespmem:$0x1F690];
	_ =	sdelay $0x2  }
0x46d: {  	v5 =	vld [tilespmem:$0x1FA10];
	_ =	sdelay $0x4  }
0x46e: {  	[tilespmem:v2+s11+$0x0] =	vst.idx.msk $0xffff, v35;
	v2 =	vmov v5  }
0x46f: {  	[tilespmem:$0x1F690] =	vst v2;
	v2 =	vld [tilespmem:$0x1F080];
	_ =	sdelay $0x3  }
0x470: {  	v5 =	vld [tilespmem:$0x1F380];
	_ =	sdelay $0x1  }
0x471: {  	v46 =	vld [tilespmem:$0x1FEA0];
	_ =	sdelay $0x1  }
0x472: {  	v38 =	vld.idx.msk [tilespmem:v2+s10+$0x0], $0xffff  }
0x473: {  	v2 =	vmov v5;
	v5 =	vld [tilespmem:$0x1F900];
	_ =	sdelay $0x1  }
0x474: {  	v19 =	vor.u32 s24, v46  }
0x475: {  	[tilespmem:$0x1F580] =	vst v7;
	v7 =	vor.u32 $0x3, v12;
	_ =	sdelay $0x3  }
0x476: {  	v34 =	vor.u32 s24, v51;
	[tilespmem:v19+s11+$0x0] =	vst.idx.msk $0xffff, v15  }
0x477: {  	v15 =	vld.idx.msk [tilespmem:v7+s10+$0x0], $0xffff;
	[tilespmem:v5+s11+$0x0] =	vst.idx.msk $0xffff, v30;
	v5 =	vmov v34  }
0x478: {  	[tilespmem:$0x1F900] =	vst v5;
	v5 =	vld [tilespmem:$0x1F260];
	_ =	sdelay $0x2  }
0x479: {  	[tilespmem:$0x1ECF0] =	vst v58;
	v58 =	vld [tilespmem:$0x1FF40];
	_ =	sdelay $0x2  }
0x47a: {  	v41 =	vor.u32 s20, v51  }
0x47b: {  	v43 =	vor.u32 $0x3A, v61  }
0x47c: {  	v49 =	vor.u32 $0x15, v6;
	v11 =	vor.u32 s17, v58;
	v34 =	vld.idx.msk [tilespmem:v5+s10+$0x0], $0xffff  }
0x47d: {  	v17 =	vor.u32 s21, v46;
	v5 =	vld [tilespmem:$0x1F6A0]  }
0x47e: {  	v48 =	vld [tilespmem:$0x1FEB0];
	v52 =	vor.u32 $0x28, v4  }
0x47f: {  	v13 =	vor.u32 $0x3, v16;
	v51 =	vld [tilespmem:$0x1FF50];
	[tilespmem:v41+s11+$0x0] =	vst.idx.msk $0xffff, v29  }
0x480: {  	v25 =	vld.idx.msk [tilespmem:v43+s10+$0x0], $0xffff  }
0x481: {  	v27 =	vld.idx.msk [tilespmem:v49+s10+$0x0], $0xffff;
	[tilespmem:v11+s11+$0x0] =	vst.idx.msk $0xffff, v10  }
0x482: {  	v26 =	vmov v32;
	[tilespmem:v17+s11+$0x0] =	vst.idx.msk $0xffff, v8  }
0x483: {  	[tilespmem:$0x1ED80] =	vst v26;
	v8 =	vld.idx.msk [tilespmem:v52+s10+$0x0], $0xffff;
	v31 =	vor.u32 s20, v47  }
0x484: {  	[tilespmem:$0x1F210] =	vst v3;
	v36 =	vor.u32 $0x15, v12;
	v10 =	vld.idx.msk [tilespmem:v13+s10+$0x0], $0xffff;
	v45 =	vor.u32 $0x3B, v61  }
0x485: {  	v46 =	vor.u32 $0x16, v6;
	v11 =	vor.u32 s17, v51;
	v7 =	vld [tilespmem:$0x1FA20];
	[tilespmem:v5+s11+$0x0] =	vst.idx.msk $0xffff, v38;
	v5 =	vmov v36  }
0x486: {  	v17 =	vor.u32 s21, v48;
	[tilespmem:$0x1F260] =	vst v5;
	v5 =	vld [tilespmem:$0x1F090]  }
0x487: {  	v59 =	vld [tilespmem:$0x1FEC0];
	[tilespmem:v28+s11+$0x0] =	vst.idx.msk $0xffff, v25  }
0x488: {  	v3 =	vor.u32 s24, v48;
	v48 =	vor.u32 $0x4, v16;
	[tilespmem:v31+s11+$0x0] =	vst.idx.msk $0xffff, v27  }
0x489: {  	[tilespmem:$0x1EF90] =	vst v1;
	v33 =	vld.idx.msk [tilespmem:v45+s10+$0x0], $0xffff  }
0x48a: {  	v1 =	vor.u32 $0x4, v12;
	v37 =	vld.idx.msk [tilespmem:v46+s10+$0x0], $0xffff;
	[tilespmem:v11+s11+$0x0] =	vst.idx.msk $0xffff, v8  }
0x48b: {  	[tilespmem:v17+s11+$0x0] =	vst.idx.msk $0xffff, v10;
	v49 =	vmov v7  }
0x48c: {  	v26 =	vor.u32 s24, v59;
	[tilespmem:$0x1F6A0] =	vst v49;
	v49 =	vor.u32 s21, v59;
	v59 =	vld [tilespmem:$0x1FF00]  }
0x48d: {  	v43 =	vld.idx.msk [tilespmem:v48+s10+$0x0], $0xffff  }
0x48e: {  	v41 =	vor.u32 s24, v62;
	v45 =	vor.u32 s20, v62;
	v62 =	vld.idx.msk [tilespmem:v5+s10+$0x0], $0xffff;
	[tilespmem:v3+s11+$0x0] =	vst.idx.msk $0xffff, v15  }
0x48f: {  	v48 =	vld.idx.msk [tilespmem:v1+s10+$0x0], $0xffff;
	v1 =	vor.u32 s24, v50  }
0x490: {  	[tilespmem:$0x1EDC0] =	vst v1;
	v1 =	vor.u32 $0x1F, v12  }
0x491: {  	[tilespmem:$0x1EDD0] =	vst v1;
	v1 =	vor.u32 s24, v59  }
0x492: {  	[tilespmem:$0x1EE20] =	vst v1;
	v1 =	vor.u32 $0x20, v12  }
0x493: {  	[tilespmem:$0x1EE30] =	vst v1;
	v1 =	vld [tilespmem:$0x1FF90];
	_ =	sdelay $0x4  }
0x494: {  	v1 =	vor.u32 s24, v1  }
0x495: {  	[tilespmem:$0x1EEA0] =	vst v1;
	v1 =	vld [tilespmem:$0x1F910];
	_ =	sdelay $0x4  }
0x496: {  	v20 =	vld [tilespmem:$0x1FC90];
	_ =	sdelay $0x1  }
0x497: {  	v39 =	vor.u32 s24, v47  }
0x498: {  	[tilespmem:v1+s11+$0x0] =	vst.idx.msk $0xffff, v34;
	v1 =	vmov v39  }
0x499: {  	v8 =	vld [tilespmem:$0x1FC40];
	[tilespmem:$0x1F910] =	vst v1;
	v1 =	vor.u32 $0x21, v12  }
0x49a: {  	v44 =	vor.u32 s15, v20;
	v19 =	vor.u32 $0x29, v4;
	[tilespmem:$0x1EEC0] =	vst v1;
	v1 =	vld [tilespmem:$0x1F270];
	_ =	sdelay $0x1  }
0x49b: {  	v38 =	vor.u32 $0x3C, v61;
	_ =	sdelay $0x2  }
0x49c: {  	v11 =	vor.u32 s24, v8;
	v8 =	vld.idx.msk [tilespmem:v19+s10+$0x0], $0xffff;
	[tilespmem:v44+s11+$0x0] =	vst.idx.msk $0xffff, v33  }
0x49d: {  	[tilespmem:v45+s11+$0x0] =	vst.idx.msk $0xffff, v37  }
0x49e: {  	v37 =	vld.idx.msk [tilespmem:v38+s10+$0x0], $0xffff  }
0x49f: {  	v38 =	vld.idx.msk [tilespmem:v1+s10+$0x0], $0xffff  }
0x4a0: {  	v1 =	vld [tilespmem:$0x1F6B0];
	_ =	sdelay $0x6  }
0x4a1: {  	v40 =	vor.u32 $0x16, v12  }
0x4a2: {  	[tilespmem:v1+s11+$0x0] =	vst.idx.msk $0xffff, v62;
	v1 =	vmov v40  }
0x4a3: {  	[tilespmem:$0x1F270] =	vst v1;
	v1 =	vld [tilespmem:$0x1FF30];
	_ =	sdelay $0x2  }
0x4a4: {  	v7 =	vld [tilespmem:$0x1F390]  }
0x4a5: {  	v3 =	vld [tilespmem:$0x1FC50]  }
0x4a6: {  	[tilespmem:$0x1ED40] =	vst v55;
	v1 =	vor.u32 s24, v1  }
0x4a7: {  	[tilespmem:$0x1EF30] =	vst v1;
	v1 =	vor.u32 $0x22, v12  }
0x4a8: {  	[tilespmem:$0x1EF40] =	vst v1;
	v1 =	vld [tilespmem:$0x1F0A0]  }
0x4a9: {  	[tilespmem:$0x1EF10] =	vst v60;
	v5 =	vmov v7  }
0x4aa: {  	[tilespmem:$0x1F090] =	vst v5;
	v3 =	vor.u32 s24, v3  }
0x4ab: {  	v5 =	vld [tilespmem:$0x1FA30];
	[tilespmem:$0x1ED50] =	vst v3;
	v3 =	vor.u32 $0x1E, v12  }
0x4ac: {  	v9 =	vor.u32 $0x1D, v12;
	[tilespmem:$0x1ED70] =	vst v3;
	v3 =	vld [tilespmem:$0x1FF60]  }
0x4ad: {  	v0 =	vor.u32 s24, v0;
	[tilespmem:$0x1ED10] =	vst v9  }
0x4ae: {  	[tilespmem:$0x1FA10] =	vst v0;
	v25 =	vor.u32 $0x1C, v12  }
0x4af: {  	[tilespmem:$0x1ECC0] =	vst v25;
	v15 =	vld [tilespmem:$0x1FCA0]  }
0x4b0: {  	[tilespmem:$0x1ED00] =	vst v11;
	v62 =	vld.idx.msk [tilespmem:v1+s10+$0x0], $0xffff;
	v1 =	vmov v5  }
0x4b1: {  	v0 =	vor.u32 $0x26, v12;
	v36 =	vor.u32 $0x17, v6;
	v47 =	vor.u32 s17, v3;
	[tilespmem:$0x1F6B0] =	vst v1;
	v1 =	vld [tilespmem:$0x1FC60]  }
0x4b2: {  	[tilespmem:$0x1F380] =	vst v0  }
0x4b3: {  	v0 =	vor.u32 s24, v57;
	[tilespmem:$0x1F080] =	vst v2  }
0x4b4: {  	v55 =	vld [tilespmem:$0x1FED0];
	[tilespmem:$0x1FA20] =	vst v0;
	v0 =	vor.u32 $0x27, v12  }
0x4b5: {  	[tilespmem:$0x1F390] =	vst v0;
	v0 =	vld [tilespmem:$0x1F920];
	v50 =	vor.u32 $0x2A, v4  }
0x4b6: {  	v33 =	vor.u32 $0x5, v16;
	v34 =	vld.idx.msk [tilespmem:v36+s10+$0x0], $0xffff;
	v36 =	vor.u32 s15, v15;
	[tilespmem:v47+s11+$0x0] =	vst.idx.msk $0xffff, v8;
	v1 =	vor.u32 s24, v1  }
0x4b7: {  	v60 =	vld [tilespmem:$0x1FEE0];
	v39 =	vor.u32 s20, v54;
	[tilespmem:$0x1ED60] =	vst v1;
	v1 =	vor.u32 $0x23, v12  }
0x4b8: {  	v21 =	vor.u32 $0x5, v12;
	[tilespmem:$0x1F340] =	vst v1;
	v1 =	vld [tilespmem:$0x1FFE0]  }
0x4b9: {  	[tilespmem:v49+s11+$0x0] =	vst.idx.msk $0xffff, v43;
	v5 =	vld [tilespmem:$0x1F3A0]  }
0x4ba: {  	v8 =	vld.idx.msk [tilespmem:v50+s10+$0x0], $0xffff;
	[tilespmem:v26+s11+$0x0] =	vst.idx.msk $0xffff, v48  }
0x4bb: {  	v26 =	vld.idx.msk [tilespmem:v33+s10+$0x0], $0xffff;
	[tilespmem:v36+s11+$0x0] =	vst.idx.msk $0xffff, v37  }
0x4bc: {  	v18 =	vld [tilespmem:$0x1FFA0];
	v44 =	vor.u32 $0x3D, v61;
	[tilespmem:v39+s11+$0x0] =	vst.idx.msk $0xffff, v34  }
0x4bd: {  	v21 =	vld.idx.msk [tilespmem:v21+s10+$0x0], $0xffff;
	[tilespmem:v0+s11+$0x0] =	vst.idx.msk $0xffff, v38;
	v7 =	vor.u32 s24, v1  }
0x4be: {  	v13 =	vld [tilespmem:$0x1FC30];
	v40 =	vor.u32 $0x18, v6;
	v1 =	vmov v5;
	[tilespmem:$0x1EEB0] =	vst v7  }
0x4bf: {  	v52 =	vld [tilespmem:$0x1FF10];
	v5 =	vor.u32 $0x25, v12;
	[tilespmem:$0x1F0A0] =	vst v1  }
0x4c0: {  	v2 =	vld [tilespmem:$0x1FC20];
	v1 =	vor.u32 $0x24, v12;
	[tilespmem:$0x1F360] =	vst v5  }
0x4c1: {  	v34 =	vld.idx.msk [tilespmem:v44+s10+$0x0], $0xffff;
	[tilespmem:$0x1F350] =	vst v1;
	v1 =	vor.u32 s24, v53  }
0x4c2: {  	v0 =	vmov v41;
	[tilespmem:$0x1F9F0] =	vst v1;
	v1 =	vld [tilespmem:$0x1FF70]  }
0x4c3: {  	v37 =	vld.idx.msk [tilespmem:v40+s10+$0x0], $0xffff;
	[tilespmem:$0x1F920] =	vst v0;
	v0 =	vor.u32 s24, v58  }
0x4c4: {  	[tilespmem:$0x1FA30] =	vst v0;
	v0 =	vld [tilespmem:$0x1F280];
	_ =	sdelay $0x7  }
0x4c5: {  	v39 =	vld.idx.msk [tilespmem:v0+s10+$0x0], $0xffff  }
0x4c6: {  	v0 =	vld [tilespmem:$0x1F6C0];
	_ =	sdelay $0x6  }
0x4c7: {  	v42 =	vor.u32 $0x17, v12  }
0x4c8: {  	v32 =	vor.u32 s24, v2;
	v40 =	vor.u32 s20, v2;
	v2 =	vld [tilespmem:$0x1FA60];
	[tilespmem:v0+s11+$0x0] =	vst.idx.msk $0xffff, v62;
	v0 =	vmov v42  }
0x4c9: {  	[tilespmem:$0x1F280] =	vst v0;
	v0 =	vor.u32 $0x28, v12  }
0x4ca: {  	[tilespmem:$0x1F3A0] =	vst v0;
	v0 =	vld [tilespmem:$0x1F0B0];
	_ =	sdelay $0x2  }
0x4cb: {  	v7 =	vmov v2;
	v2 =	vld [tilespmem:$0x1F3B0];
	_ =	sdelay $0x4  }
0x4cc: {  	v62 =	vld.idx.msk [tilespmem:v0+s10+$0x0], $0xffff;
	v0 =	vmov v2  }
0x4cd: {  	v29 =	vor.u32 s24, v54;
	v54 =	vor.u32 s17, v1;
	v2 =	vld [tilespmem:$0x1F930];
	[tilespmem:$0x1F0B0] =	vst v0;
	v0 =	vor.u32 $0x29, v12  }
0x4ce: {  	v43 =	vor.u32 s21, v55;
	[tilespmem:$0x1F3B0] =	vst v0;
	v0 =	vld [tilespmem:$0x1EC30];
	_ =	sdelay $0x1  }
0x4cf: {  	v24 =	vor.u32 s24, v55;
	v9 =	vld [tilespmem:$0x1FCB0];
	_ =	sdelay $0x1  }
0x4d0: {  	[tilespmem:v54+s11+$0x0] =	vst.idx.msk $0xffff, v8  }
0x4d1: {  	v46 =	vor.u32 $0x2B, v4;
	v5 =	vor.u32 s24, v51;
	[tilespmem:v43+s11+$0x0] =	vst.idx.msk $0xffff, v26;
	v43 =	vor.u32 s24, v1;
	v1 =	vld [tilespmem:$0x1FF80]  }
0x4d2: {  	v47 =	vor.u32 $0x6, v16;
	v48 =	vor.u32 $0x3F, v61;
	[tilespmem:$0x1FA60] =	vst v5;
	v5 =	vld [tilespmem:$0x1F6E0]  }
0x4d3: {  	v41 =	vor.u32 $0x3E, v61;
	v61 =	vmovc v4;
	v58 =	vor.u32 $0x2C, v4;
	v4 =	vld [tilespmem:$0x1F0C0];
	v38 =	vor.u32 s15, v9;
	[tilespmem:v24+s11+$0x0] =	vst.idx.msk $0xffff, v21  }
0x4d4: {  	v0 =	vld.idx.msk [tilespmem:v0+s10+$0x0], $0xffff;
	[tilespmem:v2+s11+$0x0] =	vst.idx.msk $0xffff, v39;
	v2 =	vmov v29  }
0x4d5: {  	[tilespmem:$0x1F930] =	vst v2;
	v2 =	vld [tilespmem:$0x1F290]  }
0x4d6: {  	v26 =	vld.idx.msk [tilespmem:v46+s10+$0x0], $0xffff;
	v42 =	vor.u32 $0x19, v6;
	v24 =	vor.u32 s17, v1  }
0x4d7: {  	v46 =	vor.u32 s21, v60;
	v21 =	vld.idx.msk [tilespmem:v47+s10+$0x0], $0xffff  }
0x4d8: {  	[tilespmem:v38+s11+$0x0] =	vst.idx.msk $0xffff, v34  }
0x4d9: {  	v63 =	vor.u32 s24, v60;
	v53 =	vor.u32 s24, v3;
	v3 =	vld [tilespmem:$0x1FFB0];
	[tilespmem:v40+s11+$0x0] =	vst.idx.msk $0xffff, v37  }
0x4da: {  	v47 =	vor.u32 s24, v1;
	v1 =	vld.idx.msk [tilespmem:v41+s10+$0x0], $0xffff  }
0x4db: {  	v39 =	vld.idx.msk [tilespmem:v42+s10+$0x0], $0xffff;
	[tilespmem:v24+s11+$0x0] =	vst.idx.msk $0xffff, v26  }
0x4dc: {  	[tilespmem:v46+s11+$0x0] =	vst.idx.msk $0xffff, v21  }
0x4dd: {  	v2 =	vld.idx.msk [tilespmem:v2+s10+$0x0], $0xffff;
	[tilespmem:v5+s11+$0x0] =	vst.idx.msk $0xffff, v62  }
0x4de: {  	v57 =	vld.idx.msk [tilespmem:v4+s10+$0x0], $0xffff;
	[tilespmem:v63+s11+$0x0] =	vst.idx.msk $0xffff, v0;
	v0 =	vor.u32 $0x31, v12  }
0x4df: {  	v35 =	vor.u32 $0x18, v12;
	[tilespmem:$0x1EDE0] =	vst v0;
	v0 =	vld [tilespmem:$0x1FE10]  }
0x4e0: {  	v45 =	vor.u32 s24, v3;
	v46 =	vld.idx.msk [tilespmem:v58+s10+$0x0], $0xffff;
	v58 =	vor.u32 s17, v3;
	v3 =	vmov v35  }
0x4e1: {  	[tilespmem:$0x1F290] =	vst v3;
	v3 =	vld [tilespmem:$0x1EC40];
	_ =	sdelay $0x2  }
0x4e2: {  	v11 =	vor.u32 s24, v0  }
0x4e3: {  	[tilespmem:$0x1EE40] =	vst v11;
	v11 =	vld [tilespmem:$0x1FCE0];
	_ =	sdelay $0x3  }
0x4e4: {  	v35 =	vld.idx.msk [tilespmem:v3+s10+$0x0], $0xffff;
	v3 =	vor.u32 $0x32, v12  }
0x4e5: {  	[tilespmem:$0x1EE50] =	vst v3;
	v55 =	vor.u32 s21, v11;
	v11 =	vmov v53  }
0x4e6: {  	v3 =	vld [tilespmem:$0x1FA70];
	[tilespmem:$0x1FA70] =	vst v11;
	v11 =	vor.u32 $0x33, v12  }
0x4e7: {  	[tilespmem:$0x1EEE0] =	vst v11;
	v11 =	vld [tilespmem:$0x1FE30];
	_ =	sdelay $0x4  }
0x4e8: {  	v19 =	vor.u32 s24, v11  }
0x4e9: {  	[tilespmem:$0x1EF60] =	vst v19;
	v19 =	vld [tilespmem:$0x1F940];
	_ =	sdelay $0x4  }
0x4ea: {  	v21 =	vld [tilespmem:$0x1FE40];
	_ =	sdelay $0x2  }
0x4eb: {  	[tilespmem:v19+s11+$0x0] =	vst.idx.msk $0xffff, v2;
	v19 =	vmov v32  }
0x4ec: {  	[tilespmem:$0x1F940] =	vst v19;
	v19 =	vor.u32 $0x34, v12  }
0x4ed: {  	[tilespmem:$0x1EF70] =	vst v19;
	v19 =	vor.u32 s24, v21  }
0x4ee: {  	[tilespmem:$0x1FB60] =	vst v19;
	v19 =	vld [tilespmem:$0x1F2A0];
	_ =	sdelay $0x4  }
0x4ef: {  	[tilespmem:$0x1F6C0] =	vst v7;
	v7 =	vld [tilespmem:$0x1FCC0];
	_ =	sdelay $0x2  }
0x4f0: {  	v32 =	vld.idx.msk [tilespmem:v19+s10+$0x0], $0xffff  }
0x4f1: {  	v19 =	vld [tilespmem:$0x1F6F0]  }
0x4f2: {  	v38 =	vor.u32 $0x7, v16;
	v42 =	vor.u32 s15, v7;
	v53 =	vld [tilespmem:$0x1FC00]  }
0x4f3: {  	v51 =	vor.u32 s20, v13;
	v17 =	vld [tilespmem:$0x1FFD0]  }
0x4f4: {  	v50 =	vor.u32 $0x2A, v12  }
0x4f5: {  	v25 =	vld [tilespmem:$0x1F3C0];
	v26 =	vmov v50  }
0x4f6: {  	v54 =	vor.u32 $0x1A, v6;
	v24 =	vld [tilespmem:$0x1FE50];
	[tilespmem:$0x1F3C0] =	vst v26  }
0x4f7: {  	v38 =	vld.idx.msk [tilespmem:v38+s10+$0x0], $0xffff;
	[tilespmem:v42+s11+$0x0] =	vst.idx.msk $0xffff, v1;
	v42 =	vor.u32 s15, v53;
	s15 =	smov.u32 s17  }
0x4f8: {  	v28 =	vor.u32 $0x19, v12;
	v40 =	vor.u32 s24, v17;
	[tilespmem:v51+s11+$0x0] =	vst.idx.msk $0xffff, v39;
	v63 =	vor.u32 s15, v17;
	v17 =	vld [tilespmem:$0x1FA90]  }
0x4f9: {  	[tilespmem:v19+s11+$0x0] =	vst.idx.msk $0xffff, v57;
	v19 =	vmov v28  }
0x4fa: {  	v26 =	vld [tilespmem:$0x1EC50];
	[tilespmem:$0x1F2A0] =	vst v19;
	v19 =	vor.u32 $0x35, v12  }
0x4fb: {  	v2 =	vld.idx.msk [tilespmem:v54+s10+$0x0], $0xffff;
	[tilespmem:$0x1F490] =	vst v19;
	v19 =	vor.u32 s24, v24  }
0x4fc: {  	s17 =	smov.u32 s20;
	[tilespmem:$0x1FB70] =	vst v19;
	v19 =	vld [tilespmem:$0x1F0D0]  }
0x4fd: {  	v31 =	vor.u32 s24, v52;
	v54 =	vor.u32 s17, v52;
	v52 =	vmov v17;
	v17 =	vld [tilespmem:$0x1FE70];
	_ =	sdelay $0x3  }
0x4fe: {  	v39 =	vld.idx.msk [tilespmem:v48+s10+$0x0], $0xffff  }
0x4ff: {  	v1 =	vmov v3;
	v3 =	vld [tilespmem:$0x1FE20];
	v48 =	vor.u32 s24, v17;
	v17 =	vmov v43  }
0x500: {  	[tilespmem:$0x1FA90] =	vst v17;
	v17 =	vld [tilespmem:$0x1FE80]  }
0x501: {  	v62 =	vld.idx.msk [tilespmem:v19+s10+$0x0], $0xffff  }
0x502: {  	[tilespmem:v26+s11+$0x0] =	vst.idx.msk $0xffff, v35;
	v26 =	vld [tilespmem:$0x1F3D0];
	_ =	sdelay $0x2  }
0x503: {  	v4 =	vmovc v6;
	v6 =	vmov v16;
	v16 =	vor.u32 $0x2D, v61;
	[tilespmem:$0x1F6E0] =	vst v1;
	v1 =	vor.u32 s24, v3  }
0x504: {  	[tilespmem:$0x1EED0] =	vst v1;
	v1 =	vor.u32 $0x8, v6  }
0x505: {  	[tilespmem:v58+s11+$0x0] =	vst.idx.msk $0xffff, v46;
	v43 =	vor.u32 s24, v17;
	v17 =	vmov v26  }
0x506: {  	[tilespmem:$0x1F0D0] =	vst v17;
	v17 =	vld [tilespmem:$0x1FC80]  }
0x507: {  	v58 =	vld [tilespmem:$0x1EC60];
	[tilespmem:v55+s11+$0x0] =	vst.idx.msk $0xffff, v38  }
0x508: {  	v16 =	vld.idx.msk [tilespmem:v16+s10+$0x0], $0xffff  }
0x509: {  	v1 =	vld.idx.msk [tilespmem:v1+s10+$0x0], $0xffff;
	[tilespmem:v42+s11+$0x0] =	vst.idx.msk $0xffff, v39  }
0x50a: {  	[tilespmem:v54+s11+$0x0] =	vst.idx.msk $0xffff, v2;
	v2 =	vld [tilespmem:$0x1EFB0]  }
0x50b: {  	v39 =	vor.u32 s24, v17;
	v17 =	vld [tilespmem:$0x1F970];
	_ =	sdelay $0x6  }
0x50c: {  	v22 =	vor.u32 s24, v13;
	v50 =	vor.u32 s24, v14;
	v14 =	vld.idx.msk [tilespmem:v58+s10+$0x0], $0xffff  }
0x50d: {  	v28 =	vor.u32 $0x1B, v4;
	v2 =	vld.idx.msk [tilespmem:v2+s10+$0x0], $0xffff;
	[tilespmem:v17+s11+$0x0] =	vst.idx.msk $0xffff, v32;
	v17 =	vmov v22  }
0x50e: {  	[tilespmem:$0x1F970] =	vst v17;
	v17 =	vld [tilespmem:$0x1F2B0];
	_ =	sdelay $0x3  }
0x50f: {  	v54 =	vld.idx.msk [tilespmem:v28+s10+$0x0], $0xffff  }
0x510: {  	v28 =	vor.u32 s24, v9;
	v9 =	vld [tilespmem:$0x1FAA0];
	_ =	sdelay $0x1  }
0x511: {  	v5 =	vld [tilespmem:$0x1FDE0]  }
0x512: {  	v51 =	vld.idx.msk [tilespmem:v17+s10+$0x0], $0xffff  }
0x513: {  	v27 =	vor.u32 s24, v18;
	v17 =	vor.u32 s17, v18;
	v18 =	vld [tilespmem:$0x1F700]  }
0x514: {  	[tilespmem:v63+s11+$0x0] =	vst.idx.msk $0xffff, v16;
	v16 =	vor.u32 s24, v7;
	v7 =	vmov v9;
	v26 =	vor.u32 s24, v15;
	v15 =	vld [tilespmem:$0x1F0E0]  }
0x515: {  	[tilespmem:$0x1F700] =	vst v7;
	v7 =	vld [tilespmem:$0x1EC70];
	_ =	sdelay $0x1  }
0x516: {  	v23 =	vor.u32 $0x1A, v12;
	v30 =	vor.u32 $0x1B, v12;
	v49 =	vor.u32 $0x2B, v12  }
0x517: {  	v36 =	vor.u32 $0x2F, v12;
	v33 =	vor.u32 $0x30, v12;
	v44 =	vor.u32 $0x2D, v12  }
0x518: {  	v8 =	vor.u32 $0x2C, v12;
	v60 =	vor.u32 $0x36, v12;
	v41 =	vor.u32 $0x2E, v12  }
0x519: {  	v37 =	vor.u32 s24, v5;
	v46 =	vor.u32 $0x39, v12;
	v55 =	vor.u32 $0x38, v12  }
0x51a: {  	v38 =	vor.u32 $0x3B, v12;
	v42 =	vor.u32 $0x3A, v12;
	v57 =	vor.u32 $0x37, v12;
	[tilespmem:v18+s11+$0x0] =	vst.idx.msk $0xffff, v62;
	v18 =	vmovc v23  }
0x51b: {  	v63 =	vor.u32 $0x3E, v12;
	v35 =	vor.u32 s24, v20;
	v20 =	vor.u32 $0x3C, v12;
	[tilespmem:$0x1F2B0] =	vst v18  }
0x51c: {  	v32 =	vor.u32 $0x3D, v12;
	v18 =	vld.idx.msk [tilespmem:v15+s10+$0x0], $0xffff;
	[tilespmem:v7+s11+$0x0] =	vst.idx.msk $0xffff, v14;
	v7 =	vor.u32 $0x3F, v12;
	v12 =	vor.u32 s15, v5;
	v5 =	vmovc v47  }
0x51d: {  	[tilespmem:$0x1FAA0] =	vst v5;
	v5 =	vld [tilespmem:$0x1EC80];
	_ =	sdelay $0x7  }
0x51e: {  	v14 =	vld.idx.msk [tilespmem:v5+s10+$0x0], $0xffff  }
0x51f: {  	v5 =	vld [tilespmem:$0x1F5B0];
	_ =	sdelay $0x7  }
0x520: {  	[tilespmem:v5+s11+$0x0] =	vst.idx.msk $0xffff, v2;
	v5 =	vld [tilespmem:$0x1F3E0];
	_ =	sdelay $0x4  }
0x521: {  	v5 =	vmov v5  }
0x522: {  	[tilespmem:$0x1F0E0] =	vst v5;
	v5 =	vld [tilespmem:$0x1EFC0]  }
0x523: {  	[tilespmem:$0x1F540] =	vst v7;
	v7 =	vld [tilespmem:$0x1F180];
	_ =	sdelay $0x4  }
0x524: {  	v15 =	vmov v49;
	v49 =	vor.u32 s16, v53;
	v53 =	vmov v7;
	v7 =	vld [tilespmem:$0x1F4A0];
	_ =	sdelay $0x1  }
0x525: {  	v2 =	vmov v8;
	v8 =	vld.idx.msk [tilespmem:v5+s10+$0x0], $0xffff;
	v5 =	vmov v60  }
0x526: {  	[tilespmem:$0x1F4A0] =	vst v5;
	v5 =	vld [tilespmem:$0x1F980]  }
0x527: {  	[tilespmem:$0x1F6F0] =	vst v52;
	v52 =	vor.u32 s21, v56  }
0x528: {  	v56 =	vor.u32 $0x2E, v61;
	v19 =	vmov v25;
	v25 =	vld [tilespmem:$0x1FC70];
	v7 =	vmov v7  }
0x529: {  	[tilespmem:$0x1F180] =	vst v7;
	v7 =	vld [tilespmem:$0x1F7F0];
	_ =	sdelay $0x2  }
0x52a: {  	[tilespmem:v52+s11+$0x0] =	vst.idx.msk $0xffff, v1  }
0x52b: {  	v1 =	vld.idx.msk [tilespmem:v56+s10+$0x0], $0xffff;
	[tilespmem:$0x1F0C0] =	vst v19;
	v19 =	vor.u32 s24, v25  }
0x52c: {  	v56 =	vmov v7;
	v7 =	vld [tilespmem:$0x1FB80];
	[tilespmem:v5+s11+$0x0] =	vst.idx.msk $0xffff, v51;
	v5 =	vmov v19  }
0x52d: {  	[tilespmem:$0x1FB80] =	vst v5;
	v5 =	vld [tilespmem:$0x1F2C0];
	_ =	sdelay $0x1  }
0x52e: {  	v58 =	vor.u32 $0x9, v6;
	_ =	sdelay $0x4  }
0x52f: {  	v9 =	vld.idx.msk [tilespmem:v58+s10+$0x0], $0xffff  }
0x530: {  	[tilespmem:v17+s11+$0x0] =	vst.idx.msk $0xffff, v54;
	v54 =	vmov v31;
	v31 =	vld.idx.msk [tilespmem:v5+s10+$0x0], $0xffff  }
0x531: {  	v5 =	vld [tilespmem:$0x1F710];
	_ =	sdelay $0x5  }
0x532: {  	v7 =	vmov v7  }
0x533: {  	[tilespmem:$0x1F7F0] =	vst v7  }
0x534: {  	v7 =	vld [tilespmem:$0x1FAB0];
	[tilespmem:v5+s11+$0x0] =	vst.idx.msk $0xffff, v18;
	v5 =	vmov v45  }
0x535: {  	[tilespmem:$0x1FAB0] =	vst v5;
	v5 =	vld [tilespmem:$0x1F0F0];
	_ =	sdelay $0x7  }
0x536: {  	v18 =	vmov v30;
	v30 =	vld.idx.msk [tilespmem:v5+s10+$0x0], $0xffff  }
0x537: {  	v5 =	vld [tilespmem:$0x1F3F0];
	_ =	sdelay $0x3  }
0x538: {  	v22 =	vor.u32 $0x1C, v4  }
0x539: {  	v62 =	vmov v5;
	v5 =	vld [tilespmem:$0x1F190];
	_ =	sdelay $0x2  }
0x53a: {  	[tilespmem:$0x1F3D0] =	vst v15  }
0x53b: {  	v17 =	vld.idx.msk [tilespmem:v22+s10+$0x0], $0xffff;
	[tilespmem:v12+s11+$0x0] =	vst.idx.msk $0xffff, v1;
	v15 =	vmov v7;
	v7 =	vmov v44  }
0x53c: {  	[tilespmem:$0x1F3F0] =	vst v7;
	v7 =	vld [tilespmem:$0x1F4B0];
	v1 =	vmov v5;
	v5 =	vmov v57  }
0x53d: {  	[tilespmem:$0x1F4B0] =	vst v5;
	v5 =	vld [tilespmem:$0x1EC90];
	_ =	sdelay $0x7  }
0x53e: {  	[tilespmem:v5+s11+$0x0] =	vst.idx.msk $0xffff, v14;
	v5 =	vld [tilespmem:$0x1ECA0];
	_ =	sdelay $0x7  }
0x53f: {  	v12 =	vld.idx.msk [tilespmem:v5+s10+$0x0], $0xffff  }
0x540: {  	v5 =	vld [tilespmem:$0x1F5C0];
	_ =	sdelay $0x1  }
0x541: {  	v7 =	vmov v7  }
0x542: {  	[tilespmem:$0x1F190] =	vst v7;
	v7 =	vld [tilespmem:$0x1F810];
	_ =	sdelay $0x3  }
0x543: {  	v23 =	vld [tilespmem:$0x1FC10]  }
0x544: {  	[tilespmem:v5+s11+$0x0] =	vst.idx.msk $0xffff, v8;
	v8 =	vmov v7;
	v7 =	vld [tilespmem:$0x1ECB0];
	_ =	sdelay $0x2  }
0x545: {  	v10 =	vld [tilespmem:$0x1FDF0]  }
0x546: {  	v58 =	vld [tilespmem:$0x1FC40]  }
0x547: {  	v47 =	vor.u32 s21, v23;
	v5 =	vmov v7;
	v7 =	vld [tilespmem:$0x1F1A0];
	_ =	sdelay $0x1  }
0x548: {  	[tilespmem:$0x1F810] =	vst v5;
	v5 =	vld [tilespmem:$0x1EFD0]  }
0x549: {  	[tilespmem:$0x1F3E0] =	vst v2;
	v2 =	vor.u32 $0xA, v6  }
0x54a: {  	v52 =	vor.u32 $0x2F, v61  }
0x54b: {  	v34 =	vor.u32 s24, v10;
	v58 =	vor.u32 s17, v58;
	[tilespmem:v47+s11+$0x0] =	vst.idx.msk $0xffff, v9;
	v9 =	vor.u32 s15, v10;
	v10 =	vmovc v7;
	v7 =	vld [tilespmem:$0x1F4C0];
	_ =	sdelay $0x2  }
0x54c: {  	v2 =	vld.idx.msk [tilespmem:v2+s10+$0x0], $0xffff  }
0x54d: {  	[tilespmem:$0x1EFC0] =	vst v1;
	v1 =	vld.idx.msk [tilespmem:v52+s10+$0x0], $0xffff  }
0x54e: {  	[tilespmem:v58+s11+$0x0] =	vst.idx.msk $0xffff, v17;
	v17 =	vld.idx.msk [tilespmem:v5+s10+$0x0], $0xffff;
	v5 =	vmov v7  }
0x54f: {  	[tilespmem:$0x1F1A0] =	vst v5;
	v5 =	vld [tilespmem:$0x1F9A0];
	_ =	sdelay $0x7  }
0x550: {  	[tilespmem:v5+s11+$0x0] =	vst.idx.msk $0xffff, v31;
	v5 =	vmov v55  }
0x551: {  	[tilespmem:$0x1F4C0] =	vst v5;
	v5 =	vld [tilespmem:$0x1F2D0];
	_ =	sdelay $0x7  }
0x552: {  	v7 =	vmov v27;
	v27 =	vld.idx.msk [tilespmem:v5+s10+$0x0], $0xffff  }
0x553: {  	v5 =	vld [tilespmem:$0x1F730];
	_ =	sdelay $0x2  }
0x554: {  	[tilespmem:$0x1F9A0] =	vst v7;
	v7 =	vld [tilespmem:$0x1ECC0];
	_ =	sdelay $0x3  }
0x555: {  	[tilespmem:$0x1EFD0] =	vst v10  }
0x556: {  	v10 =	vmov v7;
	v7 =	vld [tilespmem:$0x1FAC0];
	[tilespmem:v5+s11+$0x0] =	vst.idx.msk $0xffff, v30;
	v5 =	vmov v40  }
0x557: {  	[tilespmem:$0x1FAC0] =	vst v5;
	v5 =	vld [tilespmem:$0x1F100];
	_ =	sdelay $0x3  }
0x558: {  	v19 =	vld [tilespmem:$0x1FCF0];
	_ =	sdelay $0x3  }
0x559: {  	[tilespmem:$0x1F2C0] =	vst v18;
	v18 =	vor.u32 $0x1D, v4;
	v40 =	vld.idx.msk [tilespmem:v5+s10+$0x0], $0xffff  }
0x55a: {  	v22 =	vor.u32 s21, v19;
	v5 =	vld [tilespmem:$0x1F410];
	_ =	sdelay $0x3  }
0x55b: {  	v18 =	vld.idx.msk [tilespmem:v18+s10+$0x0], $0xffff;
	[tilespmem:v9+s11+$0x0] =	vst.idx.msk $0xffff, v1  }
0x55c: {  	[tilespmem:v22+s11+$0x0] =	vst.idx.msk $0xffff, v2;
	v2 =	vld [tilespmem:$0x1ECD0];
	v5 =	vmov v5  }
0x55d: {  	[tilespmem:$0x1F100] =	vst v5;
	v5 =	vld [tilespmem:$0x1ECE0];
	_ =	sdelay $0x4  }
0x55e: {  	v7 =	vmov v7  }
0x55f: {  	[tilespmem:$0x1F730] =	vst v7  }
0x560: {  	v7 =	vld [tilespmem:$0x1F820];
	[tilespmem:v2+s11+$0x0] =	vst.idx.msk $0xffff, v12  }
0x561: {  	v9 =	vld.idx.msk [tilespmem:v5+s10+$0x0], $0xffff  }
0x562: {  	v5 =	vld [tilespmem:$0x1F5D0];
	_ =	sdelay $0x2  }
0x563: {  	[tilespmem:$0x1F5B0] =	vst v56;
	v56 =	vmov v50;
	v50 =	vmov v7;
	v7 =	vld [tilespmem:$0x1ECF0];
	_ =	sdelay $0x3  }
0x564: {  	[tilespmem:$0x1EFB0] =	vst v53;
	v53 =	vld [tilespmem:$0x1FC50]  }
0x565: {  	[tilespmem:v5+s11+$0x0] =	vst.idx.msk $0xffff, v17;
	v5 =	vmov v7;
	v7 =	vld [tilespmem:$0x1F1B0];
	_ =	sdelay $0x1  }
0x566: {  	[tilespmem:$0x1F820] =	vst v5;
	v5 =	vld [tilespmem:$0x1EFE0]  }
0x567: {  	v23 =	vor.u32 $0x30, v61  }
0x568: {  	[tilespmem:$0x1F5C0] =	vst v8;
	v8 =	vor.u32 $0xB, v6  }
0x569: {  	v31 =	vor.u32 s17, v53;
	[tilespmem:$0x1F2D0] =	vst v10;
	v10 =	vmov v7;
	v7 =	vld [tilespmem:$0x1F4D0];
	_ =	sdelay $0x1  }
0x56a: {  	v1 =	vmov v41  }
0x56b: {  	[tilespmem:$0x1F410] =	vst v1;
	v1 =	vld.idx.msk [tilespmem:v23+s10+$0x0], $0xffff  }
0x56c: {  	v2 =	vld.idx.msk [tilespmem:v8+s10+$0x0], $0xffff  }
0x56d: {  	[tilespmem:v31+s11+$0x0] =	vst.idx.msk $0xffff, v18;
	v18 =	vld.idx.msk [tilespmem:v5+s10+$0x0], $0xffff;
	v5 =	vmov v7  }
0x56e: {  	[tilespmem:$0x1F1B0] =	vst v5;
	v5 =	vld [tilespmem:$0x1F9B0];
	_ =	sdelay $0x7  }
0x56f: {  	[tilespmem:v5+s11+$0x0] =	vst.idx.msk $0xffff, v27;
	v5 =	vmov v46  }
0x570: {  	[tilespmem:$0x1F4D0] =	vst v5;
	v5 =	vld [tilespmem:$0x1F2E0];
	_ =	sdelay $0x5  }
0x571: {  	v7 =	vld [tilespmem:$0x1ED00];
	_ =	sdelay $0x1  }
0x572: {  	v53 =	vld.idx.msk [tilespmem:v5+s10+$0x0], $0xffff  }
0x573: {  	v5 =	vld [tilespmem:$0x1F740];
	_ =	sdelay $0x1  }
0x574: {  	v7 =	vmov v7  }
0x575: {  	[tilespmem:$0x1F9B0] =	vst v7;
	v7 =	vld [tilespmem:$0x1ED10]  }
0x576: {  	v13 =	vld [tilespmem:$0x1FE00]  }
0x577: {  	v41 =	vld [tilespmem:$0x1FD00];
	_ =	sdelay $0x1  }
0x578: {  	[tilespmem:$0x1EFE0] =	vst v10  }
0x579: {  	v10 =	vmov v7;
	v7 =	vld [tilespmem:$0x1FAD0];
	[tilespmem:v5+s11+$0x0] =	vst.idx.msk $0xffff, v40;
	v5 =	vmov v37  }
0x57a: {  	v30 =	vor.u32 $0x1E, v4;
	v8 =	vor.u32 s15, v13;
	[tilespmem:$0x1FAD0] =	vst v5;
	v5 =	vld [tilespmem:$0x1F110]  }
0x57b: {  	v12 =	vor.u32 s21, v41;
	_ =	sdelay $0x3  }
0x57c: {  	v27 =	vld.idx.msk [tilespmem:v30+s10+$0x0], $0xffff;
	[tilespmem:v8+s11+$0x0] =	vst.idx.msk $0xffff, v1  }
0x57d: {  	[tilespmem:v12+s11+$0x0] =	vst.idx.msk $0xffff, v2;
	v2 =	vld [tilespmem:$0x1ED20]  }
0x57e: {  	v8 =	vor.u32 s15, v0;
	v0 =	vld [tilespmem:$0x1ED30]  }
0x57f: {  	v31 =	vld.idx.msk [tilespmem:v5+s10+$0x0], $0xffff  }
0x580: {  	v5 =	vld [tilespmem:$0x1F420];
	_ =	sdelay $0x4  }
0x581: {  	[tilespmem:v2+s11+$0x0] =	vst.idx.msk $0xffff, v9;
	v5 =	vmov v5  }
0x582: {  	[tilespmem:$0x1F110] =	vst v5;
	v5 =	vld [tilespmem:$0x1F830]  }
0x583: {  	v9 =	vld.idx.msk [tilespmem:v0+s10+$0x0], $0xffff  }
0x584: {  	v0 =	vld [tilespmem:$0x1F5E0];
	_ =	sdelay $0x2  }
0x585: {  	[tilespmem:$0x1F2E0] =	vst v10;
	v10 =	vmov v5;
	v5 =	vld [tilespmem:$0x1FBB0];
	_ =	sdelay $0x4  }
0x586: {  	[tilespmem:v0+s11+$0x0] =	vst.idx.msk $0xffff, v18;
	v0 =	vmov v5;
	v5 =	vld [tilespmem:$0x1F1C0];
	_ =	sdelay $0x1  }
0x587: {  	v7 =	vmov v7;
	[tilespmem:$0x1F830] =	vst v0;
	v0 =	vld [tilespmem:$0x1EFF0];
	_ =	sdelay $0x2  }
0x588: {  	[tilespmem:$0x1F740] =	vst v7;
	v7 =	vmov v5;
	v5 =	vld [tilespmem:$0x1F4E0];
	_ =	sdelay $0x4  }
0x589: {  	v18 =	vld.idx.msk [tilespmem:v0+s10+$0x0], $0xffff;
	v0 =	vmov v5  }
0x58a: {  	[tilespmem:$0x1F1C0] =	vst v0;
	v0 =	vld [tilespmem:$0x1ED40];
	_ =	sdelay $0x4  }
0x58b: {  	v55 =	vor.u32 $0x31, v61;
	_ =	sdelay $0x2  }
0x58c: {  	[tilespmem:v0+s11+$0x0] =	vst.idx.msk $0xffff, v53;
	v0 =	vld [tilespmem:$0x1ED50]  }
0x58d: {  	v1 =	vmov v36  }
0x58e: {  	[tilespmem:$0x1F420] =	vst v1;
	v1 =	vld.idx.msk [tilespmem:v55+s10+$0x0], $0xffff;
	v55 =	vmov v43;
	_ =	sdelay $0x2  }
0x58f: {  	[tilespmem:$0x1FBB0] =	vst v55;
	v55 =	vmov v0;
	v0 =	vmov v42  }
0x590: {  	[tilespmem:$0x1F4E0] =	vst v0;
	v0 =	vld [tilespmem:$0x1F2F0];
	_ =	sdelay $0x7  }
0x591: {  	v5 =	vld.idx.msk [tilespmem:v0+s10+$0x0], $0xffff  }
0x592: {  	v0 =	vld [tilespmem:$0x1F760];
	_ =	sdelay $0x2  }
0x593: {  	[tilespmem:$0x1EFF0] =	vst v7;
	v7 =	vld [tilespmem:$0x1ED70]  }
0x594: {  	v60 =	vld [tilespmem:$0x1FDD0];
	_ =	sdelay $0x2  }
0x595: {  	[tilespmem:$0x1F5E0] =	vst v10  }
0x596: {  	v10 =	vmov v7;
	v7 =	vld [tilespmem:$0x1FAE0];
	[tilespmem:v0+s11+$0x0] =	vst.idx.msk $0xffff, v31;
	v0 =	vmov v34  }
0x597: {  	v17 =	vor.u32 $0xC, v6;
	v30 =	vor.u32 s17, v60;
	[tilespmem:$0x1FAE0] =	vst v0;
	v0 =	vld [tilespmem:$0x1F120]  }
0x598: {  	[tilespmem:$0x1F5D0] =	vst v50;
	v50 =	vmov v60;
	v60 =	vor.u32 $0x1F, v4;
	_ =	sdelay $0x3  }
0x599: {  	v2 =	vld.idx.msk [tilespmem:v17+s10+$0x0], $0xffff;
	[tilespmem:v30+s11+$0x0] =	vst.idx.msk $0xffff, v27  }
0x59a: {  	v22 =	vld.idx.msk [tilespmem:v60+s10+$0x0], $0xffff  }
0x59b: {  	[tilespmem:v8+s11+$0x0] =	vst.idx.msk $0xffff, v1;
	v1 =	vld [tilespmem:$0x1F430]  }
0x59c: {  	v27 =	vld.idx.msk [tilespmem:v0+s10+$0x0], $0xffff;
	v0 =	vmov v33  }
0x59d: {  	[tilespmem:$0x1F430] =	vst v0;
	v0 =	vld [tilespmem:$0x1ED90];
	_ =	sdelay $0x7  }
0x59e: {  	[tilespmem:v0+s11+$0x0] =	vst.idx.msk $0xffff, v9;
	v0 =	vld [tilespmem:$0x1EDA0];
	_ =	sdelay $0x5  }
0x59f: {  	v36 =	vld [tilespmem:$0x1FD10]  }
0x5a0: {  	v8 =	vor.u32 s15, v3;
	v3 =	vld [tilespmem:$0x1F840]  }
0x5a1: {  	v9 =	vld.idx.msk [tilespmem:v0+s10+$0x0], $0xffff  }
0x5a2: {  	v0 =	vld [tilespmem:$0x1F5F0];
	_ =	sdelay $0x2  }
0x5a3: {  	v53 =	vmov v3;
	v3 =	vld [tilespmem:$0x1FBD0]  }
0x5a4: {  	v12 =	vor.u32 s21, v36;
	_ =	sdelay $0x1  }
0x5a5: {  	v17 =	vor.u32 $0xD, v6  }
0x5a6: {  	v58 =	vmov v48;
	v48 =	vor.u32 $0x32, v61  }
0x5a7: {  	v60 =	vor.u32 s17, v59;
	[tilespmem:v0+s11+$0x0] =	vst.idx.msk $0xffff, v18;
	v0 =	vmov v3;
	v3 =	vld [tilespmem:$0x1F1D0]  }
0x5a8: {  	[tilespmem:v12+s11+$0x0] =	vst.idx.msk $0xffff, v2  }
0x5a9: {  	[tilespmem:$0x1F840] =	vst v0;
	v0 =	vld [tilespmem:$0x1F000]  }
0x5aa: {  	v2 =	vld.idx.msk [tilespmem:v17+s10+$0x0], $0xffff;
	v1 =	vmov v1  }
0x5ab: {  	[tilespmem:$0x1F120] =	vst v1;
	v1 =	vld.idx.msk [tilespmem:v48+s10+$0x0], $0xffff  }
0x5ac: {  	[tilespmem:v60+s11+$0x0] =	vst.idx.msk $0xffff, v22;
	v22 =	vmov v3;
	v3 =	vld [tilespmem:$0x1F4F0];
	_ =	sdelay $0x4  }
0x5ad: {  	v18 =	vld.idx.msk [tilespmem:v0+s10+$0x0], $0xffff;
	v0 =	vmov v3  }
0x5ae: {  	[tilespmem:$0x1F1D0] =	vst v0;
	v0 =	vld [tilespmem:$0x1EDB0];
	_ =	sdelay $0x7  }
0x5af: {  	[tilespmem:v0+s11+$0x0] =	vst.idx.msk $0xffff, v5;
	v0 =	vld [tilespmem:$0x1EDC0];
	_ =	sdelay $0x4  }
0x5b0: {  	[tilespmem:$0x1F5F0] =	vst v53;
	v53 =	vmov v0;
	v0 =	vmov v38  }
0x5b1: {  	[tilespmem:$0x1F4F0] =	vst v0;
	v0 =	vld [tilespmem:$0x1F300];
	_ =	sdelay $0x1  }
0x5b2: {  	[tilespmem:$0x1F2F0] =	vst v10;
	v10 =	vor.u32 $0x20, v4;
	_ =	sdelay $0x4  }
0x5b3: {  	v5 =	vld.idx.msk [tilespmem:v10+s10+$0x0], $0xffff  }
0x5b4: {  	v10 =	vld.idx.msk [tilespmem:v0+s10+$0x0], $0xffff  }
0x5b5: {  	v0 =	vld [tilespmem:$0x1FF90];
	_ =	sdelay $0x4  }
0x5b6: {  	[tilespmem:$0x1F710] =	vst v15;
	v15 =	vor.u32 s17, v0;
	v0 =	vld [tilespmem:$0x1F770];
	_ =	sdelay $0x1  }
0x5b7: {  	v3 =	vld [tilespmem:$0x1EDD0];
	_ =	sdelay $0x4  }
0x5b8: {  	v29 =	vor.u32 s24, v13;
	v23 =	vmov v3;
	v3 =	vld [tilespmem:$0x1FAF0];
	[tilespmem:v8+s11+$0x0] =	vst.idx.msk $0xffff, v1  }
0x5b9: {  	v1 =	vld [tilespmem:$0x1F440];
	[tilespmem:v0+s11+$0x0] =	vst.idx.msk $0xffff, v27;
	v0 =	vmov v29  }
0x5ba: {  	[tilespmem:$0x1FAF0] =	vst v0;
	v0 =	vld [tilespmem:$0x1F130]  }
0x5bb: {  	v7 =	vmov v7;
	_ =	sdelay $0x2  }
0x5bc: {  	[tilespmem:$0x1F760] =	vst v7;
	v7 =	vmov v3;
	v3 =	vmov v1;
	v1 =	vld [tilespmem:$0x1EDE0];
	_ =	sdelay $0x3  }
0x5bd: {  	[tilespmem:$0x1F300] =	vst v23;
	v23 =	vld.idx.msk [tilespmem:v0+s10+$0x0], $0xffff  }
0x5be: {  	v0 =	vmov v1;
	v1 =	vld [tilespmem:$0x1EDF0]  }
0x5bf: {  	[tilespmem:$0x1F130] =	vst v3;
	v3 =	vld [tilespmem:$0x1EE00];
	_ =	sdelay $0x1  }
0x5c0: {  	v40 =	vld [tilespmem:$0x1FD20];
	_ =	sdelay $0x3  }
0x5c1: {  	[tilespmem:$0x1F770] =	vst v7  }
0x5c2: {  	v43 =	vor.u32 s21, v40;
	v7 =	vld [tilespmem:$0x1F860];
	[tilespmem:v1+s11+$0x0] =	vst.idx.msk $0xffff, v9  }
0x5c3: {  	v8 =	vld.idx.msk [tilespmem:v3+s10+$0x0], $0xffff  }
0x5c4: {  	v3 =	vld [tilespmem:$0x1F600];
	_ =	sdelay $0x2  }
0x5c5: {  	[tilespmem:v43+s11+$0x0] =	vst.idx.msk $0xffff, v2;
	v43 =	vmov v7;
	v7 =	vld [tilespmem:$0x1FBE0];
	_ =	sdelay $0x4  }
0x5c6: {  	[tilespmem:v3+s11+$0x0] =	vst.idx.msk $0xffff, v18;
	v3 =	vmov v7;
	v7 =	vld [tilespmem:$0x1F1E0];
	_ =	sdelay $0x1  }
0x5c7: {  	[tilespmem:$0x1F860] =	vst v3;
	v3 =	vld [tilespmem:$0x1F010]  }
0x5c8: {  	v48 =	vor.u32 $0x33, v61  }
0x5c9: {  	v17 =	vor.u32 $0xE, v6  }
0x5ca: {  	v2 =	vor.u32 s15, v11;
	v11 =	vmov v7;
	v7 =	vld [tilespmem:$0x1F500];
	_ =	sdelay $0x2  }
0x5cb: {  	[tilespmem:$0x1F440] =	vst v0;
	v0 =	vld.idx.msk [tilespmem:v48+s10+$0x0], $0xffff  }
0x5cc: {  	v1 =	vld.idx.msk [tilespmem:v17+s10+$0x0], $0xffff  }
0x5cd: {  	[tilespmem:v15+s11+$0x0] =	vst.idx.msk $0xffff, v5;
	v5 =	vld.idx.msk [tilespmem:v3+s10+$0x0], $0xffff;
	v3 =	vmov v7  }
0x5ce: {  	[tilespmem:$0x1F1E0] =	vst v3;
	v3 =	vld [tilespmem:$0x1EE10];
	_ =	sdelay $0x7  }
0x5cf: {  	[tilespmem:v3+s11+$0x0] =	vst.idx.msk $0xffff, v10;
	v3 =	vld [tilespmem:$0x1EE20];
	_ =	sdelay $0x4  }
0x5d0: {  	v31 =	vmov v3;
	v3 =	vmov v20  }
0x5d1: {  	[tilespmem:$0x1F500] =	vst v3;
	v3 =	vld [tilespmem:$0x1F310];
	_ =	sdelay $0x6  }
0x5d2: {  	[tilespmem:$0x1F010] =	vst v11;
	v11 =	vld [tilespmem:$0x1EE30]  }
0x5d3: {  	v7 =	vld.idx.msk [tilespmem:v3+s10+$0x0], $0xffff  }
0x5d4: {  	v3 =	vld [tilespmem:$0x1FF30];
	_ =	sdelay $0x2  }
0x5d5: {  	v17 =	vmov v11;
	v11 =	vld [tilespmem:$0x1FB20];
	_ =	sdelay $0x1  }
0x5d6: {  	v15 =	vor.u32 s17, v3;
	v3 =	vld [tilespmem:$0x1F780];
	_ =	sdelay $0x2  }
0x5d7: {  	v20 =	vmov v11;
	v11 =	vld [tilespmem:$0x1EE40];
	_ =	sdelay $0x2  }
0x5d8: {  	v37 =	vld [tilespmem:$0x1FD30];
	[tilespmem:$0x1F000] =	vst v22;
	v22 =	vor.u32 $0x21, v4;
	_ =	sdelay $0x1  }
0x5d9: {  	[tilespmem:v3+s11+$0x0] =	vst.idx.msk $0xffff, v23;
	v3 =	vmov v11  }
0x5da: {  	[tilespmem:$0x1FB20] =	vst v3;
	v3 =	vld [tilespmem:$0x1F140];
	_ =	sdelay $0x1  }
0x5db: {  	v9 =	vor.u32 s21, v37;
	v10 =	vld.idx.msk [tilespmem:v22+s10+$0x0], $0xffff  }
0x5dc: {  	[tilespmem:v2+s11+$0x0] =	vst.idx.msk $0xffff, v0;
	v2 =	vld [tilespmem:$0x1F450];
	_ =	sdelay $0x3  }
0x5dd: {  	[tilespmem:v9+s11+$0x0] =	vst.idx.msk $0xffff, v1;
	v1 =	vld [tilespmem:$0x1EE60]  }
0x5de: {  	v18 =	vld.idx.msk [tilespmem:v3+s10+$0x0], $0xffff;
	v3 =	vmov v2  }
0x5df: {  	[tilespmem:$0x1F140] =	vst v3;
	v3 =	vld [tilespmem:$0x1EE70];
	_ =	sdelay $0x6  }
0x5e0: {  	[tilespmem:v1+s11+$0x0] =	vst.idx.msk $0xffff, v8  }
0x5e1: {  	v8 =	vld.idx.msk [tilespmem:v3+s10+$0x0], $0xffff  }
0x5e2: {  	v3 =	vld [tilespmem:$0x1F610];
	_ =	sdelay $0x7  }
0x5e3: {  	[tilespmem:v3+s11+$0x0] =	vst.idx.msk $0xffff, v5;
	v5 =	vld [tilespmem:$0x1F870];
	_ =	sdelay $0x4  }
0x5e4: {  	v11 =	vmov v5;
	v5 =	vld [tilespmem:$0x1FBF0];
	_ =	sdelay $0x3  }
0x5e5: {  	[tilespmem:$0x1F610] =	vst v11;
	v11 =	vld [tilespmem:$0x1F1F0]  }
0x5e6: {  	v3 =	vmov v5  }
0x5e7: {  	[tilespmem:$0x1F870] =	vst v3;
	v3 =	vld [tilespmem:$0x1F020]  }
0x5e8: {  	v48 =	vor.u32 $0xF, v6;
	v2 =	vld [tilespmem:$0x1EE50]  }
0x5e9: {  	v33 =	vor.u32 $0x34, v61  }
0x5ea: {  	v52 =	vmov v19;
	v19 =	vmov v11;
	v11 =	vld [tilespmem:$0x1F520];
	_ =	sdelay $0x2  }
0x5eb: {  	v1 =	vld.idx.msk [tilespmem:v48+s10+$0x0], $0xffff;
	v0 =	vmov v2  }
0x5ec: {  	[tilespmem:$0x1F450] =	vst v0;
	v0 =	vld.idx.msk [tilespmem:v33+s10+$0x0], $0xffff  }
0x5ed: {  	[tilespmem:v15+s11+$0x0] =	vst.idx.msk $0xffff, v10;
	v10 =	vld.idx.msk [tilespmem:v3+s10+$0x0], $0xffff;
	v3 =	vmov v11  }
0x5ee: {  	[tilespmem:$0x1F1F0] =	vst v3;
	v3 =	vld [tilespmem:$0x1EE90];
	_ =	sdelay $0x7  }
0x5ef: {  	[tilespmem:v3+s11+$0x0] =	vst.idx.msk $0xffff, v7;
	v3 =	vld [tilespmem:$0x1EEA0];
	_ =	sdelay $0x4  }
0x5f0: {  	v30 =	vmov v3;
	v3 =	vmov v32  }
0x5f1: {  	[tilespmem:$0x1F520] =	vst v3;
	v3 =	vld [tilespmem:$0x1F320];
	_ =	sdelay $0x5  }
0x5f2: {  	[tilespmem:$0x1F310] =	vst v17;
	v17 =	vor.u32 $0x22, v4  }
0x5f3: {  	v11 =	vld [tilespmem:$0x1EEC0]  }
0x5f4: {  	v14 =	vld.idx.msk [tilespmem:v3+s10+$0x0], $0xffff  }
0x5f5: {  	v3 =	vld [tilespmem:$0x1FC60];
	_ =	sdelay $0x1  }
0x5f6: {  	v7 =	vld.idx.msk [tilespmem:v17+s10+$0x0], $0xffff  }
0x5f7: {  	v17 =	vmov v11;
	v11 =	vld [tilespmem:$0x1FB40];
	_ =	sdelay $0x1  }
0x5f8: {  	v15 =	vor.u32 s17, v3;
	v3 =	vld [tilespmem:$0x1F790]  }
0x5f9: {  	v38 =	vld [tilespmem:$0x1FD40];
	_ =	sdelay $0x1  }
0x5fa: {  	v23 =	vmov v11;
	v11 =	vld [tilespmem:$0x1EED0];
	_ =	sdelay $0x1  }
0x5fb: {  	v2 =	vor.u32 s15, v21  }
0x5fc: {  	v9 =	vor.u32 s21, v38;
	_ =	sdelay $0x1  }
0x5fd: {  	[tilespmem:v3+s11+$0x0] =	vst.idx.msk $0xffff, v18;
	v3 =	vmov v11  }
0x5fe: {  	[tilespmem:$0x1FB40] =	vst v3;
	v3 =	vld [tilespmem:$0x1F150]  }
0x5ff: {  	[tilespmem:v2+s11+$0x0] =	vst.idx.msk $0xffff, v0  }
0x600: {  	[tilespmem:v9+s11+$0x0] =	vst.idx.msk $0xffff, v1;
	v1 =	vld [tilespmem:$0x1EEF0];
	_ =	sdelay $0x1  }
0x601: {  	v2 =	vld [tilespmem:$0x1F460];
	_ =	sdelay $0x3  }
0x602: {  	v18 =	vld.idx.msk [tilespmem:v3+s10+$0x0], $0xffff  }
0x603: {  	v3 =	vmov v2;
	v2 =	vld [tilespmem:$0x1EEE0]  }
0x604: {  	[tilespmem:v1+s11+$0x0] =	vst.idx.msk $0xffff, v8;
	v1 =	vld [tilespmem:$0x1EF00];
	_ =	sdelay $0x3  }
0x605: {  	v0 =	vmov v2;
	v2 =	vld [tilespmem:$0x1F890];
	_ =	sdelay $0x2  }
0x606: {  	v5 =	vor.u32 $0x10, v6  }
0x607: {  	v21 =	vor.u32 $0x35, v61;
	v33 =	vld.idx.msk [tilespmem:v1+s10+$0x0], $0xffff  }
0x608: {  	[tilespmem:$0x1F150] =	vst v3;
	v1 =	vld [tilespmem:$0x1F630];
	v3 =	vmov v2  }
0x609: {  	[tilespmem:$0x1F630] =	vst v3;
	v3 =	vld [tilespmem:$0x1F200];
	_ =	sdelay $0x1  }
0x60a: {  	v5 =	vld.idx.msk [tilespmem:v5+s10+$0x0], $0xffff  }
0x60b: {  	[tilespmem:$0x1F460] =	vst v0;
	v0 =	vld.idx.msk [tilespmem:v21+s10+$0x0], $0xffff  }
0x60c: {  	v2 =	vld [tilespmem:$0x1EF10]  }
0x60d: {  	[tilespmem:v15+s11+$0x0] =	vst.idx.msk $0xffff, v7;
	v7 =	vmov v3;
	v3 =	vld [tilespmem:$0x1F530];
	_ =	sdelay $0x3  }
0x60e: {  	[tilespmem:v1+s11+$0x0] =	vst.idx.msk $0xffff, v10;
	v1 =	vmov v2  }
0x60f: {  	[tilespmem:$0x1F890] =	vst v1;
	v1 =	vld [tilespmem:$0x1F030];
	v2 =	vmov v3  }
0x610: {  	[tilespmem:$0x1F200] =	vst v2;
	v2 =	vld [tilespmem:$0x1EF20];
	_ =	sdelay $0x6  }
0x611: {  	v1 =	vld.idx.msk [tilespmem:v1+s10+$0x0], $0xffff  }
0x612: {  	[tilespmem:v2+s11+$0x0] =	vst.idx.msk $0xffff, v14;
	v2 =	vld [tilespmem:$0x1EF30];
	_ =	sdelay $0x4  }
0x613: {  	v27 =	vmov v2;
	v2 =	vmov v63  }
0x614: {  	[tilespmem:$0x1F530] =	vst v2;
	v2 =	vld [tilespmem:$0x1F330];
	_ =	sdelay $0x7  }
0x615: {  	v9 =	vld.idx.msk [tilespmem:v2+s10+$0x0], $0xffff  }
0x616: {  	v2 =	vld [tilespmem:$0x1FFE0];
	_ =	sdelay $0x2  }
0x617: {  	v3 =	vld [tilespmem:$0x1EF40];
	_ =	sdelay $0x1  }
0x618: {  	v10 =	vor.u32 s17, v2;
	v2 =	vld [tilespmem:$0x1F7A0];
	_ =	sdelay $0x2  }
0x619: {  	v11 =	vmov v3;
	v3 =	vld [tilespmem:$0x1EF50]  }
0x61a: {  	v47 =	vld [tilespmem:$0x1FDA0]  }
0x61b: {  	v44 =	vld [tilespmem:$0x1FD70];
	[tilespmem:$0x1F980] =	vst v54  }
0x61c: {  	v54 =	vld [tilespmem:$0x1FDC0];
	[tilespmem:$0x1F320] =	vst v17;
	v17 =	vor.u32 $0x23, v4  }
0x61d: {  	v51 =	vld [tilespmem:$0x1FD90]  }
0x61e: {  	v8 =	vor.u32 s15, v24;
	[tilespmem:v2+s11+$0x0] =	vst.idx.msk $0xffff, v18;
	v2 =	vmov v3;
	v3 =	vld [tilespmem:$0x1F470]  }
0x61f: {  	v45 =	vld [tilespmem:$0x1FD80]  }
0x620: {  	v60 =	vmov v39;
	v39 =	vld [tilespmem:$0x1FD50]  }
0x621: {  	[tilespmem:$0x1F030] =	vst v7;
	v7 =	vld.idx.msk [tilespmem:v17+s10+$0x0], $0xffff  }
0x622: {  	[tilespmem:$0x1F7A0] =	vst v2;
	v2 =	vld [tilespmem:$0x1EF60]  }
0x623: {  	[tilespmem:v8+s11+$0x0] =	vst.idx.msk $0xffff, v0;
	v8 =	vmov v3;
	v3 =	vld [tilespmem:$0x1EF70]  }
0x624: {  	[tilespmem:$0x1F0F0] =	vst v62;
	v62 =	vld [tilespmem:$0x1FDB0]  }
0x625: {  	v57 =	vld [tilespmem:$0x1FCE0];
	[tilespmem:$0x1FBD0] =	vst v60;
	v60 =	vmov v35  }
0x626: {  	v46 =	vld [tilespmem:$0x1FCD0];
	[tilespmem:$0x1FBE0] =	vst v60  }
0x627: {  	v35 =	vor.u32 s21, v39;
	[tilespmem:$0x1F600] =	vst v43;
	v63 =	vmov v2;
	v2 =	vld [tilespmem:$0x1F160]  }
0x628: {  	v22 =	vmov v26;
	[tilespmem:$0x1F780] =	vst v20;
	v0 =	vmov v3;
	v3 =	vld [tilespmem:$0x1EF80]  }
0x629: {  	v59 =	vld [tilespmem:$0x1ED60];
	v48 =	vor.u32 $0x11, v6;
	[tilespmem:$0x1FBF0] =	vst v22  }
0x62a: {  	s22 =	sadd.s32 $0x2, s22;
	v42 =	vld [tilespmem:$0x1FD60];
	v43 =	vor.u32 $0x36, v61;
	[tilespmem:$0x1F020] =	vst v19  }
0x62b: {  	p1 =	slt.u32 s22, $0x1E;
	v34 =	vld [tilespmem:$0x1ED80];
	[tilespmem:$0x1F790] =	vst v23  }
.Ltmp4:
0x62c: {  	v26 =	vld [tilespmem:$0x1EE80];
	[tilespmem:v35+s11+$0x0] =	vst.idx.msk $0xffff, v5;
	(pc) =	sbr.rel @p1 .LBB2_6-.Ltmp4, $4  }
0x62d: {  	v32 =	vld [tilespmem:$0x1EEB0];
	[tilespmem:$0x1F330] =	vst v11  }
0x62e: {  	[tilespmem:$0x1F160] =	vst v8;
	v8 =	vld.idx.msk [tilespmem:v48+s10+$0x0], $0xffff  }
0x62f: {  	s23 =	sadd.s32 $0x20, s23;
	s20 =	smov.u32 s21;
	[tilespmem:$0x1F470] =	vst v0;
	v0 =	vld.idx.msk [tilespmem:v43+s10+$0x0], $0xffff  }
0x630: {  	s16 =	smov.u32 s18;
	s18 =	smov.u32 s19;
	s19 =	smov.u32 s24;
	v60 =	vmov v28;
	v5 =	vor.u32 s15, v25;
	v11 =	vor.u32 $0x24, v4;
	v2 =	vld.idx.msk [tilespmem:v2+s10+$0x0], $0xffff;
	[tilespmem:v3+s11+$0x0] =	vst.idx.msk $0xffff, v33  }
0x631: {  	v3 =	vld [tilespmem:$0x1F220];
	_ =	sdelay $0x4  }
0x632: {  	v23 =	vld [tilespmem:$0x1FEF0]  }
0x633: {  	v22 =	vld [tilespmem:$0x1FEE0]  }
0x634: {  	v21 =	vld [tilespmem:$0x1FED0];
	v12 =	vor.u32 s21, v42  }
0x635: {  	v13 =	vld.idx.msk [tilespmem:v3+s10+$0x0], $0xffff  }
0x636: {  	v20 =	vld [tilespmem:$0x1FEC0]  }
0x637: {  	v18 =	vld [tilespmem:$0x1FEB0]  }
0x638: {  	v17 =	vld [tilespmem:$0x1FEA0]  }
0x639: {  	v15 =	vld [tilespmem:$0x1FE90];
	v14 =	vor.u32 $0x12, v6;
	[tilespmem:v12+s11+$0x0] =	vst.idx.msk $0xffff, v8  }
0x63a: {  	[tilespmem:v26+s11+$0x0] =	vst.idx.msk $0xffff, v13  }
0x63b: {  	v3 =	vld [tilespmem:$0x1F230];
	_ =	sdelay $0x2  }
0x63c: {  	v12 =	vor.u32 s21, v44;
	v8 =	vld.idx.msk [tilespmem:v14+s10+$0x0], $0xffff;
	_ =	sdelay $0x4  }
0x63d: {  	[tilespmem:v12+s11+$0x0] =	vst.idx.msk $0xffff, v8;
	v13 =	vld.idx.msk [tilespmem:v3+s10+$0x0], $0xffff  }
0x63e: {  	v3 =	vld [tilespmem:$0x1F8B0];
	_ =	sdelay $0x6  }
0x63f: {  	v14 =	vor.u32 $0x13, v6  }
0x640: {  	[tilespmem:v3+s11+$0x0] =	vst.idx.msk $0xffff, v13  }
0x641: {  	v3 =	vld [tilespmem:$0x1F240];
	_ =	sdelay $0x2  }
0x642: {  	v12 =	vor.u32 s20, v45;
	v8 =	vld.idx.msk [tilespmem:v14+s10+$0x0], $0xffff;
	_ =	sdelay $0x4  }
0x643: {  	[tilespmem:v12+s11+$0x0] =	vst.idx.msk $0xffff, v8;
	v13 =	vld.idx.msk [tilespmem:v3+s10+$0x0], $0xffff  }
0x644: {  	v3 =	vld [tilespmem:$0x1F8E0];
	_ =	sdelay $0x6  }
0x645: {  	v14 =	vor.u32 $0x14, v6  }
0x646: {  	[tilespmem:v3+s11+$0x0] =	vst.idx.msk $0xffff, v13  }
0x647: {  	v3 =	vld [tilespmem:$0x1F250];
	_ =	sdelay $0x2  }
0x648: {  	v12 =	vor.u32 s20, v51;
	v8 =	vld.idx.msk [tilespmem:v14+s10+$0x0], $0xffff;
	_ =	sdelay $0x4  }
0x649: {  	[tilespmem:v12+s11+$0x0] =	vst.idx.msk $0xffff, v8;
	v13 =	vld.idx.msk [tilespmem:v3+s10+$0x0], $0xffff  }
0x64a: {  	v3 =	vld [tilespmem:$0x1F900];
	_ =	sdelay $0x6  }
0x64b: {  	v14 =	vor.u32 $0x15, v6  }
0x64c: {  	[tilespmem:v3+s11+$0x0] =	vst.idx.msk $0xffff, v13  }
0x64d: {  	v3 =	vld [tilespmem:$0x1F260];
	_ =	sdelay $0x2  }
0x64e: {  	v12 =	vor.u32 s20, v47;
	v8 =	vld.idx.msk [tilespmem:v14+s10+$0x0], $0xffff;
	_ =	sdelay $0x4  }
0x64f: {  	[tilespmem:v12+s11+$0x0] =	vst.idx.msk $0xffff, v8;
	v13 =	vld.idx.msk [tilespmem:v3+s10+$0x0], $0xffff  }
0x650: {  	v3 =	vld [tilespmem:$0x1F910];
	_ =	sdelay $0x6  }
0x651: {  	v14 =	vor.u32 $0x16, v6  }
0x652: {  	[tilespmem:v3+s11+$0x0] =	vst.idx.msk $0xffff, v13  }
0x653: {  	v3 =	vld [tilespmem:$0x1F270];
	_ =	sdelay $0x2  }
0x654: {  	v12 =	vor.u32 s20, v62;
	v8 =	vld.idx.msk [tilespmem:v14+s10+$0x0], $0xffff;
	_ =	sdelay $0x4  }
0x655: {  	[tilespmem:v12+s11+$0x0] =	vst.idx.msk $0xffff, v8;
	v13 =	vld.idx.msk [tilespmem:v3+s10+$0x0], $0xffff  }
0x656: {  	v3 =	vld [tilespmem:$0x1F920];
	_ =	sdelay $0x6  }
0x657: {  	v14 =	vor.u32 $0x17, v6  }
0x658: {  	[tilespmem:v3+s11+$0x0] =	vst.idx.msk $0xffff, v13  }
0x659: {  	v3 =	vld [tilespmem:$0x1F280];
	_ =	sdelay $0x2  }
0x65a: {  	v12 =	vor.u32 s20, v54;
	v8 =	vld.idx.msk [tilespmem:v14+s10+$0x0], $0xffff;
	_ =	sdelay $0x4  }
0x65b: {  	[tilespmem:v12+s11+$0x0] =	vst.idx.msk $0xffff, v8;
	v13 =	vld.idx.msk [tilespmem:v3+s10+$0x0], $0xffff  }
0x65c: {  	v3 =	vld [tilespmem:$0x1F930];
	_ =	sdelay $0x7  }
0x65d: {  	[tilespmem:v3+s11+$0x0] =	vst.idx.msk $0xffff, v13  }
0x65e: {  	v14 =	vor.u32 $0x18, v6;
	v12 =	vld [tilespmem:$0x1FC20];
	_ =	sdelay $0x1  }
0x65f: {  	v3 =	vld [tilespmem:$0x1F290];
	_ =	sdelay $0x2  }
0x660: {  	v8 =	vld.idx.msk [tilespmem:v14+s10+$0x0], $0xffff;
	v12 =	vor.u32 s20, v12;
	_ =	sdelay $0x4  }
0x661: {  	v13 =	vld.idx.msk [tilespmem:v3+s10+$0x0], $0xffff;
	[tilespmem:v12+s11+$0x0] =	vst.idx.msk $0xffff, v8  }
0x662: {  	v3 =	vld [tilespmem:$0x1F940];
	_ =	sdelay $0x7  }
0x663: {  	[tilespmem:v3+s11+$0x0] =	vst.idx.msk $0xffff, v13  }
0x664: {  	v14 =	vor.u32 $0x19, v6;
	v12 =	vld [tilespmem:$0x1FC30];
	_ =	sdelay $0x1  }
0x665: {  	v3 =	vld [tilespmem:$0x1F2A0];
	_ =	sdelay $0x2  }
0x666: {  	v8 =	vld.idx.msk [tilespmem:v14+s10+$0x0], $0xffff;
	v12 =	vor.u32 s20, v12;
	_ =	sdelay $0x4  }
0x667: {  	v13 =	vld.idx.msk [tilespmem:v3+s10+$0x0], $0xffff;
	[tilespmem:v12+s11+$0x0] =	vst.idx.msk $0xffff, v8  }
0x668: {  	v3 =	vld [tilespmem:$0x1F970];
	_ =	sdelay $0x7  }
0x669: {  	[tilespmem:v3+s11+$0x0] =	vst.idx.msk $0xffff, v13  }
0x66a: {  	v14 =	vor.u32 $0x1A, v6;
	v25 =	vld [tilespmem:$0x1FF10];
	_ =	sdelay $0x1  }
0x66b: {  	v3 =	vld [tilespmem:$0x1F2B0];
	_ =	sdelay $0x2  }
0x66c: {  	v8 =	vld.idx.msk [tilespmem:v14+s10+$0x0], $0xffff;
	v12 =	vor.u32 s20, v25;
	_ =	sdelay $0x4  }
0x66d: {  	v13 =	vld.idx.msk [tilespmem:v3+s10+$0x0], $0xffff;
	[tilespmem:v12+s11+$0x0] =	vst.idx.msk $0xffff, v8  }
0x66e: {  	v3 =	vld [tilespmem:$0x1F980];
	_ =	sdelay $0x7  }
0x66f: {  	[tilespmem:v3+s11+$0x0] =	vst.idx.msk $0xffff, v13  }
0x670: {  	v14 =	vor.u32 $0x1B, v6;
	v43 =	vld [tilespmem:$0x1FFA0];
	_ =	sdelay $0x1  }
0x671: {  	v3 =	vld [tilespmem:$0x1F2C0];
	_ =	sdelay $0x2  }
0x672: {  	v8 =	vld.idx.msk [tilespmem:v14+s10+$0x0], $0xffff;
	v12 =	vor.u32 s20, v43;
	_ =	sdelay $0x4  }
0x673: {  	v13 =	vld.idx.msk [tilespmem:v3+s10+$0x0], $0xffff;
	[tilespmem:v12+s11+$0x0] =	vst.idx.msk $0xffff, v8  }
0x674: {  	v3 =	vld [tilespmem:$0x1F9A0];
	_ =	sdelay $0x7  }
0x675: {  	[tilespmem:v3+s11+$0x0] =	vst.idx.msk $0xffff, v13  }
0x676: {  	v14 =	vor.u32 $0x1C, v6;
	v12 =	vld [tilespmem:$0x1FC40];
	_ =	sdelay $0x1  }
0x677: {  	v3 =	vld [tilespmem:$0x1F2D0];
	_ =	sdelay $0x2  }
0x678: {  	v8 =	vld.idx.msk [tilespmem:v14+s10+$0x0], $0xffff;
	v12 =	vor.u32 s20, v12;
	_ =	sdelay $0x4  }
0x679: {  	v13 =	vld.idx.msk [tilespmem:v3+s10+$0x0], $0xffff;
	[tilespmem:v12+s11+$0x0] =	vst.idx.msk $0xffff, v8  }
0x67a: {  	v3 =	vld [tilespmem:$0x1F9B0];
	_ =	sdelay $0x7  }
0x67b: {  	[tilespmem:v3+s11+$0x0] =	vst.idx.msk $0xffff, v13  }
0x67c: {  	v3 =	vld [tilespmem:$0x1FC50];
	_ =	sdelay $0x4  }
0x67d: {  	v12 =	vor.u32 s20, v3;
	v3 =	vld [tilespmem:$0x1F2E0];
	_ =	sdelay $0x1  }
0x67e: {  	v14 =	vor.u32 $0x1D, v6;
	_ =	sdelay $0x4  }
0x67f: {  	v8 =	vld.idx.msk [tilespmem:v14+s10+$0x0], $0xffff  }
0x680: {  	v13 =	vld.idx.msk [tilespmem:v3+s10+$0x0], $0xffff;
	_ =	sdelay $0x3  }
0x681: {  	[tilespmem:v12+s11+$0x0] =	vst.idx.msk $0xffff, v8  }
0x682: {  	[tilespmem:v55+s11+$0x0] =	vst.idx.msk $0xffff, v13  }
0x683: {  	v3 =	vld [tilespmem:$0x1F2F0];
	_ =	sdelay $0x1  }
0x684: {  	v14 =	vor.u32 $0x1E, v6;
	_ =	sdelay $0x4  }
0x685: {  	v12 =	vor.u32 s20, v50;
	v8 =	vld.idx.msk [tilespmem:v14+s10+$0x0], $0xffff  }
0x686: {  	v13 =	vld.idx.msk [tilespmem:v3+s10+$0x0], $0xffff;
	_ =	sdelay $0x3  }
0x687: {  	[tilespmem:v12+s11+$0x0] =	vst.idx.msk $0xffff, v8  }
0x688: {  	[tilespmem:v53+s11+$0x0] =	vst.idx.msk $0xffff, v13  }
0x689: {  	v3 =	vld [tilespmem:$0x1F300];
	_ =	sdelay $0x1  }
0x68a: {  	v14 =	vor.u32 $0x1F, v6;
	v24 =	vld [tilespmem:$0x1FF00];
	_ =	sdelay $0x4  }
0x68b: {  	v8 =	vld.idx.msk [tilespmem:v14+s10+$0x0], $0xffff;
	v12 =	vor.u32 s20, v24  }
0x68c: {  	v13 =	vld.idx.msk [tilespmem:v3+s10+$0x0], $0xffff;
	_ =	sdelay $0x3  }
0x68d: {  	[tilespmem:v12+s11+$0x0] =	vst.idx.msk $0xffff, v8  }
0x68e: {  	[tilespmem:v31+s11+$0x0] =	vst.idx.msk $0xffff, v13  }
0x68f: {  	v3 =	vld [tilespmem:$0x1F310];
	_ =	sdelay $0x1  }
0x690: {  	v14 =	vor.u32 $0x20, v6;
	v26 =	vld [tilespmem:$0x1FF90];
	_ =	sdelay $0x4  }
0x691: {  	v8 =	vld.idx.msk [tilespmem:v14+s10+$0x0], $0xffff;
	v12 =	vor.u32 s20, v26  }
0x692: {  	v13 =	vld.idx.msk [tilespmem:v3+s10+$0x0], $0xffff;
	_ =	sdelay $0x3  }
0x693: {  	[tilespmem:v12+s11+$0x0] =	vst.idx.msk $0xffff, v8  }
0x694: {  	[tilespmem:v30+s11+$0x0] =	vst.idx.msk $0xffff, v13  }
0x695: {  	v3 =	vld [tilespmem:$0x1F320];
	_ =	sdelay $0x1  }
0x696: {  	v14 =	vor.u32 $0x21, v6;
	v28 =	vld [tilespmem:$0x1FF30];
	_ =	sdelay $0x4  }
0x697: {  	v8 =	vld.idx.msk [tilespmem:v14+s10+$0x0], $0xffff;
	v12 =	vor.u32 s20, v28  }
0x698: {  	v13 =	vld.idx.msk [tilespmem:v3+s10+$0x0], $0xffff;
	_ =	sdelay $0x3  }
0x699: {  	[tilespmem:v12+s11+$0x0] =	vst.idx.msk $0xffff, v8  }
0x69a: {  	[tilespmem:v27+s11+$0x0] =	vst.idx.msk $0xffff, v13  }
0x69b: {  	v3 =	vld [tilespmem:$0x1FC60];
	_ =	sdelay $0x4  }
0x69c: {  	v12 =	vor.u32 s20, v3;
	v3 =	vld [tilespmem:$0x1F330];
	_ =	sdelay $0x5  }
0x69d: {  	v14 =	vor.u32 $0x22, v6;
	_ =	sdelay $0x1  }
0x69e: {  	v13 =	vld.idx.msk [tilespmem:v3+s10+$0x0], $0xffff  }
0x69f: {  	v3 =	vld [tilespmem:$0x1F670];
	_ =	sdelay $0x1  }
0x6a0: {  	v8 =	vld.idx.msk [tilespmem:v14+s10+$0x0], $0xffff;
	_ =	sdelay $0x4  }
0x6a1: {  	[tilespmem:v12+s11+$0x0] =	vst.idx.msk $0xffff, v8  }
0x6a2: {  	[tilespmem:v3+s11+$0x0] =	vst.idx.msk $0xffff, v9  }
0x6a3: {  	v3 =	vld [tilespmem:$0x1F050];
	_ =	sdelay $0x7  }
0x6a4: {  	[tilespmem:v59+s11+$0x0] =	vst.idx.msk $0xffff, v13;
	v53 =	vld.idx.msk [tilespmem:v3+s10+$0x0], $0xffff  }
0x6a5: {  	v3 =	vld [tilespmem:$0x1F340];
	_ =	sdelay $0x1  }
0x6a6: {  	v14 =	vor.u32 $0x23, v6;
	v59 =	vld [tilespmem:$0x1FFE0];
	_ =	sdelay $0x4  }
0x6a7: {  	v55 =	vld.idx.msk [tilespmem:v14+s10+$0x0], $0xffff;
	v12 =	vor.u32 s20, v59;
	[tilespmem:v10+s11+$0x0] =	vst.idx.msk $0xffff, v7  }
0x6a8: {  	[tilespmem:v34+s11+$0x0] =	vst.idx.msk $0xffff, v53;
	v13 =	vld.idx.msk [tilespmem:v3+s10+$0x0], $0xffff  }
0x6a9: {  	v3 =	vld [tilespmem:$0x1FFC0];
	_ =	sdelay $0x2  }
0x6aa: {  	[tilespmem:v12+s11+$0x0] =	vst.idx.msk $0xffff, v55  }
0x6ab: {  	v9 =	vld [tilespmem:$0x1F060];
	[tilespmem:v32+s11+$0x0] =	vst.idx.msk $0xffff, v13  }
0x6ac: {  	v33 =	vor.u32 s17, v3;
	v27 =	vmov v3;
	v12 =	vor.u32 s20, v3;
	v3 =	vld [tilespmem:$0x1F350];
	_ =	sdelay $0x2  }
0x6ad: {  	v7 =	vld.idx.msk [tilespmem:v11+s10+$0x0], $0xffff;
	_ =	sdelay $0x4  }
0x6ae: {  	v14 =	vor.u32 $0x24, v6;
	[tilespmem:v33+s11+$0x0] =	vst.idx.msk $0xffff, v7;
	v13 =	vld.idx.msk [tilespmem:v3+s10+$0x0], $0xffff  }
0x6af: {  	v3 =	vld [tilespmem:$0x1F680];
	_ =	sdelay $0x2  }
0x6b0: {  	v9 =	vld.idx.msk [tilespmem:v9+s10+$0x0], $0xffff  }
0x6b1: {  	v35 =	vld.idx.msk [tilespmem:v14+s10+$0x0], $0xffff;
	_ =	sdelay $0x3  }
0x6b2: {  	[tilespmem:v3+s11+$0x0] =	vst.idx.msk $0xffff, v9  }
0x6b3: {  	v3 =	vld [tilespmem:$0x1FFF0];
	[tilespmem:v12+s11+$0x0] =	vst.idx.msk $0xffff, v35  }
0x6b4: {  	v11 =	vld [tilespmem:$0x1F9F0];
	_ =	sdelay $0x6  }
0x6b5: {  	v34 =	vor.u32 $0x25, v4  }
0x6b6: {  	v9 =	vld [tilespmem:$0x1F070];
	[tilespmem:v11+s11+$0x0] =	vst.idx.msk $0xffff, v13  }
0x6b7: {  	v48 =	vor.u32 s17, v3;
	v29 =	vmov v3;
	v12 =	vor.u32 s20, v3;
	v3 =	vld [tilespmem:$0x1F360];
	_ =	sdelay $0x2  }
0x6b8: {  	v7 =	vld.idx.msk [tilespmem:v34+s10+$0x0], $0xffff;
	_ =	sdelay $0x4  }
0x6b9: {  	v14 =	vor.u32 $0x25, v6;
	[tilespmem:v48+s11+$0x0] =	vst.idx.msk $0xffff, v7;
	v13 =	vld.idx.msk [tilespmem:v3+s10+$0x0], $0xffff  }
0x6ba: {  	v3 =	vld [tilespmem:$0x1F690];
	_ =	sdelay $0x2  }
0x6bb: {  	v9 =	vld.idx.msk [tilespmem:v9+s10+$0x0], $0xffff  }
0x6bc: {  	v55 =	vld.idx.msk [tilespmem:v14+s10+$0x0], $0xffff;
	_ =	sdelay $0x3  }
0x6bd: {  	[tilespmem:v3+s11+$0x0] =	vst.idx.msk $0xffff, v9  }
0x6be: {  	v30 =	vld [tilespmem:$0x1FF20];
	[tilespmem:v12+s11+$0x0] =	vst.idx.msk $0xffff, v55  }
0x6bf: {  	v3 =	vld [tilespmem:$0x1F080];
	_ =	sdelay $0x7  }
0x6c0: {  	v9 =	vld.idx.msk [tilespmem:v3+s10+$0x0], $0xffff  }
0x6c1: {  	v3 =	vld [tilespmem:$0x1FA10];
	_ =	sdelay $0x6  }
0x6c2: {  	v53 =	vor.u32 $0x26, v4  }
0x6c3: {  	[tilespmem:v3+s11+$0x0] =	vst.idx.msk $0xffff, v13  }
0x6c4: {  	v3 =	vld [tilespmem:$0x1F380];
	_ =	sdelay $0x2  }
0x6c5: {  	v7 =	vld.idx.msk [tilespmem:v53+s10+$0x0], $0xffff;
	v32 =	vor.u32 s17, v30;
	_ =	sdelay $0x4  }
0x6c6: {  	v14 =	vor.u32 $0x26, v6;
	[tilespmem:v32+s11+$0x0] =	vst.idx.msk $0xffff, v7;
	v13 =	vld.idx.msk [tilespmem:v3+s10+$0x0], $0xffff  }
0x6c7: {  	v3 =	vld [tilespmem:$0x1F6A0];
	_ =	sdelay $0x3  }
0x6c8: {  	v11 =	vld.idx.msk [tilespmem:v14+s10+$0x0], $0xffff;
	v12 =	vor.u32 s20, v30;
	_ =	sdelay $0x3  }
0x6c9: {  	[tilespmem:v3+s11+$0x0] =	vst.idx.msk $0xffff, v9  }
0x6ca: {  	v31 =	vld [tilespmem:$0x1FF40];
	[tilespmem:v12+s11+$0x0] =	vst.idx.msk $0xffff, v11  }
0x6cb: {  	v3 =	vld [tilespmem:$0x1F090];
	_ =	sdelay $0x7  }
0x6cc: {  	v9 =	vld.idx.msk [tilespmem:v3+s10+$0x0], $0xffff  }
0x6cd: {  	v3 =	vld [tilespmem:$0x1FA20];
	_ =	sdelay $0x6  }
0x6ce: {  	v33 =	vor.u32 $0x27, v4  }
0x6cf: {  	[tilespmem:v3+s11+$0x0] =	vst.idx.msk $0xffff, v13  }
0x6d0: {  	v3 =	vld [tilespmem:$0x1F390];
	_ =	sdelay $0x2  }
0x6d1: {  	v7 =	vld.idx.msk [tilespmem:v33+s10+$0x0], $0xffff;
	v34 =	vor.u32 s17, v31;
	_ =	sdelay $0x4  }
0x6d2: {  	v14 =	vor.u32 $0x27, v6;
	[tilespmem:v34+s11+$0x0] =	vst.idx.msk $0xffff, v7;
	v13 =	vld.idx.msk [tilespmem:v3+s10+$0x0], $0xffff  }
0x6d3: {  	v3 =	vld [tilespmem:$0x1F6B0];
	_ =	sdelay $0x3  }
0x6d4: {  	v11 =	vld.idx.msk [tilespmem:v14+s10+$0x0], $0xffff;
	v12 =	vor.u32 s20, v31;
	_ =	sdelay $0x3  }
0x6d5: {  	[tilespmem:v3+s11+$0x0] =	vst.idx.msk $0xffff, v9  }
0x6d6: {  	v32 =	vld [tilespmem:$0x1FF50];
	[tilespmem:v12+s11+$0x0] =	vst.idx.msk $0xffff, v11  }
0x6d7: {  	v3 =	vld [tilespmem:$0x1F0A0];
	_ =	sdelay $0x7  }
0x6d8: {  	v9 =	vld.idx.msk [tilespmem:v3+s10+$0x0], $0xffff  }
0x6d9: {  	v3 =	vld [tilespmem:$0x1FA30];
	_ =	sdelay $0x6  }
0x6da: {  	v35 =	vor.u32 $0x28, v4  }
0x6db: {  	[tilespmem:v3+s11+$0x0] =	vst.idx.msk $0xffff, v13  }
0x6dc: {  	v3 =	vld [tilespmem:$0x1F3A0];
	_ =	sdelay $0x2  }
0x6dd: {  	v7 =	vld.idx.msk [tilespmem:v35+s10+$0x0], $0xffff;
	v48 =	vor.u32 s17, v32;
	_ =	sdelay $0x4  }
0x6de: {  	v14 =	vor.u32 $0x28, v6;
	[tilespmem:v48+s11+$0x0] =	vst.idx.msk $0xffff, v7;
	v13 =	vld.idx.msk [tilespmem:v3+s10+$0x0], $0xffff  }
0x6df: {  	v3 =	vld [tilespmem:$0x1F6C0];
	_ =	sdelay $0x3  }
0x6e0: {  	v11 =	vld.idx.msk [tilespmem:v14+s10+$0x0], $0xffff;
	v12 =	vor.u32 s20, v32;
	_ =	sdelay $0x3  }
0x6e1: {  	[tilespmem:v3+s11+$0x0] =	vst.idx.msk $0xffff, v9  }
0x6e2: {  	v33 =	vld [tilespmem:$0x1FF60];
	[tilespmem:v12+s11+$0x0] =	vst.idx.msk $0xffff, v11  }
0x6e3: {  	v3 =	vld [tilespmem:$0x1F0B0];
	_ =	sdelay $0x7  }
0x6e4: {  	v9 =	vld.idx.msk [tilespmem:v3+s10+$0x0], $0xffff  }
0x6e5: {  	v3 =	vld [tilespmem:$0x1FA60];
	_ =	sdelay $0x6  }
0x6e6: {  	v53 =	vor.u32 $0x29, v4  }
0x6e7: {  	[tilespmem:v3+s11+$0x0] =	vst.idx.msk $0xffff, v13  }
0x6e8: {  	v3 =	vld [tilespmem:$0x1F3B0];
	_ =	sdelay $0x2  }
0x6e9: {  	v7 =	vld.idx.msk [tilespmem:v53+s10+$0x0], $0xffff;
	v55 =	vor.u32 s17, v33;
	_ =	sdelay $0x4  }
0x6ea: {  	v14 =	vor.u32 $0x29, v6;
	[tilespmem:v55+s11+$0x0] =	vst.idx.msk $0xffff, v7;
	v13 =	vld.idx.msk [tilespmem:v3+s10+$0x0], $0xffff  }
0x6eb: {  	v3 =	vld [tilespmem:$0x1F6E0];
	_ =	sdelay $0x3  }
0x6ec: {  	v11 =	vld.idx.msk [tilespmem:v14+s10+$0x0], $0xffff;
	v12 =	vor.u32 s20, v33;
	_ =	sdelay $0x3  }
0x6ed: {  	[tilespmem:v3+s11+$0x0] =	vst.idx.msk $0xffff, v9  }
0x6ee: {  	v34 =	vld [tilespmem:$0x1FF70];
	[tilespmem:v12+s11+$0x0] =	vst.idx.msk $0xffff, v11  }
0x6ef: {  	v3 =	vld [tilespmem:$0x1F0C0];
	_ =	sdelay $0x7  }
0x6f0: {  	v9 =	vld.idx.msk [tilespmem:v3+s10+$0x0], $0xffff  }
0x6f1: {  	v3 =	vld [tilespmem:$0x1FA70];
	_ =	sdelay $0x6  }
0x6f2: {  	v32 =	vor.u32 $0x2A, v4  }
0x6f3: {  	[tilespmem:v3+s11+$0x0] =	vst.idx.msk $0xffff, v13  }
0x6f4: {  	v3 =	vld [tilespmem:$0x1F3C0];
	_ =	sdelay $0x2  }
0x6f5: {  	v7 =	vld.idx.msk [tilespmem:v32+s10+$0x0], $0xffff;
	v33 =	vor.u32 s17, v34;
	_ =	sdelay $0x4  }
0x6f6: {  	v14 =	vor.u32 $0x2A, v6;
	[tilespmem:v33+s11+$0x0] =	vst.idx.msk $0xffff, v7;
	v13 =	vld.idx.msk [tilespmem:v3+s10+$0x0], $0xffff  }
0x6f7: {  	v3 =	vld [tilespmem:$0x1F6F0];
	_ =	sdelay $0x2  }
0x6f8: {  	v35 =	vor.u32 $0x2B, v4  }
0x6f9: {  	v11 =	vld.idx.msk [tilespmem:v14+s10+$0x0], $0xffff;
	v12 =	vor.u32 s20, v34;
	_ =	sdelay $0x3  }
0x6fa: {  	v7 =	vld.idx.msk [tilespmem:v35+s10+$0x0], $0xffff;
	[tilespmem:v3+s11+$0x0] =	vst.idx.msk $0xffff, v9  }
0x6fb: {  	v35 =	vld [tilespmem:$0x1FF80];
	[tilespmem:v12+s11+$0x0] =	vst.idx.msk $0xffff, v11  }
0x6fc: {  	v3 =	vld [tilespmem:$0x1F0D0];
	_ =	sdelay $0x7  }
0x6fd: {  	v9 =	vld.idx.msk [tilespmem:v3+s10+$0x0], $0xffff  }
0x6fe: {  	v3 =	vld [tilespmem:$0x1FA90];
	_ =	sdelay $0x7  }
0x6ff: {  	[tilespmem:v3+s11+$0x0] =	vst.idx.msk $0xffff, v13  }
0x700: {  	v3 =	vld [tilespmem:$0x1F3D0];
	_ =	sdelay $0x2  }
0x701: {  	v48 =	vor.u32 s17, v35;
	_ =	sdelay $0x4  }
0x702: {  	v14 =	vor.u32 $0x2B, v6;
	[tilespmem:v48+s11+$0x0] =	vst.idx.msk $0xffff, v7;
	v13 =	vld.idx.msk [tilespmem:v3+s10+$0x0], $0xffff  }
0x703: {  	v3 =	vld [tilespmem:$0x1F700];
	_ =	sdelay $0x3  }
0x704: {  	v11 =	vld.idx.msk [tilespmem:v14+s10+$0x0], $0xffff;
	v12 =	vor.u32 s20, v35;
	_ =	sdelay $0x3  }
0x705: {  	[tilespmem:v3+s11+$0x0] =	vst.idx.msk $0xffff, v9  }
0x706: {  	v48 =	vld [tilespmem:$0x1FFB0];
	[tilespmem:v12+s11+$0x0] =	vst.idx.msk $0xffff, v11  }
0x707: {  	v3 =	vld [tilespmem:$0x1F0E0];
	_ =	sdelay $0x7  }
0x708: {  	v9 =	vld.idx.msk [tilespmem:v3+s10+$0x0], $0xffff  }
0x709: {  	v3 =	vld [tilespmem:$0x1FAA0];
	_ =	sdelay $0x6  }
0x70a: {  	v53 =	vor.u32 $0x2C, v4  }
0x70b: {  	[tilespmem:v3+s11+$0x0] =	vst.idx.msk $0xffff, v13  }
0x70c: {  	v3 =	vld [tilespmem:$0x1F3E0];
	_ =	sdelay $0x2  }
0x70d: {  	v7 =	vld.idx.msk [tilespmem:v53+s10+$0x0], $0xffff;
	v55 =	vor.u32 s17, v48;
	_ =	sdelay $0x4  }
0x70e: {  	v14 =	vor.u32 $0x2C, v6;
	[tilespmem:v55+s11+$0x0] =	vst.idx.msk $0xffff, v7;
	v13 =	vld.idx.msk [tilespmem:v3+s10+$0x0], $0xffff  }
0x70f: {  	v3 =	vld [tilespmem:$0x1F710];
	_ =	sdelay $0x3  }
0x710: {  	v11 =	vld.idx.msk [tilespmem:v14+s10+$0x0], $0xffff;
	v12 =	vor.u32 s20, v48;
	_ =	sdelay $0x3  }
0x711: {  	[tilespmem:v3+s11+$0x0] =	vst.idx.msk $0xffff, v9  }
0x712: {  	v53 =	vld [tilespmem:$0x1FFD0];
	[tilespmem:v12+s11+$0x0] =	vst.idx.msk $0xffff, v11  }
0x713: {  	v3 =	vld [tilespmem:$0x1F0F0];
	_ =	sdelay $0x7  }
0x714: {  	v9 =	vld.idx.msk [tilespmem:v3+s10+$0x0], $0xffff  }
0x715: {  	v3 =	vld [tilespmem:$0x1FAB0];
	_ =	sdelay $0x6  }
0x716: {  	v32 =	vor.u32 $0x2D, v4  }
0x717: {  	[tilespmem:v3+s11+$0x0] =	vst.idx.msk $0xffff, v13  }
0x718: {  	v3 =	vld [tilespmem:$0x1F3F0];
	_ =	sdelay $0x2  }
0x719: {  	v7 =	vld.idx.msk [tilespmem:v32+s10+$0x0], $0xffff;
	v33 =	vor.u32 s17, v53;
	_ =	sdelay $0x4  }
0x71a: {  	v14 =	vor.u32 $0x2D, v6;
	[tilespmem:v33+s11+$0x0] =	vst.idx.msk $0xffff, v7;
	v13 =	vld.idx.msk [tilespmem:v3+s10+$0x0], $0xffff  }
0x71b: {  	v3 =	vld [tilespmem:$0x1F730];
	_ =	sdelay $0x3  }
0x71c: {  	v11 =	vld.idx.msk [tilespmem:v14+s10+$0x0], $0xffff;
	v12 =	vor.u32 s20, v53;
	_ =	sdelay $0x3  }
0x71d: {  	[tilespmem:v3+s11+$0x0] =	vst.idx.msk $0xffff, v9  }
0x71e: {  	v3 =	vld [tilespmem:$0x1FDE0];
	[tilespmem:v12+s11+$0x0] =	vst.idx.msk $0xffff, v11  }
0x71f: {  	v11 =	vld [tilespmem:$0x1FAC0];
	_ =	sdelay $0x6  }
0x720: {  	v34 =	vor.u32 $0x2E, v4  }
0x721: {  	v9 =	vld [tilespmem:$0x1F100];
	[tilespmem:v11+s11+$0x0] =	vst.idx.msk $0xffff, v13  }
0x722: {  	v35 =	vor.u32 s17, v3;
	v12 =	vor.u32 s20, v3;
	v3 =	vld [tilespmem:$0x1F410];
	_ =	sdelay $0x2  }
0x723: {  	v7 =	vld.idx.msk [tilespmem:v34+s10+$0x0], $0xffff;
	_ =	sdelay $0x4  }
0x724: {  	v14 =	vor.u32 $0x2E, v6;
	[tilespmem:v35+s11+$0x0] =	vst.idx.msk $0xffff, v7;
	v13 =	vld.idx.msk [tilespmem:v3+s10+$0x0], $0xffff  }
0x725: {  	v3 =	vld [tilespmem:$0x1F740];
	_ =	sdelay $0x2  }
0x726: {  	v9 =	vld.idx.msk [tilespmem:v9+s10+$0x0], $0xffff  }
0x727: {  	v53 =	vld.idx.msk [tilespmem:v14+s10+$0x0], $0xffff;
	_ =	sdelay $0x3  }
0x728: {  	[tilespmem:v3+s11+$0x0] =	vst.idx.msk $0xffff, v9  }
0x729: {  	v3 =	vld [tilespmem:$0x1FDF0];
	[tilespmem:v12+s11+$0x0] =	vst.idx.msk $0xffff, v53  }
0x72a: {  	v11 =	vld [tilespmem:$0x1FAD0];
	_ =	sdelay $0x6  }
0x72b: {  	v48 =	vor.u32 $0x2F, v4  }
0x72c: {  	v9 =	vld [tilespmem:$0x1F110];
	[tilespmem:v11+s11+$0x0] =	vst.idx.msk $0xffff, v13  }
0x72d: {  	v55 =	vor.u32 s17, v3;
	v12 =	vor.u32 s20, v3;
	v3 =	vld [tilespmem:$0x1F420];
	_ =	sdelay $0x2  }
0x72e: {  	v7 =	vld.idx.msk [tilespmem:v48+s10+$0x0], $0xffff;
	_ =	sdelay $0x4  }
0x72f: {  	v14 =	vor.u32 $0x2F, v6;
	[tilespmem:v55+s11+$0x0] =	vst.idx.msk $0xffff, v7;
	v13 =	vld.idx.msk [tilespmem:v3+s10+$0x0], $0xffff  }
0x730: {  	v3 =	vld [tilespmem:$0x1F760];
	_ =	sdelay $0x2  }
0x731: {  	v9 =	vld.idx.msk [tilespmem:v9+s10+$0x0], $0xffff  }
0x732: {  	v33 =	vld.idx.msk [tilespmem:v14+s10+$0x0], $0xffff;
	_ =	sdelay $0x3  }
0x733: {  	[tilespmem:v3+s11+$0x0] =	vst.idx.msk $0xffff, v9  }
0x734: {  	v3 =	vld [tilespmem:$0x1FE00];
	[tilespmem:v12+s11+$0x0] =	vst.idx.msk $0xffff, v33  }
0x735: {  	v11 =	vld [tilespmem:$0x1FAE0];
	_ =	sdelay $0x6  }
0x736: {  	v32 =	vor.u32 $0x30, v4  }
0x737: {  	v9 =	vld [tilespmem:$0x1F120];
	[tilespmem:v11+s11+$0x0] =	vst.idx.msk $0xffff, v13  }
0x738: {  	v34 =	vor.u32 s17, v3;
	v12 =	vor.u32 s20, v3;
	v3 =	vld [tilespmem:$0x1F430];
	_ =	sdelay $0x2  }
0x739: {  	v7 =	vld.idx.msk [tilespmem:v32+s10+$0x0], $0xffff;
	_ =	sdelay $0x4  }
0x73a: {  	v14 =	vor.u32 $0x30, v6;
	[tilespmem:v34+s11+$0x0] =	vst.idx.msk $0xffff, v7;
	v13 =	vld.idx.msk [tilespmem:v3+s10+$0x0], $0xffff  }
0x73b: {  	v3 =	vld [tilespmem:$0x1F770];
	_ =	sdelay $0x2  }
0x73c: {  	v9 =	vld.idx.msk [tilespmem:v9+s10+$0x0], $0xffff  }
0x73d: {  	v48 =	vld.idx.msk [tilespmem:v14+s10+$0x0], $0xffff;
	_ =	sdelay $0x3  }
0x73e: {  	[tilespmem:v3+s11+$0x0] =	vst.idx.msk $0xffff, v9  }
0x73f: {  	v3 =	vld [tilespmem:$0x1FE10];
	[tilespmem:v12+s11+$0x0] =	vst.idx.msk $0xffff, v48  }
0x740: {  	v11 =	vld [tilespmem:$0x1FAF0];
	_ =	sdelay $0x6  }
0x741: {  	v35 =	vor.u32 $0x31, v4  }
0x742: {  	v9 =	vld [tilespmem:$0x1F130];
	[tilespmem:v11+s11+$0x0] =	vst.idx.msk $0xffff, v13  }
0x743: {  	v53 =	vor.u32 s17, v3;
	v12 =	vor.u32 s20, v3;
	v3 =	vld [tilespmem:$0x1F440];
	_ =	sdelay $0x2  }
0x744: {  	v7 =	vld.idx.msk [tilespmem:v35+s10+$0x0], $0xffff;
	_ =	sdelay $0x4  }
0x745: {  	v14 =	vor.u32 $0x31, v6;
	[tilespmem:v53+s11+$0x0] =	vst.idx.msk $0xffff, v7;
	v13 =	vld.idx.msk [tilespmem:v3+s10+$0x0], $0xffff  }
0x746: {  	v3 =	vld [tilespmem:$0x1F780];
	_ =	sdelay $0x2  }
0x747: {  	v9 =	vld.idx.msk [tilespmem:v9+s10+$0x0], $0xffff  }
0x748: {  	v32 =	vld.idx.msk [tilespmem:v14+s10+$0x0], $0xffff;
	_ =	sdelay $0x3  }
0x749: {  	[tilespmem:v3+s11+$0x0] =	vst.idx.msk $0xffff, v9  }
0x74a: {  	v3 =	vld [tilespmem:$0x1FE20];
	[tilespmem:v12+s11+$0x0] =	vst.idx.msk $0xffff, v32  }
0x74b: {  	v11 =	vld [tilespmem:$0x1FB20];
	_ =	sdelay $0x6  }
0x74c: {  	v55 =	vor.u32 $0x32, v4  }
0x74d: {  	v9 =	vld [tilespmem:$0x1F140];
	[tilespmem:v11+s11+$0x0] =	vst.idx.msk $0xffff, v13  }
0x74e: {  	v33 =	vor.u32 s17, v3;
	v12 =	vor.u32 s20, v3;
	v3 =	vld [tilespmem:$0x1F450];
	_ =	sdelay $0x2  }
0x74f: {  	v7 =	vld.idx.msk [tilespmem:v55+s10+$0x0], $0xffff;
	_ =	sdelay $0x4  }
0x750: {  	v14 =	vor.u32 $0x32, v6;
	[tilespmem:v33+s11+$0x0] =	vst.idx.msk $0xffff, v7;
	v13 =	vld.idx.msk [tilespmem:v3+s10+$0x0], $0xffff  }
0x751: {  	v3 =	vld [tilespmem:$0x1F790];
	_ =	sdelay $0x2  }
0x752: {  	v9 =	vld.idx.msk [tilespmem:v9+s10+$0x0], $0xffff  }
0x753: {  	v35 =	vld.idx.msk [tilespmem:v14+s10+$0x0], $0xffff;
	_ =	sdelay $0x3  }
0x754: {  	[tilespmem:v3+s11+$0x0] =	vst.idx.msk $0xffff, v9  }
0x755: {  	v3 =	vld [tilespmem:$0x1FE30];
	[tilespmem:v12+s11+$0x0] =	vst.idx.msk $0xffff, v35  }
0x756: {  	v11 =	vld [tilespmem:$0x1FB40];
	_ =	sdelay $0x6  }
0x757: {  	v34 =	vor.u32 $0x33, v4  }
0x758: {  	v9 =	vld [tilespmem:$0x1F150];
	[tilespmem:v11+s11+$0x0] =	vst.idx.msk $0xffff, v13  }
0x759: {  	v48 =	vor.u32 s17, v3;
	v12 =	vor.u32 s20, v3;
	v3 =	vld [tilespmem:$0x1F460];
	_ =	sdelay $0x2  }
0x75a: {  	v7 =	vld.idx.msk [tilespmem:v34+s10+$0x0], $0xffff;
	_ =	sdelay $0x4  }
0x75b: {  	v14 =	vor.u32 $0x33, v6;
	[tilespmem:v48+s11+$0x0] =	vst.idx.msk $0xffff, v7;
	v13 =	vld.idx.msk [tilespmem:v3+s10+$0x0], $0xffff  }
0x75c: {  	v3 =	vld [tilespmem:$0x1F7A0];
	_ =	sdelay $0x2  }
0x75d: {  	v9 =	vld.idx.msk [tilespmem:v9+s10+$0x0], $0xffff  }
0x75e: {  	v55 =	vld.idx.msk [tilespmem:v14+s10+$0x0], $0xffff;
	_ =	sdelay $0x3  }
0x75f: {  	[tilespmem:v3+s11+$0x0] =	vst.idx.msk $0xffff, v9  }
0x760: {  	v19 =	vld [tilespmem:$0x1FE40];
	[tilespmem:v12+s11+$0x0] =	vst.idx.msk $0xffff, v55  }
0x761: {  	v3 =	vld [tilespmem:$0x1F160];
	_ =	sdelay $0x7  }
0x762: {  	[tilespmem:v63+s11+$0x0] =	vst.idx.msk $0xffff, v13;
	v9 =	vld.idx.msk [tilespmem:v3+s10+$0x0], $0xffff  }
0x763: {  	v3 =	vld [tilespmem:$0x1F560];
	_ =	sdelay $0x5  }
0x764: {  	v53 =	vor.u32 $0x34, v4;
	_ =	sdelay $0x1  }
0x765: {  	[tilespmem:v3+s11+$0x0] =	vst.idx.msk $0xffff, v1  }
0x766: {  	v3 =	vld [tilespmem:$0x1F580];
	_ =	sdelay $0x1  }
0x767: {  	v7 =	vld.idx.msk [tilespmem:v53+s10+$0x0], $0xffff;
	v32 =	vor.u32 s17, v19;
	_ =	sdelay $0x4  }
0x768: {  	v1 =	vld [tilespmem:$0x1F470];
	[tilespmem:v32+s11+$0x0] =	vst.idx.msk $0xffff, v7  }
0x769: {  	v14 =	vor.u32 $0x34, v6;
	[tilespmem:v3+s11+$0x0] =	vst.idx.msk $0xffff, v2  }
0x76a: {  	v3 =	vld [tilespmem:$0x1F7B0];
	_ =	sdelay $0x3  }
0x76b: {  	v11 =	vld.idx.msk [tilespmem:v14+s10+$0x0], $0xffff;
	v12 =	vor.u32 s20, v19;
	_ =	sdelay $0x3  }
0x76c: {  	v2 =	vld [tilespmem:$0x1EFA0];
	[tilespmem:v3+s11+$0x0] =	vst.idx.msk $0xffff, v9  }
0x76d: {  	v14 =	vld [tilespmem:$0x1FE50];
	[tilespmem:v12+s11+$0x0] =	vst.idx.msk $0xffff, v11  }
0x76e: {  	v3 =	vld [tilespmem:$0x1F170];
	_ =	sdelay $0x7  }
0x76f: {  	v48 =	vld.idx.msk [tilespmem:v3+s10+$0x0], $0xffff  }
0x770: {  	v3 =	vld [tilespmem:$0x1FB60];
	_ =	sdelay $0x2  }
0x771: {  	v1 =	vld.idx.msk [tilespmem:v1+s10+$0x0], $0xffff;
	_ =	sdelay $0x3  }
0x772: {  	[tilespmem:v5+s11+$0x0] =	vst.idx.msk $0xffff, v0  }
0x773: {  	v33 =	vor.u32 $0x35, v4;
	[tilespmem:v3+s11+$0x0] =	vst.idx.msk $0xffff, v1  }
0x774: {  	v3 =	vld [tilespmem:$0x1F590];
	_ =	sdelay $0x1  }
0x775: {  	v13 =	vor.u32 $0x35, v6  }
0x776: {  	v2 =	vld.idx.msk [tilespmem:v2+s10+$0x0], $0xffff  }
0x777: {  	v8 =	vld.idx.msk [tilespmem:v33+s10+$0x0], $0xffff;
	v35 =	vor.u32 s17, v14;
	_ =	sdelay $0x2  }
0x778: {  	v1 =	vld.idx.msk [tilespmem:v13+s10+$0x0], $0xffff  }
0x779: {  	v0 =	vld [tilespmem:$0x1F490];
	[tilespmem:v3+s11+$0x0] =	vst.idx.msk $0xffff, v2  }
0x77a: {  	v13 =	vld [tilespmem:$0x1FE60];
	[tilespmem:v35+s11+$0x0] =	vst.idx.msk $0xffff, v8  }
0x77b: {  	v3 =	vld [tilespmem:$0x1EFB0];
	_ =	sdelay $0x7  }
0x77c: {  	v63 =	vld.idx.msk [tilespmem:v3+s10+$0x0], $0xffff  }
0x77d: {  	v3 =	vld [tilespmem:$0x1F7C0];
	_ =	sdelay $0x3  }
0x77e: {  	v12 =	vor.u32 s20, v14;
	_ =	sdelay $0x2  }
0x77f: {  	v34 =	vor.u32 $0x37, v61  }
0x780: {  	[tilespmem:v3+s11+$0x0] =	vst.idx.msk $0xffff, v48  }
0x781: {  	v3 =	vld [tilespmem:$0x1FC70];
	[tilespmem:v12+s11+$0x0] =	vst.idx.msk $0xffff, v1  }
0x782: {  	v12 =	vld [tilespmem:$0x1FB70];
	_ =	sdelay $0x1  }
0x783: {  	v2 =	vld.idx.msk [tilespmem:v34+s10+$0x0], $0xffff;
	v55 =	vor.u32 s15, v13  }
0x784: {  	v5 =	vor.u32 $0x36, v6;
	v0 =	vld.idx.msk [tilespmem:v0+s10+$0x0], $0xffff;
	_ =	sdelay $0x3  }
0x785: {  	v1 =	vld [tilespmem:$0x1F180];
	[tilespmem:v55+s11+$0x0] =	vst.idx.msk $0xffff, v2  }
0x786: {  	[tilespmem:v12+s11+$0x0] =	vst.idx.msk $0xffff, v0;
	v0 =	vld.idx.msk [tilespmem:v5+s10+$0x0], $0xffff  }
0x787: {  	v32 =	vor.u32 s17, v3;
	v5 =	vor.u32 s20, v3;
	v3 =	vld [tilespmem:$0x1F5B0];
	_ =	sdelay $0x6  }
0x788: {  	v53 =	vor.u32 $0x36, v4  }
0x789: {  	v2 =	vld [tilespmem:$0x1F4A0];
	[tilespmem:v3+s11+$0x0] =	vst.idx.msk $0xffff, v63  }
0x78a: {  	v3 =	vld [tilespmem:$0x1EF90];
	_ =	sdelay $0x2  }
0x78b: {  	v9 =	vld.idx.msk [tilespmem:v53+s10+$0x0], $0xffff;
	_ =	sdelay $0x4  }
0x78c: {  	[tilespmem:v32+s11+$0x0] =	vst.idx.msk $0xffff, v9;
	v35 =	vld.idx.msk [tilespmem:v3+s10+$0x0], $0xffff  }
0x78d: {  	v3 =	vld [tilespmem:$0x1EFC0];
	_ =	sdelay $0x7  }
0x78e: {  	v48 =	vld.idx.msk [tilespmem:v3+s10+$0x0], $0xffff  }
0x78f: {  	v3 =	vld [tilespmem:$0x1F7F0];
	_ =	sdelay $0x2  }
0x790: {  	v1 =	vld.idx.msk [tilespmem:v1+s10+$0x0], $0xffff;
	_ =	sdelay $0x3  }
0x791: {  	[tilespmem:v5+s11+$0x0] =	vst.idx.msk $0xffff, v0  }
0x792: {  	[tilespmem:v3+s11+$0x0] =	vst.idx.msk $0xffff, v1  }
0x793: {  	v3 =	vld [tilespmem:$0x1F190];
	_ =	sdelay $0x7  }
0x794: {  	v5 =	vld.idx.msk [tilespmem:v3+s10+$0x0], $0xffff  }
0x795: {  	v3 =	vld [tilespmem:$0x1FB80];
	_ =	sdelay $0x2  }
0x796: {  	v2 =	vld.idx.msk [tilespmem:v2+s10+$0x0], $0xffff;
	_ =	sdelay $0x3  }
0x797: {  	[tilespmem:v49+s11+$0x0] =	vst.idx.msk $0xffff, v35  }
0x798: {  	[tilespmem:v3+s11+$0x0] =	vst.idx.msk $0xffff, v2  }
0x799: {  	v3 =	vld [tilespmem:$0x1F4B0];
	_ =	sdelay $0x7  }
0x79a: {  	v33 =	vor.u32 $0x37, v4;
	v12 =	vld.idx.msk [tilespmem:v3+s10+$0x0], $0xffff  }
0x79b: {  	v3 =	vld [tilespmem:$0x1F5C0];
	_ =	sdelay $0x3  }
0x79c: {  	v55 =	vor.u32 s17, v13;
	v1 =	vld.idx.msk [tilespmem:v33+s10+$0x0], $0xffff;
	_ =	sdelay $0x3  }
0x79d: {  	[tilespmem:v3+s11+$0x0] =	vst.idx.msk $0xffff, v48  }
0x79e: {  	v49 =	vld [tilespmem:$0x1FE70];
	[tilespmem:v55+s11+$0x0] =	vst.idx.msk $0xffff, v1  }
0x79f: {  	v3 =	vld [tilespmem:$0x1EFD0];
	_ =	sdelay $0x5  }
0x7a0: {  	v34 =	vor.u32 $0x37, v6;
	_ =	sdelay $0x1  }
0x7a1: {  	v35 =	vld.idx.msk [tilespmem:v3+s10+$0x0], $0xffff  }
0x7a2: {  	v3 =	vld [tilespmem:$0x1F810];
	_ =	sdelay $0x1  }
0x7a3: {  	v63 =	vor.u32 s20, v13;
	v2 =	vld.idx.msk [tilespmem:v34+s10+$0x0], $0xffff;
	_ =	sdelay $0x4  }
0x7a4: {  	v53 =	vor.u32 $0x38, v61;
	[tilespmem:v63+s11+$0x0] =	vst.idx.msk $0xffff, v2  }
0x7a5: {  	[tilespmem:v3+s11+$0x0] =	vst.idx.msk $0xffff, v5  }
0x7a6: {  	v3 =	vld [tilespmem:$0x1F1A0];
	_ =	sdelay $0x2  }
0x7a7: {  	v33 =	vld.idx.msk [tilespmem:v53+s10+$0x0], $0xffff;
	v34 =	vor.u32 s15, v49;
	_ =	sdelay $0x3  }
0x7a8: {  	[tilespmem:v56+s11+$0x0] =	vst.idx.msk $0xffff, v12  }
0x7a9: {  	[tilespmem:v34+s11+$0x0] =	vst.idx.msk $0xffff, v33;
	v48 =	vld.idx.msk [tilespmem:v3+s10+$0x0], $0xffff  }
0x7aa: {  	v3 =	vld [tilespmem:$0x1F4C0];
	_ =	sdelay $0x7  }
0x7ab: {  	v0 =	vor.u32 $0x38, v4;
	v53 =	vld.idx.msk [tilespmem:v3+s10+$0x0], $0xffff  }
0x7ac: {  	v3 =	vld [tilespmem:$0x1F5D0];
	_ =	sdelay $0x3  }
0x7ad: {  	v0 =	vld.idx.msk [tilespmem:v0+s10+$0x0], $0xffff;
	v5 =	vor.u32 s17, v49;
	_ =	sdelay $0x3  }
0x7ae: {  	[tilespmem:v3+s11+$0x0] =	vst.idx.msk $0xffff, v35  }
0x7af: {  	v56 =	vld [tilespmem:$0x1FE80];
	[tilespmem:v5+s11+$0x0] =	vst.idx.msk $0xffff, v0  }
0x7b0: {  	v3 =	vld [tilespmem:$0x1EFE0];
	_ =	sdelay $0x5  }
0x7b1: {  	v32 =	vor.u32 $0x38, v6;
	_ =	sdelay $0x1  }
0x7b2: {  	v5 =	vld.idx.msk [tilespmem:v3+s10+$0x0], $0xffff  }
0x7b3: {  	v3 =	vld [tilespmem:$0x1F820];
	_ =	sdelay $0x1  }
0x7b4: {  	v8 =	vld.idx.msk [tilespmem:v32+s10+$0x0], $0xffff;
	v12 =	vor.u32 s20, v49;
	_ =	sdelay $0x4  }
0x7b5: {  	v1 =	vor.u32 $0x39, v61;
	[tilespmem:v12+s11+$0x0] =	vst.idx.msk $0xffff, v8  }
0x7b6: {  	[tilespmem:v3+s11+$0x0] =	vst.idx.msk $0xffff, v48  }
0x7b7: {  	v3 =	vld [tilespmem:$0x1F1B0];
	_ =	sdelay $0x2  }
0x7b8: {  	v1 =	vld.idx.msk [tilespmem:v1+s10+$0x0], $0xffff;
	v55 =	vor.u32 s15, v56;
	_ =	sdelay $0x3  }
0x7b9: {  	[tilespmem:v58+s11+$0x0] =	vst.idx.msk $0xffff, v53  }
0x7ba: {  	[tilespmem:v55+s11+$0x0] =	vst.idx.msk $0xffff, v1;
	v12 =	vld.idx.msk [tilespmem:v3+s10+$0x0], $0xffff  }
0x7bb: {  	v3 =	vld [tilespmem:$0x1F4D0];
	_ =	sdelay $0x7  }
0x7bc: {  	v2 =	vor.u32 $0x39, v4;
	v34 =	vld.idx.msk [tilespmem:v3+s10+$0x0], $0xffff  }
0x7bd: {  	v3 =	vld [tilespmem:$0x1F5E0];
	_ =	sdelay $0x3  }
0x7be: {  	v2 =	vld.idx.msk [tilespmem:v2+s10+$0x0], $0xffff;
	v63 =	vor.u32 s17, v56;
	_ =	sdelay $0x3  }
0x7bf: {  	[tilespmem:v3+s11+$0x0] =	vst.idx.msk $0xffff, v5  }
0x7c0: {  	v58 =	vld [tilespmem:$0x1FC80];
	[tilespmem:v63+s11+$0x0] =	vst.idx.msk $0xffff, v2  }
0x7c1: {  	v3 =	vld [tilespmem:$0x1EFF0];
	_ =	sdelay $0x5  }
0x7c2: {  	v49 =	vor.u32 $0x39, v6;
	_ =	sdelay $0x1  }
0x7c3: {  	v35 =	vld.idx.msk [tilespmem:v3+s10+$0x0], $0xffff  }
0x7c4: {  	v3 =	vld [tilespmem:$0x1F830];
	_ =	sdelay $0x1  }
0x7c5: {  	v33 =	vor.u32 s20, v56;
	v9 =	vld.idx.msk [tilespmem:v49+s10+$0x0], $0xffff;
	_ =	sdelay $0x4  }
0x7c6: {  	[tilespmem:v33+s11+$0x0] =	vst.idx.msk $0xffff, v9  }
0x7c7: {  	[tilespmem:v3+s11+$0x0] =	vst.idx.msk $0xffff, v12  }
0x7c8: {  	v3 =	vld [tilespmem:$0x1F1C0];
	_ =	sdelay $0x5  }
0x7c9: {  	v0 =	vor.u32 $0x3A, v61;
	_ =	sdelay $0x1  }
0x7ca: {  	v49 =	vld.idx.msk [tilespmem:v3+s10+$0x0], $0xffff  }
0x7cb: {  	v3 =	vld [tilespmem:$0x1FBB0];
	_ =	sdelay $0x1  }
0x7cc: {  	v0 =	vld.idx.msk [tilespmem:v0+s10+$0x0], $0xffff;
	v5 =	vor.u32 s15, v58;
	_ =	sdelay $0x4  }
0x7cd: {  	[tilespmem:v5+s11+$0x0] =	vst.idx.msk $0xffff, v0  }
0x7ce: {  	[tilespmem:v3+s11+$0x0] =	vst.idx.msk $0xffff, v34  }
0x7cf: {  	v3 =	vld [tilespmem:$0x1F4E0];
	_ =	sdelay $0x7  }
0x7d0: {  	v32 =	vor.u32 $0x3A, v4;
	v5 =	vld.idx.msk [tilespmem:v3+s10+$0x0], $0xffff  }
0x7d1: {  	v3 =	vld [tilespmem:$0x1F5F0];
	_ =	sdelay $0x3  }
0x7d2: {  	v8 =	vld.idx.msk [tilespmem:v32+s10+$0x0], $0xffff;
	v12 =	vor.u32 s17, v58;
	_ =	sdelay $0x3  }
0x7d3: {  	[tilespmem:v3+s11+$0x0] =	vst.idx.msk $0xffff, v35  }
0x7d4: {  	v55 =	vld [tilespmem:$0x1FC90];
	[tilespmem:v12+s11+$0x0] =	vst.idx.msk $0xffff, v8  }
0x7d5: {  	v3 =	vld [tilespmem:$0x1F000];
	_ =	sdelay $0x5  }
0x7d6: {  	v1 =	vor.u32 $0x3A, v6;
	_ =	sdelay $0x1  }
0x7d7: {  	v12 =	vld.idx.msk [tilespmem:v3+s10+$0x0], $0xffff  }
0x7d8: {  	v3 =	vld [tilespmem:$0x1F840];
	_ =	sdelay $0x1  }
0x7d9: {  	v53 =	vor.u32 s20, v58;
	v1 =	vld.idx.msk [tilespmem:v1+s10+$0x0], $0xffff;
	_ =	sdelay $0x4  }
0x7da: {  	[tilespmem:v53+s11+$0x0] =	vst.idx.msk $0xffff, v1  }
0x7db: {  	[tilespmem:v3+s11+$0x0] =	vst.idx.msk $0xffff, v49  }
0x7dc: {  	v3 =	vld [tilespmem:$0x1F1D0];
	_ =	sdelay $0x5  }
0x7dd: {  	v2 =	vor.u32 $0x3B, v61;
	_ =	sdelay $0x1  }
0x7de: {  	v33 =	vld.idx.msk [tilespmem:v3+s10+$0x0], $0xffff  }
0x7df: {  	v3 =	vld [tilespmem:$0x1FBD0];
	_ =	sdelay $0x1  }
0x7e0: {  	v2 =	vld.idx.msk [tilespmem:v2+s10+$0x0], $0xffff;
	v56 =	vor.u32 s15, v55;
	_ =	sdelay $0x4  }
0x7e1: {  	[tilespmem:v56+s11+$0x0] =	vst.idx.msk $0xffff, v2  }
0x7e2: {  	[tilespmem:v3+s11+$0x0] =	vst.idx.msk $0xffff, v5  }
0x7e3: {  	v3 =	vld [tilespmem:$0x1F4F0];
	_ =	sdelay $0x7  }
0x7e4: {  	v48 =	vor.u32 $0x3B, v4;
	v34 =	vld.idx.msk [tilespmem:v3+s10+$0x0], $0xffff  }
0x7e5: {  	v3 =	vld [tilespmem:$0x1F600];
	_ =	sdelay $0x3  }
0x7e6: {  	v9 =	vld.idx.msk [tilespmem:v48+s10+$0x0], $0xffff;
	v32 =	vor.u32 s17, v55;
	_ =	sdelay $0x3  }
0x7e7: {  	[tilespmem:v3+s11+$0x0] =	vst.idx.msk $0xffff, v12  }
0x7e8: {  	v35 =	vld [tilespmem:$0x1FCA0];
	[tilespmem:v32+s11+$0x0] =	vst.idx.msk $0xffff, v9  }
0x7e9: {  	v3 =	vld [tilespmem:$0x1F010];
	_ =	sdelay $0x5  }
0x7ea: {  	v0 =	vor.u32 $0x3B, v6;
	_ =	sdelay $0x1  }
0x7eb: {  	v49 =	vld.idx.msk [tilespmem:v3+s10+$0x0], $0xffff  }
0x7ec: {  	v3 =	vld [tilespmem:$0x1F860];
	_ =	sdelay $0x1  }
0x7ed: {  	v0 =	vld.idx.msk [tilespmem:v0+s10+$0x0], $0xffff;
	v5 =	vor.u32 s20, v55;
	_ =	sdelay $0x4  }
0x7ee: {  	[tilespmem:v5+s11+$0x0] =	vst.idx.msk $0xffff, v0  }
0x7ef: {  	[tilespmem:v3+s11+$0x0] =	vst.idx.msk $0xffff, v33  }
0x7f0: {  	v3 =	vld [tilespmem:$0x1F1E0];
	_ =	sdelay $0x5  }
0x7f1: {  	v63 =	vor.u32 $0x3C, v61;
	_ =	sdelay $0x1  }
0x7f2: {  	v5 =	vld.idx.msk [tilespmem:v3+s10+$0x0], $0xffff  }
0x7f3: {  	v3 =	vld [tilespmem:$0x1FBE0];
	_ =	sdelay $0x1  }
0x7f4: {  	v8 =	vld.idx.msk [tilespmem:v63+s10+$0x0], $0xffff;
	v12 =	vor.u32 s15, v35;
	_ =	sdelay $0x4  }
0x7f5: {  	[tilespmem:v12+s11+$0x0] =	vst.idx.msk $0xffff, v8  }
0x7f6: {  	[tilespmem:v3+s11+$0x0] =	vst.idx.msk $0xffff, v34  }
0x7f7: {  	v3 =	vld [tilespmem:$0x1F500];
	_ =	sdelay $0x7  }
0x7f8: {  	v1 =	vor.u32 $0x3C, v4;
	v12 =	vld.idx.msk [tilespmem:v3+s10+$0x0], $0xffff  }
0x7f9: {  	v3 =	vld [tilespmem:$0x1F610];
	_ =	sdelay $0x3  }
0x7fa: {  	v1 =	vld.idx.msk [tilespmem:v1+s10+$0x0], $0xffff;
	v53 =	vor.u32 s17, v35;
	_ =	sdelay $0x3  }
0x7fb: {  	[tilespmem:v3+s11+$0x0] =	vst.idx.msk $0xffff, v49  }
0x7fc: {  	v32 =	vld [tilespmem:$0x1FCB0];
	[tilespmem:v53+s11+$0x0] =	vst.idx.msk $0xffff, v1  }
0x7fd: {  	v3 =	vld [tilespmem:$0x1F020];
	_ =	sdelay $0x5  }
0x7fe: {  	v2 =	vor.u32 $0x3C, v6;
	_ =	sdelay $0x1  }
0x7ff: {  	v34 =	vld.idx.msk [tilespmem:v3+s10+$0x0], $0xffff  }
0x800: {  	v3 =	vld [tilespmem:$0x1F870];
	_ =	sdelay $0x1  }
0x801: {  	v55 =	vor.u32 s20, v35;
	v2 =	vld.idx.msk [tilespmem:v2+s10+$0x0], $0xffff;
	_ =	sdelay $0x4  }
0x802: {  	[tilespmem:v55+s11+$0x0] =	vst.idx.msk $0xffff, v2  }
0x803: {  	[tilespmem:v3+s11+$0x0] =	vst.idx.msk $0xffff, v5  }
0x804: {  	v3 =	vld [tilespmem:$0x1F1F0];
	_ =	sdelay $0x5  }
0x805: {  	v48 =	vor.u32 $0x3D, v61;
	_ =	sdelay $0x1  }
0x806: {  	v35 =	vld.idx.msk [tilespmem:v3+s10+$0x0], $0xffff  }
0x807: {  	v3 =	vld [tilespmem:$0x1FBF0];
	_ =	sdelay $0x1  }
0x808: {  	v9 =	vld.idx.msk [tilespmem:v48+s10+$0x0], $0xffff;
	v33 =	vor.u32 s15, v32;
	_ =	sdelay $0x4  }
0x809: {  	[tilespmem:v33+s11+$0x0] =	vst.idx.msk $0xffff, v9  }
0x80a: {  	[tilespmem:v3+s11+$0x0] =	vst.idx.msk $0xffff, v12  }
0x80b: {  	v3 =	vld [tilespmem:$0x1F520];
	_ =	sdelay $0x7  }
0x80c: {  	v0 =	vor.u32 $0x3D, v4;
	v49 =	vld.idx.msk [tilespmem:v3+s10+$0x0], $0xffff  }
0x80d: {  	v3 =	vld [tilespmem:$0x1F630];
	_ =	sdelay $0x3  }
0x80e: {  	v0 =	vld.idx.msk [tilespmem:v0+s10+$0x0], $0xffff;
	v5 =	vor.u32 s17, v32;
	_ =	sdelay $0x2  }
0x80f: {  	v63 =	vor.u32 $0x3D, v6  }
0x810: {  	[tilespmem:v3+s11+$0x0] =	vst.idx.msk $0xffff, v34  }
0x811: {  	v53 =	vld [tilespmem:$0x1FCC0];
	[tilespmem:v5+s11+$0x0] =	vst.idx.msk $0xffff, v0  }
0x812: {  	v1 =	vor.u32 $0x3E, v61;
	v5 =	vld [tilespmem:$0x1F890];
	_ =	sdelay $0x1  }
0x813: {  	v8 =	vld.idx.msk [tilespmem:v63+s10+$0x0], $0xffff;
	v12 =	vor.u32 s20, v32;
	_ =	sdelay $0x2  }
0x814: {  	v1 =	vld.idx.msk [tilespmem:v1+s10+$0x0], $0xffff;
	v55 =	vor.u32 s15, v53  }
0x815: {  	v3 =	vld [tilespmem:$0x1F030]  }
0x816: {  	[tilespmem:v12+s11+$0x0] =	vst.idx.msk $0xffff, v8  }
0x817: {  	[tilespmem:v5+s11+$0x0] =	vst.idx.msk $0xffff, v35  }
0x818: {  	v7 =	vld [tilespmem:$0x1F200];
	[tilespmem:v60+s11+$0x0] =	vst.idx.msk $0xffff, v49  }
0x819: {  	v2 =	vor.u32 $0x3E, v4;
	[tilespmem:v55+s11+$0x0] =	vst.idx.msk $0xffff, v1  }
0x81a: {  	v10 =	vld [tilespmem:$0x1F640];
	_ =	sdelay $0x2  }
0x81b: {  	v3 =	vld.idx.msk [tilespmem:v3+s10+$0x0], $0xffff  }
0x81c: {  	v2 =	vld.idx.msk [tilespmem:v2+s10+$0x0], $0xffff;
	v5 =	vor.u32 s17, v53;
	_ =	sdelay $0x1  }
0x81d: {  	v58 =	vld [tilespmem:$0x1F530]  }
0x81e: {  	v48 =	vor.u32 $0x3E, v6  }
0x81f: {  	[tilespmem:v10+s11+$0x0] =	vst.idx.msk $0xffff, v3  }
0x820: {  	v10 =	vld [tilespmem:$0x1FC00];
	[tilespmem:v5+s11+$0x0] =	vst.idx.msk $0xffff, v2  }
0x821: {  	v0 =	vor.u32 $0x3F, v61;
	v11 =	vld [tilespmem:$0x1F8A0];
	_ =	sdelay $0x1  }
0x822: {  	v8 =	vld.idx.msk [tilespmem:v48+s10+$0x0], $0xffff;
	v56 =	vor.u32 s20, v53  }
0x823: {  	v7 =	vld.idx.msk [tilespmem:v7+s10+$0x0], $0xffff  }
0x824: {  	v1 =	vor.u32 $0x3F, v6;
	v6 =	vld.idx.msk [tilespmem:v58+s10+$0x0], $0xffff  }
0x825: {  	v0 =	vld.idx.msk [tilespmem:v0+s10+$0x0], $0xffff;
	v3 =	vor.u32 s15, v10;
	_ =	sdelay $0x1  }
0x826: {  	v5 =	vld [tilespmem:$0x1F040];
	[tilespmem:v56+s11+$0x0] =	vst.idx.msk $0xffff, v8  }
0x827: {  	[tilespmem:v11+s11+$0x0] =	vst.idx.msk $0xffff, v7  }
0x828: {  	v9 =	vld [tilespmem:$0x1F210];
	[tilespmem:v16+s11+$0x0] =	vst.idx.msk $0xffff, v6  }
0x829: {  	v4 =	vor.u32 $0x3F, v4;
	[tilespmem:v3+s11+$0x0] =	vst.idx.msk $0xffff, v0  }
0x82a: {  	v3 =	vld [tilespmem:$0x1F540];
	_ =	sdelay $0x3  }
0x82b: {  	v4 =	vld.idx.msk [tilespmem:v4+s10+$0x0], $0xffff;
	v60 =	vor.u32 s17, v10  }
0x82c: {  	v1 =	vld.idx.msk [tilespmem:v1+s10+$0x0], $0xffff;
	v63 =	vor.u32 s20, v10  }
0x82d: {  	v2 =	vor.u32 s16, v10;
	v5 =	vld.idx.msk [tilespmem:v5+s10+$0x0], $0xffff  }
0x82e: {  	v61 =	vor.u32 s18, v10;
	v9 =	vld.idx.msk [tilespmem:v9+s10+$0x0], $0xffff  }
0x82f: {  	v0 =	vor.u32 s19, v10;
	v3 =	vld.idx.msk [tilespmem:v3+s10+$0x0], $0xffff  }
0x830: {  	[tilespmem:v60+s11+$0x0] =	vst.idx.msk $0xffff, v4  }
0x831: {  	[tilespmem:v63+s11+$0x0] =	vst.idx.msk $0xffff, v1  }
0x832: {  	[tilespmem:v2+s11+$0x0] =	vst.idx.msk $0xffff, v5  }
0x833: {  	[tilespmem:v61+s11+$0x0] =	vst.idx.msk $0xffff, v9  }
0x834: {  	s15 =	simm.s32 $0x0;
	[tilespmem:v0+s11+$0x0] =	vst.idx.msk $0xffff, v3  }
0x835: {  	[hbm4b:s5+s15] =	stream.linear.scatter [tilespmem:s11], [sflag:$0x1], $0x8000, $0x38;
	[tilespmem:$0x1DE00] =	vst v63  }
0x836: {  	_ =	swait.ge [sflag:s9], $0x8000  }
0x837: {  	[sflag:s9] =	ssyncset.done $0x0  }
0x838: {  	v16 =	vmovc v26;
	v60 =	vmovc v43;
	v43 =	vmov v59;
	v2 =	vlaneseq.u32;
	v3 =	vimm.f32 $1.000000000e+00;
	[sflag:s9] =	ssyncadd.s32 $0xFFFF8000  }
.LBB2_8:
0x839: {  	s16 =	sshra.s32 s15, $0x2  }
0x83a: {  	v0 =	vld [tilespmem:s16+$0x0];
	_ =	sdelay $0x2  }
0x83b: {  	v1 =	vmul.u32 $0x500, v2;
	_ =	sdelay $0x1  }
0x83c: {  	p1 =	sne.s32 s15, $0x7C0;
	v0 =	vadd.s32 v1, v0  }
.Ltmp5:
0x83d: {  	_ = 	snop;
	(pc) =	sbr.rel @p1 .LBB2_8-.Ltmp5, $2  }
0x83e: {  	_ =	sdelay $0x2  }
0x83f: {  	s15 =	sadd.s32 $0x40, s15;
	[tilespmem:v0+s12+$0x0] =	vst.idx.add.f32.msk $0xffff, v3  }
0x840: {  	s15 =	simm.s32 $0x0  }
0x841: {  	v0 =	vld [tilespmem:s15+$0x18410]  }
0x842: {  	v1 =	vld [tilespmem:s15+$0x18400]  }
0x843: {  	v2 =	vld [tilespmem:s15+$0x18910]  }
0x844: {  	v3 =	vld [tilespmem:s15+$0x18900]  }
0x845: {  	v4 =	vld [tilespmem:s15+$0x18E10]  }
0x846: {  	v5 =	vld [tilespmem:s15+$0x18E00];
	v0 =	vadd.f32 $0.0e+00, v0  }
0x847: {  	v6 =	vld [tilespmem:s15+$0x19310];
	v1 =	vadd.f32 $0.0e+00, v1  }
0x848: {  	v7 =	vld [tilespmem:s15+$0x19300];
	v0 =	vadd.f32 v2, v0  }
0x849: {  	v1 =	vadd.f32 v3, v1;
	v2 =	vld [tilespmem:s15+$0x19810]  }
0x84a: {  	v3 =	vld [tilespmem:s15+$0x19800];
	v0 =	vadd.f32 v4, v0  }
0x84b: {  	v1 =	vadd.f32 v5, v1;
	v4 =	vld [tilespmem:s15+$0x19D10]  }
0x84c: {  	v5 =	vld [tilespmem:s15+$0x19D00];
	v0 =	vadd.f32 v6, v0  }
0x84d: {  	v1 =	vadd.f32 v7, v1;
	v6 =	vld [tilespmem:s15+$0x1A210]  }
0x84e: {  	v7 =	vld [tilespmem:s15+$0x1A200];
	v0 =	vadd.f32 v2, v0  }
0x84f: {  	v1 =	vadd.f32 v3, v1;
	v2 =	vld [tilespmem:s15+$0x1A710]  }
0x850: {  	v3 =	vld [tilespmem:s15+$0x1A700];
	v0 =	vadd.f32 v4, v0  }
0x851: {  	v1 =	vadd.f32 v5, v1;
	v4 =	vld [tilespmem:s15+$0x1AC10]  }
0x852: {  	v5 =	vld [tilespmem:s15+$0x1AC00];
	v0 =	vadd.f32 v6, v0  }
0x853: {  	v1 =	vadd.f32 v7, v1;
	v6 =	vld [tilespmem:s15+$0x1B110]  }
0x854: {  	v7 =	vld [tilespmem:s15+$0x1B100];
	v0 =	vadd.f32 v2, v0  }
0x855: {  	v1 =	vadd.f32 v3, v1;
	v2 =	vld [tilespmem:s15+$0x1B610]  }
0x856: {  	v3 =	vld [tilespmem:s15+$0x1B600];
	v0 =	vadd.f32 v4, v0  }
0x857: {  	v1 =	vadd.f32 v5, v1;
	v4 =	vld [tilespmem:s15+$0x1BB10]  }
0x858: {  	v5 =	vld [tilespmem:s15+$0x1BB00];
	v0 =	vadd.f32 v6, v0  }
0x859: {  	v1 =	vadd.f32 v7, v1;
	v6 =	vld [tilespmem:s15+$0x1C010]  }
0x85a: {  	v7 =	vld [tilespmem:s15+$0x1C000];
	v2 =	vadd.f32 v2, v0  }
0x85b: {  	v3 =	vadd.f32 v3, v1;
	v1 =	vld [tilespmem:s15+$0x1C510]  }
0x85c: {  	v0 =	vld [tilespmem:s15+$0x1C500];
	v4 =	vadd.f32 v4, v2  }
0x85d: {  	v5 =	vadd.f32 v5, v3;
	v3 =	vld [tilespmem:s15+$0x1CA10]  }
0x85e: {  	v2 =	vld [tilespmem:s15+$0x1CA00];
	v6 =	vadd.f32 v6, v4  }
0x85f: {  	s16 =	simm.s32 $0x0;
	s17 =	simm.s32 $0x80;
	v5 =	vadd.f32 v7, v5;
	v4 =	vld [tilespmem:s15+$0x1CF10]  }
.LBB2_10:
0x860: {  	s18 =	sshra.s32 s17, $0x2;
	s16 =	sadd.s32 $0x2, s16;
	v7 =	vld [tilespmem:s15+$0x1CF00];
	v1 =	vadd.f32 v1, v6  }
0x861: {  	v6 =	vld [tilespmem:s18+$0x18410];
	p1 =	slt.u32 s16, $0x4E;
	v0 =	vadd.f32 v0, v5  }
0x862: {  	v5 =	vld [tilespmem:s18+$0x18400];
	v1 =	vadd.f32 v3, v1  }
0x863: {  	v3 =	vld [tilespmem:s18+$0x18910];
	v0 =	vadd.f32 v2, v0  }
0x864: {  	v2 =	vld [tilespmem:s18+$0x18900];
	v1 =	vadd.f32 v4, v1  }
0x865: {  	v4 =	vld [tilespmem:s18+$0x18E10];
	v0 =	vadd.f32 v7, v0  }
0x866: {  	v7 =	vld [tilespmem:s18+$0x18E00];
	v6 =	vadd.f32 $0.0e+00, v6;
	[tilespmem:s15+$0x1D410] =	vst v1  }
0x867: {  	v1 =	vadd.f32 $0.0e+00, v5;
	v5 =	vld [tilespmem:s18+$0x19310];
	[tilespmem:s15+$0x1D400] =	vst v0;
	s15 =	smov.u32 s18  }
0x868: {  	v0 =	vld [tilespmem:s15+$0x19300];
	v3 =	vadd.f32 v3, v6  }
0x869: {  	v1 =	vadd.f32 v2, v1;
	v2 =	vld [tilespmem:s15+$0x19810]  }
0x86a: {  	v6 =	vld [tilespmem:s15+$0x19800];
	v3 =	vadd.f32 v4, v3  }
0x86b: {  	v1 =	vadd.f32 v7, v1;
	v4 =	vld [tilespmem:s15+$0x19D10]  }
0x86c: {  	v7 =	vld [tilespmem:s15+$0x19D00];
	v3 =	vadd.f32 v5, v3  }
0x86d: {  	v0 =	vadd.f32 v0, v1;
	v1 =	vld [tilespmem:s15+$0x1A210]  }
0x86e: {  	v5 =	vld [tilespmem:s15+$0x1A200];
	v2 =	vadd.f32 v2, v3  }
0x86f: {  	v0 =	vadd.f32 v6, v0;
	v3 =	vld [tilespmem:s15+$0x1A710]  }
0x870: {  	v6 =	vld [tilespmem:s15+$0x1A700];
	v2 =	vadd.f32 v4, v2  }
0x871: {  	v0 =	vadd.f32 v7, v0;
	v4 =	vld [tilespmem:s15+$0x1AC10]  }
0x872: {  	v7 =	vld [tilespmem:s15+$0x1AC00];
	v1 =	vadd.f32 v1, v2  }
0x873: {  	v0 =	vadd.f32 v5, v0;
	v2 =	vld [tilespmem:s15+$0x1B110]  }
0x874: {  	v5 =	vld [tilespmem:s15+$0x1B100];
	v1 =	vadd.f32 v3, v1  }
0x875: {  	v0 =	vadd.f32 v6, v0;
	v3 =	vld [tilespmem:s15+$0x1B610]  }
0x876: {  	v6 =	vld [tilespmem:s15+$0x1B600];
	v1 =	vadd.f32 v4, v1  }
0x877: {  	v0 =	vadd.f32 v7, v0;
	v4 =	vld [tilespmem:s15+$0x1BB10]  }
0x878: {  	v7 =	vld [tilespmem:s15+$0x1BB00];
	v1 =	vadd.f32 v2, v1  }
0x879: {  	v0 =	vadd.f32 v5, v0;
	v5 =	vld [tilespmem:s15+$0x1C010]  }
0x87a: {  	v8 =	vld [tilespmem:s15+$0x1C000];
	v2 =	vadd.f32 v3, v1  }
.Ltmp6:
0x87b: {  	v3 =	vadd.f32 v6, v0;
	v1 =	vld [tilespmem:s15+$0x1C510];
	(pc) =	sbr.rel @p1 .LBB2_10-.Ltmp6, $4  }
0x87c: {  	v0 =	vld [tilespmem:s15+$0x1C500];
	v4 =	vadd.f32 v4, v2  }
0x87d: {  	v7 =	vadd.f32 v7, v3;
	v3 =	vld [tilespmem:s15+$0x1CA10]  }
0x87e: {  	v2 =	vld [tilespmem:s15+$0x1CA00];
	v6 =	vadd.f32 v5, v4  }
0x87f: {  	s17 =	sadd.s32 $0x80, s17;
	v5 =	vadd.f32 v8, v7;
	v4 =	vld [tilespmem:s15+$0x1CF10]  }
0x880: {  	v7 =	vld [tilespmem:s15+$0x1CF00];
	v1 =	vadd.f32 v1, v6  }
0x881: {  	v0 =	vadd.f32 v0, v5  }
0x882: {  	v1 =	vadd.f32 v3, v1  }
0x883: {  	v0 =	vadd.f32 v2, v0  }
0x884: {  	v1 =	vadd.f32 v4, v1  }
0x885: {  	v0 =	vadd.f32 v7, v0  }
0x886: {  	[tilespmem:s15+$0x1D410] =	vst v1  }
0x887: {  	[tilespmem:s15+$0x1D400] =	vst v0  }
0x888: {  	[spmem:s6] =	stream.linear.scatter [tilespmem:s13], [sflag:$0x1], $0x500, $0x38;
	[tilespmem:$0x1DE00] =	vst v63  }
.Ltmp7:
0x889: {  	_ =	swait.ge [sflag:s9], $0x500;
	(pc) =	sbr.rel @p0 .LBB2_17-.Ltmp7, $4  }
0x88a: {  	[sflag:s9] =	ssyncset.done $0x0  }
0x88b: {  	[sflag:s9] =	ssyncadd.s32 $0xFFFFFB00  }
0x88c: {  	[bflag:$0x0] =	sbarrier.arrive $0xFFFF  }
0x88d: {  	v19 =	vmov v27;
	v49 =	vmov v29  }
0x88e: {  	[tilespmem:s10], [sflag:$0x1] =	stream.linear.gather [spmem:s1], $0x5000, $0x38;
	[tilespmem:$0x1DE00] =	vst v63  }
0x88f: {  	s15 =	simm.s32 $0x1  }
0x890: {  	_ =	swait.ge [sflag:s15], $0x5000  }
0x891: {  	[sflag:s15] =	ssyncset.done $0x0  }
0x892: {  	s16 =	simm.s32 $0x700;
	[sflag:s15] =	ssyncadd.s32 $0xFFFFB000  }
.LBB2_13:
0x893: {  	v0 =	vmov s16;
	_ =	sdelay $0x3  }
0x894: {  	s17 =	simm.s32 $0x0;
	s18 =	simm.s32 $0x40  }
.LBB2_14:
0x895: {  	p1 =	sne.s32 s18, $0x13C0;
	v1 =	vld.idx.msk [tilespmem:v0+s17+$0x0 ss:$0x1], $0xffff  }
0x896: {  	v2 =	vld [tilespmem:s17+$0x1D400];
	_ =	sdelay $0x2  }
.Ltmp8:
0x897: {  	(pc) =	sbr.rel @p1 .LBB2_14-.Ltmp8, $3  }
0x898: {  	_ = 	snop  }
0x899: {  	v1 =	vadd.f32 v1, v2;
	_ =	sdelay $0x1  }
0x89a: {  	[tilespmem:s17+$0x1D400] =	vst v1;
	s17 =	sshra.s32 s18, $0x2;
	s18 =	sadd.s32 $0x40, s18  }
0x89b: {  	_ =	sdelay $0x3  }
0x89c: {  	v0 =	vld.idx.msk [tilespmem:v0+s17+$0x0 ss:$0x1], $0xffff  }
0x89d: {  	v1 =	vld [tilespmem:s17+$0x1D400]  }
0x89e: {  	s15 =	sadd.s32 $0x1, s15  }
0x89f: {  	p1 =	sne.s32 s15, $0x10  }
.Ltmp9:
0x8a0: {  	_ = 	snop;
	(pc) =	sbr.rel @p1 .LBB2_13-.Ltmp9, $3  }
0x8a1: {  	_ = 	snop  }
0x8a2: {  	v0 =	vadd.f32 v0, v1;
	_ =	sdelay $0x1  }
0x8a3: {  	s16 =	sadd.s32 $0x500, s16;
	[tilespmem:s17+$0x1D400] =	vst v0  }
.Ltmp10:
0x8a4: {  	(pc) =	sbr.rel .LBB2_17-.Ltmp10, $4  }
0x8a5: {  	[hbm4b:s7+s2] =	stream.linear.scatter [tilespmem:s13], [sflag:$0x1], $0x500, $0x38;
	[tilespmem:$0x1DE00] =	vst v63  }
0x8a6: {  	_ =	swait.ge [sflag:s9], $0x500  }
0x8a7: {  	[sflag:s9] =	ssyncset.done $0x0  }
0x8a8: {  	[sflag:s9] =	ssyncadd.s32 $0xFFFFFB00  }
.LBB2_18:
0x8a9: {  	_ =	sfence.sel $0x180000  }
0x8aa: {  	[bflag:$0x0] =	sbarrier.arrive $0xFFFF  }
0x8ab: {  	_ =	strace $0x90000047  }
0x8ac: {  	s0 =	sadd.s32 @!p0 $0x100000, s0;
	[bflag:$0x2] =	sbarrier.arrive $0xFFFF  }
0x8ad: {  	[sflag:s0] =	ssyncadd.tile.s32 @!p0 $0x1;
	_ =	shalt  }
.Lfunc_end2:
_tile_overlayer_lowered:
.L_overlay_start_2:
0x8ae: {  	(tag) =	ssettag $0x2  }
0x8af: {  	s0 =	rddreg [dreg:$0x0];
	s2 =	stileid.u32  }
0x8b0: {  	s1 =	rddreg [dreg:$0x1];
	p0 =	sne.s32 s2, $0x0  }
0x8b1: {  	s3 =	rddreg [dreg:$0x2];
	[bflag:$0x3] =	sbarrier.arrive $0xFFFF;
	s2 =	simm.s32 @!p0 $0x1C01  }
0x8b2: {  	[timem:s3], [sflag:s2] =	dma.local @!p0 [hbm:s0], s1  }
0x8b3: {  	s0 =	simm.s32 @!p0 $0x1  }
0x8b4: {  	_ =	swait.ge @!p0 [sflag:s0], s1  }
0x8b5: {  	s1 =	ssub.s32 @!p0 $0x0, s1;
	[sflag:s0] =	ssyncset.done @!p0 $0x0  }
0x8b6: {  	[sflag:s0] =	ssyncadd.s32 @!p0 s1  }
0x8b7: {  	[bflag:$0x3] =	sbarrier.arrive $0xFFFF  }
0x8b8: {  	_ =	shalt  }

</sc_bundles>
